<compile_context>
chip_gen: v7x
topology: tpu7x:2x2x1
jax: 0.10.2.dev20260603
libtpu: 0.0.44.dev20260713+nightly
codegen_flags: <defaults>
</compile_context>

<pallas_src>
import functools

import jax
import jax.numpy as jnp
from jax import lax
from jax.experimental import pallas as pl
from jax.experimental.pallas import tpu as pltpu
from jax.experimental.pallas import tpu_sc as plsc

_INFO = plsc.get_sparse_core_info()
_NC = _INFO.num_cores
_NS = _INFO.num_subcores
_NW = _NC * _NS
_L = _INFO.num_lanes


def _make_gather(batch, hist, vocab, dim):
    assert batch % (_NW * 128) == 0
    b_per_w = batch // _NW
    n_bblk = b_per_w // _L
    stride = dim + 1

    @functools.partial(
        pl.kernel,
        mesh=plsc.VectorSubcoreMesh(core_axis_name="c", subcore_axis_name="s"),
        out_type=jax.ShapeDtypeStruct((hist, dim, batch), jnp.float32),
        scratch_types=[
            pltpu.VMEM((b_per_w * hist,), jnp.int32),
            pltpu.VMEM((vocab * dim,), jnp.float32),
            pltpu.VMEM((vocab * stride,), jnp.float32),
            pltpu.VMEM((1, dim, b_per_w), jnp.float32),
            pltpu.VMEM((1, dim, b_per_w), jnp.float32),
            pltpu.SemaphoreType.DMA,
            pltpu.SemaphoreType.DMA,
        ],
        compiler_params=pltpu.CompilerParams(
            use_tc_tiling_on_sc=True, needs_layout_passes=False
        ),
    )
    def gather_kernel(
        table_hbm, idx_hbm, out_hbm, idx_v, stage_v, table_v, pan0, pan1, sem0, sem1
    ):
        panels = (pan0, pan1)
        ssem = (sem0, sem1)
        wid = lax.axis_index("s") * _NC + lax.axis_index("c")
        base = pl.multiple_of(wid * (b_per_w * hist), 8)
        pltpu.sync_copy(idx_hbm.at[pl.ds(base, b_per_w * hist)], idx_v)
        pltpu.sync_copy(table_hbm, stage_v)
        for r in range(vocab):
            for k in range(dim // _L):
                table_v[pl.ds(r * stride + k * _L, _L)] = stage_v[
                    pl.ds(r * dim + k * _L, _L)
                ]

        lane = lax.iota(jnp.int32, _L)
        bcol = pl.multiple_of(wid * b_per_w, 128)

        zerov = jnp.zeros((_L,), jnp.int32)
        ddc = [jnp.full((_L,), dd, jnp.int32) for dd in range(8)]

        def fill(h, pan):
            @plsc.parallel_loop(0, n_bblk, unroll=8)
            def blk_body(blk):
                b0 = blk * _L
                posv = jnp.full((_L,), b0 * hist + h, jnp.int32) + lane * hist
                idxv = plsc.load_gather(idx_v, [posv])
                rowbase = idxv * stride
                bv = jnp.full((_L,), b0, jnp.int32) + lane

                @plsc.parallel_loop(0, dim // 8)
                def d_body(dg):
                    d0v = jnp.full((_L,), dg * 8, jnp.int32)
                    rb = rowbase + d0v
                    for dd in range(8):
                        vals = plsc.load_gather(table_v, [rb + ddc[dd]])
                        plsc.store_scatter(
                            pan, [zerov, d0v + ddc[dd], bv], vals
                        )

        def fire_store(h, b):
            pltpu.async_copy(
                panels[b],
                out_hbm.at[pl.ds(h, 1), :, pl.ds(bcol, b_per_w)],
                ssem[b],
            )

        def wait_store(b):
            pltpu.make_async_copy(
                out_hbm.at[pl.ds(0, 1), :, pl.ds(0, b_per_w)], panels[b], ssem[b]
            ).wait()

        def body(g, carry):
            for b in range(2):
                h = g * 2 + b

                @pl.when(g > 0)
                def _():
                    wait_store(b)

                fill(h, panels[b])
                fire_store(h, b)
            return carry

        lax.fori_loop(0, hist // 2, body, 0)
        for b in range(2):
            wait_store(b)

    return gather_kernel


def kernel(indices, table):
    batch, hist = indices.shape
    vocab, dim = table.shape
    idx_flat = indices.reshape(batch * hist)
    table_flat = table.reshape(vocab * dim)
    out = _make_gather(batch, hist, vocab, dim)(table_flat, idx_flat)
    return jnp.transpose(out, (2, 0, 1))

# --- scband reference (transcript-rebuilt; emitter-appended) ---
"""Pipeline reference for scband-embedding-model-57320633532720 (READ-ONLY COPY).

The authoritative reference and input builder live on the scoring server;
editing this copy changes nothing except your own understanding.
"""

import jax, jax.numpy as jnp
import numpy as np

VOCAB_SIZE = 100  # len(vocab) from init_kwargs
EMBED_DIM = 64    # embedding_dimension from init_kwargs
BATCH = 16384
HIST = 50


def setup_inputs(seed: int = 0) -> dict:
    key = jax.random.key(seed)
    k1, k2 = jax.random.split(key)
    # StringLookup output: integer ids in [0, VOCAB_SIZE], where 0 is the OOV bucket
    # (mask_token=None, so vocab tokens map to 1..VOCAB_SIZE).
    indices = jax.random.randint(k1, (BATCH, HIST), 0, VOCAB_SIZE + 1, dtype=jnp.int32)
    # Embedding table: input_dim = len(vocab) + 1 rows (keras Embedding default uniform init approximated).
    table = jax.random.uniform(k2, (VOCAB_SIZE + 1, EMBED_DIM), dtype=jnp.float32, minval=-0.05, maxval=0.05)
    return {"indices": indices, "table": table}


def reference(indices, table):
    # EmbeddingModel.call: StringLookup (modeled as precomputed integer ids) -> Embedding gather.
    return jnp.take(table, indices, axis=0)

if __name__ == "__main__":
    import jax
    _d = setup_inputs()
    print(jax.jit(kernel)(*tuple(_d.values())))

</pallas_src>

<mosaic_0001>
#map = affine_map<(d0, d1) -> (0)>
#map1 = affine_map<(d0, d1) -> (0, 0, 0)>
module attributes {stable_mosaic.version = 14 : i64} {
  func.func @gather_kernel(%arg0: i32, %arg1: i32, %arg2: memref<6464xf32, #tpu.memory_space<hbm>>, %arg3: memref<819200xi32, #tpu.memory_space<hbm>>, %arg4: memref<50x64x16384xf32, #tpu.memory_space<hbm>>, %arg5: memref<25600xi32, #tpu.memory_space<vmem>>, %arg6: memref<6464xf32, #tpu.memory_space<vmem>>, %arg7: memref<6565xf32, #tpu.memory_space<vmem>>, %arg8: memref<1x64x512xf32, #tpu.memory_space<vmem>>, %arg9: memref<1x64x512xf32, #tpu.memory_space<vmem>>, %arg10: memref<!tpu.dma_semaphore, #tpu.memory_space<semaphore_mem>>, %arg11: memref<!tpu.dma_semaphore, #tpu.memory_space<semaphore_mem>>) attributes {dimension_semantics = [#tpu.dimension_semantics<core_parallel>, #tpu.dimension_semantics<subcore_parallel>], iteration_bounds = array<i64: 2, 16>, scalar_prefetch = 0 : i64, scratch_operands = 7 : i64, tpu.core_type = #tpu.core_type<sc_vector_subcore>, window_params = [{transform_indices = #map}, {transform_indices = #map}, {transform_indices = #map1}]} {
    %mul3A = arith.constant 2 : i32
    %mul3A_0 = arith.muli %arg1, %mul3A : i32
    %add3A = arith.addi %mul3A_0, %arg0 : i32
    %mul3A_1 = arith.constant 25600 : i32
    %mul3A_2 = arith.muli %add3A, %mul3A_1 : i32
    %multiple_of3A = tpu.assume_multiple %mul3A_2, 8 : i32
    "tpu.region"() ({
      %run_scoped3A = tpu.sem_alloc : memref<!tpu.dma_semaphore, #tpu.memory_space<semaphore_mem>>
      %dma_start3A = tpu.memref_slice %arg3[%multiple_of3A] : memref<819200xi32, #tpu.memory_space<hbm>> -> memref<25600xi32, #tpu.memory_space<hbm>>
      %dma_start3A_1657 = tpu.memref_slice %arg3[%multiple_of3A] : memref<819200xi32, #tpu.memory_space<hbm>> -> memref<25600xi32, #tpu.memory_space<hbm>>
      tpu.enqueue_dma source(%dma_start3A_1657 : memref<25600xi32, #tpu.memory_space<hbm>>) target(%arg5 : memref<25600xi32, #tpu.memory_space<vmem>>) target_semaphore(%run_scoped3A : memref<!tpu.dma_semaphore, #tpu.memory_space<semaphore_mem>>)
      %dma_wait3A_1658 = tpu.memref_slice %arg3[%multiple_of3A] : memref<819200xi32, #tpu.memory_space<hbm>> -> memref<25600xi32, #tpu.memory_space<hbm>>
      %dma_wait3A_1659 = tpu.memref_slice %arg3[%multiple_of3A] : memref<819200xi32, #tpu.memory_space<hbm>> -> memref<25600xi32, #tpu.memory_space<hbm>>
      tpu.wait_dma2 semaphore(%run_scoped3A : memref<!tpu.dma_semaphore, #tpu.memory_space<semaphore_mem>>) src(%dma_wait3A_1659 : memref<25600xi32, #tpu.memory_space<hbm>>) dst(%arg5 : memref<25600xi32, #tpu.memory_space<vmem>>)
      tpu.yield
    }) : () -> ()
    "tpu.region"() ({
      %run_scoped3A = tpu.sem_alloc : memref<!tpu.dma_semaphore, #tpu.memory_space<semaphore_mem>>
      tpu.enqueue_dma source(%arg2 : memref<6464xf32, #tpu.memory_space<hbm>>) target(%arg6 : memref<6464xf32, #tpu.memory_space<vmem>>) target_semaphore(%run_scoped3A : memref<!tpu.dma_semaphore, #tpu.memory_space<semaphore_mem>>)
      tpu.wait_dma2 semaphore(%run_scoped3A : memref<!tpu.dma_semaphore, #tpu.memory_space<semaphore_mem>>) src(%arg2 : memref<6464xf32, #tpu.memory_space<hbm>>) dst(%arg6 : memref<6464xf32, #tpu.memory_space<vmem>>)
      tpu.yield
    }) : () -> ()
    %get3A = arith.constant 0 : index
    %get3A_3 = tpu.vector_load %arg6[%get3A] {strides = array<i32>} : memref<6464xf32, #tpu.memory_space<vmem>>, vector<16xf32>,
    %swap3A = arith.constant 0 : index
    %swap3A_4 = tpu.vector_load %arg7[%swap3A] {strides = array<i32>} : memref<6565xf32, #tpu.memory_space<vmem>>, vector<16xf32>,
    tpu.vector_store %arg7[%swap3A], %get3A_3 {strides = array<i32>} : memref<6565xf32, #tpu.memory_space<vmem>>, vector<16xf32>,
    %get3A_5 = arith.constant 16 : index
    %get3A_6 = tpu.vector_load %arg6[%get3A_5] {strides = array<i32>} : memref<6464xf32, #tpu.memory_space<vmem>>, vector<16xf32>,
    %swap3A_7 = arith.constant 16 : index
    %swap3A_8 = tpu.vector_load %arg7[%swap3A_7] {strides = array<i32>} : memref<6565xf32, #tpu.memory_space<vmem>>, vector<16xf32>,
    tpu.vector_store %arg7[%swap3A_7], %get3A_6 {strides = array<i32>} : memref<6565xf32, #tpu.memory_space<vmem>>, vector<16xf32>,
    %get3A_9 = arith.constant 32 : index
    %get3A_10 = tpu.vector_load %arg6[%get3A_9] {strides = array<i32>} : memref<6464xf32, #tpu.memory_space<vmem>>, vector<16xf32>,
    %swap3A_11 = arith.constant 32 : index
    %swap3A_12 = tpu.vector_load %arg7[%swap3A_11] {strides = array<i32>} : memref<6565xf32, #tpu.memory_space<vmem>>, vector<16xf32>,
    tpu.vector_store %arg7[%swap3A_11], %get3A_10 {strides = array<i32>} : memref<6565xf32, #tpu.memory_space<vmem>>, vector<16xf32>,
    %get3A_13 = arith.constant 48 : index
    %get3A_14 = tpu.vector_load %arg6[%get3A_13] {strides = array<i32>} : memref<6464xf32, #tpu.memory_space<vmem>>, vector<16xf32>,
    %swap3A_15 = arith.constant 48 : index
    %swap3A_16 = tpu.vector_load %arg7[%swap3A_15] {strides = array<i32>} : memref<6565xf32, #tpu.memory_space<vmem>>, vector<16xf32>,
    tpu.vector_store %arg7[%swap3A_15], %get3A_14 {strides = array<i32>} : memref<6565xf32, #tpu.memory_space<vmem>>, vector<16xf32>,
    %get3A_17 = arith.constant 64 : index
    %get3A_18 = tpu.vector_load %arg6[%get3A_17] {strides = array<i32>} : memref<6464xf32, #tpu.memory_space<vmem>>, vector<16xf32>,
    %swap3A_19 = arith.constant 65 : index
    %swap3A_20 = tpu.vector_load %arg7[%swap3A_19] {strides = array<i32>} : memref<6565xf32, #tpu.memory_space<vmem>>, vector<16xf32>,
    tpu.vector_store %arg7[%swap3A_19], %get3A_18 {strides = array<i32>} : memref<6565xf32, #tpu.memory_space<vmem>>, vector<16xf32>,
    %get3A_21 = arith.constant 80 : index
    %get3A_22 = tpu.vector_load %arg6[%get3A_21] {strides = array<i32>} : memref<6464xf32, #tpu.memory_space<vmem>>, vector<16xf32>,
    %swap3A_23 = arith.constant 81 : index
    %swap3A_24 = tpu.vector_load %arg7[%swap3A_23] {strides = array<i32>} : memref<6565xf32, #tpu.memory_space<vmem>>, vector<16xf32>,
    tpu.vector_store %arg7[%swap3A_23], %get3A_22 {strides = array<i32>} : memref<6565xf32, #tpu.memory_space<vmem>>, vector<16xf32>,
    %get3A_25 = arith.constant 96 : index
    %get3A_26 = tpu.vector_load %arg6[%get3A_25] {strides = array<i32>} : memref<6464xf32, #tpu.memory_space<vmem>>, vector<16xf32>,
    %swap3A_27 = arith.constant 97 : index
    %swap3A_28 = tpu.vector_load %arg7[%swap3A_27] {strides = array<i32>} : memref<6565xf32, #tpu.memory_space<vmem>>, vector<16xf32>,
    tpu.vector_store %arg7[%swap3A_27], %get3A_26 {strides = array<i32>} : memref<6565xf32, #tpu.memory_space<vmem>>, vector<16xf32>,
    %get3A_29 = arith.constant 112 : index
    %get3A_30 = tpu.vector_load %arg6[%get3A_29] {strides = array<i32>} : memref<6464xf32, #tpu.memory_space<vmem>>, vector<16xf32>,
    %swap3A_31 = arith.constant 113 : index
    %swap3A_32 = tpu.vector_load %arg7[%swap3A_31] {strides = array<i32>} : memref<6565xf32, #tpu.memory_space<vmem>>, vector<16xf32>,
    tpu.vector_store %arg7[%swap3A_31], %get3A_30 {strides = array<i32>} : memref<6565xf32, #tpu.memory_space<vmem>>, vector<16xf32>,
    %get3A_33 = arith.constant 128 : index
    %get3A_34 = tpu.vector_load %arg6[%get3A_33] {strides = array<i32>} : memref<6464xf32, #tpu.memory_space<vmem>>, vector<16xf32>,
    %swap3A_35 = arith.constant 130 : index
    %swap3A_36 = tpu.vector_load %arg7[%swap3A_35] {strides = array<i32>} : memref<6565xf32, #tpu.memory_space<vmem>>, vector<16xf32>,
    tpu.vector_store %arg7[%swap3A_35], %get3A_34 {strides = array<i32>} : memref<6565xf32, #tpu.memory_space<vmem>>, vector<16xf32>,
    %get3A_37 = arith.constant 144 : index
    %get3A_38 = tpu.vector_load %arg6[%get3A_37] {strides = array<i32>} : memref<6464xf32, #tpu.memory_space<vmem>>, vector<16xf32>,
    %swap3A_39 = arith.constant 146 : index
    %swap3A_40 = tpu.vector_load %arg7[%swap3A_39] {strides = array<i32>} : memref<6565xf32, #tpu.memory_space<vmem>>, vector<16xf32>,
    tpu.vector_store %arg7[%swap3A_39], %get3A_38 {strides = array<i32>} : memref<6565xf32, #tpu.memory_space<vmem>>, vector<16xf32>,
    %get3A_41 = arith.constant 160 : index
    %get3A_42 = tpu.vector_load %arg6[%get3A_41] {strides = array<i32>} : memref<6464xf32, #tpu.memory_space<vmem>>, vector<16xf32>,
    %swap3A_43 = arith.constant 162 : index
    %swap3A_44 = tpu.vector_load %arg7[%swap3A_43] {strides = array<i32>} : memref<6565xf32, #tpu.memory_space<vmem>>, vector<16xf32>,
    tpu.vector_store %arg7[%swap3A_43], %get3A_42 {strides = array<i32>} : memref<6565xf32, #tpu.memory_space<vmem>>, vector<16xf32>,
    %get3A_45 = arith.constant 176 : index
    %get3A_46 = tpu.vector_load %arg6[%get3A_45] {strides = array<i32>} : memref<6464xf32, #tpu.memory_space<vmem>>, vector<16xf32>,
    %swap3A_47 = arith.constant 178 : index
    %swap3A_48 = tpu.vector_load %arg7[%swap3A_47] {strides = array<i32>} : memref<6565xf32, #tpu.memory_space<vmem>>, vector<16xf32>,
    tpu.vector_store %arg7[%swap3A_47], %get3A_46 {strides = array<i32>} : memref<6565xf32, #tpu.memory_space<vmem>>, vector<16xf32>,
    %get3A_49 = arith.constant 192 : index
    %get3A_50 = tpu.vector_load %arg6[%get3A_49] {strides = array<i32>} : memref<6464xf32, #tpu.memory_space<vmem>>, vector<16xf32>,
    %swap3A_51 = arith.constant 195 : index
    %swap3A_52 = tpu.vector_load %arg7[%swap3A_51] {strides = array<i32>} : memref<6565xf32, #tpu.memory_space<vmem>>, vector<16xf32>,
    tpu.vector_store %arg7[%swap3A_51], %get3A_50 {strides = array<i32>} : memref<6565xf32, #tpu.memory_space<vmem>>, vector<16xf32>,
    %get3A_53 = arith.constant 208 : index
    %get3A_54 = tpu.vector_load %arg6[%get3A_53] {strides = array<i32>} : memref<6464xf32, #tpu.memory_space<vmem>>, vector<16xf32>,
    %swap3A_55 = arith.constant 211 : index
    %swap3A_56 = tpu.vector_load %arg7[%swap3A_55] {strides = array<i32>} : memref<6565xf32, #tpu.memory_space<vmem>>, vector<16xf32>,
    tpu.vector_store %arg7[%swap3A_55], %get3A_54 {strides = array<i32>} : memref<6565xf32, #tpu.memory_space<vmem>>, vector<16xf32>,
    %get3A_57 = arith.constant 224 : index
    %get3A_58 = tpu.vector_load %arg6[%get3A_57] {strides = array<i32>} : memref<6464xf32, #tpu.memory_space<vmem>>, vector<16xf32>,
    %swap3A_59 = arith.constant 227 : index
    %swap3A_60 = tpu.vector_load %arg7[%swap3A_59] {strides = array<i32>} : memref<6565xf32, #tpu.memory_space<vmem>>, vector<16xf32>,
    tpu.vector_store %arg7[%swap3A_59], %get3A_58 {strides = array<i32>} : memref<6565xf32, #tpu.memory_space<vmem>>, vector<16xf32>,
    %get3A_61 = arith.constant 240 : index
    %get3A_62 = tpu.vector_load %arg6[%get3A_61] {strides = array<i32>} : memref<6464xf32, #tpu.memory_space<vmem>>, vector<16xf32>,
    %swap3A_63 = arith.constant 243 : index
    %swap3A_64 = tpu.vector_load %arg7[%swap3A_63] {strides = array<i32>} : memref<6565xf32, #tpu.memory_space<vmem>>, vector<16xf32>,
    tpu.vector_store %arg7[%swap3A_63], %get3A_62 {strides = array<i32>} : memref<6565xf32, #tpu.memory_space<vmem>>, vector<16xf32>,
    %get3A_65 = arith.constant 256 : index
    %get3A_66 = tpu.vector_load %arg6[%get3A_65] {strides = array<i32>} : memref<6464xf32, #tpu.memory_space<vmem>>, vector<16xf32>,
    %swap3A_67 = arith.constant 260 : index
    %swap3A_68 = tpu.vector_load %arg7[%swap3A_67] {strides = array<i32>} : memref<6565xf32, #tpu.memory_space<vmem>>, vector<16xf32>,
    tpu.vector_store %arg7[%swap3A_67], %get3A_66 {strides = array<i32>} : memref<6565xf32, #tpu.memory_space<vmem>>, vector<16xf32>,
    %get3A_69 = arith.constant 272 : index
    %get3A_70 = tpu.vector_load %arg6[%get3A_69] {strides = array<i32>} : memref<6464xf32, #tpu.memory_space<vmem>>, vector<16xf32>,
    %swap3A_71 = arith.constant 276 : index
    %swap3A_72 = tpu.vector_load %arg7[%swap3A_71] {strides = array<i32>} : memref<6565xf32, #tpu.memory_space<vmem>>, vector<16xf32>,
    tpu.vector_store %arg7[%swap3A_71], %get3A_70 {strides = array<i32>} : memref<6565xf32, #tpu.memory_space<vmem>>, vector<16xf32>,
    %get3A_73 = arith.constant 288 : index
    %get3A_74 = tpu.vector_load %arg6[%get3A_73] {strides = array<i32>} : memref<6464xf32, #tpu.memory_space<vmem>>, vector<16xf32>,
    %swap3A_75 = arith.constant 292 : index
    %swap3A_76 = tpu.vector_load %arg7[%swap3A_75] {strides = array<i32>} : memref<6565xf32, #tpu.memory_space<vmem>>, vector<16xf32>,
    tpu.vector_store %arg7[%swap3A_75], %get3A_74 {strides = array<i32>} : memref<6565xf32, #tpu.memory_space<vmem>>, vector<16xf32>,
    %get3A_77 = arith.constant 304 : index
    %get3A_78 = tpu.vector_load %arg6[%get3A_77] {strides = array<i32>} : memref<6464xf32, #tpu.memory_space<vmem>>, vector<16xf32>,
    %swap3A_79 = arith.constant 308 : index
    %swap3A_80 = tpu.vector_load %arg7[%swap3A_79] {strides = array<i32>} : memref<6565xf32, #tpu.memory_space<vmem>>, vector<16xf32>,
    tpu.vector_store %arg7[%swap3A_79], %get3A_78 {strides = array<i32>} : memref<6565xf32, #tpu.memory_space<vmem>>, vector<16xf32>,
    %get3A_81 = arith.constant 320 : index
    %get3A_82 = tpu.vector_load %arg6[%get3A_81] {strides = array<i32>} : memref<6464xf32, #tpu.memory_space<vmem>>, vector<16xf32>,
    %swap3A_83 = arith.constant 325 : index
    %swap3A_84 = tpu.vector_load %arg7[%swap3A_83] {strides = array<i32>} : memref<6565xf32, #tpu.memory_space<vmem>>, vector<16xf32>,
    tpu.vector_store %arg7[%swap3A_83], %get3A_82 {strides = array<i32>} : memref<6565xf32, #tpu.memory_space<vmem>>, vector<16xf32>,
    %get3A_85 = arith.constant 336 : index
    %get3A_86 = tpu.vector_load %arg6[%get3A_85] {strides = array<i32>} : memref<6464xf32, #tpu.memory_space<vmem>>, vector<16xf32>,
    %swap3A_87 = arith.constant 341 : index
    %swap3A_88 = tpu.vector_load %arg7[%swap3A_87] {strides = array<i32>} : memref<6565xf32, #tpu.memory_space<vmem>>, vector<16xf32>,
    tpu.vector_store %arg7[%swap3A_87], %get3A_86 {strides = array<i32>} : memref<6565xf32, #tpu.memory_space<vmem>>, vector<16xf32>,
    %get3A_89 = arith.constant 352 : index
    %get3A_90 = tpu.vector_load %arg6[%get3A_89] {strides = array<i32>} : memref<6464xf32, #tpu.memory_space<vmem>>, vector<16xf32>,
    %swap3A_91 = arith.constant 357 : index
    %swap3A_92 = tpu.vector_load %arg7[%swap3A_91] {strides = array<i32>} : memref<6565xf32, #tpu.memory_space<vmem>>, vector<16xf32>,
    tpu.vector_store %arg7[%swap3A_91], %get3A_90 {strides = array<i32>} : memref<6565xf32, #tpu.memory_space<vmem>>, vector<16xf32>,
    %get3A_93 = arith.constant 368 : index
    %get3A_94 = tpu.vector_load %arg6[%get3A_93] {strides = array<i32>} : memref<6464xf32, #tpu.memory_space<vmem>>, vector<16xf32>,
    %swap3A_95 = arith.constant 373 : index
    %swap3A_96 = tpu.vector_load %arg7[%swap3A_95] {strides = array<i32>} : memref<6565xf32, #tpu.memory_space<vmem>>, vector<16xf32>,
    tpu.vector_store %arg7[%swap3A_95], %get3A_94 {strides = array<i32>} : memref<6565xf32, #tpu.memory_space<vmem>>, vector<16xf32>,
    %get3A_97 = arith.constant 384 : index
    %get3A_98 = tpu.vector_load %arg6[%get3A_97] {strides = array<i32>} : memref<6464xf32, #tpu.memory_space<vmem>>, vector<16xf32>,
    %swap3A_99 = arith.constant 390 : index
    %swap3A_100 = tpu.vector_load %arg7[%swap3A_99] {strides = array<i32>} : memref<6565xf32, #tpu.memory_space<vmem>>, vector<16xf32>,
    tpu.vector_store %arg7[%swap3A_99], %get3A_98 {strides = array<i32>} : memref<6565xf32, #tpu.memory_space<vmem>>, vector<16xf32>,
    %get3A_101 = arith.constant 400 : index
    %get3A_102 = tpu.vector_load %arg6[%get3A_101] {strides = array<i32>} : memref<6464xf32, #tpu.memory_space<vmem>>, vector<16xf32>,
    %swap3A_103 = arith.constant 406 : index
    %swap3A_104 = tpu.vector_load %arg7[%swap3A_103] {strides = array<i32>} : memref<6565xf32, #tpu.memory_space<vmem>>, vector<16xf32>,
    tpu.vector_store %arg7[%swap3A_103], %get3A_102 {strides = array<i32>} : memref<6565xf32, #tpu.memory_space<vmem>>, vector<16xf32>,
    %get3A_105 = arith.constant 416 : index
    %get3A_106 = tpu.vector_load %arg6[%get3A_105] {strides = array<i32>} : memref<6464xf32, #tpu.memory_space<vmem>>, vector<16xf32>,
    %swap3A_107 = arith.constant 422 : index
    %swap3A_108 = tpu.vector_load %arg7[%swap3A_107] {strides = array<i32>} : memref<6565xf32, #tpu.memory_space<vmem>>, vector<16xf32>,
    tpu.vector_store %arg7[%swap3A_107], %get3A_106 {strides = array<i32>} : memref<6565xf32, #tpu.memory_space<vmem>>, vector<16xf32>,
    %get3A_109 = arith.constant 432 : index
    %get3A_110 = tpu.vector_load %arg6[%get3A_109] {strides = array<i32>} : memref<6464xf32, #tpu.memory_space<vmem>>, vector<16xf32>,
    %swap3A_111 = arith.constant 438 : index
    %swap3A_112 = tpu.vector_load %arg7[%swap3A_111] {strides = array<i32>} : memref<6565xf32, #tpu.memory_space<vmem>>, vector<16xf32>,
    tpu.vector_store %arg7[%swap3A_111], %get3A_110 {strides = array<i32>} : memref<6565xf32, #tpu.memory_space<vmem>>, vector<16xf32>,
    %get3A_113 = arith.constant 448 : index
    %get3A_114 = tpu.vector_load %arg6[%get3A_113] {strides = array<i32>} : memref<6464xf32, #tpu.memory_space<vmem>>, vector<16xf32>,
    %swap3A_115 = arith.constant 455 : index
    %swap3A_116 = tpu.vector_load %arg7[%swap3A_115] {strides = array<i32>} : memref<6565xf32, #tpu.memory_space<vmem>>, vector<16xf32>,
    tpu.vector_store %arg7[%swap3A_115], %get3A_114 {strides = array<i32>} : memref<6565xf32, #tpu.memory_space<vmem>>, vector<16xf32>,
    %get3A_117 = arith.constant 464 : index
    %get3A_118 = tpu.vector_load %arg6[%get3A_117] {strides = array<i32>} : memref<6464xf32, #tpu.memory_space<vmem>>, vector<16xf32>,
    %swap3A_119 = arith.constant 471 : index
    %swap3A_120 = tpu.vector_load %arg7[%swap3A_119] {strides = array<i32>} : memref<6565xf32, #tpu.memory_space<vmem>>, vector<16xf32>,
    tpu.vector_store %arg7[%swap3A_119], %get3A_118 {strides = array<i32>} : memref<6565xf32, #tpu.memory_space<vmem>>, vector<16xf32>,
    %get3A_121 = arith.constant 480 : index
    %get3A_122 = tpu.vector_load %arg6[%get3A_121] {strides = array<i32>} : memref<6464xf32, #tpu.memory_space<vmem>>, vector<16xf32>,
    %swap3A_123 = arith.constant 487 : index
    %swap3A_124 = tpu.vector_load %arg7[%swap3A_123] {strides = array<i32>} : memref<6565xf32, #tpu.memory_space<vmem>>, vector<16xf32>,
    tpu.vector_store %arg7[%swap3A_123], %get3A_122 {strides = array<i32>} : memref<6565xf32, #tpu.memory_space<vmem>>, vector<16xf32>,
    %get3A_125 = arith.constant 496 : index
    %get3A_126 = tpu.vector_load %arg6[%get3A_125] {strides = array<i32>} : memref<6464xf32, #tpu.memory_space<vmem>>, vector<16xf32>,
    %swap3A_127 = arith.constant 503 : index
    %swap3A_128 = tpu.vector_load %arg7[%swap3A_127] {strides = array<i32>} : memref<6565xf32, #tpu.memory_space<vmem>>, vector<16xf32>,
    tpu.vector_store %arg7[%swap3A_127], %get3A_126 {strides = array<i32>} : memref<6565xf32, #tpu.memory_space<vmem>>, vector<16xf32>,
    %get3A_129 = arith.constant 512 : index
    %get3A_130 = tpu.vector_load %arg6[%get3A_129] {strides = array<i32>} : memref<6464xf32, #tpu.memory_space<vmem>>, vector<16xf32>,
    %swap3A_131 = arith.constant 520 : index
    %swap3A_132 = tpu.vector_load %arg7[%swap3A_131] {strides = array<i32>} : memref<6565xf32, #tpu.memory_space<vmem>>, vector<16xf32>,
    tpu.vector_store %arg7[%swap3A_131], %get3A_130 {strides = array<i32>} : memref<6565xf32, #tpu.memory_space<vmem>>, vector<16xf32>,
    %get3A_133 = arith.constant 528 : index
    %get3A_134 = tpu.vector_load %arg6[%get3A_133] {strides = array<i32>} : memref<6464xf32, #tpu.memory_space<vmem>>, vector<16xf32>,
    %swap3A_135 = arith.constant 536 : index
    %swap3A_136 = tpu.vector_load %arg7[%swap3A_135] {strides = array<i32>} : memref<6565xf32, #tpu.memory_space<vmem>>, vector<16xf32>,
    tpu.vector_store %arg7[%swap3A_135], %get3A_134 {strides = array<i32>} : memref<6565xf32, #tpu.memory_space<vmem>>, vector<16xf32>,
    %get3A_137 = arith.constant 544 : index
    %get3A_138 = tpu.vector_load %arg6[%get3A_137] {strides = array<i32>} : memref<6464xf32, #tpu.memory_space<vmem>>, vector<16xf32>,
    %swap3A_139 = arith.constant 552 : index
    %swap3A_140 = tpu.vector_load %arg7[%swap3A_139] {strides = array<i32>} : memref<6565xf32, #tpu.memory_space<vmem>>, vector<16xf32>,
    tpu.vector_store %arg7[%swap3A_139], %get3A_138 {strides = array<i32>} : memref<6565xf32, #tpu.memory_space<vmem>>, vector<16xf32>,
    %get3A_141 = arith.constant 560 : index
    %get3A_142 = tpu.vector_load %arg6[%get3A_141] {strides = array<i32>} : memref<6464xf32, #tpu.memory_space<vmem>>, vector<16xf32>,
    %swap3A_143 = arith.constant 568 : index
    %swap3A_144 = tpu.vector_load %arg7[%swap3A_143] {strides = array<i32>} : memref<6565xf32, #tpu.memory_space<vmem>>, vector<16xf32>,
    tpu.vector_store %arg7[%swap3A_143], %get3A_142 {strides = array<i32>} : memref<6565xf32, #tpu.memory_space<vmem>>, vector<16xf32>,
    %get3A_145 = arith.constant 576 : index
    %get3A_146 = tpu.vector_load %arg6[%get3A_145] {strides = array<i32>} : memref<6464xf32, #tpu.memory_space<vmem>>, vector<16xf32>,
    %swap3A_147 = arith.constant 585 : index
    %swap3A_148 = tpu.vector_load %arg7[%swap3A_147] {strides = array<i32>} : memref<6565xf32, #tpu.memory_space<vmem>>, vector<16xf32>,
    tpu.vector_store %arg7[%swap3A_147], %get3A_146 {strides = array<i32>} : memref<6565xf32, #tpu.memory_space<vmem>>, vector<16xf32>,
    %get3A_149 = arith.constant 592 : index
    %get3A_150 = tpu.vector_load %arg6[%get3A_149] {strides = array<i32>} : memref<6464xf32, #tpu.memory_space<vmem>>, vector<16xf32>,
    %swap3A_151 = arith.constant 601 : index
    %swap3A_152 = tpu.vector_load %arg7[%swap3A_151] {strides = array<i32>} : memref<6565xf32, #tpu.memory_space<vmem>>, vector<16xf32>,
    tpu.vector_store %arg7[%swap3A_151], %get3A_150 {strides = array<i32>} : memref<6565xf32, #tpu.memory_space<vmem>>, vector<16xf32>,
    %get3A_153 = arith.constant 608 : index
    %get3A_154 = tpu.vector_load %arg6[%get3A_153] {strides = array<i32>} : memref<6464xf32, #tpu.memory_space<vmem>>, vector<16xf32>,
    %swap3A_155 = arith.constant 617 : index
    %swap3A_156 = tpu.vector_load %arg7[%swap3A_155] {strides = array<i32>} : memref<6565xf32, #tpu.memory_space<vmem>>, vector<16xf32>,
    tpu.vector_store %arg7[%swap3A_155], %get3A_154 {strides = array<i32>} : memref<6565xf32, #tpu.memory_space<vmem>>, vector<16xf32>,
    %get3A_157 = arith.constant 624 : index
    %get3A_158 = tpu.vector_load %arg6[%get3A_157] {strides = array<i32>} : memref<6464xf32, #tpu.memory_space<vmem>>, vector<16xf32>,
    %swap3A_159 = arith.constant 633 : index
    %swap3A_160 = tpu.vector_load %arg7[%swap3A_159] {strides = array<i32>} : memref<6565xf32, #tpu.memory_space<vmem>>, vector<16xf32>,
    tpu.vector_store %arg7[%swap3A_159], %get3A_158 {strides = array<i32>} : memref<6565xf32, #tpu.memory_space<vmem>>, vector<16xf32>,
    %get3A_161 = arith.constant 640 : index
    %get3A_162 = tpu.vector_load %arg6[%get3A_161] {strides = array<i32>} : memref<6464xf32, #tpu.memory_space<vmem>>, vector<16xf32>,
    %swap3A_163 = arith.constant 650 : index
    %swap3A_164 = tpu.vector_load %arg7[%swap3A_163] {strides = array<i32>} : memref<6565xf32, #tpu.memory_space<vmem>>, vector<16xf32>,
    tpu.vector_store %arg7[%swap3A_163], %get3A_162 {strides = array<i32>} : memref<6565xf32, #tpu.memory_space<vmem>>, vector<16xf32>,
    %get3A_165 = arith.constant 656 : index
    %get3A_166 = tpu.vector_load %arg6[%get3A_165] {strides = array<i32>} : memref<6464xf32, #tpu.memory_space<vmem>>, vector<16xf32>,
    %swap3A_167 = arith.constant 666 : index
    %swap3A_168 = tpu.vector_load %arg7[%swap3A_167] {strides = array<i32>} : memref<6565xf32, #tpu.memory_space<vmem>>, vector<16xf32>,
    tpu.vector_store %arg7[%swap3A_167], %get3A_166 {strides = array<i32>} : memref<6565xf32, #tpu.memory_space<vmem>>, vector<16xf32>,
    %get3A_169 = arith.constant 672 : index
    %get3A_170 = tpu.vector_load %arg6[%get3A_169] {strides = array<i32>} : memref<6464xf32, #tpu.memory_space<vmem>>, vector<16xf32>,
    %swap3A_171 = arith.constant 682 : index
    %swap3A_172 = tpu.vector_load %arg7[%swap3A_171] {strides = array<i32>} : memref<6565xf32, #tpu.memory_space<vmem>>, vector<16xf32>,
    tpu.vector_store %arg7[%swap3A_171], %get3A_170 {strides = array<i32>} : memref<6565xf32, #tpu.memory_space<vmem>>, vector<16xf32>,
    %get3A_173 = arith.constant 688 : index
    %get3A_174 = tpu.vector_load %arg6[%get3A_173] {strides = array<i32>} : memref<6464xf32, #tpu.memory_space<vmem>>, vector<16xf32>,
    %swap3A_175 = arith.constant 698 : index
    %swap3A_176 = tpu.vector_load %arg7[%swap3A_175] {strides = array<i32>} : memref<6565xf32, #tpu.memory_space<vmem>>, vector<16xf32>,
    tpu.vector_store %arg7[%swap3A_175], %get3A_174 {strides = array<i32>} : memref<6565xf32, #tpu.memory_space<vmem>>, vector<16xf32>,
    %get3A_177 = arith.constant 704 : index
    %get3A_178 = tpu.vector_load %arg6[%get3A_177] {strides = array<i32>} : memref<6464xf32, #tpu.memory_space<vmem>>, vector<16xf32>,
    %swap3A_179 = arith.constant 715 : index
    %swap3A_180 = tpu.vector_load %arg7[%swap3A_179] {strides = array<i32>} : memref<6565xf32, #tpu.memory_space<vmem>>, vector<16xf32>,
    tpu.vector_store %arg7[%swap3A_179], %get3A_178 {strides = array<i32>} : memref<6565xf32, #tpu.memory_space<vmem>>, vector<16xf32>,
    %get3A_181 = arith.constant 720 : index
    %get3A_182 = tpu.vector_load %arg6[%get3A_181] {strides = array<i32>} : memref<6464xf32, #tpu.memory_space<vmem>>, vector<16xf32>,
    %swap3A_183 = arith.constant 731 : index
    %swap3A_184 = tpu.vector_load %arg7[%swap3A_183] {strides = array<i32>} : memref<6565xf32, #tpu.memory_space<vmem>>, vector<16xf32>,
    tpu.vector_store %arg7[%swap3A_183], %get3A_182 {strides = array<i32>} : memref<6565xf32, #tpu.memory_space<vmem>>, vector<16xf32>,
    %get3A_185 = arith.constant 736 : index
    %get3A_186 = tpu.vector_load %arg6[%get3A_185] {strides = array<i32>} : memref<6464xf32, #tpu.memory_space<vmem>>, vector<16xf32>,
    %swap3A_187 = arith.constant 747 : index
    %swap3A_188 = tpu.vector_load %arg7[%swap3A_187] {strides = array<i32>} : memref<6565xf32, #tpu.memory_space<vmem>>, vector<16xf32>,
    tpu.vector_store %arg7[%swap3A_187], %get3A_186 {strides = array<i32>} : memref<6565xf32, #tpu.memory_space<vmem>>, vector<16xf32>,
    %get3A_189 = arith.constant 752 : index
    %get3A_190 = tpu.vector_load %arg6[%get3A_189] {strides = array<i32>} : memref<6464xf32, #tpu.memory_space<vmem>>, vector<16xf32>,
    %swap3A_191 = arith.constant 763 : index
    %swap3A_192 = tpu.vector_load %arg7[%swap3A_191] {strides = array<i32>} : memref<6565xf32, #tpu.memory_space<vmem>>, vector<16xf32>,
    tpu.vector_store %arg7[%swap3A_191], %get3A_190 {strides = array<i32>} : memref<6565xf32, #tpu.memory_space<vmem>>, vector<16xf32>,
    %get3A_193 = arith.constant 768 : index
    %get3A_194 = tpu.vector_load %arg6[%get3A_193] {strides = array<i32>} : memref<6464xf32, #tpu.memory_space<vmem>>, vector<16xf32>,
    %swap3A_195 = arith.constant 780 : index
    %swap3A_196 = tpu.vector_load %arg7[%swap3A_195] {strides = array<i32>} : memref<6565xf32, #tpu.memory_space<vmem>>, vector<16xf32>,
    tpu.vector_store %arg7[%swap3A_195], %get3A_194 {strides = array<i32>} : memref<6565xf32, #tpu.memory_space<vmem>>, vector<16xf32>,
    %get3A_197 = arith.constant 784 : index
    %get3A_198 = tpu.vector_load %arg6[%get3A_197] {strides = array<i32>} : memref<6464xf32, #tpu.memory_space<vmem>>, vector<16xf32>,
    %swap3A_199 = arith.constant 796 : index
    %swap3A_200 = tpu.vector_load %arg7[%swap3A_199] {strides = array<i32>} : memref<6565xf32, #tpu.memory_space<vmem>>, vector<16xf32>,
    tpu.vector_store %arg7[%swap3A_199], %get3A_198 {strides = array<i32>} : memref<6565xf32, #tpu.memory_space<vmem>>, vector<16xf32>,
    %get3A_201 = arith.constant 800 : index
    %get3A_202 = tpu.vector_load %arg6[%get3A_201] {strides = array<i32>} : memref<6464xf32, #tpu.memory_space<vmem>>, vector<16xf32>,
    %swap3A_203 = arith.constant 812 : index
    %swap3A_204 = tpu.vector_load %arg7[%swap3A_203] {strides = array<i32>} : memref<6565xf32, #tpu.memory_space<vmem>>, vector<16xf32>,
    tpu.vector_store %arg7[%swap3A_203], %get3A_202 {strides = array<i32>} : memref<6565xf32, #tpu.memory_space<vmem>>, vector<16xf32>,
    %get3A_205 = arith.constant 816 : index
    %get3A_206 = tpu.vector_load %arg6[%get3A_205] {strides = array<i32>} : memref<6464xf32, #tpu.memory_space<vmem>>, vector<16xf32>,
    %swap3A_207 = arith.constant 828 : index
    %swap3A_208 = tpu.vector_load %arg7[%swap3A_207] {strides = array<i32>} : memref<6565xf32, #tpu.memory_space<vmem>>, vector<16xf32>,
    tpu.vector_store %arg7[%swap3A_207], %get3A_206 {strides = array<i32>} : memref<6565xf32, #tpu.memory_space<vmem>>, vector<16xf32>,
    %get3A_209 = arith.constant 832 : index
    %get3A_210 = tpu.vector_load %arg6[%get3A_209] {strides = array<i32>} : memref<6464xf32, #tpu.memory_space<vmem>>, vector<16xf32>,
    %swap3A_211 = arith.constant 845 : index
    %swap3A_212 = tpu.vector_load %arg7[%swap3A_211] {strides = array<i32>} : memref<6565xf32, #tpu.memory_space<vmem>>, vector<16xf32>,
    tpu.vector_store %arg7[%swap3A_211], %get3A_210 {strides = array<i32>} : memref<6565xf32, #tpu.memory_space<vmem>>, vector<16xf32>,
    %get3A_213 = arith.constant 848 : index
    %get3A_214 = tpu.vector_load %arg6[%get3A_213] {strides = array<i32>} : memref<6464xf32, #tpu.memory_space<vmem>>, vector<16xf32>,
    %swap3A_215 = arith.constant 861 : index
    %swap3A_216 = tpu.vector_load %arg7[%swap3A_215] {strides = array<i32>} : memref<6565xf32, #tpu.memory_space<vmem>>, vector<16xf32>,
    tpu.vector_store %arg7[%swap3A_215], %get3A_214 {strides = array<i32>} : memref<6565xf32, #tpu.memory_space<vmem>>, vector<16xf32>,
    %get3A_217 = arith.constant 864 : index
    %get3A_218 = tpu.vector_load %arg6[%get3A_217] {strides = array<i32>} : memref<6464xf32, #tpu.memory_space<vmem>>, vector<16xf32>,
    %swap3A_219 = arith.constant 877 : index
    %swap3A_220 = tpu.vector_load %arg7[%swap3A_219] {strides = array<i32>} : memref<6565xf32, #tpu.memory_space<vmem>>, vector<16xf32>,
    tpu.vector_store %arg7[%swap3A_219], %get3A_218 {strides = array<i32>} : memref<6565xf32, #tpu.memory_space<vmem>>, vector<16xf32>,
    %get3A_221 = arith.constant 880 : index
    %get3A_222 = tpu.vector_load %arg6[%get3A_221] {strides = array<i32>} : memref<6464xf32, #tpu.memory_space<vmem>>, vector<16xf32>,
    %swap3A_223 = arith.constant 893 : index
    %swap3A_224 = tpu.vector_load %arg7[%swap3A_223] {strides = array<i32>} : memref<6565xf32, #tpu.memory_space<vmem>>, vector<16xf32>,
    tpu.vector_store %arg7[%swap3A_223], %get3A_222 {strides = array<i32>} : memref<6565xf32, #tpu.memory_space<vmem>>, vector<16xf32>,
    %get3A_225 = arith.constant 896 : index
    %get3A_226 = tpu.vector_load %arg6[%get3A_225] {strides = array<i32>} : memref<6464xf32, #tpu.memory_space<vmem>>, vector<16xf32>,
    %swap3A_227 = arith.constant 910 : index
    %swap3A_228 = tpu.vector_load %arg7[%swap3A_227] {strides = array<i32>} : memref<6565xf32, #tpu.memory_space<vmem>>, vector<16xf32>,
    tpu.vector_store %arg7[%swap3A_227], %get3A_226 {strides = array<i32>} : memref<6565xf32, #tpu.memory_space<vmem>>, vector<16xf32>,
    %get3A_229 = arith.constant 912 : index
    %get3A_230 = tpu.vector_load %arg6[%get3A_229] {strides = array<i32>} : memref<6464xf32, #tpu.memory_space<vmem>>, vector<16xf32>,
    %swap3A_231 = arith.constant 926 : index
    %swap3A_232 = tpu.vector_load %arg7[%swap3A_231] {strides = array<i32>} : memref<6565xf32, #tpu.memory_space<vmem>>, vector<16xf32>,
    tpu.vector_store %arg7[%swap3A_231], %get3A_230 {strides = array<i32>} : memref<6565xf32, #tpu.memory_space<vmem>>, vector<16xf32>,
    %get3A_233 = arith.constant 928 : index
    %get3A_234 = tpu.vector_load %arg6[%get3A_233] {strides = array<i32>} : memref<6464xf32, #tpu.memory_space<vmem>>, vector<16xf32>,
    %swap3A_235 = arith.constant 942 : index
    %swap3A_236 = tpu.vector_load %arg7[%swap3A_235] {strides = array<i32>} : memref<6565xf32, #tpu.memory_space<vmem>>, vector<16xf32>,
    tpu.vector_store %arg7[%swap3A_235], %get3A_234 {strides = array<i32>} : memref<6565xf32, #tpu.memory_space<vmem>>, vector<16xf32>,
    %get3A_237 = arith.constant 944 : index
    %get3A_238 = tpu.vector_load %arg6[%get3A_237] {strides = array<i32>} : memref<6464xf32, #tpu.memory_space<vmem>>, vector<16xf32>,
    %swap3A_239 = arith.constant 958 : index
    %swap3A_240 = tpu.vector_load %arg7[%swap3A_239] {strides = array<i32>} : memref<6565xf32, #tpu.memory_space<vmem>>, vector<16xf32>,
    tpu.vector_store %arg7[%swap3A_239], %get3A_238 {strides = array<i32>} : memref<6565xf32, #tpu.memory_space<vmem>>, vector<16xf32>,
    %get3A_241 = arith.constant 960 : index
    %get3A_242 = tpu.vector_load %arg6[%get3A_241] {strides = array<i32>} : memref<6464xf32, #tpu.memory_space<vmem>>, vector<16xf32>,
    %swap3A_243 = arith.constant 975 : index
    %swap3A_244 = tpu.vector_load %arg7[%swap3A_243] {strides = array<i32>} : memref<6565xf32, #tpu.memory_space<vmem>>, vector<16xf32>,
    tpu.vector_store %arg7[%swap3A_243], %get3A_242 {strides = array<i32>} : memref<6565xf32, #tpu.memory_space<vmem>>, vector<16xf32>,
    %get3A_245 = arith.constant 976 : index
    %get3A_246 = tpu.vector_load %arg6[%get3A_245] {strides = array<i32>} : memref<6464xf32, #tpu.memory_space<vmem>>, vector<16xf32>,
    %swap3A_247 = arith.constant 991 : index
    %swap3A_248 = tpu.vector_load %arg7[%swap3A_247] {strides = array<i32>} : memref<6565xf32, #tpu.memory_space<vmem>>, vector<16xf32>,
    tpu.vector_store %arg7[%swap3A_247], %get3A_246 {strides = array<i32>} : memref<6565xf32, #tpu.memory_space<vmem>>, vector<16xf32>,
    %get3A_249 = arith.constant 992 : index
    %get3A_250 = tpu.vector_load %arg6[%get3A_249] {strides = array<i32>} : memref<6464xf32, #tpu.memory_space<vmem>>, vector<16xf32>,
    %swap3A_251 = arith.constant 1007 : index
    %swap3A_252 = tpu.vector_load %arg7[%swap3A_251] {strides = array<i32>} : memref<6565xf32, #tpu.memory_space<vmem>>, vector<16xf32>,
    tpu.vector_store %arg7[%swap3A_251], %get3A_250 {strides = array<i32>} : memref<6565xf32, #tpu.memory_space<vmem>>, vector<16xf32>,
    %get3A_253 = arith.constant 1008 : index
    %get3A_254 = tpu.vector_load %arg6[%get3A_253] {strides = array<i32>} : memref<6464xf32, #tpu.memory_space<vmem>>, vector<16xf32>,
    %swap3A_255 = arith.constant 1023 : index
    %swap3A_256 = tpu.vector_load %arg7[%swap3A_255] {strides = array<i32>} : memref<6565xf32, #tpu.memory_space<vmem>>, vector<16xf32>,
    tpu.vector_store %arg7[%swap3A_255], %get3A_254 {strides = array<i32>} : memref<6565xf32, #tpu.memory_space<vmem>>, vector<16xf32>,
    %get3A_257 = arith.constant 1024 : index
    %get3A_258 = tpu.vector_load %arg6[%get3A_257] {strides = array<i32>} : memref<6464xf32, #tpu.memory_space<vmem>>, vector<16xf32>,
    %swap3A_259 = arith.constant 1040 : index
    %swap3A_260 = tpu.vector_load %arg7[%swap3A_259] {strides = array<i32>} : memref<6565xf32, #tpu.memory_space<vmem>>, vector<16xf32>,
    tpu.vector_store %arg7[%swap3A_259], %get3A_258 {strides = array<i32>} : memref<6565xf32, #tpu.memory_space<vmem>>, vector<16xf32>,
    %get3A_261 = arith.constant 1040 : index
    %get3A_262 = tpu.vector_load %arg6[%get3A_261] {strides = array<i32>} : memref<6464xf32, #tpu.memory_space<vmem>>, vector<16xf32>,
    %swap3A_263 = arith.constant 1056 : index
    %swap3A_264 = tpu.vector_load %arg7[%swap3A_263] {strides = array<i32>} : memref<6565xf32, #tpu.memory_space<vmem>>, vector<16xf32>,
    tpu.vector_store %arg7[%swap3A_263], %get3A_262 {strides = array<i32>} : memref<6565xf32, #tpu.memory_space<vmem>>, vector<16xf32>,
    %get3A_265 = arith.constant 1056 : index
    %get3A_266 = tpu.vector_load %arg6[%get3A_265] {strides = array<i32>} : memref<6464xf32, #tpu.memory_space<vmem>>, vector<16xf32>,
    %swap3A_267 = arith.constant 1072 : index
    %swap3A_268 = tpu.vector_load %arg7[%swap3A_267] {strides = array<i32>} : memref<6565xf32, #tpu.memory_space<vmem>>, vector<16xf32>,
    tpu.vector_store %arg7[%swap3A_267], %get3A_266 {strides = array<i32>} : memref<6565xf32, #tpu.memory_space<vmem>>, vector<16xf32>,
    %get3A_269 = arith.constant 1072 : index
    %get3A_270 = tpu.vector_load %arg6[%get3A_269] {strides = array<i32>} : memref<6464xf32, #tpu.memory_space<vmem>>, vector<16xf32>,
    %swap3A_271 = arith.constant 1088 : index
    %swap3A_272 = tpu.vector_load %arg7[%swap3A_271] {strides = array<i32>} : memref<6565xf32, #tpu.memory_space<vmem>>, vector<16xf32>,
    tpu.vector_store %arg7[%swap3A_271], %get3A_270 {strides = array<i32>} : memref<6565xf32, #tpu.memory_space<vmem>>, vector<16xf32>,
    %get3A_273 = arith.constant 1088 : index
    %get3A_274 = tpu.vector_load %arg6[%get3A_273] {strides = array<i32>} : memref<6464xf32, #tpu.memory_space<vmem>>, vector<16xf32>,
    %swap3A_275 = arith.constant 1105 : index
    %swap3A_276 = tpu.vector_load %arg7[%swap3A_275] {strides = array<i32>} : memref<6565xf32, #tpu.memory_space<vmem>>, vector<16xf32>,
    tpu.vector_store %arg7[%swap3A_275], %get3A_274 {strides = array<i32>} : memref<6565xf32, #tpu.memory_space<vmem>>, vector<16xf32>,
    %get3A_277 = arith.constant 1104 : index
    %get3A_278 = tpu.vector_load %arg6[%get3A_277] {strides = array<i32>} : memref<6464xf32, #tpu.memory_space<vmem>>, vector<16xf32>,
    %swap3A_279 = arith.constant 1121 : index
    %swap3A_280 = tpu.vector_load %arg7[%swap3A_279] {strides = array<i32>} : memref<6565xf32, #tpu.memory_space<vmem>>, vector<16xf32>,
    tpu.vector_store %arg7[%swap3A_279], %get3A_278 {strides = array<i32>} : memref<6565xf32, #tpu.memory_space<vmem>>, vector<16xf32>,
    %get3A_281 = arith.constant 1120 : index
    %get3A_282 = tpu.vector_load %arg6[%get3A_281] {strides = array<i32>} : memref<6464xf32, #tpu.memory_space<vmem>>, vector<16xf32>,
    %swap3A_283 = arith.constant 1137 : index
    %swap3A_284 = tpu.vector_load %arg7[%swap3A_283] {strides = array<i32>} : memref<6565xf32, #tpu.memory_space<vmem>>, vector<16xf32>,
    tpu.vector_store %arg7[%swap3A_283], %get3A_282 {strides = array<i32>} : memref<6565xf32, #tpu.memory_space<vmem>>, vector<16xf32>,
    %get3A_285 = arith.constant 1136 : index
    %get3A_286 = tpu.vector_load %arg6[%get3A_285] {strides = array<i32>} : memref<6464xf32, #tpu.memory_space<vmem>>, vector<16xf32>,
    %swap3A_287 = arith.constant 1153 : index
    %swap3A_288 = tpu.vector_load %arg7[%swap3A_287] {strides = array<i32>} : memref<6565xf32, #tpu.memory_space<vmem>>, vector<16xf32>,
    tpu.vector_store %arg7[%swap3A_287], %get3A_286 {strides = array<i32>} : memref<6565xf32, #tpu.memory_space<vmem>>, vector<16xf32>,
    %get3A_289 = arith.constant 1152 : index
    %get3A_290 = tpu.vector_load %arg6[%get3A_289] {strides = array<i32>} : memref<6464xf32, #tpu.memory_space<vmem>>, vector<16xf32>,
    %swap3A_291 = arith.constant 1170 : index
    %swap3A_292 = tpu.vector_load %arg7[%swap3A_291] {strides = array<i32>} : memref<6565xf32, #tpu.memory_space<vmem>>, vector<16xf32>,
    tpu.vector_store %arg7[%swap3A_291], %get3A_290 {strides = array<i32>} : memref<6565xf32, #tpu.memory_space<vmem>>, vector<16xf32>,
    %get3A_293 = arith.constant 1168 : index
    %get3A_294 = tpu.vector_load %arg6[%get3A_293] {strides = array<i32>} : memref<6464xf32, #tpu.memory_space<vmem>>, vector<16xf32>,
    %swap3A_295 = arith.constant 1186 : index
    %swap3A_296 = tpu.vector_load %arg7[%swap3A_295] {strides = array<i32>} : memref<6565xf32, #tpu.memory_space<vmem>>, vector<16xf32>,
    tpu.vector_store %arg7[%swap3A_295], %get3A_294 {strides = array<i32>} : memref<6565xf32, #tpu.memory_space<vmem>>, vector<16xf32>,
    %get3A_297 = arith.constant 1184 : index
    %get3A_298 = tpu.vector_load %arg6[%get3A_297] {strides = array<i32>} : memref<6464xf32, #tpu.memory_space<vmem>>, vector<16xf32>,
    %swap3A_299 = arith.constant 1202 : index
    %swap3A_300 = tpu.vector_load %arg7[%swap3A_299] {strides = array<i32>} : memref<6565xf32, #tpu.memory_space<vmem>>, vector<16xf32>,
    tpu.vector_store %arg7[%swap3A_299], %get3A_298 {strides = array<i32>} : memref<6565xf32, #tpu.memory_space<vmem>>, vector<16xf32>,
    %get3A_301 = arith.constant 1200 : index
    %get3A_302 = tpu.vector_load %arg6[%get3A_301] {strides = array<i32>} : memref<6464xf32, #tpu.memory_space<vmem>>, vector<16xf32>,
    %swap3A_303 = arith.constant 1218 : index
    %swap3A_304 = tpu.vector_load %arg7[%swap3A_303] {strides = array<i32>} : memref<6565xf32, #tpu.memory_space<vmem>>, vector<16xf32>,
    tpu.vector_store %arg7[%swap3A_303], %get3A_302 {strides = array<i32>} : memref<6565xf32, #tpu.memory_space<vmem>>, vector<16xf32>,
    %get3A_305 = arith.constant 1216 : index
    %get3A_306 = tpu.vector_load %arg6[%get3A_305] {strides = array<i32>} : memref<6464xf32, #tpu.memory_space<vmem>>, vector<16xf32>,
    %swap3A_307 = arith.constant 1235 : index
    %swap3A_308 = tpu.vector_load %arg7[%swap3A_307] {strides = array<i32>} : memref<6565xf32, #tpu.memory_space<vmem>>, vector<16xf32>,
    tpu.vector_store %arg7[%swap3A_307], %get3A_306 {strides = array<i32>} : memref<6565xf32, #tpu.memory_space<vmem>>, vector<16xf32>,
    %get3A_309 = arith.constant 1232 : index
    %get3A_310 = tpu.vector_load %arg6[%get3A_309] {strides = array<i32>} : memref<6464xf32, #tpu.memory_space<vmem>>, vector<16xf32>,
    %swap3A_311 = arith.constant 1251 : index
    %swap3A_312 = tpu.vector_load %arg7[%swap3A_311] {strides = array<i32>} : memref<6565xf32, #tpu.memory_space<vmem>>, vector<16xf32>,
    tpu.vector_store %arg7[%swap3A_311], %get3A_310 {strides = array<i32>} : memref<6565xf32, #tpu.memory_space<vmem>>, vector<16xf32>,
    %get3A_313 = arith.constant 1248 : index
    %get3A_314 = tpu.vector_load %arg6[%get3A_313] {strides = array<i32>} : memref<6464xf32, #tpu.memory_space<vmem>>, vector<16xf32>,
    %swap3A_315 = arith.constant 1267 : index
    %swap3A_316 = tpu.vector_load %arg7[%swap3A_315] {strides = array<i32>} : memref<6565xf32, #tpu.memory_space<vmem>>, vector<16xf32>,
    tpu.vector_store %arg7[%swap3A_315], %get3A_314 {strides = array<i32>} : memref<6565xf32, #tpu.memory_space<vmem>>, vector<16xf32>,
    %get3A_317 = arith.constant 1264 : index
    %get3A_318 = tpu.vector_load %arg6[%get3A_317] {strides = array<i32>} : memref<6464xf32, #tpu.memory_space<vmem>>, vector<16xf32>,
    %swap3A_319 = arith.constant 1283 : index
    %swap3A_320 = tpu.vector_load %arg7[%swap3A_319] {strides = array<i32>} : memref<6565xf32, #tpu.memory_space<vmem>>, vector<16xf32>,
    tpu.vector_store %arg7[%swap3A_319], %get3A_318 {strides = array<i32>} : memref<6565xf32, #tpu.memory_space<vmem>>, vector<16xf32>,
    %get3A_321 = arith.constant 1280 : index
    %get3A_322 = tpu.vector_load %arg6[%get3A_321] {strides = array<i32>} : memref<6464xf32, #tpu.memory_space<vmem>>, vector<16xf32>,
    %swap3A_323 = arith.constant 1300 : index
    %swap3A_324 = tpu.vector_load %arg7[%swap3A_323] {strides = array<i32>} : memref<6565xf32, #tpu.memory_space<vmem>>, vector<16xf32>,
    tpu.vector_store %arg7[%swap3A_323], %get3A_322 {strides = array<i32>} : memref<6565xf32, #tpu.memory_space<vmem>>, vector<16xf32>,
    %get3A_325 = arith.constant 1296 : index
    %get3A_326 = tpu.vector_load %arg6[%get3A_325] {strides = array<i32>} : memref<6464xf32, #tpu.memory_space<vmem>>, vector<16xf32>,
    %swap3A_327 = arith.constant 1316 : index
    %swap3A_328 = tpu.vector_load %arg7[%swap3A_327] {strides = array<i32>} : memref<6565xf32, #tpu.memory_space<vmem>>, vector<16xf32>,
    tpu.vector_store %arg7[%swap3A_327], %get3A_326 {strides = array<i32>} : memref<6565xf32, #tpu.memory_space<vmem>>, vector<16xf32>,
    %get3A_329 = arith.constant 1312 : index
    %get3A_330 = tpu.vector_load %arg6[%get3A_329] {strides = array<i32>} : memref<6464xf32, #tpu.memory_space<vmem>>, vector<16xf32>,
    %swap3A_331 = arith.constant 1332 : index
    %swap3A_332 = tpu.vector_load %arg7[%swap3A_331] {strides = array<i32>} : memref<6565xf32, #tpu.memory_space<vmem>>, vector<16xf32>,
    tpu.vector_store %arg7[%swap3A_331], %get3A_330 {strides = array<i32>} : memref<6565xf32, #tpu.memory_space<vmem>>, vector<16xf32>,
    %get3A_333 = arith.constant 1328 : index
    %get3A_334 = tpu.vector_load %arg6[%get3A_333] {strides = array<i32>} : memref<6464xf32, #tpu.memory_space<vmem>>, vector<16xf32>,
    %swap3A_335 = arith.constant 1348 : index
    %swap3A_336 = tpu.vector_load %arg7[%swap3A_335] {strides = array<i32>} : memref<6565xf32, #tpu.memory_space<vmem>>, vector<16xf32>,
    tpu.vector_store %arg7[%swap3A_335], %get3A_334 {strides = array<i32>} : memref<6565xf32, #tpu.memory_space<vmem>>, vector<16xf32>,
    %get3A_337 = arith.constant 1344 : index
    %get3A_338 = tpu.vector_load %arg6[%get3A_337] {strides = array<i32>} : memref<6464xf32, #tpu.memory_space<vmem>>, vector<16xf32>,
    %swap3A_339 = arith.constant 1365 : index
    %swap3A_340 = tpu.vector_load %arg7[%swap3A_339] {strides = array<i32>} : memref<6565xf32, #tpu.memory_space<vmem>>, vector<16xf32>,
    tpu.vector_store %arg7[%swap3A_339], %get3A_338 {strides = array<i32>} : memref<6565xf32, #tpu.memory_space<vmem>>, vector<16xf32>,
    %get3A_341 = arith.constant 1360 : index
    %get3A_342 = tpu.vector_load %arg6[%get3A_341] {strides = array<i32>} : memref<6464xf32, #tpu.memory_space<vmem>>, vector<16xf32>,
    %swap3A_343 = arith.constant 1381 : index
    %swap3A_344 = tpu.vector_load %arg7[%swap3A_343] {strides = array<i32>} : memref<6565xf32, #tpu.memory_space<vmem>>, vector<16xf32>,
    tpu.vector_store %arg7[%swap3A_343], %get3A_342 {strides = array<i32>} : memref<6565xf32, #tpu.memory_space<vmem>>, vector<16xf32>,
    %get3A_345 = arith.constant 1376 : index
    %get3A_346 = tpu.vector_load %arg6[%get3A_345] {strides = array<i32>} : memref<6464xf32, #tpu.memory_space<vmem>>, vector<16xf32>,
    %swap3A_347 = arith.constant 1397 : index
    %swap3A_348 = tpu.vector_load %arg7[%swap3A_347] {strides = array<i32>} : memref<6565xf32, #tpu.memory_space<vmem>>, vector<16xf32>,
    tpu.vector_store %arg7[%swap3A_347], %get3A_346 {strides = array<i32>} : memref<6565xf32, #tpu.memory_space<vmem>>, vector<16xf32>,
    %get3A_349 = arith.constant 1392 : index
    %get3A_350 = tpu.vector_load %arg6[%get3A_349] {strides = array<i32>} : memref<6464xf32, #tpu.memory_space<vmem>>, vector<16xf32>,
    %swap3A_351 = arith.constant 1413 : index
    %swap3A_352 = tpu.vector_load %arg7[%swap3A_351] {strides = array<i32>} : memref<6565xf32, #tpu.memory_space<vmem>>, vector<16xf32>,
    tpu.vector_store %arg7[%swap3A_351], %get3A_350 {strides = array<i32>} : memref<6565xf32, #tpu.memory_space<vmem>>, vector<16xf32>,
    %get3A_353 = arith.constant 1408 : index
    %get3A_354 = tpu.vector_load %arg6[%get3A_353] {strides = array<i32>} : memref<6464xf32, #tpu.memory_space<vmem>>, vector<16xf32>,
    %swap3A_355 = arith.constant 1430 : index
    %swap3A_356 = tpu.vector_load %arg7[%swap3A_355] {strides = array<i32>} : memref<6565xf32, #tpu.memory_space<vmem>>, vector<16xf32>,
    tpu.vector_store %arg7[%swap3A_355], %get3A_354 {strides = array<i32>} : memref<6565xf32, #tpu.memory_space<vmem>>, vector<16xf32>,
    %get3A_357 = arith.constant 1424 : index
    %get3A_358 = tpu.vector_load %arg6[%get3A_357] {strides = array<i32>} : memref<6464xf32, #tpu.memory_space<vmem>>, vector<16xf32>,
    %swap3A_359 = arith.constant 1446 : index
    %swap3A_360 = tpu.vector_load %arg7[%swap3A_359] {strides = array<i32>} : memref<6565xf32, #tpu.memory_space<vmem>>, vector<16xf32>,
    tpu.vector_store %arg7[%swap3A_359], %get3A_358 {strides = array<i32>} : memref<6565xf32, #tpu.memory_space<vmem>>, vector<16xf32>,
    %get3A_361 = arith.constant 1440 : index
    %get3A_362 = tpu.vector_load %arg6[%get3A_361] {strides = array<i32>} : memref<6464xf32, #tpu.memory_space<vmem>>, vector<16xf32>,
    %swap3A_363 = arith.constant 1462 : index
    %swap3A_364 = tpu.vector_load %arg7[%swap3A_363] {strides = array<i32>} : memref<6565xf32, #tpu.memory_space<vmem>>, vector<16xf32>,
    tpu.vector_store %arg7[%swap3A_363], %get3A_362 {strides = array<i32>} : memref<6565xf32, #tpu.memory_space<vmem>>, vector<16xf32>,
    %get3A_365 = arith.constant 1456 : index
    %get3A_366 = tpu.vector_load %arg6[%get3A_365] {strides = array<i32>} : memref<6464xf32, #tpu.memory_space<vmem>>, vector<16xf32>,
    %swap3A_367 = arith.constant 1478 : index
    %swap3A_368 = tpu.vector_load %arg7[%swap3A_367] {strides = array<i32>} : memref<6565xf32, #tpu.memory_space<vmem>>, vector<16xf32>,
    tpu.vector_store %arg7[%swap3A_367], %get3A_366 {strides = array<i32>} : memref<6565xf32, #tpu.memory_space<vmem>>, vector<16xf32>,
    %get3A_369 = arith.constant 1472 : index
    %get3A_370 = tpu.vector_load %arg6[%get3A_369] {strides = array<i32>} : memref<6464xf32, #tpu.memory_space<vmem>>, vector<16xf32>,
    %swap3A_371 = arith.constant 1495 : index
    %swap3A_372 = tpu.vector_load %arg7[%swap3A_371] {strides = array<i32>} : memref<6565xf32, #tpu.memory_space<vmem>>, vector<16xf32>,
    tpu.vector_store %arg7[%swap3A_371], %get3A_370 {strides = array<i32>} : memref<6565xf32, #tpu.memory_space<vmem>>, vector<16xf32>,
    %get3A_373 = arith.constant 1488 : index
    %get3A_374 = tpu.vector_load %arg6[%get3A_373] {strides = array<i32>} : memref<6464xf32, #tpu.memory_space<vmem>>, vector<16xf32>,
    %swap3A_375 = arith.constant 1511 : index
    %swap3A_376 = tpu.vector_load %arg7[%swap3A_375] {strides = array<i32>} : memref<6565xf32, #tpu.memory_space<vmem>>, vector<16xf32>,
    tpu.vector_store %arg7[%swap3A_375], %get3A_374 {strides = array<i32>} : memref<6565xf32, #tpu.memory_space<vmem>>, vector<16xf32>,
    %get3A_377 = arith.constant 1504 : index
    %get3A_378 = tpu.vector_load %arg6[%get3A_377] {strides = array<i32>} : memref<6464xf32, #tpu.memory_space<vmem>>, vector<16xf32>,
    %swap3A_379 = arith.constant 1527 : index
    %swap3A_380 = tpu.vector_load %arg7[%swap3A_379] {strides = array<i32>} : memref<6565xf32, #tpu.memory_space<vmem>>, vector<16xf32>,
    tpu.vector_store %arg7[%swap3A_379], %get3A_378 {strides = array<i32>} : memref<6565xf32, #tpu.memory_space<vmem>>, vector<16xf32>,
    %get3A_381 = arith.constant 1520 : index
    %get3A_382 = tpu.vector_load %arg6[%get3A_381] {strides = array<i32>} : memref<6464xf32, #tpu.memory_space<vmem>>, vector<16xf32>,
    %swap3A_383 = arith.constant 1543 : index
    %swap3A_384 = tpu.vector_load %arg7[%swap3A_383] {strides = array<i32>} : memref<6565xf32, #tpu.memory_space<vmem>>, vector<16xf32>,
    tpu.vector_store %arg7[%swap3A_383], %get3A_382 {strides = array<i32>} : memref<6565xf32, #tpu.memory_space<vmem>>, vector<16xf32>,
    %get3A_385 = arith.constant 1536 : index
    %get3A_386 = tpu.vector_load %arg6[%get3A_385] {strides = array<i32>} : memref<6464xf32, #tpu.memory_space<vmem>>, vector<16xf32>,
    %swap3A_387 = arith.constant 1560 : index
    %swap3A_388 = tpu.vector_load %arg7[%swap3A_387] {strides = array<i32>} : memref<6565xf32, #tpu.memory_space<vmem>>, vector<16xf32>,
    tpu.vector_store %arg7[%swap3A_387], %get3A_386 {strides = array<i32>} : memref<6565xf32, #tpu.memory_space<vmem>>, vector<16xf32>,
    %get3A_389 = arith.constant 1552 : index
    %get3A_390 = tpu.vector_load %arg6[%get3A_389] {strides = array<i32>} : memref<6464xf32, #tpu.memory_space<vmem>>, vector<16xf32>,
    %swap3A_391 = arith.constant 1576 : index
    %swap3A_392 = tpu.vector_load %arg7[%swap3A_391] {strides = array<i32>} : memref<6565xf32, #tpu.memory_space<vmem>>, vector<16xf32>,
    tpu.vector_store %arg7[%swap3A_391], %get3A_390 {strides = array<i32>} : memref<6565xf32, #tpu.memory_space<vmem>>, vector<16xf32>,
    %get3A_393 = arith.constant 1568 : index
    %get3A_394 = tpu.vector_load %arg6[%get3A_393] {strides = array<i32>} : memref<6464xf32, #tpu.memory_space<vmem>>, vector<16xf32>,
    %swap3A_395 = arith.constant 1592 : index
    %swap3A_396 = tpu.vector_load %arg7[%swap3A_395] {strides = array<i32>} : memref<6565xf32, #tpu.memory_space<vmem>>, vector<16xf32>,
    tpu.vector_store %arg7[%swap3A_395], %get3A_394 {strides = array<i32>} : memref<6565xf32, #tpu.memory_space<vmem>>, vector<16xf32>,
    %get3A_397 = arith.constant 1584 : index
    %get3A_398 = tpu.vector_load %arg6[%get3A_397] {strides = array<i32>} : memref<6464xf32, #tpu.memory_space<vmem>>, vector<16xf32>,
    %swap3A_399 = arith.constant 1608 : index
    %swap3A_400 = tpu.vector_load %arg7[%swap3A_399] {strides = array<i32>} : memref<6565xf32, #tpu.memory_space<vmem>>, vector<16xf32>,
    tpu.vector_store %arg7[%swap3A_399], %get3A_398 {strides = array<i32>} : memref<6565xf32, #tpu.memory_space<vmem>>, vector<16xf32>,
    %get3A_401 = arith.constant 1600 : index
    %get3A_402 = tpu.vector_load %arg6[%get3A_401] {strides = array<i32>} : memref<6464xf32, #tpu.memory_space<vmem>>, vector<16xf32>,
    %swap3A_403 = arith.constant 1625 : index
    %swap3A_404 = tpu.vector_load %arg7[%swap3A_403] {strides = array<i32>} : memref<6565xf32, #tpu.memory_space<vmem>>, vector<16xf32>,
    tpu.vector_store %arg7[%swap3A_403], %get3A_402 {strides = array<i32>} : memref<6565xf32, #tpu.memory_space<vmem>>, vector<16xf32>,
    %get3A_405 = arith.constant 1616 : index
    %get3A_406 = tpu.vector_load %arg6[%get3A_405] {strides = array<i32>} : memref<6464xf32, #tpu.memory_space<vmem>>, vector<16xf32>,
    %swap3A_407 = arith.constant 1641 : index
    %swap3A_408 = tpu.vector_load %arg7[%swap3A_407] {strides = array<i32>} : memref<6565xf32, #tpu.memory_space<vmem>>, vector<16xf32>,
    tpu.vector_store %arg7[%swap3A_407], %get3A_406 {strides = array<i32>} : memref<6565xf32, #tpu.memory_space<vmem>>, vector<16xf32>,
    %get3A_409 = arith.constant 1632 : index
    %get3A_410 = tpu.vector_load %arg6[%get3A_409] {strides = array<i32>} : memref<6464xf32, #tpu.memory_space<vmem>>, vector<16xf32>,
    %swap3A_411 = arith.constant 1657 : index
    %swap3A_412 = tpu.vector_load %arg7[%swap3A_411] {strides = array<i32>} : memref<6565xf32, #tpu.memory_space<vmem>>, vector<16xf32>,
    tpu.vector_store %arg7[%swap3A_411], %get3A_410 {strides = array<i32>} : memref<6565xf32, #tpu.memory_space<vmem>>, vector<16xf32>,
    %get3A_413 = arith.constant 1648 : index
    %get3A_414 = tpu.vector_load %arg6[%get3A_413] {strides = array<i32>} : memref<6464xf32, #tpu.memory_space<vmem>>, vector<16xf32>,
    %swap3A_415 = arith.constant 1673 : index
    %swap3A_416 = tpu.vector_load %arg7[%swap3A_415] {strides = array<i32>} : memref<6565xf32, #tpu.memory_space<vmem>>, vector<16xf32>,
    tpu.vector_store %arg7[%swap3A_415], %get3A_414 {strides = array<i32>} : memref<6565xf32, #tpu.memory_space<vmem>>, vector<16xf32>,
    %get3A_417 = arith.constant 1664 : index
    %get3A_418 = tpu.vector_load %arg6[%get3A_417] {strides = array<i32>} : memref<6464xf32, #tpu.memory_space<vmem>>, vector<16xf32>,
    %swap3A_419 = arith.constant 1690 : index
    %swap3A_420 = tpu.vector_load %arg7[%swap3A_419] {strides = array<i32>} : memref<6565xf32, #tpu.memory_space<vmem>>, vector<16xf32>,
    tpu.vector_store %arg7[%swap3A_419], %get3A_418 {strides = array<i32>} : memref<6565xf32, #tpu.memory_space<vmem>>, vector<16xf32>,
    %get3A_421 = arith.constant 1680 : index
    %get3A_422 = tpu.vector_load %arg6[%get3A_421] {strides = array<i32>} : memref<6464xf32, #tpu.memory_space<vmem>>, vector<16xf32>,
    %swap3A_423 = arith.constant 1706 : index
    %swap3A_424 = tpu.vector_load %arg7[%swap3A_423] {strides = array<i32>} : memref<6565xf32, #tpu.memory_space<vmem>>, vector<16xf32>,
    tpu.vector_store %arg7[%swap3A_423], %get3A_422 {strides = array<i32>} : memref<6565xf32, #tpu.memory_space<vmem>>, vector<16xf32>,
    %get3A_425 = arith.constant 1696 : index
    %get3A_426 = tpu.vector_load %arg6[%get3A_425] {strides = array<i32>} : memref<6464xf32, #tpu.memory_space<vmem>>, vector<16xf32>,
    %swap3A_427 = arith.constant 1722 : index
    %swap3A_428 = tpu.vector_load %arg7[%swap3A_427] {strides = array<i32>} : memref<6565xf32, #tpu.memory_space<vmem>>, vector<16xf32>,
    tpu.vector_store %arg7[%swap3A_427], %get3A_426 {strides = array<i32>} : memref<6565xf32, #tpu.memory_space<vmem>>, vector<16xf32>,
    %get3A_429 = arith.constant 1712 : index
    %get3A_430 = tpu.vector_load %arg6[%get3A_429] {strides = array<i32>} : memref<6464xf32, #tpu.memory_space<vmem>>, vector<16xf32>,
    %swap3A_431 = arith.constant 1738 : index
    %swap3A_432 = tpu.vector_load %arg7[%swap3A_431] {strides = array<i32>} : memref<6565xf32, #tpu.memory_space<vmem>>, vector<16xf32>,
    tpu.vector_store %arg7[%swap3A_431], %get3A_430 {strides = array<i32>} : memref<6565xf32, #tpu.memory_space<vmem>>, vector<16xf32>,
    %get3A_433 = arith.constant 1728 : index
    %get3A_434 = tpu.vector_load %arg6[%get3A_433] {strides = array<i32>} : memref<6464xf32, #tpu.memory_space<vmem>>, vector<16xf32>,
    %swap3A_435 = arith.constant 1755 : index
    %swap3A_436 = tpu.vector_load %arg7[%swap3A_435] {strides = array<i32>} : memref<6565xf32, #tpu.memory_space<vmem>>, vector<16xf32>,
    tpu.vector_store %arg7[%swap3A_435], %get3A_434 {strides = array<i32>} : memref<6565xf32, #tpu.memory_space<vmem>>, vector<16xf32>,
    %get3A_437 = arith.constant 1744 : index
    %get3A_438 = tpu.vector_load %arg6[%get3A_437] {strides = array<i32>} : memref<6464xf32, #tpu.memory_space<vmem>>, vector<16xf32>,
    %swap3A_439 = arith.constant 1771 : index
    %swap3A_440 = tpu.vector_load %arg7[%swap3A_439] {strides = array<i32>} : memref<6565xf32, #tpu.memory_space<vmem>>, vector<16xf32>,
    tpu.vector_store %arg7[%swap3A_439], %get3A_438 {strides = array<i32>} : memref<6565xf32, #tpu.memory_space<vmem>>, vector<16xf32>,
    %get3A_441 = arith.constant 1760 : index
    %get3A_442 = tpu.vector_load %arg6[%get3A_441] {strides = array<i32>} : memref<6464xf32, #tpu.memory_space<vmem>>, vector<16xf32>,
    %swap3A_443 = arith.constant 1787 : index
    %swap3A_444 = tpu.vector_load %arg7[%swap3A_443] {strides = array<i32>} : memref<6565xf32, #tpu.memory_space<vmem>>, vector<16xf32>,
    tpu.vector_store %arg7[%swap3A_443], %get3A_442 {strides = array<i32>} : memref<6565xf32, #tpu.memory_space<vmem>>, vector<16xf32>,
    %get3A_445 = arith.constant 1776 : index
    %get3A_446 = tpu.vector_load %arg6[%get3A_445] {strides = array<i32>} : memref<6464xf32, #tpu.memory_space<vmem>>, vector<16xf32>,
    %swap3A_447 = arith.constant 1803 : index
    %swap3A_448 = tpu.vector_load %arg7[%swap3A_447] {strides = array<i32>} : memref<6565xf32, #tpu.memory_space<vmem>>, vector<16xf32>,
    tpu.vector_store %arg7[%swap3A_447], %get3A_446 {strides = array<i32>} : memref<6565xf32, #tpu.memory_space<vmem>>, vector<16xf32>,
    %get3A_449 = arith.constant 1792 : index
    %get3A_450 = tpu.vector_load %arg6[%get3A_449] {strides = array<i32>} : memref<6464xf32, #tpu.memory_space<vmem>>, vector<16xf32>,
    %swap3A_451 = arith.constant 1820 : index
    %swap3A_452 = tpu.vector_load %arg7[%swap3A_451] {strides = array<i32>} : memref<6565xf32, #tpu.memory_space<vmem>>, vector<16xf32>,
    tpu.vector_store %arg7[%swap3A_451], %get3A_450 {strides = array<i32>} : memref<6565xf32, #tpu.memory_space<vmem>>, vector<16xf32>,
    %get3A_453 = arith.constant 1808 : index
    %get3A_454 = tpu.vector_load %arg6[%get3A_453] {strides = array<i32>} : memref<6464xf32, #tpu.memory_space<vmem>>, vector<16xf32>,
    %swap3A_455 = arith.constant 1836 : index
    %swap3A_456 = tpu.vector_load %arg7[%swap3A_455] {strides = array<i32>} : memref<6565xf32, #tpu.memory_space<vmem>>, vector<16xf32>,
    tpu.vector_store %arg7[%swap3A_455], %get3A_454 {strides = array<i32>} : memref<6565xf32, #tpu.memory_space<vmem>>, vector<16xf32>,
    %get3A_457 = arith.constant 1824 : index
    %get3A_458 = tpu.vector_load %arg6[%get3A_457] {strides = array<i32>} : memref<6464xf32, #tpu.memory_space<vmem>>, vector<16xf32>,
    %swap3A_459 = arith.constant 1852 : index
    %swap3A_460 = tpu.vector_load %arg7[%swap3A_459] {strides = array<i32>} : memref<6565xf32, #tpu.memory_space<vmem>>, vector<16xf32>,
    tpu.vector_store %arg7[%swap3A_459], %get3A_458 {strides = array<i32>} : memref<6565xf32, #tpu.memory_space<vmem>>, vector<16xf32>,
    %get3A_461 = arith.constant 1840 : index
    %get3A_462 = tpu.vector_load %arg6[%get3A_461] {strides = array<i32>} : memref<6464xf32, #tpu.memory_space<vmem>>, vector<16xf32>,
    %swap3A_463 = arith.constant 1868 : index
    %swap3A_464 = tpu.vector_load %arg7[%swap3A_463] {strides = array<i32>} : memref<6565xf32, #tpu.memory_space<vmem>>, vector<16xf32>,
    tpu.vector_store %arg7[%swap3A_463], %get3A_462 {strides = array<i32>} : memref<6565xf32, #tpu.memory_space<vmem>>, vector<16xf32>,
    %get3A_465 = arith.constant 1856 : index
    %get3A_466 = tpu.vector_load %arg6[%get3A_465] {strides = array<i32>} : memref<6464xf32, #tpu.memory_space<vmem>>, vector<16xf32>,
    %swap3A_467 = arith.constant 1885 : index
    %swap3A_468 = tpu.vector_load %arg7[%swap3A_467] {strides = array<i32>} : memref<6565xf32, #tpu.memory_space<vmem>>, vector<16xf32>,
    tpu.vector_store %arg7[%swap3A_467], %get3A_466 {strides = array<i32>} : memref<6565xf32, #tpu.memory_space<vmem>>, vector<16xf32>,
    %get3A_469 = arith.constant 1872 : index
    %get3A_470 = tpu.vector_load %arg6[%get3A_469] {strides = array<i32>} : memref<6464xf32, #tpu.memory_space<vmem>>, vector<16xf32>,
    %swap3A_471 = arith.constant 1901 : index
    %swap3A_472 = tpu.vector_load %arg7[%swap3A_471] {strides = array<i32>} : memref<6565xf32, #tpu.memory_space<vmem>>, vector<16xf32>,
    tpu.vector_store %arg7[%swap3A_471], %get3A_470 {strides = array<i32>} : memref<6565xf32, #tpu.memory_space<vmem>>, vector<16xf32>,
    %get3A_473 = arith.constant 1888 : index
    %get3A_474 = tpu.vector_load %arg6[%get3A_473] {strides = array<i32>} : memref<6464xf32, #tpu.memory_space<vmem>>, vector<16xf32>,
    %swap3A_475 = arith.constant 1917 : index
    %swap3A_476 = tpu.vector_load %arg7[%swap3A_475] {strides = array<i32>} : memref<6565xf32, #tpu.memory_space<vmem>>, vector<16xf32>,
    tpu.vector_store %arg7[%swap3A_475], %get3A_474 {strides = array<i32>} : memref<6565xf32, #tpu.memory_space<vmem>>, vector<16xf32>,
    %get3A_477 = arith.constant 1904 : index
    %get3A_478 = tpu.vector_load %arg6[%get3A_477] {strides = array<i32>} : memref<6464xf32, #tpu.memory_space<vmem>>, vector<16xf32>,
    %swap3A_479 = arith.constant 1933 : index
    %swap3A_480 = tpu.vector_load %arg7[%swap3A_479] {strides = array<i32>} : memref<6565xf32, #tpu.memory_space<vmem>>, vector<16xf32>,
    tpu.vector_store %arg7[%swap3A_479], %get3A_478 {strides = array<i32>} : memref<6565xf32, #tpu.memory_space<vmem>>, vector<16xf32>,
    %get3A_481 = arith.constant 1920 : index
    %get3A_482 = tpu.vector_load %arg6[%get3A_481] {strides = array<i32>} : memref<6464xf32, #tpu.memory_space<vmem>>, vector<16xf32>,
    %swap3A_483 = arith.constant 1950 : index
    %swap3A_484 = tpu.vector_load %arg7[%swap3A_483] {strides = array<i32>} : memref<6565xf32, #tpu.memory_space<vmem>>, vector<16xf32>,
    tpu.vector_store %arg7[%swap3A_483], %get3A_482 {strides = array<i32>} : memref<6565xf32, #tpu.memory_space<vmem>>, vector<16xf32>,
    %get3A_485 = arith.constant 1936 : index
    %get3A_486 = tpu.vector_load %arg6[%get3A_485] {strides = array<i32>} : memref<6464xf32, #tpu.memory_space<vmem>>, vector<16xf32>,
    %swap3A_487 = arith.constant 1966 : index
    %swap3A_488 = tpu.vector_load %arg7[%swap3A_487] {strides = array<i32>} : memref<6565xf32, #tpu.memory_space<vmem>>, vector<16xf32>,
    tpu.vector_store %arg7[%swap3A_487], %get3A_486 {strides = array<i32>} : memref<6565xf32, #tpu.memory_space<vmem>>, vector<16xf32>,
    %get3A_489 = arith.constant 1952 : index
    %get3A_490 = tpu.vector_load %arg6[%get3A_489] {strides = array<i32>} : memref<6464xf32, #tpu.memory_space<vmem>>, vector<16xf32>,
    %swap3A_491 = arith.constant 1982 : index
    %swap3A_492 = tpu.vector_load %arg7[%swap3A_491] {strides = array<i32>} : memref<6565xf32, #tpu.memory_space<vmem>>, vector<16xf32>,
    tpu.vector_store %arg7[%swap3A_491], %get3A_490 {strides = array<i32>} : memref<6565xf32, #tpu.memory_space<vmem>>, vector<16xf32>,
    %get3A_493 = arith.constant 1968 : index
    %get3A_494 = tpu.vector_load %arg6[%get3A_493] {strides = array<i32>} : memref<6464xf32, #tpu.memory_space<vmem>>, vector<16xf32>,
    %swap3A_495 = arith.constant 1998 : index
    %swap3A_496 = tpu.vector_load %arg7[%swap3A_495] {strides = array<i32>} : memref<6565xf32, #tpu.memory_space<vmem>>, vector<16xf32>,
    tpu.vector_store %arg7[%swap3A_495], %get3A_494 {strides = array<i32>} : memref<6565xf32, #tpu.memory_space<vmem>>, vector<16xf32>,
    %get3A_497 = arith.constant 1984 : index
    %get3A_498 = tpu.vector_load %arg6[%get3A_497] {strides = array<i32>} : memref<6464xf32, #tpu.memory_space<vmem>>, vector<16xf32>,
    %swap3A_499 = arith.constant 2015 : index
    %swap3A_500 = tpu.vector_load %arg7[%swap3A_499] {strides = array<i32>} : memref<6565xf32, #tpu.memory_space<vmem>>, vector<16xf32>,
    tpu.vector_store %arg7[%swap3A_499], %get3A_498 {strides = array<i32>} : memref<6565xf32, #tpu.memory_space<vmem>>, vector<16xf32>,
    %get3A_501 = arith.constant 2000 : index
    %get3A_502 = tpu.vector_load %arg6[%get3A_501] {strides = array<i32>} : memref<6464xf32, #tpu.memory_space<vmem>>, vector<16xf32>,
    %swap3A_503 = arith.constant 2031 : index
    %swap3A_504 = tpu.vector_load %arg7[%swap3A_503] {strides = array<i32>} : memref<6565xf32, #tpu.memory_space<vmem>>, vector<16xf32>,
    tpu.vector_store %arg7[%swap3A_503], %get3A_502 {strides = array<i32>} : memref<6565xf32, #tpu.memory_space<vmem>>, vector<16xf32>,
    %get3A_505 = arith.constant 2016 : index
    %get3A_506 = tpu.vector_load %arg6[%get3A_505] {strides = array<i32>} : memref<6464xf32, #tpu.memory_space<vmem>>, vector<16xf32>,
    %swap3A_507 = arith.constant 2047 : index
    %swap3A_508 = tpu.vector_load %arg7[%swap3A_507] {strides = array<i32>} : memref<6565xf32, #tpu.memory_space<vmem>>, vector<16xf32>,
    tpu.vector_store %arg7[%swap3A_507], %get3A_506 {strides = array<i32>} : memref<6565xf32, #tpu.memory_space<vmem>>, vector<16xf32>,
    %get3A_509 = arith.constant 2032 : index
    %get3A_510 = tpu.vector_load %arg6[%get3A_509] {strides = array<i32>} : memref<6464xf32, #tpu.memory_space<vmem>>, vector<16xf32>,
    %swap3A_511 = arith.constant 2063 : index
    %swap3A_512 = tpu.vector_load %arg7[%swap3A_511] {strides = array<i32>} : memref<6565xf32, #tpu.memory_space<vmem>>, vector<16xf32>,
    tpu.vector_store %arg7[%swap3A_511], %get3A_510 {strides = array<i32>} : memref<6565xf32, #tpu.memory_space<vmem>>, vector<16xf32>,
    %get3A_513 = arith.constant 2048 : index
    %get3A_514 = tpu.vector_load %arg6[%get3A_513] {strides = array<i32>} : memref<6464xf32, #tpu.memory_space<vmem>>, vector<16xf32>,
    %swap3A_515 = arith.constant 2080 : index
    %swap3A_516 = tpu.vector_load %arg7[%swap3A_515] {strides = array<i32>} : memref<6565xf32, #tpu.memory_space<vmem>>, vector<16xf32>,
    tpu.vector_store %arg7[%swap3A_515], %get3A_514 {strides = array<i32>} : memref<6565xf32, #tpu.memory_space<vmem>>, vector<16xf32>,
    %get3A_517 = arith.constant 2064 : index
    %get3A_518 = tpu.vector_load %arg6[%get3A_517] {strides = array<i32>} : memref<6464xf32, #tpu.memory_space<vmem>>, vector<16xf32>,
    %swap3A_519 = arith.constant 2096 : index
    %swap3A_520 = tpu.vector_load %arg7[%swap3A_519] {strides = array<i32>} : memref<6565xf32, #tpu.memory_space<vmem>>, vector<16xf32>,
    tpu.vector_store %arg7[%swap3A_519], %get3A_518 {strides = array<i32>} : memref<6565xf32, #tpu.memory_space<vmem>>, vector<16xf32>,
    %get3A_521 = arith.constant 2080 : index
    %get3A_522 = tpu.vector_load %arg6[%get3A_521] {strides = array<i32>} : memref<6464xf32, #tpu.memory_space<vmem>>, vector<16xf32>,
    %swap3A_523 = arith.constant 2112 : index
    %swap3A_524 = tpu.vector_load %arg7[%swap3A_523] {strides = array<i32>} : memref<6565xf32, #tpu.memory_space<vmem>>, vector<16xf32>,
    tpu.vector_store %arg7[%swap3A_523], %get3A_522 {strides = array<i32>} : memref<6565xf32, #tpu.memory_space<vmem>>, vector<16xf32>,
    %get3A_525 = arith.constant 2096 : index
    %get3A_526 = tpu.vector_load %arg6[%get3A_525] {strides = array<i32>} : memref<6464xf32, #tpu.memory_space<vmem>>, vector<16xf32>,
    %swap3A_527 = arith.constant 2128 : index
    %swap3A_528 = tpu.vector_load %arg7[%swap3A_527] {strides = array<i32>} : memref<6565xf32, #tpu.memory_space<vmem>>, vector<16xf32>,
    tpu.vector_store %arg7[%swap3A_527], %get3A_526 {strides = array<i32>} : memref<6565xf32, #tpu.memory_space<vmem>>, vector<16xf32>,
    %get3A_529 = arith.constant 2112 : index
    %get3A_530 = tpu.vector_load %arg6[%get3A_529] {strides = array<i32>} : memref<6464xf32, #tpu.memory_space<vmem>>, vector<16xf32>,
    %swap3A_531 = arith.constant 2145 : index
    %swap3A_532 = tpu.vector_load %arg7[%swap3A_531] {strides = array<i32>} : memref<6565xf32, #tpu.memory_space<vmem>>, vector<16xf32>,
    tpu.vector_store %arg7[%swap3A_531], %get3A_530 {strides = array<i32>} : memref<6565xf32, #tpu.memory_space<vmem>>, vector<16xf32>,
    %get3A_533 = arith.constant 2128 : index
    %get3A_534 = tpu.vector_load %arg6[%get3A_533] {strides = array<i32>} : memref<6464xf32, #tpu.memory_space<vmem>>, vector<16xf32>,
    %swap3A_535 = arith.constant 2161 : index
    %swap3A_536 = tpu.vector_load %arg7[%swap3A_535] {strides = array<i32>} : memref<6565xf32, #tpu.memory_space<vmem>>, vector<16xf32>,
    tpu.vector_store %arg7[%swap3A_535], %get3A_534 {strides = array<i32>} : memref<6565xf32, #tpu.memory_space<vmem>>, vector<16xf32>,
    %get3A_537 = arith.constant 2144 : index
    %get3A_538 = tpu.vector_load %arg6[%get3A_537] {strides = array<i32>} : memref<6464xf32, #tpu.memory_space<vmem>>, vector<16xf32>,
    %swap3A_539 = arith.constant 2177 : index
    %swap3A_540 = tpu.vector_load %arg7[%swap3A_539] {strides = array<i32>} : memref<6565xf32, #tpu.memory_space<vmem>>, vector<16xf32>,
    tpu.vector_store %arg7[%swap3A_539], %get3A_538 {strides = array<i32>} : memref<6565xf32, #tpu.memory_space<vmem>>, vector<16xf32>,
    %get3A_541 = arith.constant 2160 : index
    %get3A_542 = tpu.vector_load %arg6[%get3A_541] {strides = array<i32>} : memref<6464xf32, #tpu.memory_space<vmem>>, vector<16xf32>,
    %swap3A_543 = arith.constant 2193 : index
    %swap3A_544 = tpu.vector_load %arg7[%swap3A_543] {strides = array<i32>} : memref<6565xf32, #tpu.memory_space<vmem>>, vector<16xf32>,
    tpu.vector_store %arg7[%swap3A_543], %get3A_542 {strides = array<i32>} : memref<6565xf32, #tpu.memory_space<vmem>>, vector<16xf32>,
    %get3A_545 = arith.constant 2176 : index
    %get3A_546 = tpu.vector_load %arg6[%get3A_545] {strides = array<i32>} : memref<6464xf32, #tpu.memory_space<vmem>>, vector<16xf32>,
    %swap3A_547 = arith.constant 2210 : index
    %swap3A_548 = tpu.vector_load %arg7[%swap3A_547] {strides = array<i32>} : memref<6565xf32, #tpu.memory_space<vmem>>, vector<16xf32>,
    tpu.vector_store %arg7[%swap3A_547], %get3A_546 {strides = array<i32>} : memref<6565xf32, #tpu.memory_space<vmem>>, vector<16xf32>,
    %get3A_549 = arith.constant 2192 : index
    %get3A_550 = tpu.vector_load %arg6[%get3A_549] {strides = array<i32>} : memref<6464xf32, #tpu.memory_space<vmem>>, vector<16xf32>,
    %swap3A_551 = arith.constant 2226 : index
    %swap3A_552 = tpu.vector_load %arg7[%swap3A_551] {strides = array<i32>} : memref<6565xf32, #tpu.memory_space<vmem>>, vector<16xf32>,
    tpu.vector_store %arg7[%swap3A_551], %get3A_550 {strides = array<i32>} : memref<6565xf32, #tpu.memory_space<vmem>>, vector<16xf32>,
    %get3A_553 = arith.constant 2208 : index
    %get3A_554 = tpu.vector_load %arg6[%get3A_553] {strides = array<i32>} : memref<6464xf32, #tpu.memory_space<vmem>>, vector<16xf32>,
    %swap3A_555 = arith.constant 2242 : index
    %swap3A_556 = tpu.vector_load %arg7[%swap3A_555] {strides = array<i32>} : memref<6565xf32, #tpu.memory_space<vmem>>, vector<16xf32>,
    tpu.vector_store %arg7[%swap3A_555], %get3A_554 {strides = array<i32>} : memref<6565xf32, #tpu.memory_space<vmem>>, vector<16xf32>,
    %get3A_557 = arith.constant 2224 : index
    %get3A_558 = tpu.vector_load %arg6[%get3A_557] {strides = array<i32>} : memref<6464xf32, #tpu.memory_space<vmem>>, vector<16xf32>,
    %swap3A_559 = arith.constant 2258 : index
    %swap3A_560 = tpu.vector_load %arg7[%swap3A_559] {strides = array<i32>} : memref<6565xf32, #tpu.memory_space<vmem>>, vector<16xf32>,
    tpu.vector_store %arg7[%swap3A_559], %get3A_558 {strides = array<i32>} : memref<6565xf32, #tpu.memory_space<vmem>>, vector<16xf32>,
    %get3A_561 = arith.constant 2240 : index
    %get3A_562 = tpu.vector_load %arg6[%get3A_561] {strides = array<i32>} : memref<6464xf32, #tpu.memory_space<vmem>>, vector<16xf32>,
    %swap3A_563 = arith.constant 2275 : index
    %swap3A_564 = tpu.vector_load %arg7[%swap3A_563] {strides = array<i32>} : memref<6565xf32, #tpu.memory_space<vmem>>, vector<16xf32>,
    tpu.vector_store %arg7[%swap3A_563], %get3A_562 {strides = array<i32>} : memref<6565xf32, #tpu.memory_space<vmem>>, vector<16xf32>,
    %get3A_565 = arith.constant 2256 : index
    %get3A_566 = tpu.vector_load %arg6[%get3A_565] {strides = array<i32>} : memref<6464xf32, #tpu.memory_space<vmem>>, vector<16xf32>,
    %swap3A_567 = arith.constant 2291 : index
    %swap3A_568 = tpu.vector_load %arg7[%swap3A_567] {strides = array<i32>} : memref<6565xf32, #tpu.memory_space<vmem>>, vector<16xf32>,
    tpu.vector_store %arg7[%swap3A_567], %get3A_566 {strides = array<i32>} : memref<6565xf32, #tpu.memory_space<vmem>>, vector<16xf32>,
    %get3A_569 = arith.constant 2272 : index
    %get3A_570 = tpu.vector_load %arg6[%get3A_569] {strides = array<i32>} : memref<6464xf32, #tpu.memory_space<vmem>>, vector<16xf32>,
    %swap3A_571 = arith.constant 2307 : index
    %swap3A_572 = tpu.vector_load %arg7[%swap3A_571] {strides = array<i32>} : memref<6565xf32, #tpu.memory_space<vmem>>, vector<16xf32>,
    tpu.vector_store %arg7[%swap3A_571], %get3A_570 {strides = array<i32>} : memref<6565xf32, #tpu.memory_space<vmem>>, vector<16xf32>,
    %get3A_573 = arith.constant 2288 : index
    %get3A_574 = tpu.vector_load %arg6[%get3A_573] {strides = array<i32>} : memref<6464xf32, #tpu.memory_space<vmem>>, vector<16xf32>,
    %swap3A_575 = arith.constant 2323 : index
    %swap3A_576 = tpu.vector_load %arg7[%swap3A_575] {strides = array<i32>} : memref<6565xf32, #tpu.memory_space<vmem>>, vector<16xf32>,
    tpu.vector_store %arg7[%swap3A_575], %get3A_574 {strides = array<i32>} : memref<6565xf32, #tpu.memory_space<vmem>>, vector<16xf32>,
    %get3A_577 = arith.constant 2304 : index
    %get3A_578 = tpu.vector_load %arg6[%get3A_577] {strides = array<i32>} : memref<6464xf32, #tpu.memory_space<vmem>>, vector<16xf32>,
    %swap3A_579 = arith.constant 2340 : index
    %swap3A_580 = tpu.vector_load %arg7[%swap3A_579] {strides = array<i32>} : memref<6565xf32, #tpu.memory_space<vmem>>, vector<16xf32>,
    tpu.vector_store %arg7[%swap3A_579], %get3A_578 {strides = array<i32>} : memref<6565xf32, #tpu.memory_space<vmem>>, vector<16xf32>,
    %get3A_581 = arith.constant 2320 : index
    %get3A_582 = tpu.vector_load %arg6[%get3A_581] {strides = array<i32>} : memref<6464xf32, #tpu.memory_space<vmem>>, vector<16xf32>,
    %swap3A_583 = arith.constant 2356 : index
    %swap3A_584 = tpu.vector_load %arg7[%swap3A_583] {strides = array<i32>} : memref<6565xf32, #tpu.memory_space<vmem>>, vector<16xf32>,
    tpu.vector_store %arg7[%swap3A_583], %get3A_582 {strides = array<i32>} : memref<6565xf32, #tpu.memory_space<vmem>>, vector<16xf32>,
    %get3A_585 = arith.constant 2336 : index
    %get3A_586 = tpu.vector_load %arg6[%get3A_585] {strides = array<i32>} : memref<6464xf32, #tpu.memory_space<vmem>>, vector<16xf32>,
    %swap3A_587 = arith.constant 2372 : index
    %swap3A_588 = tpu.vector_load %arg7[%swap3A_587] {strides = array<i32>} : memref<6565xf32, #tpu.memory_space<vmem>>, vector<16xf32>,
    tpu.vector_store %arg7[%swap3A_587], %get3A_586 {strides = array<i32>} : memref<6565xf32, #tpu.memory_space<vmem>>, vector<16xf32>,
    %get3A_589 = arith.constant 2352 : index
    %get3A_590 = tpu.vector_load %arg6[%get3A_589] {strides = array<i32>} : memref<6464xf32, #tpu.memory_space<vmem>>, vector<16xf32>,
    %swap3A_591 = arith.constant 2388 : index
    %swap3A_592 = tpu.vector_load %arg7[%swap3A_591] {strides = array<i32>} : memref<6565xf32, #tpu.memory_space<vmem>>, vector<16xf32>,
    tpu.vector_store %arg7[%swap3A_591], %get3A_590 {strides = array<i32>} : memref<6565xf32, #tpu.memory_space<vmem>>, vector<16xf32>,
    %get3A_593 = arith.constant 2368 : index
    %get3A_594 = tpu.vector_load %arg6[%get3A_593] {strides = array<i32>} : memref<6464xf32, #tpu.memory_space<vmem>>, vector<16xf32>,
    %swap3A_595 = arith.constant 2405 : index
    %swap3A_596 = tpu.vector_load %arg7[%swap3A_595] {strides = array<i32>} : memref<6565xf32, #tpu.memory_space<vmem>>, vector<16xf32>,
    tpu.vector_store %arg7[%swap3A_595], %get3A_594 {strides = array<i32>} : memref<6565xf32, #tpu.memory_space<vmem>>, vector<16xf32>,
    %get3A_597 = arith.constant 2384 : index
    %get3A_598 = tpu.vector_load %arg6[%get3A_597] {strides = array<i32>} : memref<6464xf32, #tpu.memory_space<vmem>>, vector<16xf32>,
    %swap3A_599 = arith.constant 2421 : index
    %swap3A_600 = tpu.vector_load %arg7[%swap3A_599] {strides = array<i32>} : memref<6565xf32, #tpu.memory_space<vmem>>, vector<16xf32>,
    tpu.vector_store %arg7[%swap3A_599], %get3A_598 {strides = array<i32>} : memref<6565xf32, #tpu.memory_space<vmem>>, vector<16xf32>,
    %get3A_601 = arith.constant 2400 : index
    %get3A_602 = tpu.vector_load %arg6[%get3A_601] {strides = array<i32>} : memref<6464xf32, #tpu.memory_space<vmem>>, vector<16xf32>,
    %swap3A_603 = arith.constant 2437 : index
    %swap3A_604 = tpu.vector_load %arg7[%swap3A_603] {strides = array<i32>} : memref<6565xf32, #tpu.memory_space<vmem>>, vector<16xf32>,
    tpu.vector_store %arg7[%swap3A_603], %get3A_602 {strides = array<i32>} : memref<6565xf32, #tpu.memory_space<vmem>>, vector<16xf32>,
    %get3A_605 = arith.constant 2416 : index
    %get3A_606 = tpu.vector_load %arg6[%get3A_605] {strides = array<i32>} : memref<6464xf32, #tpu.memory_space<vmem>>, vector<16xf32>,
    %swap3A_607 = arith.constant 2453 : index
    %swap3A_608 = tpu.vector_load %arg7[%swap3A_607] {strides = array<i32>} : memref<6565xf32, #tpu.memory_space<vmem>>, vector<16xf32>,
    tpu.vector_store %arg7[%swap3A_607], %get3A_606 {strides = array<i32>} : memref<6565xf32, #tpu.memory_space<vmem>>, vector<16xf32>,
    %get3A_609 = arith.constant 2432 : index
    %get3A_610 = tpu.vector_load %arg6[%get3A_609] {strides = array<i32>} : memref<6464xf32, #tpu.memory_space<vmem>>, vector<16xf32>,
    %swap3A_611 = arith.constant 2470 : index
    %swap3A_612 = tpu.vector_load %arg7[%swap3A_611] {strides = array<i32>} : memref<6565xf32, #tpu.memory_space<vmem>>, vector<16xf32>,
    tpu.vector_store %arg7[%swap3A_611], %get3A_610 {strides = array<i32>} : memref<6565xf32, #tpu.memory_space<vmem>>, vector<16xf32>,
    %get3A_613 = arith.constant 2448 : index
    %get3A_614 = tpu.vector_load %arg6[%get3A_613] {strides = array<i32>} : memref<6464xf32, #tpu.memory_space<vmem>>, vector<16xf32>,
    %swap3A_615 = arith.constant 2486 : index
    %swap3A_616 = tpu.vector_load %arg7[%swap3A_615] {strides = array<i32>} : memref<6565xf32, #tpu.memory_space<vmem>>, vector<16xf32>,
    tpu.vector_store %arg7[%swap3A_615], %get3A_614 {strides = array<i32>} : memref<6565xf32, #tpu.memory_space<vmem>>, vector<16xf32>,
    %get3A_617 = arith.constant 2464 : index
    %get3A_618 = tpu.vector_load %arg6[%get3A_617] {strides = array<i32>} : memref<6464xf32, #tpu.memory_space<vmem>>, vector<16xf32>,
    %swap3A_619 = arith.constant 2502 : index
    %swap3A_620 = tpu.vector_load %arg7[%swap3A_619] {strides = array<i32>} : memref<6565xf32, #tpu.memory_space<vmem>>, vector<16xf32>,
    tpu.vector_store %arg7[%swap3A_619], %get3A_618 {strides = array<i32>} : memref<6565xf32, #tpu.memory_space<vmem>>, vector<16xf32>,
    %get3A_621 = arith.constant 2480 : index
    %get3A_622 = tpu.vector_load %arg6[%get3A_621] {strides = array<i32>} : memref<6464xf32, #tpu.memory_space<vmem>>, vector<16xf32>,
    %swap3A_623 = arith.constant 2518 : index
    %swap3A_624 = tpu.vector_load %arg7[%swap3A_623] {strides = array<i32>} : memref<6565xf32, #tpu.memory_space<vmem>>, vector<16xf32>,
    tpu.vector_store %arg7[%swap3A_623], %get3A_622 {strides = array<i32>} : memref<6565xf32, #tpu.memory_space<vmem>>, vector<16xf32>,
    %get3A_625 = arith.constant 2496 : index
    %get3A_626 = tpu.vector_load %arg6[%get3A_625] {strides = array<i32>} : memref<6464xf32, #tpu.memory_space<vmem>>, vector<16xf32>,
    %swap3A_627 = arith.constant 2535 : index
    %swap3A_628 = tpu.vector_load %arg7[%swap3A_627] {strides = array<i32>} : memref<6565xf32, #tpu.memory_space<vmem>>, vector<16xf32>,
    tpu.vector_store %arg7[%swap3A_627], %get3A_626 {strides = array<i32>} : memref<6565xf32, #tpu.memory_space<vmem>>, vector<16xf32>,
    %get3A_629 = arith.constant 2512 : index
    %get3A_630 = tpu.vector_load %arg6[%get3A_629] {strides = array<i32>} : memref<6464xf32, #tpu.memory_space<vmem>>, vector<16xf32>,
    %swap3A_631 = arith.constant 2551 : index
    %swap3A_632 = tpu.vector_load %arg7[%swap3A_631] {strides = array<i32>} : memref<6565xf32, #tpu.memory_space<vmem>>, vector<16xf32>,
    tpu.vector_store %arg7[%swap3A_631], %get3A_630 {strides = array<i32>} : memref<6565xf32, #tpu.memory_space<vmem>>, vector<16xf32>,
    %get3A_633 = arith.constant 2528 : index
    %get3A_634 = tpu.vector_load %arg6[%get3A_633] {strides = array<i32>} : memref<6464xf32, #tpu.memory_space<vmem>>, vector<16xf32>,
    %swap3A_635 = arith.constant 2567 : index
    %swap3A_636 = tpu.vector_load %arg7[%swap3A_635] {strides = array<i32>} : memref<6565xf32, #tpu.memory_space<vmem>>, vector<16xf32>,
    tpu.vector_store %arg7[%swap3A_635], %get3A_634 {strides = array<i32>} : memref<6565xf32, #tpu.memory_space<vmem>>, vector<16xf32>,
    %get3A_637 = arith.constant 2544 : index
    %get3A_638 = tpu.vector_load %arg6[%get3A_637] {strides = array<i32>} : memref<6464xf32, #tpu.memory_space<vmem>>, vector<16xf32>,
    %swap3A_639 = arith.constant 2583 : index
    %swap3A_640 = tpu.vector_load %arg7[%swap3A_639] {strides = array<i32>} : memref<6565xf32, #tpu.memory_space<vmem>>, vector<16xf32>,
    tpu.vector_store %arg7[%swap3A_639], %get3A_638 {strides = array<i32>} : memref<6565xf32, #tpu.memory_space<vmem>>, vector<16xf32>,
    %get3A_641 = arith.constant 2560 : index
    %get3A_642 = tpu.vector_load %arg6[%get3A_641] {strides = array<i32>} : memref<6464xf32, #tpu.memory_space<vmem>>, vector<16xf32>,
    %swap3A_643 = arith.constant 2600 : index
    %swap3A_644 = tpu.vector_load %arg7[%swap3A_643] {strides = array<i32>} : memref<6565xf32, #tpu.memory_space<vmem>>, vector<16xf32>,
    tpu.vector_store %arg7[%swap3A_643], %get3A_642 {strides = array<i32>} : memref<6565xf32, #tpu.memory_space<vmem>>, vector<16xf32>,
    %get3A_645 = arith.constant 2576 : index
    %get3A_646 = tpu.vector_load %arg6[%get3A_645] {strides = array<i32>} : memref<6464xf32, #tpu.memory_space<vmem>>, vector<16xf32>,
    %swap3A_647 = arith.constant 2616 : index
    %swap3A_648 = tpu.vector_load %arg7[%swap3A_647] {strides = array<i32>} : memref<6565xf32, #tpu.memory_space<vmem>>, vector<16xf32>,
    tpu.vector_store %arg7[%swap3A_647], %get3A_646 {strides = array<i32>} : memref<6565xf32, #tpu.memory_space<vmem>>, vector<16xf32>,
    %get3A_649 = arith.constant 2592 : index
    %get3A_650 = tpu.vector_load %arg6[%get3A_649] {strides = array<i32>} : memref<6464xf32, #tpu.memory_space<vmem>>, vector<16xf32>,
    %swap3A_651 = arith.constant 2632 : index
    %swap3A_652 = tpu.vector_load %arg7[%swap3A_651] {strides = array<i32>} : memref<6565xf32, #tpu.memory_space<vmem>>, vector<16xf32>,
    tpu.vector_store %arg7[%swap3A_651], %get3A_650 {strides = array<i32>} : memref<6565xf32, #tpu.memory_space<vmem>>, vector<16xf32>,
    %get3A_653 = arith.constant 2608 : index
    %get3A_654 = tpu.vector_load %arg6[%get3A_653] {strides = array<i32>} : memref<6464xf32, #tpu.memory_space<vmem>>, vector<16xf32>,
    %swap3A_655 = arith.constant 2648 : index
    %swap3A_656 = tpu.vector_load %arg7[%swap3A_655] {strides = array<i32>} : memref<6565xf32, #tpu.memory_space<vmem>>, vector<16xf32>,
    tpu.vector_store %arg7[%swap3A_655], %get3A_654 {strides = array<i32>} : memref<6565xf32, #tpu.memory_space<vmem>>, vector<16xf32>,
    %get3A_657 = arith.constant 2624 : index
    %get3A_658 = tpu.vector_load %arg6[%get3A_657] {strides = array<i32>} : memref<6464xf32, #tpu.memory_space<vmem>>, vector<16xf32>,
    %swap3A_659 = arith.constant 2665 : index
    %swap3A_660 = tpu.vector_load %arg7[%swap3A_659] {strides = array<i32>} : memref<6565xf32, #tpu.memory_space<vmem>>, vector<16xf32>,
    tpu.vector_store %arg7[%swap3A_659], %get3A_658 {strides = array<i32>} : memref<6565xf32, #tpu.memory_space<vmem>>, vector<16xf32>,
    %get3A_661 = arith.constant 2640 : index
    %get3A_662 = tpu.vector_load %arg6[%get3A_661] {strides = array<i32>} : memref<6464xf32, #tpu.memory_space<vmem>>, vector<16xf32>,
    %swap3A_663 = arith.constant 2681 : index
    %swap3A_664 = tpu.vector_load %arg7[%swap3A_663] {strides = array<i32>} : memref<6565xf32, #tpu.memory_space<vmem>>, vector<16xf32>,
    tpu.vector_store %arg7[%swap3A_663], %get3A_662 {strides = array<i32>} : memref<6565xf32, #tpu.memory_space<vmem>>, vector<16xf32>,
    %get3A_665 = arith.constant 2656 : index
    %get3A_666 = tpu.vector_load %arg6[%get3A_665] {strides = array<i32>} : memref<6464xf32, #tpu.memory_space<vmem>>, vector<16xf32>,
    %swap3A_667 = arith.constant 2697 : index
    %swap3A_668 = tpu.vector_load %arg7[%swap3A_667] {strides = array<i32>} : memref<6565xf32, #tpu.memory_space<vmem>>, vector<16xf32>,
    tpu.vector_store %arg7[%swap3A_667], %get3A_666 {strides = array<i32>} : memref<6565xf32, #tpu.memory_space<vmem>>, vector<16xf32>,
    %get3A_669 = arith.constant 2672 : index
    %get3A_670 = tpu.vector_load %arg6[%get3A_669] {strides = array<i32>} : memref<6464xf32, #tpu.memory_space<vmem>>, vector<16xf32>,
    %swap3A_671 = arith.constant 2713 : index
    %swap3A_672 = tpu.vector_load %arg7[%swap3A_671] {strides = array<i32>} : memref<6565xf32, #tpu.memory_space<vmem>>, vector<16xf32>,
    tpu.vector_store %arg7[%swap3A_671], %get3A_670 {strides = array<i32>} : memref<6565xf32, #tpu.memory_space<vmem>>, vector<16xf32>,
    %get3A_673 = arith.constant 2688 : index
    %get3A_674 = tpu.vector_load %arg6[%get3A_673] {strides = array<i32>} : memref<6464xf32, #tpu.memory_space<vmem>>, vector<16xf32>,
    %swap3A_675 = arith.constant 2730 : index
    %swap3A_676 = tpu.vector_load %arg7[%swap3A_675] {strides = array<i32>} : memref<6565xf32, #tpu.memory_space<vmem>>, vector<16xf32>,
    tpu.vector_store %arg7[%swap3A_675], %get3A_674 {strides = array<i32>} : memref<6565xf32, #tpu.memory_space<vmem>>, vector<16xf32>,
    %get3A_677 = arith.constant 2704 : index
    %get3A_678 = tpu.vector_load %arg6[%get3A_677] {strides = array<i32>} : memref<6464xf32, #tpu.memory_space<vmem>>, vector<16xf32>,
    %swap3A_679 = arith.constant 2746 : index
    %swap3A_680 = tpu.vector_load %arg7[%swap3A_679] {strides = array<i32>} : memref<6565xf32, #tpu.memory_space<vmem>>, vector<16xf32>,
    tpu.vector_store %arg7[%swap3A_679], %get3A_678 {strides = array<i32>} : memref<6565xf32, #tpu.memory_space<vmem>>, vector<16xf32>,
    %get3A_681 = arith.constant 2720 : index
    %get3A_682 = tpu.vector_load %arg6[%get3A_681] {strides = array<i32>} : memref<6464xf32, #tpu.memory_space<vmem>>, vector<16xf32>,
    %swap3A_683 = arith.constant 2762 : index
    %swap3A_684 = tpu.vector_load %arg7[%swap3A_683] {strides = array<i32>} : memref<6565xf32, #tpu.memory_space<vmem>>, vector<16xf32>,
    tpu.vector_store %arg7[%swap3A_683], %get3A_682 {strides = array<i32>} : memref<6565xf32, #tpu.memory_space<vmem>>, vector<16xf32>,
    %get3A_685 = arith.constant 2736 : index
    %get3A_686 = tpu.vector_load %arg6[%get3A_685] {strides = array<i32>} : memref<6464xf32, #tpu.memory_space<vmem>>, vector<16xf32>,
    %swap3A_687 = arith.constant 2778 : index
    %swap3A_688 = tpu.vector_load %arg7[%swap3A_687] {strides = array<i32>} : memref<6565xf32, #tpu.memory_space<vmem>>, vector<16xf32>,
    tpu.vector_store %arg7[%swap3A_687], %get3A_686 {strides = array<i32>} : memref<6565xf32, #tpu.memory_space<vmem>>, vector<16xf32>,
    %get3A_689 = arith.constant 2752 : index
    %get3A_690 = tpu.vector_load %arg6[%get3A_689] {strides = array<i32>} : memref<6464xf32, #tpu.memory_space<vmem>>, vector<16xf32>,
    %swap3A_691 = arith.constant 2795 : index
    %swap3A_692 = tpu.vector_load %arg7[%swap3A_691] {strides = array<i32>} : memref<6565xf32, #tpu.memory_space<vmem>>, vector<16xf32>,
    tpu.vector_store %arg7[%swap3A_691], %get3A_690 {strides = array<i32>} : memref<6565xf32, #tpu.memory_space<vmem>>, vector<16xf32>,
    %get3A_693 = arith.constant 2768 : index
    %get3A_694 = tpu.vector_load %arg6[%get3A_693] {strides = array<i32>} : memref<6464xf32, #tpu.memory_space<vmem>>, vector<16xf32>,
    %swap3A_695 = arith.constant 2811 : index
    %swap3A_696 = tpu.vector_load %arg7[%swap3A_695] {strides = array<i32>} : memref<6565xf32, #tpu.memory_space<vmem>>, vector<16xf32>,
    tpu.vector_store %arg7[%swap3A_695], %get3A_694 {strides = array<i32>} : memref<6565xf32, #tpu.memory_space<vmem>>, vector<16xf32>,
    %get3A_697 = arith.constant 2784 : index
    %get3A_698 = tpu.vector_load %arg6[%get3A_697] {strides = array<i32>} : memref<6464xf32, #tpu.memory_space<vmem>>, vector<16xf32>,
    %swap3A_699 = arith.constant 2827 : index
    %swap3A_700 = tpu.vector_load %arg7[%swap3A_699] {strides = array<i32>} : memref<6565xf32, #tpu.memory_space<vmem>>, vector<16xf32>,
    tpu.vector_store %arg7[%swap3A_699], %get3A_698 {strides = array<i32>} : memref<6565xf32, #tpu.memory_space<vmem>>, vector<16xf32>,
    %get3A_701 = arith.constant 2800 : index
    %get3A_702 = tpu.vector_load %arg6[%get3A_701] {strides = array<i32>} : memref<6464xf32, #tpu.memory_space<vmem>>, vector<16xf32>,
    %swap3A_703 = arith.constant 2843 : index
    %swap3A_704 = tpu.vector_load %arg7[%swap3A_703] {strides = array<i32>} : memref<6565xf32, #tpu.memory_space<vmem>>, vector<16xf32>,
    tpu.vector_store %arg7[%swap3A_703], %get3A_702 {strides = array<i32>} : memref<6565xf32, #tpu.memory_space<vmem>>, vector<16xf32>,
    %get3A_705 = arith.constant 2816 : index
    %get3A_706 = tpu.vector_load %arg6[%get3A_705] {strides = array<i32>} : memref<6464xf32, #tpu.memory_space<vmem>>, vector<16xf32>,
    %swap3A_707 = arith.constant 2860 : index
    %swap3A_708 = tpu.vector_load %arg7[%swap3A_707] {strides = array<i32>} : memref<6565xf32, #tpu.memory_space<vmem>>, vector<16xf32>,
    tpu.vector_store %arg7[%swap3A_707], %get3A_706 {strides = array<i32>} : memref<6565xf32, #tpu.memory_space<vmem>>, vector<16xf32>,
    %get3A_709 = arith.constant 2832 : index
    %get3A_710 = tpu.vector_load %arg6[%get3A_709] {strides = array<i32>} : memref<6464xf32, #tpu.memory_space<vmem>>, vector<16xf32>,
    %swap3A_711 = arith.constant 2876 : index
    %swap3A_712 = tpu.vector_load %arg7[%swap3A_711] {strides = array<i32>} : memref<6565xf32, #tpu.memory_space<vmem>>, vector<16xf32>,
    tpu.vector_store %arg7[%swap3A_711], %get3A_710 {strides = array<i32>} : memref<6565xf32, #tpu.memory_space<vmem>>, vector<16xf32>,
    %get3A_713 = arith.constant 2848 : index
    %get3A_714 = tpu.vector_load %arg6[%get3A_713] {strides = array<i32>} : memref<6464xf32, #tpu.memory_space<vmem>>, vector<16xf32>,
    %swap3A_715 = arith.constant 2892 : index
    %swap3A_716 = tpu.vector_load %arg7[%swap3A_715] {strides = array<i32>} : memref<6565xf32, #tpu.memory_space<vmem>>, vector<16xf32>,
    tpu.vector_store %arg7[%swap3A_715], %get3A_714 {strides = array<i32>} : memref<6565xf32, #tpu.memory_space<vmem>>, vector<16xf32>,
    %get3A_717 = arith.constant 2864 : index
    %get3A_718 = tpu.vector_load %arg6[%get3A_717] {strides = array<i32>} : memref<6464xf32, #tpu.memory_space<vmem>>, vector<16xf32>,
    %swap3A_719 = arith.constant 2908 : index
    %swap3A_720 = tpu.vector_load %arg7[%swap3A_719] {strides = array<i32>} : memref<6565xf32, #tpu.memory_space<vmem>>, vector<16xf32>,
    tpu.vector_store %arg7[%swap3A_719], %get3A_718 {strides = array<i32>} : memref<6565xf32, #tpu.memory_space<vmem>>, vector<16xf32>,
    %get3A_721 = arith.constant 2880 : index
    %get3A_722 = tpu.vector_load %arg6[%get3A_721] {strides = array<i32>} : memref<6464xf32, #tpu.memory_space<vmem>>, vector<16xf32>,
    %swap3A_723 = arith.constant 2925 : index
    %swap3A_724 = tpu.vector_load %arg7[%swap3A_723] {strides = array<i32>} : memref<6565xf32, #tpu.memory_space<vmem>>, vector<16xf32>,
    tpu.vector_store %arg7[%swap3A_723], %get3A_722 {strides = array<i32>} : memref<6565xf32, #tpu.memory_space<vmem>>, vector<16xf32>,
    %get3A_725 = arith.constant 2896 : index
    %get3A_726 = tpu.vector_load %arg6[%get3A_725] {strides = array<i32>} : memref<6464xf32, #tpu.memory_space<vmem>>, vector<16xf32>,
    %swap3A_727 = arith.constant 2941 : index
    %swap3A_728 = tpu.vector_load %arg7[%swap3A_727] {strides = array<i32>} : memref<6565xf32, #tpu.memory_space<vmem>>, vector<16xf32>,
    tpu.vector_store %arg7[%swap3A_727], %get3A_726 {strides = array<i32>} : memref<6565xf32, #tpu.memory_space<vmem>>, vector<16xf32>,
    %get3A_729 = arith.constant 2912 : index
    %get3A_730 = tpu.vector_load %arg6[%get3A_729] {strides = array<i32>} : memref<6464xf32, #tpu.memory_space<vmem>>, vector<16xf32>,
    %swap3A_731 = arith.constant 2957 : index
    %swap3A_732 = tpu.vector_load %arg7[%swap3A_731] {strides = array<i32>} : memref<6565xf32, #tpu.memory_space<vmem>>, vector<16xf32>,
    tpu.vector_store %arg7[%swap3A_731], %get3A_730 {strides = array<i32>} : memref<6565xf32, #tpu.memory_space<vmem>>, vector<16xf32>,
    %get3A_733 = arith.constant 2928 : index
    %get3A_734 = tpu.vector_load %arg6[%get3A_733] {strides = array<i32>} : memref<6464xf32, #tpu.memory_space<vmem>>, vector<16xf32>,
    %swap3A_735 = arith.constant 2973 : index
    %swap3A_736 = tpu.vector_load %arg7[%swap3A_735] {strides = array<i32>} : memref<6565xf32, #tpu.memory_space<vmem>>, vector<16xf32>,
    tpu.vector_store %arg7[%swap3A_735], %get3A_734 {strides = array<i32>} : memref<6565xf32, #tpu.memory_space<vmem>>, vector<16xf32>,
    %get3A_737 = arith.constant 2944 : index
    %get3A_738 = tpu.vector_load %arg6[%get3A_737] {strides = array<i32>} : memref<6464xf32, #tpu.memory_space<vmem>>, vector<16xf32>,
    %swap3A_739 = arith.constant 2990 : index
    %swap3A_740 = tpu.vector_load %arg7[%swap3A_739] {strides = array<i32>} : memref<6565xf32, #tpu.memory_space<vmem>>, vector<16xf32>,
    tpu.vector_store %arg7[%swap3A_739], %get3A_738 {strides = array<i32>} : memref<6565xf32, #tpu.memory_space<vmem>>, vector<16xf32>,
    %get3A_741 = arith.constant 2960 : index
    %get3A_742 = tpu.vector_load %arg6[%get3A_741] {strides = array<i32>} : memref<6464xf32, #tpu.memory_space<vmem>>, vector<16xf32>,
    %swap3A_743 = arith.constant 3006 : index
    %swap3A_744 = tpu.vector_load %arg7[%swap3A_743] {strides = array<i32>} : memref<6565xf32, #tpu.memory_space<vmem>>, vector<16xf32>,
    tpu.vector_store %arg7[%swap3A_743], %get3A_742 {strides = array<i32>} : memref<6565xf32, #tpu.memory_space<vmem>>, vector<16xf32>,
    %get3A_745 = arith.constant 2976 : index
    %get3A_746 = tpu.vector_load %arg6[%get3A_745] {strides = array<i32>} : memref<6464xf32, #tpu.memory_space<vmem>>, vector<16xf32>,
    %swap3A_747 = arith.constant 3022 : index
    %swap3A_748 = tpu.vector_load %arg7[%swap3A_747] {strides = array<i32>} : memref<6565xf32, #tpu.memory_space<vmem>>, vector<16xf32>,
    tpu.vector_store %arg7[%swap3A_747], %get3A_746 {strides = array<i32>} : memref<6565xf32, #tpu.memory_space<vmem>>, vector<16xf32>,
    %get3A_749 = arith.constant 2992 : index
    %get3A_750 = tpu.vector_load %arg6[%get3A_749] {strides = array<i32>} : memref<6464xf32, #tpu.memory_space<vmem>>, vector<16xf32>,
    %swap3A_751 = arith.constant 3038 : index
    %swap3A_752 = tpu.vector_load %arg7[%swap3A_751] {strides = array<i32>} : memref<6565xf32, #tpu.memory_space<vmem>>, vector<16xf32>,
    tpu.vector_store %arg7[%swap3A_751], %get3A_750 {strides = array<i32>} : memref<6565xf32, #tpu.memory_space<vmem>>, vector<16xf32>,
    %get3A_753 = arith.constant 3008 : index
    %get3A_754 = tpu.vector_load %arg6[%get3A_753] {strides = array<i32>} : memref<6464xf32, #tpu.memory_space<vmem>>, vector<16xf32>,
    %swap3A_755 = arith.constant 3055 : index
    %swap3A_756 = tpu.vector_load %arg7[%swap3A_755] {strides = array<i32>} : memref<6565xf32, #tpu.memory_space<vmem>>, vector<16xf32>,
    tpu.vector_store %arg7[%swap3A_755], %get3A_754 {strides = array<i32>} : memref<6565xf32, #tpu.memory_space<vmem>>, vector<16xf32>,
    %get3A_757 = arith.constant 3024 : index
    %get3A_758 = tpu.vector_load %arg6[%get3A_757] {strides = array<i32>} : memref<6464xf32, #tpu.memory_space<vmem>>, vector<16xf32>,
    %swap3A_759 = arith.constant 3071 : index
    %swap3A_760 = tpu.vector_load %arg7[%swap3A_759] {strides = array<i32>} : memref<6565xf32, #tpu.memory_space<vmem>>, vector<16xf32>,
    tpu.vector_store %arg7[%swap3A_759], %get3A_758 {strides = array<i32>} : memref<6565xf32, #tpu.memory_space<vmem>>, vector<16xf32>,
    %get3A_761 = arith.constant 3040 : index
    %get3A_762 = tpu.vector_load %arg6[%get3A_761] {strides = array<i32>} : memref<6464xf32, #tpu.memory_space<vmem>>, vector<16xf32>,
    %swap3A_763 = arith.constant 3087 : index
    %swap3A_764 = tpu.vector_load %arg7[%swap3A_763] {strides = array<i32>} : memref<6565xf32, #tpu.memory_space<vmem>>, vector<16xf32>,
    tpu.vector_store %arg7[%swap3A_763], %get3A_762 {strides = array<i32>} : memref<6565xf32, #tpu.memory_space<vmem>>, vector<16xf32>,
    %get3A_765 = arith.constant 3056 : index
    %get3A_766 = tpu.vector_load %arg6[%get3A_765] {strides = array<i32>} : memref<6464xf32, #tpu.memory_space<vmem>>, vector<16xf32>,
    %swap3A_767 = arith.constant 3103 : index
    %swap3A_768 = tpu.vector_load %arg7[%swap3A_767] {strides = array<i32>} : memref<6565xf32, #tpu.memory_space<vmem>>, vector<16xf32>,
    tpu.vector_store %arg7[%swap3A_767], %get3A_766 {strides = array<i32>} : memref<6565xf32, #tpu.memory_space<vmem>>, vector<16xf32>,
    %get3A_769 = arith.constant 3072 : index
    %get3A_770 = tpu.vector_load %arg6[%get3A_769] {strides = array<i32>} : memref<6464xf32, #tpu.memory_space<vmem>>, vector<16xf32>,
    %swap3A_771 = arith.constant 3120 : index
    %swap3A_772 = tpu.vector_load %arg7[%swap3A_771] {strides = array<i32>} : memref<6565xf32, #tpu.memory_space<vmem>>, vector<16xf32>,
    tpu.vector_store %arg7[%swap3A_771], %get3A_770 {strides = array<i32>} : memref<6565xf32, #tpu.memory_space<vmem>>, vector<16xf32>,
    %get3A_773 = arith.constant 3088 : index
    %get3A_774 = tpu.vector_load %arg6[%get3A_773] {strides = array<i32>} : memref<6464xf32, #tpu.memory_space<vmem>>, vector<16xf32>,
    %swap3A_775 = arith.constant 3136 : index
    %swap3A_776 = tpu.vector_load %arg7[%swap3A_775] {strides = array<i32>} : memref<6565xf32, #tpu.memory_space<vmem>>, vector<16xf32>,
    tpu.vector_store %arg7[%swap3A_775], %get3A_774 {strides = array<i32>} : memref<6565xf32, #tpu.memory_space<vmem>>, vector<16xf32>,
    %get3A_777 = arith.constant 3104 : index
    %get3A_778 = tpu.vector_load %arg6[%get3A_777] {strides = array<i32>} : memref<6464xf32, #tpu.memory_space<vmem>>, vector<16xf32>,
    %swap3A_779 = arith.constant 3152 : index
    %swap3A_780 = tpu.vector_load %arg7[%swap3A_779] {strides = array<i32>} : memref<6565xf32, #tpu.memory_space<vmem>>, vector<16xf32>,
    tpu.vector_store %arg7[%swap3A_779], %get3A_778 {strides = array<i32>} : memref<6565xf32, #tpu.memory_space<vmem>>, vector<16xf32>,
    %get3A_781 = arith.constant 3120 : index
    %get3A_782 = tpu.vector_load %arg6[%get3A_781] {strides = array<i32>} : memref<6464xf32, #tpu.memory_space<vmem>>, vector<16xf32>,
    %swap3A_783 = arith.constant 3168 : index
    %swap3A_784 = tpu.vector_load %arg7[%swap3A_783] {strides = array<i32>} : memref<6565xf32, #tpu.memory_space<vmem>>, vector<16xf32>,
    tpu.vector_store %arg7[%swap3A_783], %get3A_782 {strides = array<i32>} : memref<6565xf32, #tpu.memory_space<vmem>>, vector<16xf32>,
    %get3A_785 = arith.constant 3136 : index
    %get3A_786 = tpu.vector_load %arg6[%get3A_785] {strides = array<i32>} : memref<6464xf32, #tpu.memory_space<vmem>>, vector<16xf32>,
    %swap3A_787 = arith.constant 3185 : index
    %swap3A_788 = tpu.vector_load %arg7[%swap3A_787] {strides = array<i32>} : memref<6565xf32, #tpu.memory_space<vmem>>, vector<16xf32>,
    tpu.vector_store %arg7[%swap3A_787], %get3A_786 {strides = array<i32>} : memref<6565xf32, #tpu.memory_space<vmem>>, vector<16xf32>,
    %get3A_789 = arith.constant 3152 : index
    %get3A_790 = tpu.vector_load %arg6[%get3A_789] {strides = array<i32>} : memref<6464xf32, #tpu.memory_space<vmem>>, vector<16xf32>,
    %swap3A_791 = arith.constant 3201 : index
    %swap3A_792 = tpu.vector_load %arg7[%swap3A_791] {strides = array<i32>} : memref<6565xf32, #tpu.memory_space<vmem>>, vector<16xf32>,
    tpu.vector_store %arg7[%swap3A_791], %get3A_790 {strides = array<i32>} : memref<6565xf32, #tpu.memory_space<vmem>>, vector<16xf32>,
    %get3A_793 = arith.constant 3168 : index
    %get3A_794 = tpu.vector_load %arg6[%get3A_793] {strides = array<i32>} : memref<6464xf32, #tpu.memory_space<vmem>>, vector<16xf32>,
    %swap3A_795 = arith.constant 3217 : index
    %swap3A_796 = tpu.vector_load %arg7[%swap3A_795] {strides = array<i32>} : memref<6565xf32, #tpu.memory_space<vmem>>, vector<16xf32>,
    tpu.vector_store %arg7[%swap3A_795], %get3A_794 {strides = array<i32>} : memref<6565xf32, #tpu.memory_space<vmem>>, vector<16xf32>,
    %get3A_797 = arith.constant 3184 : index
    %get3A_798 = tpu.vector_load %arg6[%get3A_797] {strides = array<i32>} : memref<6464xf32, #tpu.memory_space<vmem>>, vector<16xf32>,
    %swap3A_799 = arith.constant 3233 : index
    %swap3A_800 = tpu.vector_load %arg7[%swap3A_799] {strides = array<i32>} : memref<6565xf32, #tpu.memory_space<vmem>>, vector<16xf32>,
    tpu.vector_store %arg7[%swap3A_799], %get3A_798 {strides = array<i32>} : memref<6565xf32, #tpu.memory_space<vmem>>, vector<16xf32>,
    %get3A_801 = arith.constant 3200 : index
    %get3A_802 = tpu.vector_load %arg6[%get3A_801] {strides = array<i32>} : memref<6464xf32, #tpu.memory_space<vmem>>, vector<16xf32>,
    %swap3A_803 = arith.constant 3250 : index
    %swap3A_804 = tpu.vector_load %arg7[%swap3A_803] {strides = array<i32>} : memref<6565xf32, #tpu.memory_space<vmem>>, vector<16xf32>,
    tpu.vector_store %arg7[%swap3A_803], %get3A_802 {strides = array<i32>} : memref<6565xf32, #tpu.memory_space<vmem>>, vector<16xf32>,
    %get3A_805 = arith.constant 3216 : index
    %get3A_806 = tpu.vector_load %arg6[%get3A_805] {strides = array<i32>} : memref<6464xf32, #tpu.memory_space<vmem>>, vector<16xf32>,
    %swap3A_807 = arith.constant 3266 : index
    %swap3A_808 = tpu.vector_load %arg7[%swap3A_807] {strides = array<i32>} : memref<6565xf32, #tpu.memory_space<vmem>>, vector<16xf32>,
    tpu.vector_store %arg7[%swap3A_807], %get3A_806 {strides = array<i32>} : memref<6565xf32, #tpu.memory_space<vmem>>, vector<16xf32>,
    %get3A_809 = arith.constant 3232 : index
    %get3A_810 = tpu.vector_load %arg6[%get3A_809] {strides = array<i32>} : memref<6464xf32, #tpu.memory_space<vmem>>, vector<16xf32>,
    %swap3A_811 = arith.constant 3282 : index
    %swap3A_812 = tpu.vector_load %arg7[%swap3A_811] {strides = array<i32>} : memref<6565xf32, #tpu.memory_space<vmem>>, vector<16xf32>,
    tpu.vector_store %arg7[%swap3A_811], %get3A_810 {strides = array<i32>} : memref<6565xf32, #tpu.memory_space<vmem>>, vector<16xf32>,
    %get3A_813 = arith.constant 3248 : index
    %get3A_814 = tpu.vector_load %arg6[%get3A_813] {strides = array<i32>} : memref<6464xf32, #tpu.memory_space<vmem>>, vector<16xf32>,
    %swap3A_815 = arith.constant 3298 : index
    %swap3A_816 = tpu.vector_load %arg7[%swap3A_815] {strides = array<i32>} : memref<6565xf32, #tpu.memory_space<vmem>>, vector<16xf32>,
    tpu.vector_store %arg7[%swap3A_815], %get3A_814 {strides = array<i32>} : memref<6565xf32, #tpu.memory_space<vmem>>, vector<16xf32>,
    %get3A_817 = arith.constant 3264 : index
    %get3A_818 = tpu.vector_load %arg6[%get3A_817] {strides = array<i32>} : memref<6464xf32, #tpu.memory_space<vmem>>, vector<16xf32>,
    %swap3A_819 = arith.constant 3315 : index
    %swap3A_820 = tpu.vector_load %arg7[%swap3A_819] {strides = array<i32>} : memref<6565xf32, #tpu.memory_space<vmem>>, vector<16xf32>,
    tpu.vector_store %arg7[%swap3A_819], %get3A_818 {strides = array<i32>} : memref<6565xf32, #tpu.memory_space<vmem>>, vector<16xf32>,
    %get3A_821 = arith.constant 3280 : index
    %get3A_822 = tpu.vector_load %arg6[%get3A_821] {strides = array<i32>} : memref<6464xf32, #tpu.memory_space<vmem>>, vector<16xf32>,
    %swap3A_823 = arith.constant 3331 : index
    %swap3A_824 = tpu.vector_load %arg7[%swap3A_823] {strides = array<i32>} : memref<6565xf32, #tpu.memory_space<vmem>>, vector<16xf32>,
    tpu.vector_store %arg7[%swap3A_823], %get3A_822 {strides = array<i32>} : memref<6565xf32, #tpu.memory_space<vmem>>, vector<16xf32>,
    %get3A_825 = arith.constant 3296 : index
    %get3A_826 = tpu.vector_load %arg6[%get3A_825] {strides = array<i32>} : memref<6464xf32, #tpu.memory_space<vmem>>, vector<16xf32>,
    %swap3A_827 = arith.constant 3347 : index
    %swap3A_828 = tpu.vector_load %arg7[%swap3A_827] {strides = array<i32>} : memref<6565xf32, #tpu.memory_space<vmem>>, vector<16xf32>,
    tpu.vector_store %arg7[%swap3A_827], %get3A_826 {strides = array<i32>} : memref<6565xf32, #tpu.memory_space<vmem>>, vector<16xf32>,
    %get3A_829 = arith.constant 3312 : index
    %get3A_830 = tpu.vector_load %arg6[%get3A_829] {strides = array<i32>} : memref<6464xf32, #tpu.memory_space<vmem>>, vector<16xf32>,
    %swap3A_831 = arith.constant 3363 : index
    %swap3A_832 = tpu.vector_load %arg7[%swap3A_831] {strides = array<i32>} : memref<6565xf32, #tpu.memory_space<vmem>>, vector<16xf32>,
    tpu.vector_store %arg7[%swap3A_831], %get3A_830 {strides = array<i32>} : memref<6565xf32, #tpu.memory_space<vmem>>, vector<16xf32>,
    %get3A_833 = arith.constant 3328 : index
    %get3A_834 = tpu.vector_load %arg6[%get3A_833] {strides = array<i32>} : memref<6464xf32, #tpu.memory_space<vmem>>, vector<16xf32>,
    %swap3A_835 = arith.constant 3380 : index
    %swap3A_836 = tpu.vector_load %arg7[%swap3A_835] {strides = array<i32>} : memref<6565xf32, #tpu.memory_space<vmem>>, vector<16xf32>,
    tpu.vector_store %arg7[%swap3A_835], %get3A_834 {strides = array<i32>} : memref<6565xf32, #tpu.memory_space<vmem>>, vector<16xf32>,
    %get3A_837 = arith.constant 3344 : index
    %get3A_838 = tpu.vector_load %arg6[%get3A_837] {strides = array<i32>} : memref<6464xf32, #tpu.memory_space<vmem>>, vector<16xf32>,
    %swap3A_839 = arith.constant 3396 : index
    %swap3A_840 = tpu.vector_load %arg7[%swap3A_839] {strides = array<i32>} : memref<6565xf32, #tpu.memory_space<vmem>>, vector<16xf32>,
    tpu.vector_store %arg7[%swap3A_839], %get3A_838 {strides = array<i32>} : memref<6565xf32, #tpu.memory_space<vmem>>, vector<16xf32>,
    %get3A_841 = arith.constant 3360 : index
    %get3A_842 = tpu.vector_load %arg6[%get3A_841] {strides = array<i32>} : memref<6464xf32, #tpu.memory_space<vmem>>, vector<16xf32>,
    %swap3A_843 = arith.constant 3412 : index
    %swap3A_844 = tpu.vector_load %arg7[%swap3A_843] {strides = array<i32>} : memref<6565xf32, #tpu.memory_space<vmem>>, vector<16xf32>,
    tpu.vector_store %arg7[%swap3A_843], %get3A_842 {strides = array<i32>} : memref<6565xf32, #tpu.memory_space<vmem>>, vector<16xf32>,
    %get3A_845 = arith.constant 3376 : index
    %get3A_846 = tpu.vector_load %arg6[%get3A_845] {strides = array<i32>} : memref<6464xf32, #tpu.memory_space<vmem>>, vector<16xf32>,
    %swap3A_847 = arith.constant 3428 : index
    %swap3A_848 = tpu.vector_load %arg7[%swap3A_847] {strides = array<i32>} : memref<6565xf32, #tpu.memory_space<vmem>>, vector<16xf32>,
    tpu.vector_store %arg7[%swap3A_847], %get3A_846 {strides = array<i32>} : memref<6565xf32, #tpu.memory_space<vmem>>, vector<16xf32>,
    %get3A_849 = arith.constant 3392 : index
    %get3A_850 = tpu.vector_load %arg6[%get3A_849] {strides = array<i32>} : memref<6464xf32, #tpu.memory_space<vmem>>, vector<16xf32>,
    %swap3A_851 = arith.constant 3445 : index
    %swap3A_852 = tpu.vector_load %arg7[%swap3A_851] {strides = array<i32>} : memref<6565xf32, #tpu.memory_space<vmem>>, vector<16xf32>,
    tpu.vector_store %arg7[%swap3A_851], %get3A_850 {strides = array<i32>} : memref<6565xf32, #tpu.memory_space<vmem>>, vector<16xf32>,
    %get3A_853 = arith.constant 3408 : index
    %get3A_854 = tpu.vector_load %arg6[%get3A_853] {strides = array<i32>} : memref<6464xf32, #tpu.memory_space<vmem>>, vector<16xf32>,
    %swap3A_855 = arith.constant 3461 : index
    %swap3A_856 = tpu.vector_load %arg7[%swap3A_855] {strides = array<i32>} : memref<6565xf32, #tpu.memory_space<vmem>>, vector<16xf32>,
    tpu.vector_store %arg7[%swap3A_855], %get3A_854 {strides = array<i32>} : memref<6565xf32, #tpu.memory_space<vmem>>, vector<16xf32>,
    %get3A_857 = arith.constant 3424 : index
    %get3A_858 = tpu.vector_load %arg6[%get3A_857] {strides = array<i32>} : memref<6464xf32, #tpu.memory_space<vmem>>, vector<16xf32>,
    %swap3A_859 = arith.constant 3477 : index
    %swap3A_860 = tpu.vector_load %arg7[%swap3A_859] {strides = array<i32>} : memref<6565xf32, #tpu.memory_space<vmem>>, vector<16xf32>,
    tpu.vector_store %arg7[%swap3A_859], %get3A_858 {strides = array<i32>} : memref<6565xf32, #tpu.memory_space<vmem>>, vector<16xf32>,
    %get3A_861 = arith.constant 3440 : index
    %get3A_862 = tpu.vector_load %arg6[%get3A_861] {strides = array<i32>} : memref<6464xf32, #tpu.memory_space<vmem>>, vector<16xf32>,
    %swap3A_863 = arith.constant 3493 : index
    %swap3A_864 = tpu.vector_load %arg7[%swap3A_863] {strides = array<i32>} : memref<6565xf32, #tpu.memory_space<vmem>>, vector<16xf32>,
    tpu.vector_store %arg7[%swap3A_863], %get3A_862 {strides = array<i32>} : memref<6565xf32, #tpu.memory_space<vmem>>, vector<16xf32>,
    %get3A_865 = arith.constant 3456 : index
    %get3A_866 = tpu.vector_load %arg6[%get3A_865] {strides = array<i32>} : memref<6464xf32, #tpu.memory_space<vmem>>, vector<16xf32>,
    %swap3A_867 = arith.constant 3510 : index
    %swap3A_868 = tpu.vector_load %arg7[%swap3A_867] {strides = array<i32>} : memref<6565xf32, #tpu.memory_space<vmem>>, vector<16xf32>,
    tpu.vector_store %arg7[%swap3A_867], %get3A_866 {strides = array<i32>} : memref<6565xf32, #tpu.memory_space<vmem>>, vector<16xf32>,
    %get3A_869 = arith.constant 3472 : index
    %get3A_870 = tpu.vector_load %arg6[%get3A_869] {strides = array<i32>} : memref<6464xf32, #tpu.memory_space<vmem>>, vector<16xf32>,
    %swap3A_871 = arith.constant 3526 : index
    %swap3A_872 = tpu.vector_load %arg7[%swap3A_871] {strides = array<i32>} : memref<6565xf32, #tpu.memory_space<vmem>>, vector<16xf32>,
    tpu.vector_store %arg7[%swap3A_871], %get3A_870 {strides = array<i32>} : memref<6565xf32, #tpu.memory_space<vmem>>, vector<16xf32>,
    %get3A_873 = arith.constant 3488 : index
    %get3A_874 = tpu.vector_load %arg6[%get3A_873] {strides = array<i32>} : memref<6464xf32, #tpu.memory_space<vmem>>, vector<16xf32>,
    %swap3A_875 = arith.constant 3542 : index
    %swap3A_876 = tpu.vector_load %arg7[%swap3A_875] {strides = array<i32>} : memref<6565xf32, #tpu.memory_space<vmem>>, vector<16xf32>,
    tpu.vector_store %arg7[%swap3A_875], %get3A_874 {strides = array<i32>} : memref<6565xf32, #tpu.memory_space<vmem>>, vector<16xf32>,
    %get3A_877 = arith.constant 3504 : index
    %get3A_878 = tpu.vector_load %arg6[%get3A_877] {strides = array<i32>} : memref<6464xf32, #tpu.memory_space<vmem>>, vector<16xf32>,
    %swap3A_879 = arith.constant 3558 : index
    %swap3A_880 = tpu.vector_load %arg7[%swap3A_879] {strides = array<i32>} : memref<6565xf32, #tpu.memory_space<vmem>>, vector<16xf32>,
    tpu.vector_store %arg7[%swap3A_879], %get3A_878 {strides = array<i32>} : memref<6565xf32, #tpu.memory_space<vmem>>, vector<16xf32>,
    %get3A_881 = arith.constant 3520 : index
    %get3A_882 = tpu.vector_load %arg6[%get3A_881] {strides = array<i32>} : memref<6464xf32, #tpu.memory_space<vmem>>, vector<16xf32>,
    %swap3A_883 = arith.constant 3575 : index
    %swap3A_884 = tpu.vector_load %arg7[%swap3A_883] {strides = array<i32>} : memref<6565xf32, #tpu.memory_space<vmem>>, vector<16xf32>,
    tpu.vector_store %arg7[%swap3A_883], %get3A_882 {strides = array<i32>} : memref<6565xf32, #tpu.memory_space<vmem>>, vector<16xf32>,
    %get3A_885 = arith.constant 3536 : index
    %get3A_886 = tpu.vector_load %arg6[%get3A_885] {strides = array<i32>} : memref<6464xf32, #tpu.memory_space<vmem>>, vector<16xf32>,
    %swap3A_887 = arith.constant 3591 : index
    %swap3A_888 = tpu.vector_load %arg7[%swap3A_887] {strides = array<i32>} : memref<6565xf32, #tpu.memory_space<vmem>>, vector<16xf32>,
    tpu.vector_store %arg7[%swap3A_887], %get3A_886 {strides = array<i32>} : memref<6565xf32, #tpu.memory_space<vmem>>, vector<16xf32>,
    %get3A_889 = arith.constant 3552 : index
    %get3A_890 = tpu.vector_load %arg6[%get3A_889] {strides = array<i32>} : memref<6464xf32, #tpu.memory_space<vmem>>, vector<16xf32>,
    %swap3A_891 = arith.constant 3607 : index
    %swap3A_892 = tpu.vector_load %arg7[%swap3A_891] {strides = array<i32>} : memref<6565xf32, #tpu.memory_space<vmem>>, vector<16xf32>,
    tpu.vector_store %arg7[%swap3A_891], %get3A_890 {strides = array<i32>} : memref<6565xf32, #tpu.memory_space<vmem>>, vector<16xf32>,
    %get3A_893 = arith.constant 3568 : index
    %get3A_894 = tpu.vector_load %arg6[%get3A_893] {strides = array<i32>} : memref<6464xf32, #tpu.memory_space<vmem>>, vector<16xf32>,
    %swap3A_895 = arith.constant 3623 : index
    %swap3A_896 = tpu.vector_load %arg7[%swap3A_895] {strides = array<i32>} : memref<6565xf32, #tpu.memory_space<vmem>>, vector<16xf32>,
    tpu.vector_store %arg7[%swap3A_895], %get3A_894 {strides = array<i32>} : memref<6565xf32, #tpu.memory_space<vmem>>, vector<16xf32>,
    %get3A_897 = arith.constant 3584 : index
    %get3A_898 = tpu.vector_load %arg6[%get3A_897] {strides = array<i32>} : memref<6464xf32, #tpu.memory_space<vmem>>, vector<16xf32>,
    %swap3A_899 = arith.constant 3640 : index
    %swap3A_900 = tpu.vector_load %arg7[%swap3A_899] {strides = array<i32>} : memref<6565xf32, #tpu.memory_space<vmem>>, vector<16xf32>,
    tpu.vector_store %arg7[%swap3A_899], %get3A_898 {strides = array<i32>} : memref<6565xf32, #tpu.memory_space<vmem>>, vector<16xf32>,
    %get3A_901 = arith.constant 3600 : index
    %get3A_902 = tpu.vector_load %arg6[%get3A_901] {strides = array<i32>} : memref<6464xf32, #tpu.memory_space<vmem>>, vector<16xf32>,
    %swap3A_903 = arith.constant 3656 : index
    %swap3A_904 = tpu.vector_load %arg7[%swap3A_903] {strides = array<i32>} : memref<6565xf32, #tpu.memory_space<vmem>>, vector<16xf32>,
    tpu.vector_store %arg7[%swap3A_903], %get3A_902 {strides = array<i32>} : memref<6565xf32, #tpu.memory_space<vmem>>, vector<16xf32>,
    %get3A_905 = arith.constant 3616 : index
    %get3A_906 = tpu.vector_load %arg6[%get3A_905] {strides = array<i32>} : memref<6464xf32, #tpu.memory_space<vmem>>, vector<16xf32>,
    %swap3A_907 = arith.constant 3672 : index
    %swap3A_908 = tpu.vector_load %arg7[%swap3A_907] {strides = array<i32>} : memref<6565xf32, #tpu.memory_space<vmem>>, vector<16xf32>,
    tpu.vector_store %arg7[%swap3A_907], %get3A_906 {strides = array<i32>} : memref<6565xf32, #tpu.memory_space<vmem>>, vector<16xf32>,
    %get3A_909 = arith.constant 3632 : index
    %get3A_910 = tpu.vector_load %arg6[%get3A_909] {strides = array<i32>} : memref<6464xf32, #tpu.memory_space<vmem>>, vector<16xf32>,
    %swap3A_911 = arith.constant 3688 : index
    %swap3A_912 = tpu.vector_load %arg7[%swap3A_911] {strides = array<i32>} : memref<6565xf32, #tpu.memory_space<vmem>>, vector<16xf32>,
    tpu.vector_store %arg7[%swap3A_911], %get3A_910 {strides = array<i32>} : memref<6565xf32, #tpu.memory_space<vmem>>, vector<16xf32>,
    %get3A_913 = arith.constant 3648 : index
    %get3A_914 = tpu.vector_load %arg6[%get3A_913] {strides = array<i32>} : memref<6464xf32, #tpu.memory_space<vmem>>, vector<16xf32>,
    %swap3A_915 = arith.constant 3705 : index
    %swap3A_916 = tpu.vector_load %arg7[%swap3A_915] {strides = array<i32>} : memref<6565xf32, #tpu.memory_space<vmem>>, vector<16xf32>,
    tpu.vector_store %arg7[%swap3A_915], %get3A_914 {strides = array<i32>} : memref<6565xf32, #tpu.memory_space<vmem>>, vector<16xf32>,
    %get3A_917 = arith.constant 3664 : index
    %get3A_918 = tpu.vector_load %arg6[%get3A_917] {strides = array<i32>} : memref<6464xf32, #tpu.memory_space<vmem>>, vector<16xf32>,
    %swap3A_919 = arith.constant 3721 : index
    %swap3A_920 = tpu.vector_load %arg7[%swap3A_919] {strides = array<i32>} : memref<6565xf32, #tpu.memory_space<vmem>>, vector<16xf32>,
    tpu.vector_store %arg7[%swap3A_919], %get3A_918 {strides = array<i32>} : memref<6565xf32, #tpu.memory_space<vmem>>, vector<16xf32>,
    %get3A_921 = arith.constant 3680 : index
    %get3A_922 = tpu.vector_load %arg6[%get3A_921] {strides = array<i32>} : memref<6464xf32, #tpu.memory_space<vmem>>, vector<16xf32>,
    %swap3A_923 = arith.constant 3737 : index
    %swap3A_924 = tpu.vector_load %arg7[%swap3A_923] {strides = array<i32>} : memref<6565xf32, #tpu.memory_space<vmem>>, vector<16xf32>,
    tpu.vector_store %arg7[%swap3A_923], %get3A_922 {strides = array<i32>} : memref<6565xf32, #tpu.memory_space<vmem>>, vector<16xf32>,
    %get3A_925 = arith.constant 3696 : index
    %get3A_926 = tpu.vector_load %arg6[%get3A_925] {strides = array<i32>} : memref<6464xf32, #tpu.memory_space<vmem>>, vector<16xf32>,
    %swap3A_927 = arith.constant 3753 : index
    %swap3A_928 = tpu.vector_load %arg7[%swap3A_927] {strides = array<i32>} : memref<6565xf32, #tpu.memory_space<vmem>>, vector<16xf32>,
    tpu.vector_store %arg7[%swap3A_927], %get3A_926 {strides = array<i32>} : memref<6565xf32, #tpu.memory_space<vmem>>, vector<16xf32>,
    %get3A_929 = arith.constant 3712 : index
    %get3A_930 = tpu.vector_load %arg6[%get3A_929] {strides = array<i32>} : memref<6464xf32, #tpu.memory_space<vmem>>, vector<16xf32>,
    %swap3A_931 = arith.constant 3770 : index
    %swap3A_932 = tpu.vector_load %arg7[%swap3A_931] {strides = array<i32>} : memref<6565xf32, #tpu.memory_space<vmem>>, vector<16xf32>,
    tpu.vector_store %arg7[%swap3A_931], %get3A_930 {strides = array<i32>} : memref<6565xf32, #tpu.memory_space<vmem>>, vector<16xf32>,
    %get3A_933 = arith.constant 3728 : index
    %get3A_934 = tpu.vector_load %arg6[%get3A_933] {strides = array<i32>} : memref<6464xf32, #tpu.memory_space<vmem>>, vector<16xf32>,
    %swap3A_935 = arith.constant 3786 : index
    %swap3A_936 = tpu.vector_load %arg7[%swap3A_935] {strides = array<i32>} : memref<6565xf32, #tpu.memory_space<vmem>>, vector<16xf32>,
    tpu.vector_store %arg7[%swap3A_935], %get3A_934 {strides = array<i32>} : memref<6565xf32, #tpu.memory_space<vmem>>, vector<16xf32>,
    %get3A_937 = arith.constant 3744 : index
    %get3A_938 = tpu.vector_load %arg6[%get3A_937] {strides = array<i32>} : memref<6464xf32, #tpu.memory_space<vmem>>, vector<16xf32>,
    %swap3A_939 = arith.constant 3802 : index
    %swap3A_940 = tpu.vector_load %arg7[%swap3A_939] {strides = array<i32>} : memref<6565xf32, #tpu.memory_space<vmem>>, vector<16xf32>,
    tpu.vector_store %arg7[%swap3A_939], %get3A_938 {strides = array<i32>} : memref<6565xf32, #tpu.memory_space<vmem>>, vector<16xf32>,
    %get3A_941 = arith.constant 3760 : index
    %get3A_942 = tpu.vector_load %arg6[%get3A_941] {strides = array<i32>} : memref<6464xf32, #tpu.memory_space<vmem>>, vector<16xf32>,
    %swap3A_943 = arith.constant 3818 : index
    %swap3A_944 = tpu.vector_load %arg7[%swap3A_943] {strides = array<i32>} : memref<6565xf32, #tpu.memory_space<vmem>>, vector<16xf32>,
    tpu.vector_store %arg7[%swap3A_943], %get3A_942 {strides = array<i32>} : memref<6565xf32, #tpu.memory_space<vmem>>, vector<16xf32>,
    %get3A_945 = arith.constant 3776 : index
    %get3A_946 = tpu.vector_load %arg6[%get3A_945] {strides = array<i32>} : memref<6464xf32, #tpu.memory_space<vmem>>, vector<16xf32>,
    %swap3A_947 = arith.constant 3835 : index
    %swap3A_948 = tpu.vector_load %arg7[%swap3A_947] {strides = array<i32>} : memref<6565xf32, #tpu.memory_space<vmem>>, vector<16xf32>,
    tpu.vector_store %arg7[%swap3A_947], %get3A_946 {strides = array<i32>} : memref<6565xf32, #tpu.memory_space<vmem>>, vector<16xf32>,
    %get3A_949 = arith.constant 3792 : index
    %get3A_950 = tpu.vector_load %arg6[%get3A_949] {strides = array<i32>} : memref<6464xf32, #tpu.memory_space<vmem>>, vector<16xf32>,
    %swap3A_951 = arith.constant 3851 : index
    %swap3A_952 = tpu.vector_load %arg7[%swap3A_951] {strides = array<i32>} : memref<6565xf32, #tpu.memory_space<vmem>>, vector<16xf32>,
    tpu.vector_store %arg7[%swap3A_951], %get3A_950 {strides = array<i32>} : memref<6565xf32, #tpu.memory_space<vmem>>, vector<16xf32>,
    %get3A_953 = arith.constant 3808 : index
    %get3A_954 = tpu.vector_load %arg6[%get3A_953] {strides = array<i32>} : memref<6464xf32, #tpu.memory_space<vmem>>, vector<16xf32>,
    %swap3A_955 = arith.constant 3867 : index
    %swap3A_956 = tpu.vector_load %arg7[%swap3A_955] {strides = array<i32>} : memref<6565xf32, #tpu.memory_space<vmem>>, vector<16xf32>,
    tpu.vector_store %arg7[%swap3A_955], %get3A_954 {strides = array<i32>} : memref<6565xf32, #tpu.memory_space<vmem>>, vector<16xf32>,
    %get3A_957 = arith.constant 3824 : index
    %get3A_958 = tpu.vector_load %arg6[%get3A_957] {strides = array<i32>} : memref<6464xf32, #tpu.memory_space<vmem>>, vector<16xf32>,
    %swap3A_959 = arith.constant 3883 : index
    %swap3A_960 = tpu.vector_load %arg7[%swap3A_959] {strides = array<i32>} : memref<6565xf32, #tpu.memory_space<vmem>>, vector<16xf32>,
    tpu.vector_store %arg7[%swap3A_959], %get3A_958 {strides = array<i32>} : memref<6565xf32, #tpu.memory_space<vmem>>, vector<16xf32>,
    %get3A_961 = arith.constant 3840 : index
    %get3A_962 = tpu.vector_load %arg6[%get3A_961] {strides = array<i32>} : memref<6464xf32, #tpu.memory_space<vmem>>, vector<16xf32>,
    %swap3A_963 = arith.constant 3900 : index
    %swap3A_964 = tpu.vector_load %arg7[%swap3A_963] {strides = array<i32>} : memref<6565xf32, #tpu.memory_space<vmem>>, vector<16xf32>,
    tpu.vector_store %arg7[%swap3A_963], %get3A_962 {strides = array<i32>} : memref<6565xf32, #tpu.memory_space<vmem>>, vector<16xf32>,
    %get3A_965 = arith.constant 3856 : index
    %get3A_966 = tpu.vector_load %arg6[%get3A_965] {strides = array<i32>} : memref<6464xf32, #tpu.memory_space<vmem>>, vector<16xf32>,
    %swap3A_967 = arith.constant 3916 : index
    %swap3A_968 = tpu.vector_load %arg7[%swap3A_967] {strides = array<i32>} : memref<6565xf32, #tpu.memory_space<vmem>>, vector<16xf32>,
    tpu.vector_store %arg7[%swap3A_967], %get3A_966 {strides = array<i32>} : memref<6565xf32, #tpu.memory_space<vmem>>, vector<16xf32>,
    %get3A_969 = arith.constant 3872 : index
    %get3A_970 = tpu.vector_load %arg6[%get3A_969] {strides = array<i32>} : memref<6464xf32, #tpu.memory_space<vmem>>, vector<16xf32>,
    %swap3A_971 = arith.constant 3932 : index
    %swap3A_972 = tpu.vector_load %arg7[%swap3A_971] {strides = array<i32>} : memref<6565xf32, #tpu.memory_space<vmem>>, vector<16xf32>,
    tpu.vector_store %arg7[%swap3A_971], %get3A_970 {strides = array<i32>} : memref<6565xf32, #tpu.memory_space<vmem>>, vector<16xf32>,
    %get3A_973 = arith.constant 3888 : index
    %get3A_974 = tpu.vector_load %arg6[%get3A_973] {strides = array<i32>} : memref<6464xf32, #tpu.memory_space<vmem>>, vector<16xf32>,
    %swap3A_975 = arith.constant 3948 : index
    %swap3A_976 = tpu.vector_load %arg7[%swap3A_975] {strides = array<i32>} : memref<6565xf32, #tpu.memory_space<vmem>>, vector<16xf32>,
    tpu.vector_store %arg7[%swap3A_975], %get3A_974 {strides = array<i32>} : memref<6565xf32, #tpu.memory_space<vmem>>, vector<16xf32>,
    %get3A_977 = arith.constant 3904 : index
    %get3A_978 = tpu.vector_load %arg6[%get3A_977] {strides = array<i32>} : memref<6464xf32, #tpu.memory_space<vmem>>, vector<16xf32>,
    %swap3A_979 = arith.constant 3965 : index
    %swap3A_980 = tpu.vector_load %arg7[%swap3A_979] {strides = array<i32>} : memref<6565xf32, #tpu.memory_space<vmem>>, vector<16xf32>,
    tpu.vector_store %arg7[%swap3A_979], %get3A_978 {strides = array<i32>} : memref<6565xf32, #tpu.memory_space<vmem>>, vector<16xf32>,
    %get3A_981 = arith.constant 3920 : index
    %get3A_982 = tpu.vector_load %arg6[%get3A_981] {strides = array<i32>} : memref<6464xf32, #tpu.memory_space<vmem>>, vector<16xf32>,
    %swap3A_983 = arith.constant 3981 : index
    %swap3A_984 = tpu.vector_load %arg7[%swap3A_983] {strides = array<i32>} : memref<6565xf32, #tpu.memory_space<vmem>>, vector<16xf32>,
    tpu.vector_store %arg7[%swap3A_983], %get3A_982 {strides = array<i32>} : memref<6565xf32, #tpu.memory_space<vmem>>, vector<16xf32>,
    %get3A_985 = arith.constant 3936 : index
    %get3A_986 = tpu.vector_load %arg6[%get3A_985] {strides = array<i32>} : memref<6464xf32, #tpu.memory_space<vmem>>, vector<16xf32>,
    %swap3A_987 = arith.constant 3997 : index
    %swap3A_988 = tpu.vector_load %arg7[%swap3A_987] {strides = array<i32>} : memref<6565xf32, #tpu.memory_space<vmem>>, vector<16xf32>,
    tpu.vector_store %arg7[%swap3A_987], %get3A_986 {strides = array<i32>} : memref<6565xf32, #tpu.memory_space<vmem>>, vector<16xf32>,
    %get3A_989 = arith.constant 3952 : index
    %get3A_990 = tpu.vector_load %arg6[%get3A_989] {strides = array<i32>} : memref<6464xf32, #tpu.memory_space<vmem>>, vector<16xf32>,
    %swap3A_991 = arith.constant 4013 : index
    %swap3A_992 = tpu.vector_load %arg7[%swap3A_991] {strides = array<i32>} : memref<6565xf32, #tpu.memory_space<vmem>>, vector<16xf32>,
    tpu.vector_store %arg7[%swap3A_991], %get3A_990 {strides = array<i32>} : memref<6565xf32, #tpu.memory_space<vmem>>, vector<16xf32>,
    %get3A_993 = arith.constant 3968 : index
    %get3A_994 = tpu.vector_load %arg6[%get3A_993] {strides = array<i32>} : memref<6464xf32, #tpu.memory_space<vmem>>, vector<16xf32>,
    %swap3A_995 = arith.constant 4030 : index
    %swap3A_996 = tpu.vector_load %arg7[%swap3A_995] {strides = array<i32>} : memref<6565xf32, #tpu.memory_space<vmem>>, vector<16xf32>,
    tpu.vector_store %arg7[%swap3A_995], %get3A_994 {strides = array<i32>} : memref<6565xf32, #tpu.memory_space<vmem>>, vector<16xf32>,
    %get3A_997 = arith.constant 3984 : index
    %get3A_998 = tpu.vector_load %arg6[%get3A_997] {strides = array<i32>} : memref<6464xf32, #tpu.memory_space<vmem>>, vector<16xf32>,
    %swap3A_999 = arith.constant 4046 : index
    %swap3A_1000 = tpu.vector_load %arg7[%swap3A_999] {strides = array<i32>} : memref<6565xf32, #tpu.memory_space<vmem>>, vector<16xf32>,
    tpu.vector_store %arg7[%swap3A_999], %get3A_998 {strides = array<i32>} : memref<6565xf32, #tpu.memory_space<vmem>>, vector<16xf32>,
    %get3A_1001 = arith.constant 4000 : index
    %get3A_1002 = tpu.vector_load %arg6[%get3A_1001] {strides = array<i32>} : memref<6464xf32, #tpu.memory_space<vmem>>, vector<16xf32>,
    %swap3A_1003 = arith.constant 4062 : index
    %swap3A_1004 = tpu.vector_load %arg7[%swap3A_1003] {strides = array<i32>} : memref<6565xf32, #tpu.memory_space<vmem>>, vector<16xf32>,
    tpu.vector_store %arg7[%swap3A_1003], %get3A_1002 {strides = array<i32>} : memref<6565xf32, #tpu.memory_space<vmem>>, vector<16xf32>,
    %get3A_1005 = arith.constant 4016 : index
    %get3A_1006 = tpu.vector_load %arg6[%get3A_1005] {strides = array<i32>} : memref<6464xf32, #tpu.memory_space<vmem>>, vector<16xf32>,
    %swap3A_1007 = arith.constant 4078 : index
    %swap3A_1008 = tpu.vector_load %arg7[%swap3A_1007] {strides = array<i32>} : memref<6565xf32, #tpu.memory_space<vmem>>, vector<16xf32>,
    tpu.vector_store %arg7[%swap3A_1007], %get3A_1006 {strides = array<i32>} : memref<6565xf32, #tpu.memory_space<vmem>>, vector<16xf32>,
    %get3A_1009 = arith.constant 4032 : index
    %get3A_1010 = tpu.vector_load %arg6[%get3A_1009] {strides = array<i32>} : memref<6464xf32, #tpu.memory_space<vmem>>, vector<16xf32>,
    %swap3A_1011 = arith.constant 4095 : index
    %swap3A_1012 = tpu.vector_load %arg7[%swap3A_1011] {strides = array<i32>} : memref<6565xf32, #tpu.memory_space<vmem>>, vector<16xf32>,
    tpu.vector_store %arg7[%swap3A_1011], %get3A_1010 {strides = array<i32>} : memref<6565xf32, #tpu.memory_space<vmem>>, vector<16xf32>,
    %get3A_1013 = arith.constant 4048 : index
    %get3A_1014 = tpu.vector_load %arg6[%get3A_1013] {strides = array<i32>} : memref<6464xf32, #tpu.memory_space<vmem>>, vector<16xf32>,
    %swap3A_1015 = arith.constant 4111 : index
    %swap3A_1016 = tpu.vector_load %arg7[%swap3A_1015] {strides = array<i32>} : memref<6565xf32, #tpu.memory_space<vmem>>, vector<16xf32>,
    tpu.vector_store %arg7[%swap3A_1015], %get3A_1014 {strides = array<i32>} : memref<6565xf32, #tpu.memory_space<vmem>>, vector<16xf32>,
    %get3A_1017 = arith.constant 4064 : index
    %get3A_1018 = tpu.vector_load %arg6[%get3A_1017] {strides = array<i32>} : memref<6464xf32, #tpu.memory_space<vmem>>, vector<16xf32>,
    %swap3A_1019 = arith.constant 4127 : index
    %swap3A_1020 = tpu.vector_load %arg7[%swap3A_1019] {strides = array<i32>} : memref<6565xf32, #tpu.memory_space<vmem>>, vector<16xf32>,
    tpu.vector_store %arg7[%swap3A_1019], %get3A_1018 {strides = array<i32>} : memref<6565xf32, #tpu.memory_space<vmem>>, vector<16xf32>,
    %get3A_1021 = arith.constant 4080 : index
    %get3A_1022 = tpu.vector_load %arg6[%get3A_1021] {strides = array<i32>} : memref<6464xf32, #tpu.memory_space<vmem>>, vector<16xf32>,
    %swap3A_1023 = arith.constant 4143 : index
    %swap3A_1024 = tpu.vector_load %arg7[%swap3A_1023] {strides = array<i32>} : memref<6565xf32, #tpu.memory_space<vmem>>, vector<16xf32>,
    tpu.vector_store %arg7[%swap3A_1023], %get3A_1022 {strides = array<i32>} : memref<6565xf32, #tpu.memory_space<vmem>>, vector<16xf32>,
    %get3A_1025 = arith.constant 4096 : index
    %get3A_1026 = tpu.vector_load %arg6[%get3A_1025] {strides = array<i32>} : memref<6464xf32, #tpu.memory_space<vmem>>, vector<16xf32>,
    %swap3A_1027 = arith.constant 4160 : index
    %swap3A_1028 = tpu.vector_load %arg7[%swap3A_1027] {strides = array<i32>} : memref<6565xf32, #tpu.memory_space<vmem>>, vector<16xf32>,
    tpu.vector_store %arg7[%swap3A_1027], %get3A_1026 {strides = array<i32>} : memref<6565xf32, #tpu.memory_space<vmem>>, vector<16xf32>,
    %get3A_1029 = arith.constant 4112 : index
    %get3A_1030 = tpu.vector_load %arg6[%get3A_1029] {strides = array<i32>} : memref<6464xf32, #tpu.memory_space<vmem>>, vector<16xf32>,
    %swap3A_1031 = arith.constant 4176 : index
    %swap3A_1032 = tpu.vector_load %arg7[%swap3A_1031] {strides = array<i32>} : memref<6565xf32, #tpu.memory_space<vmem>>, vector<16xf32>,
    tpu.vector_store %arg7[%swap3A_1031], %get3A_1030 {strides = array<i32>} : memref<6565xf32, #tpu.memory_space<vmem>>, vector<16xf32>,
    %get3A_1033 = arith.constant 4128 : index
    %get3A_1034 = tpu.vector_load %arg6[%get3A_1033] {strides = array<i32>} : memref<6464xf32, #tpu.memory_space<vmem>>, vector<16xf32>,
    %swap3A_1035 = arith.constant 4192 : index
    %swap3A_1036 = tpu.vector_load %arg7[%swap3A_1035] {strides = array<i32>} : memref<6565xf32, #tpu.memory_space<vmem>>, vector<16xf32>,
    tpu.vector_store %arg7[%swap3A_1035], %get3A_1034 {strides = array<i32>} : memref<6565xf32, #tpu.memory_space<vmem>>, vector<16xf32>,
    %get3A_1037 = arith.constant 4144 : index
    %get3A_1038 = tpu.vector_load %arg6[%get3A_1037] {strides = array<i32>} : memref<6464xf32, #tpu.memory_space<vmem>>, vector<16xf32>,
    %swap3A_1039 = arith.constant 4208 : index
    %swap3A_1040 = tpu.vector_load %arg7[%swap3A_1039] {strides = array<i32>} : memref<6565xf32, #tpu.memory_space<vmem>>, vector<16xf32>,
    tpu.vector_store %arg7[%swap3A_1039], %get3A_1038 {strides = array<i32>} : memref<6565xf32, #tpu.memory_space<vmem>>, vector<16xf32>,
    %get3A_1041 = arith.constant 4160 : index
    %get3A_1042 = tpu.vector_load %arg6[%get3A_1041] {strides = array<i32>} : memref<6464xf32, #tpu.memory_space<vmem>>, vector<16xf32>,
    %swap3A_1043 = arith.constant 4225 : index
    %swap3A_1044 = tpu.vector_load %arg7[%swap3A_1043] {strides = array<i32>} : memref<6565xf32, #tpu.memory_space<vmem>>, vector<16xf32>,
    tpu.vector_store %arg7[%swap3A_1043], %get3A_1042 {strides = array<i32>} : memref<6565xf32, #tpu.memory_space<vmem>>, vector<16xf32>,
    %get3A_1045 = arith.constant 4176 : index
    %get3A_1046 = tpu.vector_load %arg6[%get3A_1045] {strides = array<i32>} : memref<6464xf32, #tpu.memory_space<vmem>>, vector<16xf32>,
    %swap3A_1047 = arith.constant 4241 : index
    %swap3A_1048 = tpu.vector_load %arg7[%swap3A_1047] {strides = array<i32>} : memref<6565xf32, #tpu.memory_space<vmem>>, vector<16xf32>,
    tpu.vector_store %arg7[%swap3A_1047], %get3A_1046 {strides = array<i32>} : memref<6565xf32, #tpu.memory_space<vmem>>, vector<16xf32>,
    %get3A_1049 = arith.constant 4192 : index
    %get3A_1050 = tpu.vector_load %arg6[%get3A_1049] {strides = array<i32>} : memref<6464xf32, #tpu.memory_space<vmem>>, vector<16xf32>,
    %swap3A_1051 = arith.constant 4257 : index
    %swap3A_1052 = tpu.vector_load %arg7[%swap3A_1051] {strides = array<i32>} : memref<6565xf32, #tpu.memory_space<vmem>>, vector<16xf32>,
    tpu.vector_store %arg7[%swap3A_1051], %get3A_1050 {strides = array<i32>} : memref<6565xf32, #tpu.memory_space<vmem>>, vector<16xf32>,
    %get3A_1053 = arith.constant 4208 : index
    %get3A_1054 = tpu.vector_load %arg6[%get3A_1053] {strides = array<i32>} : memref<6464xf32, #tpu.memory_space<vmem>>, vector<16xf32>,
    %swap3A_1055 = arith.constant 4273 : index
    %swap3A_1056 = tpu.vector_load %arg7[%swap3A_1055] {strides = array<i32>} : memref<6565xf32, #tpu.memory_space<vmem>>, vector<16xf32>,
    tpu.vector_store %arg7[%swap3A_1055], %get3A_1054 {strides = array<i32>} : memref<6565xf32, #tpu.memory_space<vmem>>, vector<16xf32>,
    %get3A_1057 = arith.constant 4224 : index
    %get3A_1058 = tpu.vector_load %arg6[%get3A_1057] {strides = array<i32>} : memref<6464xf32, #tpu.memory_space<vmem>>, vector<16xf32>,
    %swap3A_1059 = arith.constant 4290 : index
    %swap3A_1060 = tpu.vector_load %arg7[%swap3A_1059] {strides = array<i32>} : memref<6565xf32, #tpu.memory_space<vmem>>, vector<16xf32>,
    tpu.vector_store %arg7[%swap3A_1059], %get3A_1058 {strides = array<i32>} : memref<6565xf32, #tpu.memory_space<vmem>>, vector<16xf32>,
    %get3A_1061 = arith.constant 4240 : index
    %get3A_1062 = tpu.vector_load %arg6[%get3A_1061] {strides = array<i32>} : memref<6464xf32, #tpu.memory_space<vmem>>, vector<16xf32>,
    %swap3A_1063 = arith.constant 4306 : index
    %swap3A_1064 = tpu.vector_load %arg7[%swap3A_1063] {strides = array<i32>} : memref<6565xf32, #tpu.memory_space<vmem>>, vector<16xf32>,
    tpu.vector_store %arg7[%swap3A_1063], %get3A_1062 {strides = array<i32>} : memref<6565xf32, #tpu.memory_space<vmem>>, vector<16xf32>,
    %get3A_1065 = arith.constant 4256 : index
    %get3A_1066 = tpu.vector_load %arg6[%get3A_1065] {strides = array<i32>} : memref<6464xf32, #tpu.memory_space<vmem>>, vector<16xf32>,
    %swap3A_1067 = arith.constant 4322 : index
    %swap3A_1068 = tpu.vector_load %arg7[%swap3A_1067] {strides = array<i32>} : memref<6565xf32, #tpu.memory_space<vmem>>, vector<16xf32>,
    tpu.vector_store %arg7[%swap3A_1067], %get3A_1066 {strides = array<i32>} : memref<6565xf32, #tpu.memory_space<vmem>>, vector<16xf32>,
    %get3A_1069 = arith.constant 4272 : index
    %get3A_1070 = tpu.vector_load %arg6[%get3A_1069] {strides = array<i32>} : memref<6464xf32, #tpu.memory_space<vmem>>, vector<16xf32>,
    %swap3A_1071 = arith.constant 4338 : index
    %swap3A_1072 = tpu.vector_load %arg7[%swap3A_1071] {strides = array<i32>} : memref<6565xf32, #tpu.memory_space<vmem>>, vector<16xf32>,
    tpu.vector_store %arg7[%swap3A_1071], %get3A_1070 {strides = array<i32>} : memref<6565xf32, #tpu.memory_space<vmem>>, vector<16xf32>,
    %get3A_1073 = arith.constant 4288 : index
    %get3A_1074 = tpu.vector_load %arg6[%get3A_1073] {strides = array<i32>} : memref<6464xf32, #tpu.memory_space<vmem>>, vector<16xf32>,
    %swap3A_1075 = arith.constant 4355 : index
    %swap3A_1076 = tpu.vector_load %arg7[%swap3A_1075] {strides = array<i32>} : memref<6565xf32, #tpu.memory_space<vmem>>, vector<16xf32>,
    tpu.vector_store %arg7[%swap3A_1075], %get3A_1074 {strides = array<i32>} : memref<6565xf32, #tpu.memory_space<vmem>>, vector<16xf32>,
    %get3A_1077 = arith.constant 4304 : index
    %get3A_1078 = tpu.vector_load %arg6[%get3A_1077] {strides = array<i32>} : memref<6464xf32, #tpu.memory_space<vmem>>, vector<16xf32>,
    %swap3A_1079 = arith.constant 4371 : index
    %swap3A_1080 = tpu.vector_load %arg7[%swap3A_1079] {strides = array<i32>} : memref<6565xf32, #tpu.memory_space<vmem>>, vector<16xf32>,
    tpu.vector_store %arg7[%swap3A_1079], %get3A_1078 {strides = array<i32>} : memref<6565xf32, #tpu.memory_space<vmem>>, vector<16xf32>,
    %get3A_1081 = arith.constant 4320 : index
    %get3A_1082 = tpu.vector_load %arg6[%get3A_1081] {strides = array<i32>} : memref<6464xf32, #tpu.memory_space<vmem>>, vector<16xf32>,
    %swap3A_1083 = arith.constant 4387 : index
    %swap3A_1084 = tpu.vector_load %arg7[%swap3A_1083] {strides = array<i32>} : memref<6565xf32, #tpu.memory_space<vmem>>, vector<16xf32>,
    tpu.vector_store %arg7[%swap3A_1083], %get3A_1082 {strides = array<i32>} : memref<6565xf32, #tpu.memory_space<vmem>>, vector<16xf32>,
    %get3A_1085 = arith.constant 4336 : index
    %get3A_1086 = tpu.vector_load %arg6[%get3A_1085] {strides = array<i32>} : memref<6464xf32, #tpu.memory_space<vmem>>, vector<16xf32>,
    %swap3A_1087 = arith.constant 4403 : index
    %swap3A_1088 = tpu.vector_load %arg7[%swap3A_1087] {strides = array<i32>} : memref<6565xf32, #tpu.memory_space<vmem>>, vector<16xf32>,
    tpu.vector_store %arg7[%swap3A_1087], %get3A_1086 {strides = array<i32>} : memref<6565xf32, #tpu.memory_space<vmem>>, vector<16xf32>,
    %get3A_1089 = arith.constant 4352 : index
    %get3A_1090 = tpu.vector_load %arg6[%get3A_1089] {strides = array<i32>} : memref<6464xf32, #tpu.memory_space<vmem>>, vector<16xf32>,
    %swap3A_1091 = arith.constant 4420 : index
    %swap3A_1092 = tpu.vector_load %arg7[%swap3A_1091] {strides = array<i32>} : memref<6565xf32, #tpu.memory_space<vmem>>, vector<16xf32>,
    tpu.vector_store %arg7[%swap3A_1091], %get3A_1090 {strides = array<i32>} : memref<6565xf32, #tpu.memory_space<vmem>>, vector<16xf32>,
    %get3A_1093 = arith.constant 4368 : index
    %get3A_1094 = tpu.vector_load %arg6[%get3A_1093] {strides = array<i32>} : memref<6464xf32, #tpu.memory_space<vmem>>, vector<16xf32>,
    %swap3A_1095 = arith.constant 4436 : index
    %swap3A_1096 = tpu.vector_load %arg7[%swap3A_1095] {strides = array<i32>} : memref<6565xf32, #tpu.memory_space<vmem>>, vector<16xf32>,
    tpu.vector_store %arg7[%swap3A_1095], %get3A_1094 {strides = array<i32>} : memref<6565xf32, #tpu.memory_space<vmem>>, vector<16xf32>,
    %get3A_1097 = arith.constant 4384 : index
    %get3A_1098 = tpu.vector_load %arg6[%get3A_1097] {strides = array<i32>} : memref<6464xf32, #tpu.memory_space<vmem>>, vector<16xf32>,
    %swap3A_1099 = arith.constant 4452 : index
    %swap3A_1100 = tpu.vector_load %arg7[%swap3A_1099] {strides = array<i32>} : memref<6565xf32, #tpu.memory_space<vmem>>, vector<16xf32>,
    tpu.vector_store %arg7[%swap3A_1099], %get3A_1098 {strides = array<i32>} : memref<6565xf32, #tpu.memory_space<vmem>>, vector<16xf32>,
    %get3A_1101 = arith.constant 4400 : index
    %get3A_1102 = tpu.vector_load %arg6[%get3A_1101] {strides = array<i32>} : memref<6464xf32, #tpu.memory_space<vmem>>, vector<16xf32>,
    %swap3A_1103 = arith.constant 4468 : index
    %swap3A_1104 = tpu.vector_load %arg7[%swap3A_1103] {strides = array<i32>} : memref<6565xf32, #tpu.memory_space<vmem>>, vector<16xf32>,
    tpu.vector_store %arg7[%swap3A_1103], %get3A_1102 {strides = array<i32>} : memref<6565xf32, #tpu.memory_space<vmem>>, vector<16xf32>,
    %get3A_1105 = arith.constant 4416 : index
    %get3A_1106 = tpu.vector_load %arg6[%get3A_1105] {strides = array<i32>} : memref<6464xf32, #tpu.memory_space<vmem>>, vector<16xf32>,
    %swap3A_1107 = arith.constant 4485 : index
    %swap3A_1108 = tpu.vector_load %arg7[%swap3A_1107] {strides = array<i32>} : memref<6565xf32, #tpu.memory_space<vmem>>, vector<16xf32>,
    tpu.vector_store %arg7[%swap3A_1107], %get3A_1106 {strides = array<i32>} : memref<6565xf32, #tpu.memory_space<vmem>>, vector<16xf32>,
    %get3A_1109 = arith.constant 4432 : index
    %get3A_1110 = tpu.vector_load %arg6[%get3A_1109] {strides = array<i32>} : memref<6464xf32, #tpu.memory_space<vmem>>, vector<16xf32>,
    %swap3A_1111 = arith.constant 4501 : index
    %swap3A_1112 = tpu.vector_load %arg7[%swap3A_1111] {strides = array<i32>} : memref<6565xf32, #tpu.memory_space<vmem>>, vector<16xf32>,
    tpu.vector_store %arg7[%swap3A_1111], %get3A_1110 {strides = array<i32>} : memref<6565xf32, #tpu.memory_space<vmem>>, vector<16xf32>,
    %get3A_1113 = arith.constant 4448 : index
    %get3A_1114 = tpu.vector_load %arg6[%get3A_1113] {strides = array<i32>} : memref<6464xf32, #tpu.memory_space<vmem>>, vector<16xf32>,
    %swap3A_1115 = arith.constant 4517 : index
    %swap3A_1116 = tpu.vector_load %arg7[%swap3A_1115] {strides = array<i32>} : memref<6565xf32, #tpu.memory_space<vmem>>, vector<16xf32>,
    tpu.vector_store %arg7[%swap3A_1115], %get3A_1114 {strides = array<i32>} : memref<6565xf32, #tpu.memory_space<vmem>>, vector<16xf32>,
    %get3A_1117 = arith.constant 4464 : index
    %get3A_1118 = tpu.vector_load %arg6[%get3A_1117] {strides = array<i32>} : memref<6464xf32, #tpu.memory_space<vmem>>, vector<16xf32>,
    %swap3A_1119 = arith.constant 4533 : index
    %swap3A_1120 = tpu.vector_load %arg7[%swap3A_1119] {strides = array<i32>} : memref<6565xf32, #tpu.memory_space<vmem>>, vector<16xf32>,
    tpu.vector_store %arg7[%swap3A_1119], %get3A_1118 {strides = array<i32>} : memref<6565xf32, #tpu.memory_space<vmem>>, vector<16xf32>,
    %get3A_1121 = arith.constant 4480 : index
    %get3A_1122 = tpu.vector_load %arg6[%get3A_1121] {strides = array<i32>} : memref<6464xf32, #tpu.memory_space<vmem>>, vector<16xf32>,
    %swap3A_1123 = arith.constant 4550 : index
    %swap3A_1124 = tpu.vector_load %arg7[%swap3A_1123] {strides = array<i32>} : memref<6565xf32, #tpu.memory_space<vmem>>, vector<16xf32>,
    tpu.vector_store %arg7[%swap3A_1123], %get3A_1122 {strides = array<i32>} : memref<6565xf32, #tpu.memory_space<vmem>>, vector<16xf32>,
    %get3A_1125 = arith.constant 4496 : index
    %get3A_1126 = tpu.vector_load %arg6[%get3A_1125] {strides = array<i32>} : memref<6464xf32, #tpu.memory_space<vmem>>, vector<16xf32>,
    %swap3A_1127 = arith.constant 4566 : index
    %swap3A_1128 = tpu.vector_load %arg7[%swap3A_1127] {strides = array<i32>} : memref<6565xf32, #tpu.memory_space<vmem>>, vector<16xf32>,
    tpu.vector_store %arg7[%swap3A_1127], %get3A_1126 {strides = array<i32>} : memref<6565xf32, #tpu.memory_space<vmem>>, vector<16xf32>,
    %get3A_1129 = arith.constant 4512 : index
    %get3A_1130 = tpu.vector_load %arg6[%get3A_1129] {strides = array<i32>} : memref<6464xf32, #tpu.memory_space<vmem>>, vector<16xf32>,
    %swap3A_1131 = arith.constant 4582 : index
    %swap3A_1132 = tpu.vector_load %arg7[%swap3A_1131] {strides = array<i32>} : memref<6565xf32, #tpu.memory_space<vmem>>, vector<16xf32>,
    tpu.vector_store %arg7[%swap3A_1131], %get3A_1130 {strides = array<i32>} : memref<6565xf32, #tpu.memory_space<vmem>>, vector<16xf32>,
    %get3A_1133 = arith.constant 4528 : index
    %get3A_1134 = tpu.vector_load %arg6[%get3A_1133] {strides = array<i32>} : memref<6464xf32, #tpu.memory_space<vmem>>, vector<16xf32>,
    %swap3A_1135 = arith.constant 4598 : index
    %swap3A_1136 = tpu.vector_load %arg7[%swap3A_1135] {strides = array<i32>} : memref<6565xf32, #tpu.memory_space<vmem>>, vector<16xf32>,
    tpu.vector_store %arg7[%swap3A_1135], %get3A_1134 {strides = array<i32>} : memref<6565xf32, #tpu.memory_space<vmem>>, vector<16xf32>,
    %get3A_1137 = arith.constant 4544 : index
    %get3A_1138 = tpu.vector_load %arg6[%get3A_1137] {strides = array<i32>} : memref<6464xf32, #tpu.memory_space<vmem>>, vector<16xf32>,
    %swap3A_1139 = arith.constant 4615 : index
    %swap3A_1140 = tpu.vector_load %arg7[%swap3A_1139] {strides = array<i32>} : memref<6565xf32, #tpu.memory_space<vmem>>, vector<16xf32>,
    tpu.vector_store %arg7[%swap3A_1139], %get3A_1138 {strides = array<i32>} : memref<6565xf32, #tpu.memory_space<vmem>>, vector<16xf32>,
    %get3A_1141 = arith.constant 4560 : index
    %get3A_1142 = tpu.vector_load %arg6[%get3A_1141] {strides = array<i32>} : memref<6464xf32, #tpu.memory_space<vmem>>, vector<16xf32>,
    %swap3A_1143 = arith.constant 4631 : index
    %swap3A_1144 = tpu.vector_load %arg7[%swap3A_1143] {strides = array<i32>} : memref<6565xf32, #tpu.memory_space<vmem>>, vector<16xf32>,
    tpu.vector_store %arg7[%swap3A_1143], %get3A_1142 {strides = array<i32>} : memref<6565xf32, #tpu.memory_space<vmem>>, vector<16xf32>,
    %get3A_1145 = arith.constant 4576 : index
    %get3A_1146 = tpu.vector_load %arg6[%get3A_1145] {strides = array<i32>} : memref<6464xf32, #tpu.memory_space<vmem>>, vector<16xf32>,
    %swap3A_1147 = arith.constant 4647 : index
    %swap3A_1148 = tpu.vector_load %arg7[%swap3A_1147] {strides = array<i32>} : memref<6565xf32, #tpu.memory_space<vmem>>, vector<16xf32>,
    tpu.vector_store %arg7[%swap3A_1147], %get3A_1146 {strides = array<i32>} : memref<6565xf32, #tpu.memory_space<vmem>>, vector<16xf32>,
    %get3A_1149 = arith.constant 4592 : index
    %get3A_1150 = tpu.vector_load %arg6[%get3A_1149] {strides = array<i32>} : memref<6464xf32, #tpu.memory_space<vmem>>, vector<16xf32>,
    %swap3A_1151 = arith.constant 4663 : index
    %swap3A_1152 = tpu.vector_load %arg7[%swap3A_1151] {strides = array<i32>} : memref<6565xf32, #tpu.memory_space<vmem>>, vector<16xf32>,
    tpu.vector_store %arg7[%swap3A_1151], %get3A_1150 {strides = array<i32>} : memref<6565xf32, #tpu.memory_space<vmem>>, vector<16xf32>,
    %get3A_1153 = arith.constant 4608 : index
    %get3A_1154 = tpu.vector_load %arg6[%get3A_1153] {strides = array<i32>} : memref<6464xf32, #tpu.memory_space<vmem>>, vector<16xf32>,
    %swap3A_1155 = arith.constant 4680 : index
    %swap3A_1156 = tpu.vector_load %arg7[%swap3A_1155] {strides = array<i32>} : memref<6565xf32, #tpu.memory_space<vmem>>, vector<16xf32>,
    tpu.vector_store %arg7[%swap3A_1155], %get3A_1154 {strides = array<i32>} : memref<6565xf32, #tpu.memory_space<vmem>>, vector<16xf32>,
    %get3A_1157 = arith.constant 4624 : index
    %get3A_1158 = tpu.vector_load %arg6[%get3A_1157] {strides = array<i32>} : memref<6464xf32, #tpu.memory_space<vmem>>, vector<16xf32>,
    %swap3A_1159 = arith.constant 4696 : index
    %swap3A_1160 = tpu.vector_load %arg7[%swap3A_1159] {strides = array<i32>} : memref<6565xf32, #tpu.memory_space<vmem>>, vector<16xf32>,
    tpu.vector_store %arg7[%swap3A_1159], %get3A_1158 {strides = array<i32>} : memref<6565xf32, #tpu.memory_space<vmem>>, vector<16xf32>,
    %get3A_1161 = arith.constant 4640 : index
    %get3A_1162 = tpu.vector_load %arg6[%get3A_1161] {strides = array<i32>} : memref<6464xf32, #tpu.memory_space<vmem>>, vector<16xf32>,
    %swap3A_1163 = arith.constant 4712 : index
    %swap3A_1164 = tpu.vector_load %arg7[%swap3A_1163] {strides = array<i32>} : memref<6565xf32, #tpu.memory_space<vmem>>, vector<16xf32>,
    tpu.vector_store %arg7[%swap3A_1163], %get3A_1162 {strides = array<i32>} : memref<6565xf32, #tpu.memory_space<vmem>>, vector<16xf32>,
    %get3A_1165 = arith.constant 4656 : index
    %get3A_1166 = tpu.vector_load %arg6[%get3A_1165] {strides = array<i32>} : memref<6464xf32, #tpu.memory_space<vmem>>, vector<16xf32>,
    %swap3A_1167 = arith.constant 4728 : index
    %swap3A_1168 = tpu.vector_load %arg7[%swap3A_1167] {strides = array<i32>} : memref<6565xf32, #tpu.memory_space<vmem>>, vector<16xf32>,
    tpu.vector_store %arg7[%swap3A_1167], %get3A_1166 {strides = array<i32>} : memref<6565xf32, #tpu.memory_space<vmem>>, vector<16xf32>,
    %get3A_1169 = arith.constant 4672 : index
    %get3A_1170 = tpu.vector_load %arg6[%get3A_1169] {strides = array<i32>} : memref<6464xf32, #tpu.memory_space<vmem>>, vector<16xf32>,
    %swap3A_1171 = arith.constant 4745 : index
    %swap3A_1172 = tpu.vector_load %arg7[%swap3A_1171] {strides = array<i32>} : memref<6565xf32, #tpu.memory_space<vmem>>, vector<16xf32>,
    tpu.vector_store %arg7[%swap3A_1171], %get3A_1170 {strides = array<i32>} : memref<6565xf32, #tpu.memory_space<vmem>>, vector<16xf32>,
    %get3A_1173 = arith.constant 4688 : index
    %get3A_1174 = tpu.vector_load %arg6[%get3A_1173] {strides = array<i32>} : memref<6464xf32, #tpu.memory_space<vmem>>, vector<16xf32>,
    %swap3A_1175 = arith.constant 4761 : index
    %swap3A_1176 = tpu.vector_load %arg7[%swap3A_1175] {strides = array<i32>} : memref<6565xf32, #tpu.memory_space<vmem>>, vector<16xf32>,
    tpu.vector_store %arg7[%swap3A_1175], %get3A_1174 {strides = array<i32>} : memref<6565xf32, #tpu.memory_space<vmem>>, vector<16xf32>,
    %get3A_1177 = arith.constant 4704 : index
    %get3A_1178 = tpu.vector_load %arg6[%get3A_1177] {strides = array<i32>} : memref<6464xf32, #tpu.memory_space<vmem>>, vector<16xf32>,
    %swap3A_1179 = arith.constant 4777 : index
    %swap3A_1180 = tpu.vector_load %arg7[%swap3A_1179] {strides = array<i32>} : memref<6565xf32, #tpu.memory_space<vmem>>, vector<16xf32>,
    tpu.vector_store %arg7[%swap3A_1179], %get3A_1178 {strides = array<i32>} : memref<6565xf32, #tpu.memory_space<vmem>>, vector<16xf32>,
    %get3A_1181 = arith.constant 4720 : index
    %get3A_1182 = tpu.vector_load %arg6[%get3A_1181] {strides = array<i32>} : memref<6464xf32, #tpu.memory_space<vmem>>, vector<16xf32>,
    %swap3A_1183 = arith.constant 4793 : index
    %swap3A_1184 = tpu.vector_load %arg7[%swap3A_1183] {strides = array<i32>} : memref<6565xf32, #tpu.memory_space<vmem>>, vector<16xf32>,
    tpu.vector_store %arg7[%swap3A_1183], %get3A_1182 {strides = array<i32>} : memref<6565xf32, #tpu.memory_space<vmem>>, vector<16xf32>,
    %get3A_1185 = arith.constant 4736 : index
    %get3A_1186 = tpu.vector_load %arg6[%get3A_1185] {strides = array<i32>} : memref<6464xf32, #tpu.memory_space<vmem>>, vector<16xf32>,
    %swap3A_1187 = arith.constant 4810 : index
    %swap3A_1188 = tpu.vector_load %arg7[%swap3A_1187] {strides = array<i32>} : memref<6565xf32, #tpu.memory_space<vmem>>, vector<16xf32>,
    tpu.vector_store %arg7[%swap3A_1187], %get3A_1186 {strides = array<i32>} : memref<6565xf32, #tpu.memory_space<vmem>>, vector<16xf32>,
    %get3A_1189 = arith.constant 4752 : index
    %get3A_1190 = tpu.vector_load %arg6[%get3A_1189] {strides = array<i32>} : memref<6464xf32, #tpu.memory_space<vmem>>, vector<16xf32>,
    %swap3A_1191 = arith.constant 4826 : index
    %swap3A_1192 = tpu.vector_load %arg7[%swap3A_1191] {strides = array<i32>} : memref<6565xf32, #tpu.memory_space<vmem>>, vector<16xf32>,
    tpu.vector_store %arg7[%swap3A_1191], %get3A_1190 {strides = array<i32>} : memref<6565xf32, #tpu.memory_space<vmem>>, vector<16xf32>,
    %get3A_1193 = arith.constant 4768 : index
    %get3A_1194 = tpu.vector_load %arg6[%get3A_1193] {strides = array<i32>} : memref<6464xf32, #tpu.memory_space<vmem>>, vector<16xf32>,
    %swap3A_1195 = arith.constant 4842 : index
    %swap3A_1196 = tpu.vector_load %arg7[%swap3A_1195] {strides = array<i32>} : memref<6565xf32, #tpu.memory_space<vmem>>, vector<16xf32>,
    tpu.vector_store %arg7[%swap3A_1195], %get3A_1194 {strides = array<i32>} : memref<6565xf32, #tpu.memory_space<vmem>>, vector<16xf32>,
    %get3A_1197 = arith.constant 4784 : index
    %get3A_1198 = tpu.vector_load %arg6[%get3A_1197] {strides = array<i32>} : memref<6464xf32, #tpu.memory_space<vmem>>, vector<16xf32>,
    %swap3A_1199 = arith.constant 4858 : index
    %swap3A_1200 = tpu.vector_load %arg7[%swap3A_1199] {strides = array<i32>} : memref<6565xf32, #tpu.memory_space<vmem>>, vector<16xf32>,
    tpu.vector_store %arg7[%swap3A_1199], %get3A_1198 {strides = array<i32>} : memref<6565xf32, #tpu.memory_space<vmem>>, vector<16xf32>,
    %get3A_1201 = arith.constant 4800 : index
    %get3A_1202 = tpu.vector_load %arg6[%get3A_1201] {strides = array<i32>} : memref<6464xf32, #tpu.memory_space<vmem>>, vector<16xf32>,
    %swap3A_1203 = arith.constant 4875 : index
    %swap3A_1204 = tpu.vector_load %arg7[%swap3A_1203] {strides = array<i32>} : memref<6565xf32, #tpu.memory_space<vmem>>, vector<16xf32>,
    tpu.vector_store %arg7[%swap3A_1203], %get3A_1202 {strides = array<i32>} : memref<6565xf32, #tpu.memory_space<vmem>>, vector<16xf32>,
    %get3A_1205 = arith.constant 4816 : index
    %get3A_1206 = tpu.vector_load %arg6[%get3A_1205] {strides = array<i32>} : memref<6464xf32, #tpu.memory_space<vmem>>, vector<16xf32>,
    %swap3A_1207 = arith.constant 4891 : index
    %swap3A_1208 = tpu.vector_load %arg7[%swap3A_1207] {strides = array<i32>} : memref<6565xf32, #tpu.memory_space<vmem>>, vector<16xf32>,
    tpu.vector_store %arg7[%swap3A_1207], %get3A_1206 {strides = array<i32>} : memref<6565xf32, #tpu.memory_space<vmem>>, vector<16xf32>,
    %get3A_1209 = arith.constant 4832 : index
    %get3A_1210 = tpu.vector_load %arg6[%get3A_1209] {strides = array<i32>} : memref<6464xf32, #tpu.memory_space<vmem>>, vector<16xf32>,
    %swap3A_1211 = arith.constant 4907 : index
    %swap3A_1212 = tpu.vector_load %arg7[%swap3A_1211] {strides = array<i32>} : memref<6565xf32, #tpu.memory_space<vmem>>, vector<16xf32>,
    tpu.vector_store %arg7[%swap3A_1211], %get3A_1210 {strides = array<i32>} : memref<6565xf32, #tpu.memory_space<vmem>>, vector<16xf32>,
    %get3A_1213 = arith.constant 4848 : index
    %get3A_1214 = tpu.vector_load %arg6[%get3A_1213] {strides = array<i32>} : memref<6464xf32, #tpu.memory_space<vmem>>, vector<16xf32>,
    %swap3A_1215 = arith.constant 4923 : index
    %swap3A_1216 = tpu.vector_load %arg7[%swap3A_1215] {strides = array<i32>} : memref<6565xf32, #tpu.memory_space<vmem>>, vector<16xf32>,
    tpu.vector_store %arg7[%swap3A_1215], %get3A_1214 {strides = array<i32>} : memref<6565xf32, #tpu.memory_space<vmem>>, vector<16xf32>,
    %get3A_1217 = arith.constant 4864 : index
    %get3A_1218 = tpu.vector_load %arg6[%get3A_1217] {strides = array<i32>} : memref<6464xf32, #tpu.memory_space<vmem>>, vector<16xf32>,
    %swap3A_1219 = arith.constant 4940 : index
    %swap3A_1220 = tpu.vector_load %arg7[%swap3A_1219] {strides = array<i32>} : memref<6565xf32, #tpu.memory_space<vmem>>, vector<16xf32>,
    tpu.vector_store %arg7[%swap3A_1219], %get3A_1218 {strides = array<i32>} : memref<6565xf32, #tpu.memory_space<vmem>>, vector<16xf32>,
    %get3A_1221 = arith.constant 4880 : index
    %get3A_1222 = tpu.vector_load %arg6[%get3A_1221] {strides = array<i32>} : memref<6464xf32, #tpu.memory_space<vmem>>, vector<16xf32>,
    %swap3A_1223 = arith.constant 4956 : index
    %swap3A_1224 = tpu.vector_load %arg7[%swap3A_1223] {strides = array<i32>} : memref<6565xf32, #tpu.memory_space<vmem>>, vector<16xf32>,
    tpu.vector_store %arg7[%swap3A_1223], %get3A_1222 {strides = array<i32>} : memref<6565xf32, #tpu.memory_space<vmem>>, vector<16xf32>,
    %get3A_1225 = arith.constant 4896 : index
    %get3A_1226 = tpu.vector_load %arg6[%get3A_1225] {strides = array<i32>} : memref<6464xf32, #tpu.memory_space<vmem>>, vector<16xf32>,
    %swap3A_1227 = arith.constant 4972 : index
    %swap3A_1228 = tpu.vector_load %arg7[%swap3A_1227] {strides = array<i32>} : memref<6565xf32, #tpu.memory_space<vmem>>, vector<16xf32>,
    tpu.vector_store %arg7[%swap3A_1227], %get3A_1226 {strides = array<i32>} : memref<6565xf32, #tpu.memory_space<vmem>>, vector<16xf32>,
    %get3A_1229 = arith.constant 4912 : index
    %get3A_1230 = tpu.vector_load %arg6[%get3A_1229] {strides = array<i32>} : memref<6464xf32, #tpu.memory_space<vmem>>, vector<16xf32>,
    %swap3A_1231 = arith.constant 4988 : index
    %swap3A_1232 = tpu.vector_load %arg7[%swap3A_1231] {strides = array<i32>} : memref<6565xf32, #tpu.memory_space<vmem>>, vector<16xf32>,
    tpu.vector_store %arg7[%swap3A_1231], %get3A_1230 {strides = array<i32>} : memref<6565xf32, #tpu.memory_space<vmem>>, vector<16xf32>,
    %get3A_1233 = arith.constant 4928 : index
    %get3A_1234 = tpu.vector_load %arg6[%get3A_1233] {strides = array<i32>} : memref<6464xf32, #tpu.memory_space<vmem>>, vector<16xf32>,
    %swap3A_1235 = arith.constant 5005 : index
    %swap3A_1236 = tpu.vector_load %arg7[%swap3A_1235] {strides = array<i32>} : memref<6565xf32, #tpu.memory_space<vmem>>, vector<16xf32>,
    tpu.vector_store %arg7[%swap3A_1235], %get3A_1234 {strides = array<i32>} : memref<6565xf32, #tpu.memory_space<vmem>>, vector<16xf32>,
    %get3A_1237 = arith.constant 4944 : index
    %get3A_1238 = tpu.vector_load %arg6[%get3A_1237] {strides = array<i32>} : memref<6464xf32, #tpu.memory_space<vmem>>, vector<16xf32>,
    %swap3A_1239 = arith.constant 5021 : index
    %swap3A_1240 = tpu.vector_load %arg7[%swap3A_1239] {strides = array<i32>} : memref<6565xf32, #tpu.memory_space<vmem>>, vector<16xf32>,
    tpu.vector_store %arg7[%swap3A_1239], %get3A_1238 {strides = array<i32>} : memref<6565xf32, #tpu.memory_space<vmem>>, vector<16xf32>,
    %get3A_1241 = arith.constant 4960 : index
    %get3A_1242 = tpu.vector_load %arg6[%get3A_1241] {strides = array<i32>} : memref<6464xf32, #tpu.memory_space<vmem>>, vector<16xf32>,
    %swap3A_1243 = arith.constant 5037 : index
    %swap3A_1244 = tpu.vector_load %arg7[%swap3A_1243] {strides = array<i32>} : memref<6565xf32, #tpu.memory_space<vmem>>, vector<16xf32>,
    tpu.vector_store %arg7[%swap3A_1243], %get3A_1242 {strides = array<i32>} : memref<6565xf32, #tpu.memory_space<vmem>>, vector<16xf32>,
    %get3A_1245 = arith.constant 4976 : index
    %get3A_1246 = tpu.vector_load %arg6[%get3A_1245] {strides = array<i32>} : memref<6464xf32, #tpu.memory_space<vmem>>, vector<16xf32>,
    %swap3A_1247 = arith.constant 5053 : index
    %swap3A_1248 = tpu.vector_load %arg7[%swap3A_1247] {strides = array<i32>} : memref<6565xf32, #tpu.memory_space<vmem>>, vector<16xf32>,
    tpu.vector_store %arg7[%swap3A_1247], %get3A_1246 {strides = array<i32>} : memref<6565xf32, #tpu.memory_space<vmem>>, vector<16xf32>,
    %get3A_1249 = arith.constant 4992 : index
    %get3A_1250 = tpu.vector_load %arg6[%get3A_1249] {strides = array<i32>} : memref<6464xf32, #tpu.memory_space<vmem>>, vector<16xf32>,
    %swap3A_1251 = arith.constant 5070 : index
    %swap3A_1252 = tpu.vector_load %arg7[%swap3A_1251] {strides = array<i32>} : memref<6565xf32, #tpu.memory_space<vmem>>, vector<16xf32>,
    tpu.vector_store %arg7[%swap3A_1251], %get3A_1250 {strides = array<i32>} : memref<6565xf32, #tpu.memory_space<vmem>>, vector<16xf32>,
    %get3A_1253 = arith.constant 5008 : index
    %get3A_1254 = tpu.vector_load %arg6[%get3A_1253] {strides = array<i32>} : memref<6464xf32, #tpu.memory_space<vmem>>, vector<16xf32>,
    %swap3A_1255 = arith.constant 5086 : index
    %swap3A_1256 = tpu.vector_load %arg7[%swap3A_1255] {strides = array<i32>} : memref<6565xf32, #tpu.memory_space<vmem>>, vector<16xf32>,
    tpu.vector_store %arg7[%swap3A_1255], %get3A_1254 {strides = array<i32>} : memref<6565xf32, #tpu.memory_space<vmem>>, vector<16xf32>,
    %get3A_1257 = arith.constant 5024 : index
    %get3A_1258 = tpu.vector_load %arg6[%get3A_1257] {strides = array<i32>} : memref<6464xf32, #tpu.memory_space<vmem>>, vector<16xf32>,
    %swap3A_1259 = arith.constant 5102 : index
    %swap3A_1260 = tpu.vector_load %arg7[%swap3A_1259] {strides = array<i32>} : memref<6565xf32, #tpu.memory_space<vmem>>, vector<16xf32>,
    tpu.vector_store %arg7[%swap3A_1259], %get3A_1258 {strides = array<i32>} : memref<6565xf32, #tpu.memory_space<vmem>>, vector<16xf32>,
    %get3A_1261 = arith.constant 5040 : index
    %get3A_1262 = tpu.vector_load %arg6[%get3A_1261] {strides = array<i32>} : memref<6464xf32, #tpu.memory_space<vmem>>, vector<16xf32>,
    %swap3A_1263 = arith.constant 5118 : index
    %swap3A_1264 = tpu.vector_load %arg7[%swap3A_1263] {strides = array<i32>} : memref<6565xf32, #tpu.memory_space<vmem>>, vector<16xf32>,
    tpu.vector_store %arg7[%swap3A_1263], %get3A_1262 {strides = array<i32>} : memref<6565xf32, #tpu.memory_space<vmem>>, vector<16xf32>,
    %get3A_1265 = arith.constant 5056 : index
    %get3A_1266 = tpu.vector_load %arg6[%get3A_1265] {strides = array<i32>} : memref<6464xf32, #tpu.memory_space<vmem>>, vector<16xf32>,
    %swap3A_1267 = arith.constant 5135 : index
    %swap3A_1268 = tpu.vector_load %arg7[%swap3A_1267] {strides = array<i32>} : memref<6565xf32, #tpu.memory_space<vmem>>, vector<16xf32>,
    tpu.vector_store %arg7[%swap3A_1267], %get3A_1266 {strides = array<i32>} : memref<6565xf32, #tpu.memory_space<vmem>>, vector<16xf32>,
    %get3A_1269 = arith.constant 5072 : index
    %get3A_1270 = tpu.vector_load %arg6[%get3A_1269] {strides = array<i32>} : memref<6464xf32, #tpu.memory_space<vmem>>, vector<16xf32>,
    %swap3A_1271 = arith.constant 5151 : index
    %swap3A_1272 = tpu.vector_load %arg7[%swap3A_1271] {strides = array<i32>} : memref<6565xf32, #tpu.memory_space<vmem>>, vector<16xf32>,
    tpu.vector_store %arg7[%swap3A_1271], %get3A_1270 {strides = array<i32>} : memref<6565xf32, #tpu.memory_space<vmem>>, vector<16xf32>,
    %get3A_1273 = arith.constant 5088 : index
    %get3A_1274 = tpu.vector_load %arg6[%get3A_1273] {strides = array<i32>} : memref<6464xf32, #tpu.memory_space<vmem>>, vector<16xf32>,
    %swap3A_1275 = arith.constant 5167 : index
    %swap3A_1276 = tpu.vector_load %arg7[%swap3A_1275] {strides = array<i32>} : memref<6565xf32, #tpu.memory_space<vmem>>, vector<16xf32>,
    tpu.vector_store %arg7[%swap3A_1275], %get3A_1274 {strides = array<i32>} : memref<6565xf32, #tpu.memory_space<vmem>>, vector<16xf32>,
    %get3A_1277 = arith.constant 5104 : index
    %get3A_1278 = tpu.vector_load %arg6[%get3A_1277] {strides = array<i32>} : memref<6464xf32, #tpu.memory_space<vmem>>, vector<16xf32>,
    %swap3A_1279 = arith.constant 5183 : index
    %swap3A_1280 = tpu.vector_load %arg7[%swap3A_1279] {strides = array<i32>} : memref<6565xf32, #tpu.memory_space<vmem>>, vector<16xf32>,
    tpu.vector_store %arg7[%swap3A_1279], %get3A_1278 {strides = array<i32>} : memref<6565xf32, #tpu.memory_space<vmem>>, vector<16xf32>,
    %get3A_1281 = arith.constant 5120 : index
    %get3A_1282 = tpu.vector_load %arg6[%get3A_1281] {strides = array<i32>} : memref<6464xf32, #tpu.memory_space<vmem>>, vector<16xf32>,
    %swap3A_1283 = arith.constant 5200 : index
    %swap3A_1284 = tpu.vector_load %arg7[%swap3A_1283] {strides = array<i32>} : memref<6565xf32, #tpu.memory_space<vmem>>, vector<16xf32>,
    tpu.vector_store %arg7[%swap3A_1283], %get3A_1282 {strides = array<i32>} : memref<6565xf32, #tpu.memory_space<vmem>>, vector<16xf32>,
    %get3A_1285 = arith.constant 5136 : index
    %get3A_1286 = tpu.vector_load %arg6[%get3A_1285] {strides = array<i32>} : memref<6464xf32, #tpu.memory_space<vmem>>, vector<16xf32>,
    %swap3A_1287 = arith.constant 5216 : index
    %swap3A_1288 = tpu.vector_load %arg7[%swap3A_1287] {strides = array<i32>} : memref<6565xf32, #tpu.memory_space<vmem>>, vector<16xf32>,
    tpu.vector_store %arg7[%swap3A_1287], %get3A_1286 {strides = array<i32>} : memref<6565xf32, #tpu.memory_space<vmem>>, vector<16xf32>,
    %get3A_1289 = arith.constant 5152 : index
    %get3A_1290 = tpu.vector_load %arg6[%get3A_1289] {strides = array<i32>} : memref<6464xf32, #tpu.memory_space<vmem>>, vector<16xf32>,
    %swap3A_1291 = arith.constant 5232 : index
    %swap3A_1292 = tpu.vector_load %arg7[%swap3A_1291] {strides = array<i32>} : memref<6565xf32, #tpu.memory_space<vmem>>, vector<16xf32>,
    tpu.vector_store %arg7[%swap3A_1291], %get3A_1290 {strides = array<i32>} : memref<6565xf32, #tpu.memory_space<vmem>>, vector<16xf32>,
    %get3A_1293 = arith.constant 5168 : index
    %get3A_1294 = tpu.vector_load %arg6[%get3A_1293] {strides = array<i32>} : memref<6464xf32, #tpu.memory_space<vmem>>, vector<16xf32>,
    %swap3A_1295 = arith.constant 5248 : index
    %swap3A_1296 = tpu.vector_load %arg7[%swap3A_1295] {strides = array<i32>} : memref<6565xf32, #tpu.memory_space<vmem>>, vector<16xf32>,
    tpu.vector_store %arg7[%swap3A_1295], %get3A_1294 {strides = array<i32>} : memref<6565xf32, #tpu.memory_space<vmem>>, vector<16xf32>,
    %get3A_1297 = arith.constant 5184 : index
    %get3A_1298 = tpu.vector_load %arg6[%get3A_1297] {strides = array<i32>} : memref<6464xf32, #tpu.memory_space<vmem>>, vector<16xf32>,
    %swap3A_1299 = arith.constant 5265 : index
    %swap3A_1300 = tpu.vector_load %arg7[%swap3A_1299] {strides = array<i32>} : memref<6565xf32, #tpu.memory_space<vmem>>, vector<16xf32>,
    tpu.vector_store %arg7[%swap3A_1299], %get3A_1298 {strides = array<i32>} : memref<6565xf32, #tpu.memory_space<vmem>>, vector<16xf32>,
    %get3A_1301 = arith.constant 5200 : index
    %get3A_1302 = tpu.vector_load %arg6[%get3A_1301] {strides = array<i32>} : memref<6464xf32, #tpu.memory_space<vmem>>, vector<16xf32>,
    %swap3A_1303 = arith.constant 5281 : index
    %swap3A_1304 = tpu.vector_load %arg7[%swap3A_1303] {strides = array<i32>} : memref<6565xf32, #tpu.memory_space<vmem>>, vector<16xf32>,
    tpu.vector_store %arg7[%swap3A_1303], %get3A_1302 {strides = array<i32>} : memref<6565xf32, #tpu.memory_space<vmem>>, vector<16xf32>,
    %get3A_1305 = arith.constant 5216 : index
    %get3A_1306 = tpu.vector_load %arg6[%get3A_1305] {strides = array<i32>} : memref<6464xf32, #tpu.memory_space<vmem>>, vector<16xf32>,
    %swap3A_1307 = arith.constant 5297 : index
    %swap3A_1308 = tpu.vector_load %arg7[%swap3A_1307] {strides = array<i32>} : memref<6565xf32, #tpu.memory_space<vmem>>, vector<16xf32>,
    tpu.vector_store %arg7[%swap3A_1307], %get3A_1306 {strides = array<i32>} : memref<6565xf32, #tpu.memory_space<vmem>>, vector<16xf32>,
    %get3A_1309 = arith.constant 5232 : index
    %get3A_1310 = tpu.vector_load %arg6[%get3A_1309] {strides = array<i32>} : memref<6464xf32, #tpu.memory_space<vmem>>, vector<16xf32>,
    %swap3A_1311 = arith.constant 5313 : index
    %swap3A_1312 = tpu.vector_load %arg7[%swap3A_1311] {strides = array<i32>} : memref<6565xf32, #tpu.memory_space<vmem>>, vector<16xf32>,
    tpu.vector_store %arg7[%swap3A_1311], %get3A_1310 {strides = array<i32>} : memref<6565xf32, #tpu.memory_space<vmem>>, vector<16xf32>,
    %get3A_1313 = arith.constant 5248 : index
    %get3A_1314 = tpu.vector_load %arg6[%get3A_1313] {strides = array<i32>} : memref<6464xf32, #tpu.memory_space<vmem>>, vector<16xf32>,
    %swap3A_1315 = arith.constant 5330 : index
    %swap3A_1316 = tpu.vector_load %arg7[%swap3A_1315] {strides = array<i32>} : memref<6565xf32, #tpu.memory_space<vmem>>, vector<16xf32>,
    tpu.vector_store %arg7[%swap3A_1315], %get3A_1314 {strides = array<i32>} : memref<6565xf32, #tpu.memory_space<vmem>>, vector<16xf32>,
    %get3A_1317 = arith.constant 5264 : index
    %get3A_1318 = tpu.vector_load %arg6[%get3A_1317] {strides = array<i32>} : memref<6464xf32, #tpu.memory_space<vmem>>, vector<16xf32>,
    %swap3A_1319 = arith.constant 5346 : index
    %swap3A_1320 = tpu.vector_load %arg7[%swap3A_1319] {strides = array<i32>} : memref<6565xf32, #tpu.memory_space<vmem>>, vector<16xf32>,
    tpu.vector_store %arg7[%swap3A_1319], %get3A_1318 {strides = array<i32>} : memref<6565xf32, #tpu.memory_space<vmem>>, vector<16xf32>,
    %get3A_1321 = arith.constant 5280 : index
    %get3A_1322 = tpu.vector_load %arg6[%get3A_1321] {strides = array<i32>} : memref<6464xf32, #tpu.memory_space<vmem>>, vector<16xf32>,
    %swap3A_1323 = arith.constant 5362 : index
    %swap3A_1324 = tpu.vector_load %arg7[%swap3A_1323] {strides = array<i32>} : memref<6565xf32, #tpu.memory_space<vmem>>, vector<16xf32>,
    tpu.vector_store %arg7[%swap3A_1323], %get3A_1322 {strides = array<i32>} : memref<6565xf32, #tpu.memory_space<vmem>>, vector<16xf32>,
    %get3A_1325 = arith.constant 5296 : index
    %get3A_1326 = tpu.vector_load %arg6[%get3A_1325] {strides = array<i32>} : memref<6464xf32, #tpu.memory_space<vmem>>, vector<16xf32>,
    %swap3A_1327 = arith.constant 5378 : index
    %swap3A_1328 = tpu.vector_load %arg7[%swap3A_1327] {strides = array<i32>} : memref<6565xf32, #tpu.memory_space<vmem>>, vector<16xf32>,
    tpu.vector_store %arg7[%swap3A_1327], %get3A_1326 {strides = array<i32>} : memref<6565xf32, #tpu.memory_space<vmem>>, vector<16xf32>,
    %get3A_1329 = arith.constant 5312 : index
    %get3A_1330 = tpu.vector_load %arg6[%get3A_1329] {strides = array<i32>} : memref<6464xf32, #tpu.memory_space<vmem>>, vector<16xf32>,
    %swap3A_1331 = arith.constant 5395 : index
    %swap3A_1332 = tpu.vector_load %arg7[%swap3A_1331] {strides = array<i32>} : memref<6565xf32, #tpu.memory_space<vmem>>, vector<16xf32>,
    tpu.vector_store %arg7[%swap3A_1331], %get3A_1330 {strides = array<i32>} : memref<6565xf32, #tpu.memory_space<vmem>>, vector<16xf32>,
    %get3A_1333 = arith.constant 5328 : index
    %get3A_1334 = tpu.vector_load %arg6[%get3A_1333] {strides = array<i32>} : memref<6464xf32, #tpu.memory_space<vmem>>, vector<16xf32>,
    %swap3A_1335 = arith.constant 5411 : index
    %swap3A_1336 = tpu.vector_load %arg7[%swap3A_1335] {strides = array<i32>} : memref<6565xf32, #tpu.memory_space<vmem>>, vector<16xf32>,
    tpu.vector_store %arg7[%swap3A_1335], %get3A_1334 {strides = array<i32>} : memref<6565xf32, #tpu.memory_space<vmem>>, vector<16xf32>,
    %get3A_1337 = arith.constant 5344 : index
    %get3A_1338 = tpu.vector_load %arg6[%get3A_1337] {strides = array<i32>} : memref<6464xf32, #tpu.memory_space<vmem>>, vector<16xf32>,
    %swap3A_1339 = arith.constant 5427 : index
    %swap3A_1340 = tpu.vector_load %arg7[%swap3A_1339] {strides = array<i32>} : memref<6565xf32, #tpu.memory_space<vmem>>, vector<16xf32>,
    tpu.vector_store %arg7[%swap3A_1339], %get3A_1338 {strides = array<i32>} : memref<6565xf32, #tpu.memory_space<vmem>>, vector<16xf32>,
    %get3A_1341 = arith.constant 5360 : index
    %get3A_1342 = tpu.vector_load %arg6[%get3A_1341] {strides = array<i32>} : memref<6464xf32, #tpu.memory_space<vmem>>, vector<16xf32>,
    %swap3A_1343 = arith.constant 5443 : index
    %swap3A_1344 = tpu.vector_load %arg7[%swap3A_1343] {strides = array<i32>} : memref<6565xf32, #tpu.memory_space<vmem>>, vector<16xf32>,
    tpu.vector_store %arg7[%swap3A_1343], %get3A_1342 {strides = array<i32>} : memref<6565xf32, #tpu.memory_space<vmem>>, vector<16xf32>,
    %get3A_1345 = arith.constant 5376 : index
    %get3A_1346 = tpu.vector_load %arg6[%get3A_1345] {strides = array<i32>} : memref<6464xf32, #tpu.memory_space<vmem>>, vector<16xf32>,
    %swap3A_1347 = arith.constant 5460 : index
    %swap3A_1348 = tpu.vector_load %arg7[%swap3A_1347] {strides = array<i32>} : memref<6565xf32, #tpu.memory_space<vmem>>, vector<16xf32>,
    tpu.vector_store %arg7[%swap3A_1347], %get3A_1346 {strides = array<i32>} : memref<6565xf32, #tpu.memory_space<vmem>>, vector<16xf32>,
    %get3A_1349 = arith.constant 5392 : index
    %get3A_1350 = tpu.vector_load %arg6[%get3A_1349] {strides = array<i32>} : memref<6464xf32, #tpu.memory_space<vmem>>, vector<16xf32>,
    %swap3A_1351 = arith.constant 5476 : index
    %swap3A_1352 = tpu.vector_load %arg7[%swap3A_1351] {strides = array<i32>} : memref<6565xf32, #tpu.memory_space<vmem>>, vector<16xf32>,
    tpu.vector_store %arg7[%swap3A_1351], %get3A_1350 {strides = array<i32>} : memref<6565xf32, #tpu.memory_space<vmem>>, vector<16xf32>,
    %get3A_1353 = arith.constant 5408 : index
    %get3A_1354 = tpu.vector_load %arg6[%get3A_1353] {strides = array<i32>} : memref<6464xf32, #tpu.memory_space<vmem>>, vector<16xf32>,
    %swap3A_1355 = arith.constant 5492 : index
    %swap3A_1356 = tpu.vector_load %arg7[%swap3A_1355] {strides = array<i32>} : memref<6565xf32, #tpu.memory_space<vmem>>, vector<16xf32>,
    tpu.vector_store %arg7[%swap3A_1355], %get3A_1354 {strides = array<i32>} : memref<6565xf32, #tpu.memory_space<vmem>>, vector<16xf32>,
    %get3A_1357 = arith.constant 5424 : index
    %get3A_1358 = tpu.vector_load %arg6[%get3A_1357] {strides = array<i32>} : memref<6464xf32, #tpu.memory_space<vmem>>, vector<16xf32>,
    %swap3A_1359 = arith.constant 5508 : index
    %swap3A_1360 = tpu.vector_load %arg7[%swap3A_1359] {strides = array<i32>} : memref<6565xf32, #tpu.memory_space<vmem>>, vector<16xf32>,
    tpu.vector_store %arg7[%swap3A_1359], %get3A_1358 {strides = array<i32>} : memref<6565xf32, #tpu.memory_space<vmem>>, vector<16xf32>,
    %get3A_1361 = arith.constant 5440 : index
    %get3A_1362 = tpu.vector_load %arg6[%get3A_1361] {strides = array<i32>} : memref<6464xf32, #tpu.memory_space<vmem>>, vector<16xf32>,
    %swap3A_1363 = arith.constant 5525 : index
    %swap3A_1364 = tpu.vector_load %arg7[%swap3A_1363] {strides = array<i32>} : memref<6565xf32, #tpu.memory_space<vmem>>, vector<16xf32>,
    tpu.vector_store %arg7[%swap3A_1363], %get3A_1362 {strides = array<i32>} : memref<6565xf32, #tpu.memory_space<vmem>>, vector<16xf32>,
    %get3A_1365 = arith.constant 5456 : index
    %get3A_1366 = tpu.vector_load %arg6[%get3A_1365] {strides = array<i32>} : memref<6464xf32, #tpu.memory_space<vmem>>, vector<16xf32>,
    %swap3A_1367 = arith.constant 5541 : index
    %swap3A_1368 = tpu.vector_load %arg7[%swap3A_1367] {strides = array<i32>} : memref<6565xf32, #tpu.memory_space<vmem>>, vector<16xf32>,
    tpu.vector_store %arg7[%swap3A_1367], %get3A_1366 {strides = array<i32>} : memref<6565xf32, #tpu.memory_space<vmem>>, vector<16xf32>,
    %get3A_1369 = arith.constant 5472 : index
    %get3A_1370 = tpu.vector_load %arg6[%get3A_1369] {strides = array<i32>} : memref<6464xf32, #tpu.memory_space<vmem>>, vector<16xf32>,
    %swap3A_1371 = arith.constant 5557 : index
    %swap3A_1372 = tpu.vector_load %arg7[%swap3A_1371] {strides = array<i32>} : memref<6565xf32, #tpu.memory_space<vmem>>, vector<16xf32>,
    tpu.vector_store %arg7[%swap3A_1371], %get3A_1370 {strides = array<i32>} : memref<6565xf32, #tpu.memory_space<vmem>>, vector<16xf32>,
    %get3A_1373 = arith.constant 5488 : index
    %get3A_1374 = tpu.vector_load %arg6[%get3A_1373] {strides = array<i32>} : memref<6464xf32, #tpu.memory_space<vmem>>, vector<16xf32>,
    %swap3A_1375 = arith.constant 5573 : index
    %swap3A_1376 = tpu.vector_load %arg7[%swap3A_1375] {strides = array<i32>} : memref<6565xf32, #tpu.memory_space<vmem>>, vector<16xf32>,
    tpu.vector_store %arg7[%swap3A_1375], %get3A_1374 {strides = array<i32>} : memref<6565xf32, #tpu.memory_space<vmem>>, vector<16xf32>,
    %get3A_1377 = arith.constant 5504 : index
    %get3A_1378 = tpu.vector_load %arg6[%get3A_1377] {strides = array<i32>} : memref<6464xf32, #tpu.memory_space<vmem>>, vector<16xf32>,
    %swap3A_1379 = arith.constant 5590 : index
    %swap3A_1380 = tpu.vector_load %arg7[%swap3A_1379] {strides = array<i32>} : memref<6565xf32, #tpu.memory_space<vmem>>, vector<16xf32>,
    tpu.vector_store %arg7[%swap3A_1379], %get3A_1378 {strides = array<i32>} : memref<6565xf32, #tpu.memory_space<vmem>>, vector<16xf32>,
    %get3A_1381 = arith.constant 5520 : index
    %get3A_1382 = tpu.vector_load %arg6[%get3A_1381] {strides = array<i32>} : memref<6464xf32, #tpu.memory_space<vmem>>, vector<16xf32>,
    %swap3A_1383 = arith.constant 5606 : index
    %swap3A_1384 = tpu.vector_load %arg7[%swap3A_1383] {strides = array<i32>} : memref<6565xf32, #tpu.memory_space<vmem>>, vector<16xf32>,
    tpu.vector_store %arg7[%swap3A_1383], %get3A_1382 {strides = array<i32>} : memref<6565xf32, #tpu.memory_space<vmem>>, vector<16xf32>,
    %get3A_1385 = arith.constant 5536 : index
    %get3A_1386 = tpu.vector_load %arg6[%get3A_1385] {strides = array<i32>} : memref<6464xf32, #tpu.memory_space<vmem>>, vector<16xf32>,
    %swap3A_1387 = arith.constant 5622 : index
    %swap3A_1388 = tpu.vector_load %arg7[%swap3A_1387] {strides = array<i32>} : memref<6565xf32, #tpu.memory_space<vmem>>, vector<16xf32>,
    tpu.vector_store %arg7[%swap3A_1387], %get3A_1386 {strides = array<i32>} : memref<6565xf32, #tpu.memory_space<vmem>>, vector<16xf32>,
    %get3A_1389 = arith.constant 5552 : index
    %get3A_1390 = tpu.vector_load %arg6[%get3A_1389] {strides = array<i32>} : memref<6464xf32, #tpu.memory_space<vmem>>, vector<16xf32>,
    %swap3A_1391 = arith.constant 5638 : index
    %swap3A_1392 = tpu.vector_load %arg7[%swap3A_1391] {strides = array<i32>} : memref<6565xf32, #tpu.memory_space<vmem>>, vector<16xf32>,
    tpu.vector_store %arg7[%swap3A_1391], %get3A_1390 {strides = array<i32>} : memref<6565xf32, #tpu.memory_space<vmem>>, vector<16xf32>,
    %get3A_1393 = arith.constant 5568 : index
    %get3A_1394 = tpu.vector_load %arg6[%get3A_1393] {strides = array<i32>} : memref<6464xf32, #tpu.memory_space<vmem>>, vector<16xf32>,
    %swap3A_1395 = arith.constant 5655 : index
    %swap3A_1396 = tpu.vector_load %arg7[%swap3A_1395] {strides = array<i32>} : memref<6565xf32, #tpu.memory_space<vmem>>, vector<16xf32>,
    tpu.vector_store %arg7[%swap3A_1395], %get3A_1394 {strides = array<i32>} : memref<6565xf32, #tpu.memory_space<vmem>>, vector<16xf32>,
    %get3A_1397 = arith.constant 5584 : index
    %get3A_1398 = tpu.vector_load %arg6[%get3A_1397] {strides = array<i32>} : memref<6464xf32, #tpu.memory_space<vmem>>, vector<16xf32>,
    %swap3A_1399 = arith.constant 5671 : index
    %swap3A_1400 = tpu.vector_load %arg7[%swap3A_1399] {strides = array<i32>} : memref<6565xf32, #tpu.memory_space<vmem>>, vector<16xf32>,
    tpu.vector_store %arg7[%swap3A_1399], %get3A_1398 {strides = array<i32>} : memref<6565xf32, #tpu.memory_space<vmem>>, vector<16xf32>,
    %get3A_1401 = arith.constant 5600 : index
    %get3A_1402 = tpu.vector_load %arg6[%get3A_1401] {strides = array<i32>} : memref<6464xf32, #tpu.memory_space<vmem>>, vector<16xf32>,
    %swap3A_1403 = arith.constant 5687 : index
    %swap3A_1404 = tpu.vector_load %arg7[%swap3A_1403] {strides = array<i32>} : memref<6565xf32, #tpu.memory_space<vmem>>, vector<16xf32>,
    tpu.vector_store %arg7[%swap3A_1403], %get3A_1402 {strides = array<i32>} : memref<6565xf32, #tpu.memory_space<vmem>>, vector<16xf32>,
    %get3A_1405 = arith.constant 5616 : index
    %get3A_1406 = tpu.vector_load %arg6[%get3A_1405] {strides = array<i32>} : memref<6464xf32, #tpu.memory_space<vmem>>, vector<16xf32>,
    %swap3A_1407 = arith.constant 5703 : index
    %swap3A_1408 = tpu.vector_load %arg7[%swap3A_1407] {strides = array<i32>} : memref<6565xf32, #tpu.memory_space<vmem>>, vector<16xf32>,
    tpu.vector_store %arg7[%swap3A_1407], %get3A_1406 {strides = array<i32>} : memref<6565xf32, #tpu.memory_space<vmem>>, vector<16xf32>,
    %get3A_1409 = arith.constant 5632 : index
    %get3A_1410 = tpu.vector_load %arg6[%get3A_1409] {strides = array<i32>} : memref<6464xf32, #tpu.memory_space<vmem>>, vector<16xf32>,
    %swap3A_1411 = arith.constant 5720 : index
    %swap3A_1412 = tpu.vector_load %arg7[%swap3A_1411] {strides = array<i32>} : memref<6565xf32, #tpu.memory_space<vmem>>, vector<16xf32>,
    tpu.vector_store %arg7[%swap3A_1411], %get3A_1410 {strides = array<i32>} : memref<6565xf32, #tpu.memory_space<vmem>>, vector<16xf32>,
    %get3A_1413 = arith.constant 5648 : index
    %get3A_1414 = tpu.vector_load %arg6[%get3A_1413] {strides = array<i32>} : memref<6464xf32, #tpu.memory_space<vmem>>, vector<16xf32>,
    %swap3A_1415 = arith.constant 5736 : index
    %swap3A_1416 = tpu.vector_load %arg7[%swap3A_1415] {strides = array<i32>} : memref<6565xf32, #tpu.memory_space<vmem>>, vector<16xf32>,
    tpu.vector_store %arg7[%swap3A_1415], %get3A_1414 {strides = array<i32>} : memref<6565xf32, #tpu.memory_space<vmem>>, vector<16xf32>,
    %get3A_1417 = arith.constant 5664 : index
    %get3A_1418 = tpu.vector_load %arg6[%get3A_1417] {strides = array<i32>} : memref<6464xf32, #tpu.memory_space<vmem>>, vector<16xf32>,
    %swap3A_1419 = arith.constant 5752 : index
    %swap3A_1420 = tpu.vector_load %arg7[%swap3A_1419] {strides = array<i32>} : memref<6565xf32, #tpu.memory_space<vmem>>, vector<16xf32>,
    tpu.vector_store %arg7[%swap3A_1419], %get3A_1418 {strides = array<i32>} : memref<6565xf32, #tpu.memory_space<vmem>>, vector<16xf32>,
    %get3A_1421 = arith.constant 5680 : index
    %get3A_1422 = tpu.vector_load %arg6[%get3A_1421] {strides = array<i32>} : memref<6464xf32, #tpu.memory_space<vmem>>, vector<16xf32>,
    %swap3A_1423 = arith.constant 5768 : index
    %swap3A_1424 = tpu.vector_load %arg7[%swap3A_1423] {strides = array<i32>} : memref<6565xf32, #tpu.memory_space<vmem>>, vector<16xf32>,
    tpu.vector_store %arg7[%swap3A_1423], %get3A_1422 {strides = array<i32>} : memref<6565xf32, #tpu.memory_space<vmem>>, vector<16xf32>,
    %get3A_1425 = arith.constant 5696 : index
    %get3A_1426 = tpu.vector_load %arg6[%get3A_1425] {strides = array<i32>} : memref<6464xf32, #tpu.memory_space<vmem>>, vector<16xf32>,
    %swap3A_1427 = arith.constant 5785 : index
    %swap3A_1428 = tpu.vector_load %arg7[%swap3A_1427] {strides = array<i32>} : memref<6565xf32, #tpu.memory_space<vmem>>, vector<16xf32>,
    tpu.vector_store %arg7[%swap3A_1427], %get3A_1426 {strides = array<i32>} : memref<6565xf32, #tpu.memory_space<vmem>>, vector<16xf32>,
    %get3A_1429 = arith.constant 5712 : index
    %get3A_1430 = tpu.vector_load %arg6[%get3A_1429] {strides = array<i32>} : memref<6464xf32, #tpu.memory_space<vmem>>, vector<16xf32>,
    %swap3A_1431 = arith.constant 5801 : index
    %swap3A_1432 = tpu.vector_load %arg7[%swap3A_1431] {strides = array<i32>} : memref<6565xf32, #tpu.memory_space<vmem>>, vector<16xf32>,
    tpu.vector_store %arg7[%swap3A_1431], %get3A_1430 {strides = array<i32>} : memref<6565xf32, #tpu.memory_space<vmem>>, vector<16xf32>,
    %get3A_1433 = arith.constant 5728 : index
    %get3A_1434 = tpu.vector_load %arg6[%get3A_1433] {strides = array<i32>} : memref<6464xf32, #tpu.memory_space<vmem>>, vector<16xf32>,
    %swap3A_1435 = arith.constant 5817 : index
    %swap3A_1436 = tpu.vector_load %arg7[%swap3A_1435] {strides = array<i32>} : memref<6565xf32, #tpu.memory_space<vmem>>, vector<16xf32>,
    tpu.vector_store %arg7[%swap3A_1435], %get3A_1434 {strides = array<i32>} : memref<6565xf32, #tpu.memory_space<vmem>>, vector<16xf32>,
    %get3A_1437 = arith.constant 5744 : index
    %get3A_1438 = tpu.vector_load %arg6[%get3A_1437] {strides = array<i32>} : memref<6464xf32, #tpu.memory_space<vmem>>, vector<16xf32>,
    %swap3A_1439 = arith.constant 5833 : index
    %swap3A_1440 = tpu.vector_load %arg7[%swap3A_1439] {strides = array<i32>} : memref<6565xf32, #tpu.memory_space<vmem>>, vector<16xf32>,
    tpu.vector_store %arg7[%swap3A_1439], %get3A_1438 {strides = array<i32>} : memref<6565xf32, #tpu.memory_space<vmem>>, vector<16xf32>,
    %get3A_1441 = arith.constant 5760 : index
    %get3A_1442 = tpu.vector_load %arg6[%get3A_1441] {strides = array<i32>} : memref<6464xf32, #tpu.memory_space<vmem>>, vector<16xf32>,
    %swap3A_1443 = arith.constant 5850 : index
    %swap3A_1444 = tpu.vector_load %arg7[%swap3A_1443] {strides = array<i32>} : memref<6565xf32, #tpu.memory_space<vmem>>, vector<16xf32>,
    tpu.vector_store %arg7[%swap3A_1443], %get3A_1442 {strides = array<i32>} : memref<6565xf32, #tpu.memory_space<vmem>>, vector<16xf32>,
    %get3A_1445 = arith.constant 5776 : index
    %get3A_1446 = tpu.vector_load %arg6[%get3A_1445] {strides = array<i32>} : memref<6464xf32, #tpu.memory_space<vmem>>, vector<16xf32>,
    %swap3A_1447 = arith.constant 5866 : index
    %swap3A_1448 = tpu.vector_load %arg7[%swap3A_1447] {strides = array<i32>} : memref<6565xf32, #tpu.memory_space<vmem>>, vector<16xf32>,
    tpu.vector_store %arg7[%swap3A_1447], %get3A_1446 {strides = array<i32>} : memref<6565xf32, #tpu.memory_space<vmem>>, vector<16xf32>,
    %get3A_1449 = arith.constant 5792 : index
    %get3A_1450 = tpu.vector_load %arg6[%get3A_1449] {strides = array<i32>} : memref<6464xf32, #tpu.memory_space<vmem>>, vector<16xf32>,
    %swap3A_1451 = arith.constant 5882 : index
    %swap3A_1452 = tpu.vector_load %arg7[%swap3A_1451] {strides = array<i32>} : memref<6565xf32, #tpu.memory_space<vmem>>, vector<16xf32>,
    tpu.vector_store %arg7[%swap3A_1451], %get3A_1450 {strides = array<i32>} : memref<6565xf32, #tpu.memory_space<vmem>>, vector<16xf32>,
    %get3A_1453 = arith.constant 5808 : index
    %get3A_1454 = tpu.vector_load %arg6[%get3A_1453] {strides = array<i32>} : memref<6464xf32, #tpu.memory_space<vmem>>, vector<16xf32>,
    %swap3A_1455 = arith.constant 5898 : index
    %swap3A_1456 = tpu.vector_load %arg7[%swap3A_1455] {strides = array<i32>} : memref<6565xf32, #tpu.memory_space<vmem>>, vector<16xf32>,
    tpu.vector_store %arg7[%swap3A_1455], %get3A_1454 {strides = array<i32>} : memref<6565xf32, #tpu.memory_space<vmem>>, vector<16xf32>,
    %get3A_1457 = arith.constant 5824 : index
    %get3A_1458 = tpu.vector_load %arg6[%get3A_1457] {strides = array<i32>} : memref<6464xf32, #tpu.memory_space<vmem>>, vector<16xf32>,
    %swap3A_1459 = arith.constant 5915 : index
    %swap3A_1460 = tpu.vector_load %arg7[%swap3A_1459] {strides = array<i32>} : memref<6565xf32, #tpu.memory_space<vmem>>, vector<16xf32>,
    tpu.vector_store %arg7[%swap3A_1459], %get3A_1458 {strides = array<i32>} : memref<6565xf32, #tpu.memory_space<vmem>>, vector<16xf32>,
    %get3A_1461 = arith.constant 5840 : index
    %get3A_1462 = tpu.vector_load %arg6[%get3A_1461] {strides = array<i32>} : memref<6464xf32, #tpu.memory_space<vmem>>, vector<16xf32>,
    %swap3A_1463 = arith.constant 5931 : index
    %swap3A_1464 = tpu.vector_load %arg7[%swap3A_1463] {strides = array<i32>} : memref<6565xf32, #tpu.memory_space<vmem>>, vector<16xf32>,
    tpu.vector_store %arg7[%swap3A_1463], %get3A_1462 {strides = array<i32>} : memref<6565xf32, #tpu.memory_space<vmem>>, vector<16xf32>,
    %get3A_1465 = arith.constant 5856 : index
    %get3A_1466 = tpu.vector_load %arg6[%get3A_1465] {strides = array<i32>} : memref<6464xf32, #tpu.memory_space<vmem>>, vector<16xf32>,
    %swap3A_1467 = arith.constant 5947 : index
    %swap3A_1468 = tpu.vector_load %arg7[%swap3A_1467] {strides = array<i32>} : memref<6565xf32, #tpu.memory_space<vmem>>, vector<16xf32>,
    tpu.vector_store %arg7[%swap3A_1467], %get3A_1466 {strides = array<i32>} : memref<6565xf32, #tpu.memory_space<vmem>>, vector<16xf32>,
    %get3A_1469 = arith.constant 5872 : index
    %get3A_1470 = tpu.vector_load %arg6[%get3A_1469] {strides = array<i32>} : memref<6464xf32, #tpu.memory_space<vmem>>, vector<16xf32>,
    %swap3A_1471 = arith.constant 5963 : index
    %swap3A_1472 = tpu.vector_load %arg7[%swap3A_1471] {strides = array<i32>} : memref<6565xf32, #tpu.memory_space<vmem>>, vector<16xf32>,
    tpu.vector_store %arg7[%swap3A_1471], %get3A_1470 {strides = array<i32>} : memref<6565xf32, #tpu.memory_space<vmem>>, vector<16xf32>,
    %get3A_1473 = arith.constant 5888 : index
    %get3A_1474 = tpu.vector_load %arg6[%get3A_1473] {strides = array<i32>} : memref<6464xf32, #tpu.memory_space<vmem>>, vector<16xf32>,
    %swap3A_1475 = arith.constant 5980 : index
    %swap3A_1476 = tpu.vector_load %arg7[%swap3A_1475] {strides = array<i32>} : memref<6565xf32, #tpu.memory_space<vmem>>, vector<16xf32>,
    tpu.vector_store %arg7[%swap3A_1475], %get3A_1474 {strides = array<i32>} : memref<6565xf32, #tpu.memory_space<vmem>>, vector<16xf32>,
    %get3A_1477 = arith.constant 5904 : index
    %get3A_1478 = tpu.vector_load %arg6[%get3A_1477] {strides = array<i32>} : memref<6464xf32, #tpu.memory_space<vmem>>, vector<16xf32>,
    %swap3A_1479 = arith.constant 5996 : index
    %swap3A_1480 = tpu.vector_load %arg7[%swap3A_1479] {strides = array<i32>} : memref<6565xf32, #tpu.memory_space<vmem>>, vector<16xf32>,
    tpu.vector_store %arg7[%swap3A_1479], %get3A_1478 {strides = array<i32>} : memref<6565xf32, #tpu.memory_space<vmem>>, vector<16xf32>,
    %get3A_1481 = arith.constant 5920 : index
    %get3A_1482 = tpu.vector_load %arg6[%get3A_1481] {strides = array<i32>} : memref<6464xf32, #tpu.memory_space<vmem>>, vector<16xf32>,
    %swap3A_1483 = arith.constant 6012 : index
    %swap3A_1484 = tpu.vector_load %arg7[%swap3A_1483] {strides = array<i32>} : memref<6565xf32, #tpu.memory_space<vmem>>, vector<16xf32>,
    tpu.vector_store %arg7[%swap3A_1483], %get3A_1482 {strides = array<i32>} : memref<6565xf32, #tpu.memory_space<vmem>>, vector<16xf32>,
    %get3A_1485 = arith.constant 5936 : index
    %get3A_1486 = tpu.vector_load %arg6[%get3A_1485] {strides = array<i32>} : memref<6464xf32, #tpu.memory_space<vmem>>, vector<16xf32>,
    %swap3A_1487 = arith.constant 6028 : index
    %swap3A_1488 = tpu.vector_load %arg7[%swap3A_1487] {strides = array<i32>} : memref<6565xf32, #tpu.memory_space<vmem>>, vector<16xf32>,
    tpu.vector_store %arg7[%swap3A_1487], %get3A_1486 {strides = array<i32>} : memref<6565xf32, #tpu.memory_space<vmem>>, vector<16xf32>,
    %get3A_1489 = arith.constant 5952 : index
    %get3A_1490 = tpu.vector_load %arg6[%get3A_1489] {strides = array<i32>} : memref<6464xf32, #tpu.memory_space<vmem>>, vector<16xf32>,
    %swap3A_1491 = arith.constant 6045 : index
    %swap3A_1492 = tpu.vector_load %arg7[%swap3A_1491] {strides = array<i32>} : memref<6565xf32, #tpu.memory_space<vmem>>, vector<16xf32>,
    tpu.vector_store %arg7[%swap3A_1491], %get3A_1490 {strides = array<i32>} : memref<6565xf32, #tpu.memory_space<vmem>>, vector<16xf32>,
    %get3A_1493 = arith.constant 5968 : index
    %get3A_1494 = tpu.vector_load %arg6[%get3A_1493] {strides = array<i32>} : memref<6464xf32, #tpu.memory_space<vmem>>, vector<16xf32>,
    %swap3A_1495 = arith.constant 6061 : index
    %swap3A_1496 = tpu.vector_load %arg7[%swap3A_1495] {strides = array<i32>} : memref<6565xf32, #tpu.memory_space<vmem>>, vector<16xf32>,
    tpu.vector_store %arg7[%swap3A_1495], %get3A_1494 {strides = array<i32>} : memref<6565xf32, #tpu.memory_space<vmem>>, vector<16xf32>,
    %get3A_1497 = arith.constant 5984 : index
    %get3A_1498 = tpu.vector_load %arg6[%get3A_1497] {strides = array<i32>} : memref<6464xf32, #tpu.memory_space<vmem>>, vector<16xf32>,
    %swap3A_1499 = arith.constant 6077 : index
    %swap3A_1500 = tpu.vector_load %arg7[%swap3A_1499] {strides = array<i32>} : memref<6565xf32, #tpu.memory_space<vmem>>, vector<16xf32>,
    tpu.vector_store %arg7[%swap3A_1499], %get3A_1498 {strides = array<i32>} : memref<6565xf32, #tpu.memory_space<vmem>>, vector<16xf32>,
    %get3A_1501 = arith.constant 6000 : index
    %get3A_1502 = tpu.vector_load %arg6[%get3A_1501] {strides = array<i32>} : memref<6464xf32, #tpu.memory_space<vmem>>, vector<16xf32>,
    %swap3A_1503 = arith.constant 6093 : index
    %swap3A_1504 = tpu.vector_load %arg7[%swap3A_1503] {strides = array<i32>} : memref<6565xf32, #tpu.memory_space<vmem>>, vector<16xf32>,
    tpu.vector_store %arg7[%swap3A_1503], %get3A_1502 {strides = array<i32>} : memref<6565xf32, #tpu.memory_space<vmem>>, vector<16xf32>,
    %get3A_1505 = arith.constant 6016 : index
    %get3A_1506 = tpu.vector_load %arg6[%get3A_1505] {strides = array<i32>} : memref<6464xf32, #tpu.memory_space<vmem>>, vector<16xf32>,
    %swap3A_1507 = arith.constant 6110 : index
    %swap3A_1508 = tpu.vector_load %arg7[%swap3A_1507] {strides = array<i32>} : memref<6565xf32, #tpu.memory_space<vmem>>, vector<16xf32>,
    tpu.vector_store %arg7[%swap3A_1507], %get3A_1506 {strides = array<i32>} : memref<6565xf32, #tpu.memory_space<vmem>>, vector<16xf32>,
    %get3A_1509 = arith.constant 6032 : index
    %get3A_1510 = tpu.vector_load %arg6[%get3A_1509] {strides = array<i32>} : memref<6464xf32, #tpu.memory_space<vmem>>, vector<16xf32>,
    %swap3A_1511 = arith.constant 6126 : index
    %swap3A_1512 = tpu.vector_load %arg7[%swap3A_1511] {strides = array<i32>} : memref<6565xf32, #tpu.memory_space<vmem>>, vector<16xf32>,
    tpu.vector_store %arg7[%swap3A_1511], %get3A_1510 {strides = array<i32>} : memref<6565xf32, #tpu.memory_space<vmem>>, vector<16xf32>,
    %get3A_1513 = arith.constant 6048 : index
    %get3A_1514 = tpu.vector_load %arg6[%get3A_1513] {strides = array<i32>} : memref<6464xf32, #tpu.memory_space<vmem>>, vector<16xf32>,
    %swap3A_1515 = arith.constant 6142 : index
    %swap3A_1516 = tpu.vector_load %arg7[%swap3A_1515] {strides = array<i32>} : memref<6565xf32, #tpu.memory_space<vmem>>, vector<16xf32>,
    tpu.vector_store %arg7[%swap3A_1515], %get3A_1514 {strides = array<i32>} : memref<6565xf32, #tpu.memory_space<vmem>>, vector<16xf32>,
    %get3A_1517 = arith.constant 6064 : index
    %get3A_1518 = tpu.vector_load %arg6[%get3A_1517] {strides = array<i32>} : memref<6464xf32, #tpu.memory_space<vmem>>, vector<16xf32>,
    %swap3A_1519 = arith.constant 6158 : index
    %swap3A_1520 = tpu.vector_load %arg7[%swap3A_1519] {strides = array<i32>} : memref<6565xf32, #tpu.memory_space<vmem>>, vector<16xf32>,
    tpu.vector_store %arg7[%swap3A_1519], %get3A_1518 {strides = array<i32>} : memref<6565xf32, #tpu.memory_space<vmem>>, vector<16xf32>,
    %get3A_1521 = arith.constant 6080 : index
    %get3A_1522 = tpu.vector_load %arg6[%get3A_1521] {strides = array<i32>} : memref<6464xf32, #tpu.memory_space<vmem>>, vector<16xf32>,
    %swap3A_1523 = arith.constant 6175 : index
    %swap3A_1524 = tpu.vector_load %arg7[%swap3A_1523] {strides = array<i32>} : memref<6565xf32, #tpu.memory_space<vmem>>, vector<16xf32>,
    tpu.vector_store %arg7[%swap3A_1523], %get3A_1522 {strides = array<i32>} : memref<6565xf32, #tpu.memory_space<vmem>>, vector<16xf32>,
    %get3A_1525 = arith.constant 6096 : index
    %get3A_1526 = tpu.vector_load %arg6[%get3A_1525] {strides = array<i32>} : memref<6464xf32, #tpu.memory_space<vmem>>, vector<16xf32>,
    %swap3A_1527 = arith.constant 6191 : index
    %swap3A_1528 = tpu.vector_load %arg7[%swap3A_1527] {strides = array<i32>} : memref<6565xf32, #tpu.memory_space<vmem>>, vector<16xf32>,
    tpu.vector_store %arg7[%swap3A_1527], %get3A_1526 {strides = array<i32>} : memref<6565xf32, #tpu.memory_space<vmem>>, vector<16xf32>,
    %get3A_1529 = arith.constant 6112 : index
    %get3A_1530 = tpu.vector_load %arg6[%get3A_1529] {strides = array<i32>} : memref<6464xf32, #tpu.memory_space<vmem>>, vector<16xf32>,
    %swap3A_1531 = arith.constant 6207 : index
    %swap3A_1532 = tpu.vector_load %arg7[%swap3A_1531] {strides = array<i32>} : memref<6565xf32, #tpu.memory_space<vmem>>, vector<16xf32>,
    tpu.vector_store %arg7[%swap3A_1531], %get3A_1530 {strides = array<i32>} : memref<6565xf32, #tpu.memory_space<vmem>>, vector<16xf32>,
    %get3A_1533 = arith.constant 6128 : index
    %get3A_1534 = tpu.vector_load %arg6[%get3A_1533] {strides = array<i32>} : memref<6464xf32, #tpu.memory_space<vmem>>, vector<16xf32>,
    %swap3A_1535 = arith.constant 6223 : index
    %swap3A_1536 = tpu.vector_load %arg7[%swap3A_1535] {strides = array<i32>} : memref<6565xf32, #tpu.memory_space<vmem>>, vector<16xf32>,
    tpu.vector_store %arg7[%swap3A_1535], %get3A_1534 {strides = array<i32>} : memref<6565xf32, #tpu.memory_space<vmem>>, vector<16xf32>,
    %get3A_1537 = arith.constant 6144 : index
    %get3A_1538 = tpu.vector_load %arg6[%get3A_1537] {strides = array<i32>} : memref<6464xf32, #tpu.memory_space<vmem>>, vector<16xf32>,
    %swap3A_1539 = arith.constant 6240 : index
    %swap3A_1540 = tpu.vector_load %arg7[%swap3A_1539] {strides = array<i32>} : memref<6565xf32, #tpu.memory_space<vmem>>, vector<16xf32>,
    tpu.vector_store %arg7[%swap3A_1539], %get3A_1538 {strides = array<i32>} : memref<6565xf32, #tpu.memory_space<vmem>>, vector<16xf32>,
    %get3A_1541 = arith.constant 6160 : index
    %get3A_1542 = tpu.vector_load %arg6[%get3A_1541] {strides = array<i32>} : memref<6464xf32, #tpu.memory_space<vmem>>, vector<16xf32>,
    %swap3A_1543 = arith.constant 6256 : index
    %swap3A_1544 = tpu.vector_load %arg7[%swap3A_1543] {strides = array<i32>} : memref<6565xf32, #tpu.memory_space<vmem>>, vector<16xf32>,
    tpu.vector_store %arg7[%swap3A_1543], %get3A_1542 {strides = array<i32>} : memref<6565xf32, #tpu.memory_space<vmem>>, vector<16xf32>,
    %get3A_1545 = arith.constant 6176 : index
    %get3A_1546 = tpu.vector_load %arg6[%get3A_1545] {strides = array<i32>} : memref<6464xf32, #tpu.memory_space<vmem>>, vector<16xf32>,
    %swap3A_1547 = arith.constant 6272 : index
    %swap3A_1548 = tpu.vector_load %arg7[%swap3A_1547] {strides = array<i32>} : memref<6565xf32, #tpu.memory_space<vmem>>, vector<16xf32>,
    tpu.vector_store %arg7[%swap3A_1547], %get3A_1546 {strides = array<i32>} : memref<6565xf32, #tpu.memory_space<vmem>>, vector<16xf32>,
    %get3A_1549 = arith.constant 6192 : index
    %get3A_1550 = tpu.vector_load %arg6[%get3A_1549] {strides = array<i32>} : memref<6464xf32, #tpu.memory_space<vmem>>, vector<16xf32>,
    %swap3A_1551 = arith.constant 6288 : index
    %swap3A_1552 = tpu.vector_load %arg7[%swap3A_1551] {strides = array<i32>} : memref<6565xf32, #tpu.memory_space<vmem>>, vector<16xf32>,
    tpu.vector_store %arg7[%swap3A_1551], %get3A_1550 {strides = array<i32>} : memref<6565xf32, #tpu.memory_space<vmem>>, vector<16xf32>,
    %get3A_1553 = arith.constant 6208 : index
    %get3A_1554 = tpu.vector_load %arg6[%get3A_1553] {strides = array<i32>} : memref<6464xf32, #tpu.memory_space<vmem>>, vector<16xf32>,
    %swap3A_1555 = arith.constant 6305 : index
    %swap3A_1556 = tpu.vector_load %arg7[%swap3A_1555] {strides = array<i32>} : memref<6565xf32, #tpu.memory_space<vmem>>, vector<16xf32>,
    tpu.vector_store %arg7[%swap3A_1555], %get3A_1554 {strides = array<i32>} : memref<6565xf32, #tpu.memory_space<vmem>>, vector<16xf32>,
    %get3A_1557 = arith.constant 6224 : index
    %get3A_1558 = tpu.vector_load %arg6[%get3A_1557] {strides = array<i32>} : memref<6464xf32, #tpu.memory_space<vmem>>, vector<16xf32>,
    %swap3A_1559 = arith.constant 6321 : index
    %swap3A_1560 = tpu.vector_load %arg7[%swap3A_1559] {strides = array<i32>} : memref<6565xf32, #tpu.memory_space<vmem>>, vector<16xf32>,
    tpu.vector_store %arg7[%swap3A_1559], %get3A_1558 {strides = array<i32>} : memref<6565xf32, #tpu.memory_space<vmem>>, vector<16xf32>,
    %get3A_1561 = arith.constant 6240 : index
    %get3A_1562 = tpu.vector_load %arg6[%get3A_1561] {strides = array<i32>} : memref<6464xf32, #tpu.memory_space<vmem>>, vector<16xf32>,
    %swap3A_1563 = arith.constant 6337 : index
    %swap3A_1564 = tpu.vector_load %arg7[%swap3A_1563] {strides = array<i32>} : memref<6565xf32, #tpu.memory_space<vmem>>, vector<16xf32>,
    tpu.vector_store %arg7[%swap3A_1563], %get3A_1562 {strides = array<i32>} : memref<6565xf32, #tpu.memory_space<vmem>>, vector<16xf32>,
    %get3A_1565 = arith.constant 6256 : index
    %get3A_1566 = tpu.vector_load %arg6[%get3A_1565] {strides = array<i32>} : memref<6464xf32, #tpu.memory_space<vmem>>, vector<16xf32>,
    %swap3A_1567 = arith.constant 6353 : index
    %swap3A_1568 = tpu.vector_load %arg7[%swap3A_1567] {strides = array<i32>} : memref<6565xf32, #tpu.memory_space<vmem>>, vector<16xf32>,
    tpu.vector_store %arg7[%swap3A_1567], %get3A_1566 {strides = array<i32>} : memref<6565xf32, #tpu.memory_space<vmem>>, vector<16xf32>,
    %get3A_1569 = arith.constant 6272 : index
    %get3A_1570 = tpu.vector_load %arg6[%get3A_1569] {strides = array<i32>} : memref<6464xf32, #tpu.memory_space<vmem>>, vector<16xf32>,
    %swap3A_1571 = arith.constant 6370 : index
    %swap3A_1572 = tpu.vector_load %arg7[%swap3A_1571] {strides = array<i32>} : memref<6565xf32, #tpu.memory_space<vmem>>, vector<16xf32>,
    tpu.vector_store %arg7[%swap3A_1571], %get3A_1570 {strides = array<i32>} : memref<6565xf32, #tpu.memory_space<vmem>>, vector<16xf32>,
    %get3A_1573 = arith.constant 6288 : index
    %get3A_1574 = tpu.vector_load %arg6[%get3A_1573] {strides = array<i32>} : memref<6464xf32, #tpu.memory_space<vmem>>, vector<16xf32>,
    %swap3A_1575 = arith.constant 6386 : index
    %swap3A_1576 = tpu.vector_load %arg7[%swap3A_1575] {strides = array<i32>} : memref<6565xf32, #tpu.memory_space<vmem>>, vector<16xf32>,
    tpu.vector_store %arg7[%swap3A_1575], %get3A_1574 {strides = array<i32>} : memref<6565xf32, #tpu.memory_space<vmem>>, vector<16xf32>,
    %get3A_1577 = arith.constant 6304 : index
    %get3A_1578 = tpu.vector_load %arg6[%get3A_1577] {strides = array<i32>} : memref<6464xf32, #tpu.memory_space<vmem>>, vector<16xf32>,
    %swap3A_1579 = arith.constant 6402 : index
    %swap3A_1580 = tpu.vector_load %arg7[%swap3A_1579] {strides = array<i32>} : memref<6565xf32, #tpu.memory_space<vmem>>, vector<16xf32>,
    tpu.vector_store %arg7[%swap3A_1579], %get3A_1578 {strides = array<i32>} : memref<6565xf32, #tpu.memory_space<vmem>>, vector<16xf32>,
    %get3A_1581 = arith.constant 6320 : index
    %get3A_1582 = tpu.vector_load %arg6[%get3A_1581] {strides = array<i32>} : memref<6464xf32, #tpu.memory_space<vmem>>, vector<16xf32>,
    %swap3A_1583 = arith.constant 6418 : index
    %swap3A_1584 = tpu.vector_load %arg7[%swap3A_1583] {strides = array<i32>} : memref<6565xf32, #tpu.memory_space<vmem>>, vector<16xf32>,
    tpu.vector_store %arg7[%swap3A_1583], %get3A_1582 {strides = array<i32>} : memref<6565xf32, #tpu.memory_space<vmem>>, vector<16xf32>,
    %get3A_1585 = arith.constant 6336 : index
    %get3A_1586 = tpu.vector_load %arg6[%get3A_1585] {strides = array<i32>} : memref<6464xf32, #tpu.memory_space<vmem>>, vector<16xf32>,
    %swap3A_1587 = arith.constant 6435 : index
    %swap3A_1588 = tpu.vector_load %arg7[%swap3A_1587] {strides = array<i32>} : memref<6565xf32, #tpu.memory_space<vmem>>, vector<16xf32>,
    tpu.vector_store %arg7[%swap3A_1587], %get3A_1586 {strides = array<i32>} : memref<6565xf32, #tpu.memory_space<vmem>>, vector<16xf32>,
    %get3A_1589 = arith.constant 6352 : index
    %get3A_1590 = tpu.vector_load %arg6[%get3A_1589] {strides = array<i32>} : memref<6464xf32, #tpu.memory_space<vmem>>, vector<16xf32>,
    %swap3A_1591 = arith.constant 6451 : index
    %swap3A_1592 = tpu.vector_load %arg7[%swap3A_1591] {strides = array<i32>} : memref<6565xf32, #tpu.memory_space<vmem>>, vector<16xf32>,
    tpu.vector_store %arg7[%swap3A_1591], %get3A_1590 {strides = array<i32>} : memref<6565xf32, #tpu.memory_space<vmem>>, vector<16xf32>,
    %get3A_1593 = arith.constant 6368 : index
    %get3A_1594 = tpu.vector_load %arg6[%get3A_1593] {strides = array<i32>} : memref<6464xf32, #tpu.memory_space<vmem>>, vector<16xf32>,
    %swap3A_1595 = arith.constant 6467 : index
    %swap3A_1596 = tpu.vector_load %arg7[%swap3A_1595] {strides = array<i32>} : memref<6565xf32, #tpu.memory_space<vmem>>, vector<16xf32>,
    tpu.vector_store %arg7[%swap3A_1595], %get3A_1594 {strides = array<i32>} : memref<6565xf32, #tpu.memory_space<vmem>>, vector<16xf32>,
    %get3A_1597 = arith.constant 6384 : index
    %get3A_1598 = tpu.vector_load %arg6[%get3A_1597] {strides = array<i32>} : memref<6464xf32, #tpu.memory_space<vmem>>, vector<16xf32>,
    %swap3A_1599 = arith.constant 6483 : index
    %swap3A_1600 = tpu.vector_load %arg7[%swap3A_1599] {strides = array<i32>} : memref<6565xf32, #tpu.memory_space<vmem>>, vector<16xf32>,
    tpu.vector_store %arg7[%swap3A_1599], %get3A_1598 {strides = array<i32>} : memref<6565xf32, #tpu.memory_space<vmem>>, vector<16xf32>,
    %get3A_1601 = arith.constant 6400 : index
    %get3A_1602 = tpu.vector_load %arg6[%get3A_1601] {strides = array<i32>} : memref<6464xf32, #tpu.memory_space<vmem>>, vector<16xf32>,
    %swap3A_1603 = arith.constant 6500 : index
    %swap3A_1604 = tpu.vector_load %arg7[%swap3A_1603] {strides = array<i32>} : memref<6565xf32, #tpu.memory_space<vmem>>, vector<16xf32>,
    tpu.vector_store %arg7[%swap3A_1603], %get3A_1602 {strides = array<i32>} : memref<6565xf32, #tpu.memory_space<vmem>>, vector<16xf32>,
    %get3A_1605 = arith.constant 6416 : index
    %get3A_1606 = tpu.vector_load %arg6[%get3A_1605] {strides = array<i32>} : memref<6464xf32, #tpu.memory_space<vmem>>, vector<16xf32>,
    %swap3A_1607 = arith.constant 6516 : index
    %swap3A_1608 = tpu.vector_load %arg7[%swap3A_1607] {strides = array<i32>} : memref<6565xf32, #tpu.memory_space<vmem>>, vector<16xf32>,
    tpu.vector_store %arg7[%swap3A_1607], %get3A_1606 {strides = array<i32>} : memref<6565xf32, #tpu.memory_space<vmem>>, vector<16xf32>,
    %get3A_1609 = arith.constant 6432 : index
    %get3A_1610 = tpu.vector_load %arg6[%get3A_1609] {strides = array<i32>} : memref<6464xf32, #tpu.memory_space<vmem>>, vector<16xf32>,
    %swap3A_1611 = arith.constant 6532 : index
    %swap3A_1612 = tpu.vector_load %arg7[%swap3A_1611] {strides = array<i32>} : memref<6565xf32, #tpu.memory_space<vmem>>, vector<16xf32>,
    tpu.vector_store %arg7[%swap3A_1611], %get3A_1610 {strides = array<i32>} : memref<6565xf32, #tpu.memory_space<vmem>>, vector<16xf32>,
    %get3A_1613 = arith.constant 6448 : index
    %get3A_1614 = tpu.vector_load %arg6[%get3A_1613] {strides = array<i32>} : memref<6464xf32, #tpu.memory_space<vmem>>, vector<16xf32>,
    %swap3A_1615 = arith.constant 6548 : index
    %swap3A_1616 = tpu.vector_load %arg7[%swap3A_1615] {strides = array<i32>} : memref<6565xf32, #tpu.memory_space<vmem>>, vector<16xf32>,
    tpu.vector_store %arg7[%swap3A_1615], %get3A_1614 {strides = array<i32>} : memref<6565xf32, #tpu.memory_space<vmem>>, vector<16xf32>,
    %iota3A = tpu.iota {dimensions = array<i32: 0>} : vector<16xi32>
    %mul3A_1617 = arith.constant 512 : i32
    %mul3A_1618 = arith.muli %add3A, %mul3A_1617 : i32
    %multiple_of3A_1619 = tpu.assume_multiple %mul3A_1618, 128 : i32
    %broadcast_in_dim3A = arith.constant 0 : i32
    %broadcast_in_dim3A_1620 = vector.broadcast %broadcast_in_dim3A : i32 to vector<16xi32>
    %broadcast_in_dim3A_1621 = arith.constant 0 : i32
    %broadcast_in_dim3A_1622 = vector.broadcast %broadcast_in_dim3A_1621 : i32 to vector<16xi32>
    %broadcast_in_dim3A_1623 = arith.constant 1 : i32
    %broadcast_in_dim3A_1624 = vector.broadcast %broadcast_in_dim3A_1623 : i32 to vector<16xi32>
    %broadcast_in_dim3A_1625 = arith.constant 2 : i32
    %broadcast_in_dim3A_1626 = vector.broadcast %broadcast_in_dim3A_1625 : i32 to vector<16xi32>
    %broadcast_in_dim3A_1627 = arith.constant 3 : i32
    %broadcast_in_dim3A_1628 = vector.broadcast %broadcast_in_dim3A_1627 : i32 to vector<16xi32>
    %broadcast_in_dim3A_1629 = arith.constant 4 : i32
    %broadcast_in_dim3A_1630 = vector.broadcast %broadcast_in_dim3A_1629 : i32 to vector<16xi32>
    %broadcast_in_dim3A_1631 = arith.constant 5 : i32
    %broadcast_in_dim3A_1632 = vector.broadcast %broadcast_in_dim3A_1631 : i32 to vector<16xi32>
    %broadcast_in_dim3A_1633 = arith.constant 6 : i32
    %broadcast_in_dim3A_1634 = vector.broadcast %broadcast_in_dim3A_1633 : i32 to vector<16xi32>
    %broadcast_in_dim3A_1635 = arith.constant 7 : i32
    %broadcast_in_dim3A_1636 = vector.broadcast %broadcast_in_dim3A_1635 : i32 to vector<16xi32>
    %scan3A = arith.constant 0 : i32
    %scan3A_1637 = arith.constant 0 : i32
    %scan3A_1638 = arith.constant 25 : i32
    %scan3A_1639 = arith.addi %scan3A_1637, %scan3A_1638 : i32
    %scan3A_1640 = arith.constant 1 : i32
    scf.for %scan3A_1657 = %scan3A_1637 to %scan3A_1639 step %scan3A_1640  : i32 {
      %mul3A_1658 = arith.constant 2 : i32
      %mul3A_1659 = arith.muli %scan3A_1657, %mul3A_1658 : i32
      %add3A_1660 = arith.constant 0 : i32
      %add3A_1661 = arith.addi %mul3A_1659, %add3A_1660 : i32
      %gt3A = arith.constant 0 : i32
      %gt3A_1662 = arith.cmpi sgt, %scan3A_1657, %gt3A : i32
      %convert_element_type3A = arith.extui %gt3A_1662 : i1 to i32
      %cond3A = arith.constant 0 : i32
      %cond3A_1663 = arith.cmpi ne, %convert_element_type3A, %cond3A : i32
      scf.if %cond3A_1663 {
        %dma_wait3A_1685 = arith.constant 0 : i32
        %dma_wait3A_1686 = arith.constant 0 : i32
        %dma_wait3A_1687 = arith.constant 0 : i32
        %dma_wait3A_1688 = tpu.memref_slice %arg4[%dma_wait3A_1685, %dma_wait3A_1686, %dma_wait3A_1687] : memref<50x64x16384xf32, #tpu.memory_space<hbm>> -> memref<1x64x512xf32, #tpu.memory_space<hbm>>
        %dma_wait3A_1689 = arith.constant 0 : i32
        %dma_wait3A_1690 = arith.constant 0 : i32
        %dma_wait3A_1691 = arith.constant 0 : i32
        %dma_wait3A_1692 = tpu.memref_slice %arg4[%dma_wait3A_1689, %dma_wait3A_1690, %dma_wait3A_1691] : memref<50x64x16384xf32, #tpu.memory_space<hbm>> -> memref<1x64x512xf32, #tpu.memory_space<hbm>>
        tpu.wait_dma2 semaphore(%arg10 : memref<!tpu.dma_semaphore, #tpu.memory_space<semaphore_mem>>) src(%dma_wait3A_1692 : memref<1x64x512xf32, #tpu.memory_space<hbm>>) dst(%arg8 : memref<1x64x512xf32, #tpu.memory_space<vmem>>)
      } else {
      }
      %parallel_loop3A = arith.constant 0 : i32
      %parallel_loop3A_1664 = arith.constant 32 : i32
      %parallel_loop3A_1665 = arith.constant 1 : i32
      scf.for %parallel_loop3A_1685 = %parallel_loop3A to %parallel_loop3A_1664 step %parallel_loop3A_1665  : i32 {
        %parallel_loop3A_1686 = arith.constant 16 : i32
        %parallel_loop3A_1687 = arith.muli %parallel_loop3A_1685, %parallel_loop3A_1686 : i32
        %parallel_loop3A_1688 = arith.constant 50 : i32
        %parallel_loop3A_1689 = arith.muli %parallel_loop3A_1687, %parallel_loop3A_1688 : i32
        %parallel_loop3A_1690 = arith.addi %parallel_loop3A_1689, %add3A_1661 : i32
        %parallel_loop3A_1691 = vector.broadcast %parallel_loop3A_1690 : i32 to vector<16xi32>
        %parallel_loop3A_1692 = arith.constant 50 : i32
        %parallel_loop3A_1693 = vector.broadcast %parallel_loop3A_1692 : i32 to vector<16xi32>
        %parallel_loop3A_1694 = arith.muli %iota3A, %parallel_loop3A_1693 : vector<16xi32>
        %parallel_loop3A_1695 = arith.addi %parallel_loop3A_1691, %parallel_loop3A_1694 : vector<16xi32>
        %parallel_loop3A_1696 = tpu.vector_load_idx %arg5[%parallel_loop3A_1695] : memref<25600xi32, #tpu.memory_space<vmem>>[vector<16xi32>], vector<16xi32>,
        %parallel_loop3A_1697 = arith.constant 65 : i32
        %parallel_loop3A_1698 = vector.broadcast %parallel_loop3A_1697 : i32 to vector<16xi32>
        %parallel_loop3A_1699 = arith.muli %parallel_loop3A_1696, %parallel_loop3A_1698 : vector<16xi32>
        %parallel_loop3A_1700 = vector.broadcast %parallel_loop3A_1687 : i32 to vector<16xi32>
        %parallel_loop3A_1701 = arith.addi %parallel_loop3A_1700, %iota3A : vector<16xi32>
        %parallel_loop3A_1702 = arith.constant 0 : i32
        %parallel_loop3A_1703 = arith.constant 8 : i32
        %parallel_loop3A_1704 = arith.constant 1 : i32
        scf.for %parallel_loop3A_1705 = %parallel_loop3A_1702 to %parallel_loop3A_1703 step %parallel_loop3A_1704  : i32 {
          %parallel_loop3A_1706 = arith.constant 8 : i32
          %parallel_loop3A_1707 = arith.muli %parallel_loop3A_1705, %parallel_loop3A_1706 : i32
          %parallel_loop3A_1708 = vector.broadcast %parallel_loop3A_1707 : i32 to vector<16xi32>
          %parallel_loop3A_1709 = arith.addi %parallel_loop3A_1699, %parallel_loop3A_1708 : vector<16xi32>
          %parallel_loop3A_1710 = arith.addi %parallel_loop3A_1709, %broadcast_in_dim3A_1622 : vector<16xi32>
          %parallel_loop3A_1711 = tpu.vector_load_idx %arg7[%parallel_loop3A_1710] : memref<6565xf32, #tpu.memory_space<vmem>>[vector<16xi32>], vector<16xf32>,
          %parallel_loop3A_1712 = arith.addi %parallel_loop3A_1708, %broadcast_in_dim3A_1622 : vector<16xi32>
          tpu.vector_store_idx %arg8[%broadcast_in_dim3A_1620, %parallel_loop3A_1712, %parallel_loop3A_1701], %parallel_loop3A_1711 : memref<1x64x512xf32, #tpu.memory_space<vmem>>[vector<16xi32>, vector<16xi32>, vector<16xi32>], vector<16xf32>,
          %parallel_loop3A_1713 = arith.addi %parallel_loop3A_1709, %broadcast_in_dim3A_1624 : vector<16xi32>
          %parallel_loop3A_1714 = tpu.vector_load_idx %arg7[%parallel_loop3A_1713] : memref<6565xf32, #tpu.memory_space<vmem>>[vector<16xi32>], vector<16xf32>,
          %parallel_loop3A_1715 = arith.addi %parallel_loop3A_1708, %broadcast_in_dim3A_1624 : vector<16xi32>
          tpu.vector_store_idx %arg8[%broadcast_in_dim3A_1620, %parallel_loop3A_1715, %parallel_loop3A_1701], %parallel_loop3A_1714 : memref<1x64x512xf32, #tpu.memory_space<vmem>>[vector<16xi32>, vector<16xi32>, vector<16xi32>], vector<16xf32>,
          %parallel_loop3A_1716 = arith.addi %parallel_loop3A_1709, %broadcast_in_dim3A_1626 : vector<16xi32>
          %parallel_loop3A_1717 = tpu.vector_load_idx %arg7[%parallel_loop3A_1716] : memref<6565xf32, #tpu.memory_space<vmem>>[vector<16xi32>], vector<16xf32>,
          %parallel_loop3A_1718 = arith.addi %parallel_loop3A_1708, %broadcast_in_dim3A_1626 : vector<16xi32>
          tpu.vector_store_idx %arg8[%broadcast_in_dim3A_1620, %parallel_loop3A_1718, %parallel_loop3A_1701], %parallel_loop3A_1717 : memref<1x64x512xf32, #tpu.memory_space<vmem>>[vector<16xi32>, vector<16xi32>, vector<16xi32>], vector<16xf32>,
          %parallel_loop3A_1719 = arith.addi %parallel_loop3A_1709, %broadcast_in_dim3A_1628 : vector<16xi32>
          %parallel_loop3A_1720 = tpu.vector_load_idx %arg7[%parallel_loop3A_1719] : memref<6565xf32, #tpu.memory_space<vmem>>[vector<16xi32>], vector<16xf32>,
          %parallel_loop3A_1721 = arith.addi %parallel_loop3A_1708, %broadcast_in_dim3A_1628 : vector<16xi32>
          tpu.vector_store_idx %arg8[%broadcast_in_dim3A_1620, %parallel_loop3A_1721, %parallel_loop3A_1701], %parallel_loop3A_1720 : memref<1x64x512xf32, #tpu.memory_space<vmem>>[vector<16xi32>, vector<16xi32>, vector<16xi32>], vector<16xf32>,
          %parallel_loop3A_1722 = arith.addi %parallel_loop3A_1709, %broadcast_in_dim3A_1630 : vector<16xi32>
          %parallel_loop3A_1723 = tpu.vector_load_idx %arg7[%parallel_loop3A_1722] : memref<6565xf32, #tpu.memory_space<vmem>>[vector<16xi32>], vector<16xf32>,
          %parallel_loop3A_1724 = arith.addi %parallel_loop3A_1708, %broadcast_in_dim3A_1630 : vector<16xi32>
          tpu.vector_store_idx %arg8[%broadcast_in_dim3A_1620, %parallel_loop3A_1724, %parallel_loop3A_1701], %parallel_loop3A_1723 : memref<1x64x512xf32, #tpu.memory_space<vmem>>[vector<16xi32>, vector<16xi32>, vector<16xi32>], vector<16xf32>,
          %parallel_loop3A_1725 = arith.addi %parallel_loop3A_1709, %broadcast_in_dim3A_1632 : vector<16xi32>
          %parallel_loop3A_1726 = tpu.vector_load_idx %arg7[%parallel_loop3A_1725] : memref<6565xf32, #tpu.memory_space<vmem>>[vector<16xi32>], vector<16xf32>,
          %parallel_loop3A_1727 = arith.addi %parallel_loop3A_1708, %broadcast_in_dim3A_1632 : vector<16xi32>
          tpu.vector_store_idx %arg8[%broadcast_in_dim3A_1620, %parallel_loop3A_1727, %parallel_loop3A_1701], %parallel_loop3A_1726 : memref<1x64x512xf32, #tpu.memory_space<vmem>>[vector<16xi32>, vector<16xi32>, vector<16xi32>], vector<16xf32>,
          %parallel_loop3A_1728 = arith.addi %parallel_loop3A_1709, %broadcast_in_dim3A_1634 : vector<16xi32>
          %parallel_loop3A_1729 = tpu.vector_load_idx %arg7[%parallel_loop3A_1728] : memref<6565xf32, #tpu.memory_space<vmem>>[vector<16xi32>], vector<16xf32>,
          %parallel_loop3A_1730 = arith.addi %parallel_loop3A_1708, %broadcast_in_dim3A_1634 : vector<16xi32>
          tpu.vector_store_idx %arg8[%broadcast_in_dim3A_1620, %parallel_loop3A_1730, %parallel_loop3A_1701], %parallel_loop3A_1729 : memref<1x64x512xf32, #tpu.memory_space<vmem>>[vector<16xi32>, vector<16xi32>, vector<16xi32>], vector<16xf32>,
          %parallel_loop3A_1731 = arith.addi %parallel_loop3A_1709, %broadcast_in_dim3A_1636 : vector<16xi32>
          %parallel_loop3A_1732 = tpu.vector_load_idx %arg7[%parallel_loop3A_1731] : memref<6565xf32, #tpu.memory_space<vmem>>[vector<16xi32>], vector<16xf32>,
          %parallel_loop3A_1733 = arith.addi %parallel_loop3A_1708, %broadcast_in_dim3A_1636 : vector<16xi32>
          tpu.vector_store_idx %arg8[%broadcast_in_dim3A_1620, %parallel_loop3A_1733, %parallel_loop3A_1701], %parallel_loop3A_1732 : memref<1x64x512xf32, #tpu.memory_space<vmem>>[vector<16xi32>, vector<16xi32>, vector<16xi32>], vector<16xf32>,
        } {sc.loop_unroll_factor = 1 : i64, sc.parallel_access}
      } {sc.loop_unroll_factor = 8 : i64, sc.parallel_access}
      %dma_start3A = arith.constant 0 : i32
      %dma_start3A_1666 = tpu.memref_slice %arg4[%add3A_1661, %dma_start3A, %multiple_of3A_1619] : memref<50x64x16384xf32, #tpu.memory_space<hbm>> -> memref<1x64x512xf32, #tpu.memory_space<hbm>>
      %dma_start3A_1667 = arith.constant 0 : i32
      %dma_start3A_1668 = tpu.memref_slice %arg4[%add3A_1661, %dma_start3A_1667, %multiple_of3A_1619] : memref<50x64x16384xf32, #tpu.memory_space<hbm>> -> memref<1x64x512xf32, #tpu.memory_space<hbm>>
      tpu.enqueue_dma source(%arg8 : memref<1x64x512xf32, #tpu.memory_space<vmem>>) target(%dma_start3A_1668 : memref<1x64x512xf32, #tpu.memory_space<hbm>>) target_semaphore(%arg10 : memref<!tpu.dma_semaphore, #tpu.memory_space<semaphore_mem>>)
      %mul3A_1669 = arith.constant 2 : i32
      %mul3A_1670 = arith.muli %scan3A_1657, %mul3A_1669 : i32
      %add3A_1671 = arith.constant 1 : i32
      %add3A_1672 = arith.addi %mul3A_1670, %add3A_1671 : i32
      %gt3A_1673 = arith.constant 0 : i32
      %gt3A_1674 = arith.cmpi sgt, %scan3A_1657, %gt3A_1673 : i32
      %convert_element_type3A_1675 = arith.extui %gt3A_1674 : i1 to i32
      %cond3A_1676 = arith.constant 0 : i32
      %cond3A_1677 = arith.cmpi ne, %convert_element_type3A_1675, %cond3A_1676 : i32
      scf.if %cond3A_1677 {
        %dma_wait3A_1685 = arith.constant 0 : i32
        %dma_wait3A_1686 = arith.constant 0 : i32
        %dma_wait3A_1687 = arith.constant 0 : i32
        %dma_wait3A_1688 = tpu.memref_slice %arg4[%dma_wait3A_1685, %dma_wait3A_1686, %dma_wait3A_1687] : memref<50x64x16384xf32, #tpu.memory_space<hbm>> -> memref<1x64x512xf32, #tpu.memory_space<hbm>>
        %dma_wait3A_1689 = arith.constant 0 : i32
        %dma_wait3A_1690 = arith.constant 0 : i32
        %dma_wait3A_1691 = arith.constant 0 : i32
        %dma_wait3A_1692 = tpu.memref_slice %arg4[%dma_wait3A_1689, %dma_wait3A_1690, %dma_wait3A_1691] : memref<50x64x16384xf32, #tpu.memory_space<hbm>> -> memref<1x64x512xf32, #tpu.memory_space<hbm>>
        tpu.wait_dma2 semaphore(%arg11 : memref<!tpu.dma_semaphore, #tpu.memory_space<semaphore_mem>>) src(%dma_wait3A_1692 : memref<1x64x512xf32, #tpu.memory_space<hbm>>) dst(%arg9 : memref<1x64x512xf32, #tpu.memory_space<vmem>>)
      } else {
      }
      %parallel_loop3A_1678 = arith.constant 0 : i32
      %parallel_loop3A_1679 = arith.constant 32 : i32
      %parallel_loop3A_1680 = arith.constant 1 : i32
      scf.for %parallel_loop3A_1685 = %parallel_loop3A_1678 to %parallel_loop3A_1679 step %parallel_loop3A_1680  : i32 {
        %parallel_loop3A_1686 = arith.constant 16 : i32
        %parallel_loop3A_1687 = arith.muli %parallel_loop3A_1685, %parallel_loop3A_1686 : i32
        %parallel_loop3A_1688 = arith.constant 50 : i32
        %parallel_loop3A_1689 = arith.muli %parallel_loop3A_1687, %parallel_loop3A_1688 : i32
        %parallel_loop3A_1690 = arith.addi %parallel_loop3A_1689, %add3A_1672 : i32
        %parallel_loop3A_1691 = vector.broadcast %parallel_loop3A_1690 : i32 to vector<16xi32>
        %parallel_loop3A_1692 = arith.constant 50 : i32
        %parallel_loop3A_1693 = vector.broadcast %parallel_loop3A_1692 : i32 to vector<16xi32>
        %parallel_loop3A_1694 = arith.muli %iota3A, %parallel_loop3A_1693 : vector<16xi32>
        %parallel_loop3A_1695 = arith.addi %parallel_loop3A_1691, %parallel_loop3A_1694 : vector<16xi32>
        %parallel_loop3A_1696 = tpu.vector_load_idx %arg5[%parallel_loop3A_1695] : memref<25600xi32, #tpu.memory_space<vmem>>[vector<16xi32>], vector<16xi32>,
        %parallel_loop3A_1697 = arith.constant 65 : i32
        %parallel_loop3A_1698 = vector.broadcast %parallel_loop3A_1697 : i32 to vector<16xi32>
        %parallel_loop3A_1699 = arith.muli %parallel_loop3A_1696, %parallel_loop3A_1698 : vector<16xi32>
        %parallel_loop3A_1700 = vector.broadcast %parallel_loop3A_1687 : i32 to vector<16xi32>
        %parallel_loop3A_1701 = arith.addi %parallel_loop3A_1700, %iota3A : vector<16xi32>
        %parallel_loop3A_1702 = arith.constant 0 : i32
        %parallel_loop3A_1703 = arith.constant 8 : i32
        %parallel_loop3A_1704 = arith.constant 1 : i32
        scf.for %parallel_loop3A_1705 = %parallel_loop3A_1702 to %parallel_loop3A_1703 step %parallel_loop3A_1704  : i32 {
          %parallel_loop3A_1706 = arith.constant 8 : i32
          %parallel_loop3A_1707 = arith.muli %parallel_loop3A_1705, %parallel_loop3A_1706 : i32
          %parallel_loop3A_1708 = vector.broadcast %parallel_loop3A_1707 : i32 to vector<16xi32>
          %parallel_loop3A_1709 = arith.addi %parallel_loop3A_1699, %parallel_loop3A_1708 : vector<16xi32>
          %parallel_loop3A_1710 = arith.addi %parallel_loop3A_1709, %broadcast_in_dim3A_1622 : vector<16xi32>
          %parallel_loop3A_1711 = tpu.vector_load_idx %arg7[%parallel_loop3A_1710] : memref<6565xf32, #tpu.memory_space<vmem>>[vector<16xi32>], vector<16xf32>,
          %parallel_loop3A_1712 = arith.addi %parallel_loop3A_1708, %broadcast_in_dim3A_1622 : vector<16xi32>
          tpu.vector_store_idx %arg9[%broadcast_in_dim3A_1620, %parallel_loop3A_1712, %parallel_loop3A_1701], %parallel_loop3A_1711 : memref<1x64x512xf32, #tpu.memory_space<vmem>>[vector<16xi32>, vector<16xi32>, vector<16xi32>], vector<16xf32>,
          %parallel_loop3A_1713 = arith.addi %parallel_loop3A_1709, %broadcast_in_dim3A_1624 : vector<16xi32>
          %parallel_loop3A_1714 = tpu.vector_load_idx %arg7[%parallel_loop3A_1713] : memref<6565xf32, #tpu.memory_space<vmem>>[vector<16xi32>], vector<16xf32>,
          %parallel_loop3A_1715 = arith.addi %parallel_loop3A_1708, %broadcast_in_dim3A_1624 : vector<16xi32>
          tpu.vector_store_idx %arg9[%broadcast_in_dim3A_1620, %parallel_loop3A_1715, %parallel_loop3A_1701], %parallel_loop3A_1714 : memref<1x64x512xf32, #tpu.memory_space<vmem>>[vector<16xi32>, vector<16xi32>, vector<16xi32>], vector<16xf32>,
          %parallel_loop3A_1716 = arith.addi %parallel_loop3A_1709, %broadcast_in_dim3A_1626 : vector<16xi32>
          %parallel_loop3A_1717 = tpu.vector_load_idx %arg7[%parallel_loop3A_1716] : memref<6565xf32, #tpu.memory_space<vmem>>[vector<16xi32>], vector<16xf32>,
          %parallel_loop3A_1718 = arith.addi %parallel_loop3A_1708, %broadcast_in_dim3A_1626 : vector<16xi32>
          tpu.vector_store_idx %arg9[%broadcast_in_dim3A_1620, %parallel_loop3A_1718, %parallel_loop3A_1701], %parallel_loop3A_1717 : memref<1x64x512xf32, #tpu.memory_space<vmem>>[vector<16xi32>, vector<16xi32>, vector<16xi32>], vector<16xf32>,
          %parallel_loop3A_1719 = arith.addi %parallel_loop3A_1709, %broadcast_in_dim3A_1628 : vector<16xi32>
          %parallel_loop3A_1720 = tpu.vector_load_idx %arg7[%parallel_loop3A_1719] : memref<6565xf32, #tpu.memory_space<vmem>>[vector<16xi32>], vector<16xf32>,
          %parallel_loop3A_1721 = arith.addi %parallel_loop3A_1708, %broadcast_in_dim3A_1628 : vector<16xi32>
          tpu.vector_store_idx %arg9[%broadcast_in_dim3A_1620, %parallel_loop3A_1721, %parallel_loop3A_1701], %parallel_loop3A_1720 : memref<1x64x512xf32, #tpu.memory_space<vmem>>[vector<16xi32>, vector<16xi32>, vector<16xi32>], vector<16xf32>,
          %parallel_loop3A_1722 = arith.addi %parallel_loop3A_1709, %broadcast_in_dim3A_1630 : vector<16xi32>
          %parallel_loop3A_1723 = tpu.vector_load_idx %arg7[%parallel_loop3A_1722] : memref<6565xf32, #tpu.memory_space<vmem>>[vector<16xi32>], vector<16xf32>,
          %parallel_loop3A_1724 = arith.addi %parallel_loop3A_1708, %broadcast_in_dim3A_1630 : vector<16xi32>
          tpu.vector_store_idx %arg9[%broadcast_in_dim3A_1620, %parallel_loop3A_1724, %parallel_loop3A_1701], %parallel_loop3A_1723 : memref<1x64x512xf32, #tpu.memory_space<vmem>>[vector<16xi32>, vector<16xi32>, vector<16xi32>], vector<16xf32>,
          %parallel_loop3A_1725 = arith.addi %parallel_loop3A_1709, %broadcast_in_dim3A_1632 : vector<16xi32>
          %parallel_loop3A_1726 = tpu.vector_load_idx %arg7[%parallel_loop3A_1725] : memref<6565xf32, #tpu.memory_space<vmem>>[vector<16xi32>], vector<16xf32>,
          %parallel_loop3A_1727 = arith.addi %parallel_loop3A_1708, %broadcast_in_dim3A_1632 : vector<16xi32>
          tpu.vector_store_idx %arg9[%broadcast_in_dim3A_1620, %parallel_loop3A_1727, %parallel_loop3A_1701], %parallel_loop3A_1726 : memref<1x64x512xf32, #tpu.memory_space<vmem>>[vector<16xi32>, vector<16xi32>, vector<16xi32>], vector<16xf32>,
          %parallel_loop3A_1728 = arith.addi %parallel_loop3A_1709, %broadcast_in_dim3A_1634 : vector<16xi32>
          %parallel_loop3A_1729 = tpu.vector_load_idx %arg7[%parallel_loop3A_1728] : memref<6565xf32, #tpu.memory_space<vmem>>[vector<16xi32>], vector<16xf32>,
          %parallel_loop3A_1730 = arith.addi %parallel_loop3A_1708, %broadcast_in_dim3A_1634 : vector<16xi32>
          tpu.vector_store_idx %arg9[%broadcast_in_dim3A_1620, %parallel_loop3A_1730, %parallel_loop3A_1701], %parallel_loop3A_1729 : memref<1x64x512xf32, #tpu.memory_space<vmem>>[vector<16xi32>, vector<16xi32>, vector<16xi32>], vector<16xf32>,
          %parallel_loop3A_1731 = arith.addi %parallel_loop3A_1709, %broadcast_in_dim3A_1636 : vector<16xi32>
          %parallel_loop3A_1732 = tpu.vector_load_idx %arg7[%parallel_loop3A_1731] : memref<6565xf32, #tpu.memory_space<vmem>>[vector<16xi32>], vector<16xf32>,
          %parallel_loop3A_1733 = arith.addi %parallel_loop3A_1708, %broadcast_in_dim3A_1636 : vector<16xi32>
          tpu.vector_store_idx %arg9[%broadcast_in_dim3A_1620, %parallel_loop3A_1733, %parallel_loop3A_1701], %parallel_loop3A_1732 : memref<1x64x512xf32, #tpu.memory_space<vmem>>[vector<16xi32>, vector<16xi32>, vector<16xi32>], vector<16xf32>,
        } {sc.loop_unroll_factor = 1 : i64, sc.parallel_access}
      } {sc.loop_unroll_factor = 8 : i64, sc.parallel_access}
      %dma_start3A_1681 = arith.constant 0 : i32
      %dma_start3A_1682 = tpu.memref_slice %arg4[%add3A_1672, %dma_start3A_1681, %multiple_of3A_1619] : memref<50x64x16384xf32, #tpu.memory_space<hbm>> -> memref<1x64x512xf32, #tpu.memory_space<hbm>>
      %dma_start3A_1683 = arith.constant 0 : i32
      %dma_start3A_1684 = tpu.memref_slice %arg4[%add3A_1672, %dma_start3A_1683, %multiple_of3A_1619] : memref<50x64x16384xf32, #tpu.memory_space<hbm>> -> memref<1x64x512xf32, #tpu.memory_space<hbm>>
      tpu.enqueue_dma source(%arg9 : memref<1x64x512xf32, #tpu.memory_space<vmem>>) target(%dma_start3A_1684 : memref<1x64x512xf32, #tpu.memory_space<hbm>>) target_semaphore(%arg11 : memref<!tpu.dma_semaphore, #tpu.memory_space<semaphore_mem>>)
    }
    %scan3A_1641 = arith.constant 25 : i32
    %dma_wait3A = arith.constant 0 : i32
    %dma_wait3A_1642 = arith.constant 0 : i32
    %dma_wait3A_1643 = arith.constant 0 : i32
    %dma_wait3A_1644 = tpu.memref_slice %arg4[%dma_wait3A, %dma_wait3A_1642, %dma_wait3A_1643] : memref<50x64x16384xf32, #tpu.memory_space<hbm>> -> memref<1x64x512xf32, #tpu.memory_space<hbm>>
    %dma_wait3A_1645 = arith.constant 0 : i32
    %dma_wait3A_1646 = arith.constant 0 : i32
    %dma_wait3A_1647 = arith.constant 0 : i32
    %dma_wait3A_1648 = tpu.memref_slice %arg4[%dma_wait3A_1645, %dma_wait3A_1646, %dma_wait3A_1647] : memref<50x64x16384xf32, #tpu.memory_space<hbm>> -> memref<1x64x512xf32, #tpu.memory_space<hbm>>
    tpu.wait_dma2 semaphore(%arg10 : memref<!tpu.dma_semaphore, #tpu.memory_space<semaphore_mem>>) src(%dma_wait3A_1648 : memref<1x64x512xf32, #tpu.memory_space<hbm>>) dst(%arg8 : memref<1x64x512xf32, #tpu.memory_space<vmem>>)
    %dma_wait3A_1649 = arith.constant 0 : i32
    %dma_wait3A_1650 = arith.constant 0 : i32
    %dma_wait3A_1651 = arith.constant 0 : i32
    %dma_wait3A_1652 = tpu.memref_slice %arg4[%dma_wait3A_1649, %dma_wait3A_1650, %dma_wait3A_1651] : memref<50x64x16384xf32, #tpu.memory_space<hbm>> -> memref<1x64x512xf32, #tpu.memory_space<hbm>>
    %dma_wait3A_1653 = arith.constant 0 : i32
    %dma_wait3A_1654 = arith.constant 0 : i32
    %dma_wait3A_1655 = arith.constant 0 : i32
    %dma_wait3A_1656 = tpu.memref_slice %arg4[%dma_wait3A_1653, %dma_wait3A_1654, %dma_wait3A_1655] : memref<50x64x16384xf32, #tpu.memory_space<hbm>> -> memref<1x64x512xf32, #tpu.memory_space<hbm>>
    tpu.wait_dma2 semaphore(%arg11 : memref<!tpu.dma_semaphore, #tpu.memory_space<semaphore_mem>>) src(%dma_wait3A_1656 : memref<1x64x512xf32, #tpu.memory_space<hbm>>) dst(%arg9 : memref<1x64x512xf32, #tpu.memory_space<vmem>>)
    return
  }
}

</mosaic_0001>

<sc_bundles>
// kernel: kernel.3.cloned.1.call-start
scs
__scs_entry_jumppad:
0x0: {  	(pc) =	sbr.rel $0x88, $3  }
0x1: {  	(tag) =	ssettag $0x0;
	lr =	simm.s32 $0x1  }
0x2: {  	[smem:$0x3F9F] =	sst lr;
	_ =	strace $0xD0000000  }
0x3: {  	_ = 	snop  }
0x4: {  	_ = 	snop  }
0x5: {  	_ = 	snop  }
0x6: {  	_ = 	snop  }
0x7: {  	_ = 	snop  }
__scs_overlays_trampoline_lowered:
0x8: {  	[smem:$0x3FAE] =	sst s0  }
0x9: {  	[smem:$0x3FAF] =	sst s1  }
0xa: {  	[smem:$0x3FB0] =	sst s2  }
0xb: {  	[smem:$0x3FB1] =	sst s3  }
0xc: {  	[smem:$0x3FB2] =	sst s4  }
0xd: {  	[smem:$0x3FB3] =	sst s5  }
0xe: {  	[smem:$0x3FB4] =	sst s6  }
0xf: {  	[smem:$0x3FB5] =	sst s7  }
0x10: {  	[smem:$0x3FB6] =	sst s8  }
0x11: {  	[smem:$0x3FB7] =	sst s9;
	s0 =	simm.s32 @!p0 $0x0  }
0x12: {  	s1 =	sld [smem:$0x3F9D];
	s0 =	simm.s32 @p0 $0x1  }
0x13: {  	[smem:$0x3FB8] =	sst s0;
	s0 =	simm.s32 @!p1 $0x0  }
0x14: {  	s2 =	sld [smem:$0x3F9C];
	s0 =	simm.s32 @p1 $0x1  }
0x15: {  	[smem:$0x3FB9] =	sst s0;
	s0 =	simm.s32 @!p2 $0x0  }
0x16: {  	s3 =	sld [smem:$0x3FDB];
	s0 =	simm.s32 @p2 $0x1  }
0x17: {  	s4 =	simm.s32 $0x1BF5;
	[smem:$0x3FBB] =	sst s0  }
0x18: {  	s0 =	sld [smem:$0x3F9E];
	_ =	swait.ge [sflag:s4], $0x0  }
0x19: {  	s7 =	sld [smem:$0x3F9F]  }
0x1a: {  	s8 =	sadd.s32 $0xFFFFE003, lr  }
0x1b: {  	s9 =	sadd.s32 $0xFFFFFEF7, lr;
	s5 =	simm.s32 $0xFFFFFFFF;
	p2 =	slt.u32 s8, $0xFFFFF086  }
0x1c: {  	p1 =	slt.u32 s9, $0xF7A;
	s5 =	simm.s32 @!p2 $0x0  }
0x1d: {  	s5 =	simm.s32 @p1 $0x1;
	p0 =	seq.s32 s7, s2  }
0x1e: {  	s7 =	smul.u32 @!p0 $0xF7A, s2;
	p2 =	seq.s32 @!p0 s5, $0x0  }
0x1f: {  	s9 =	smul.u32 $0xF7A, s1;
	s8 =	simm.s32 @!p0 $0x1BF5;
	p2 =	por !p2, p0  }
0x20: {  	[sflag:s8] =	ssyncset.s32 @!p0 $0xFFFFF086;
	s6 =	sadd.s32 @!p0 s3, s7;
	s7 =	simm.s32 @!p0 $0x108  }
0x21: {  	s3 =	sadd.s32 s3, s9;
	s6 =	sadd.s32 @!p0 $0x88, s6;
	s7 =	simm.s32 @p2 $0x1082  }
0x22: {  	[simem:s7], [sflag:s8] =	dma.local @!p0 [hbm:s6], $0xF7A  }
0x23: {  	s9 =	sor.u32 $0xD0000000, s2;
	s6 =	simm.s32 $0x108;
	_ =	swait.ge @!p0 [sflag:s8], $0x0  }
0x24: {  	s3 =	sadd.s32 $0x88, s3;
	s6 =	simm.s32 @!p1 $0x1082;
	[sflag:s4] =	ssyncset.s32 $0xFFFFF086  }
0x25: {  	[simem:s6], [sflag:s4] =	dma.local [hbm:s3], $0xF7A  }
0x26: {  	[smem:$0x3F9F] =	sst s1;
	(tag) =	ssettag s2;
	_ =	strace s9  }
0x27: {  	s1 =	sld [smem:$0x3FAF]  }
0x28: {  	s2 =	sld [smem:$0x3FB0]  }
0x29: {  	s4 =	sld [smem:$0x3FB2]  }
0x2a: {  	p0 =	seq.s32 s5, $0x0;
	s5 =	sld [smem:$0x3FB3]  }
0x2b: {  	s6 =	sld [smem:$0x3FB4]  }
0x2c: {  	s7 =	sld [smem:$0x3FB5]  }
0x2d: {  	s3 =	simm.s32 $0x108;
	s8 =	sld [smem:$0x3FB6]  }
0x2e: {  	s3 =	simm.s32 @!p0 $0x1082;
	s9 =	sld [smem:$0x3FB7]  }
0x2f: {  	lr =	sadd.s32 s0, s3;
	s0 =	sld [smem:$0x3FAE]  }
0x30: {  	s3 =	sld [smem:$0x3FB1]  }
0x31: {  	[smem:$0x3FBA] =	sst s10  }
0x32: {  	s10 =	sld [smem:$0x3FB8];
	_ =	sdelay $0x3  }
0x33: {  	p0 =	seq.s32 s10, $0x1;
	s10 =	sld [smem:$0x3FBA];
	_ =	sdelay $0x3  }
0x34: {  	[smem:$0x3FBA] =	sst s10  }
0x35: {  	s10 =	sld [smem:$0x3FB9];
	_ =	sdelay $0x3  }
0x36: {  	p1 =	seq.s32 s10, $0x1;
	s10 =	sld [smem:$0x3FBA];
	_ =	sdelay $0x3  }
0x37: {  	[smem:$0x3FBA] =	sst s10  }
0x38: {  	s10 =	sld [smem:$0x3FBB]  }
0x39: {  	_ = 	snop;
	(pc) =	sbr.ind lr, $3  }
0x3a: {  	_ = 	snop  }
0x3b: {  	_ = 	snop  }
0x3c: {  	p2 =	seq.s32 s10, $0x1;
	s10 =	sld [smem:$0x3FBA]  }
0x3d: {  	_ =	shalt  }
0x3e: {  	_ =	shalt  }
0x3f: {  	_ =	shalt  }
0x40: {  	_ =	shalt  }
0x41: {  	_ =	shalt  }
0x42: {  	_ =	shalt  }
0x43: {  	_ =	shalt  }
0x44: {  	_ =	shalt  }
0x45: {  	_ =	shalt  }
0x46: {  	_ =	shalt  }
0x47: {  	_ =	shalt  }
0x48: {  	_ =	shalt  }
0x49: {  	_ =	shalt  }
0x4a: {  	_ =	shalt  }
0x4b: {  	_ =	shalt  }
0x4c: {  	_ =	shalt  }
0x4d: {  	_ =	shalt  }
0x4e: {  	_ =	shalt  }
0x4f: {  	_ =	shalt  }
0x50: {  	_ =	shalt  }
0x51: {  	_ =	shalt  }
0x52: {  	_ =	shalt  }
0x53: {  	_ =	shalt  }
0x54: {  	_ =	shalt  }
0x55: {  	_ =	shalt  }
0x56: {  	_ =	shalt  }
0x57: {  	_ =	shalt  }
0x58: {  	_ =	shalt  }
0x59: {  	_ =	shalt  }
0x5a: {  	_ =	shalt  }
0x5b: {  	_ =	shalt  }
0x5c: {  	_ =	shalt  }
0x5d: {  	_ =	shalt  }
0x5e: {  	_ =	shalt  }
0x5f: {  	_ =	shalt  }
0x60: {  	_ =	shalt  }
0x61: {  	_ =	shalt  }
0x62: {  	_ =	shalt  }
0x63: {  	_ =	shalt  }
0x64: {  	_ =	shalt  }
0x65: {  	_ =	shalt  }
0x66: {  	_ =	shalt  }
0x67: {  	_ =	shalt  }
0x68: {  	_ =	shalt  }
0x69: {  	_ =	shalt  }
0x6a: {  	_ =	shalt  }
0x6b: {  	_ =	shalt  }
0x6c: {  	_ =	shalt  }
0x6d: {  	_ =	shalt  }
0x6e: {  	_ =	shalt  }
0x6f: {  	_ =	shalt  }
0x70: {  	_ =	shalt  }
0x71: {  	_ =	shalt  }
0x72: {  	_ =	shalt  }
0x73: {  	_ =	shalt  }
0x74: {  	_ =	shalt  }
0x75: {  	_ =	shalt  }
0x76: {  	_ =	shalt  }
0x77: {  	_ =	shalt  }
0x78: {  	_ =	shalt  }
0x79: {  	_ =	shalt  }
0x7a: {  	_ =	shalt  }
0x7b: {  	_ =	shalt  }
0x7c: {  	_ =	shalt  }
0x7d: {  	_ =	shalt  }
0x7e: {  	_ =	shalt  }
0x7f: {  	_ =	shalt  }
0x80: {  	_ =	shalt  }
0x81: {  	_ =	shalt  }
0x82: {  	_ =	shalt  }
0x83: {  	_ =	shalt  }
0x84: {  	_ =	shalt  }
0x85: {  	_ =	shalt  }
0x86: {  	_ =	shalt  }
0x87: {  	_ =	shalt  }
.Lfunc_end0:
.L_simem_size_0:
called_computation_lowered:
.L_overlay_start_0:
0x88: {  	s2 =	sld [smem:$0x3FD9]  }
0x89: {  	s3 =	sld [smem:$0x3FFE];
	_ =	sdelay $0x1  }
0x8a: {  	s1 =	srdreg.scid  }
0x8b: {  	s0 =	sand.u32 $0x1, s1  }
0x8c: {  	s17 =	sshll.u32 s0, $0xA;
	s2 =	sadd.s32 s3, s2  }
0x8d: {  	s2 =	sadd.s32 s2, s17  }
0x8e: {  	[smem:$0x3FC6] =	sst s2  }
0x8f: {  	_ = 	snop  }
0x90: {  	s2 =	sld [smem:$0x3FD0];
	(tm) =	ssettm $0x1  }
0x91: {  	s18 =	sld [smem:$0x3FFB];
	_ =	sdelay $0x3  }
0x92: {  	_ =	strace s18  }
0x93: {  	s3 =	sld [smem:$0x3FFC];
	_ =	sdelay $0x3  }
0x94: {  	_ =	strace s3  }
0x95: {  	s3 =	sld [smem:$0x3FFD];
	_ =	sdelay $0x3  }
0x96: {  	_ =	strace s3  }
0x97: {  	_ =	strace $0x8FFFFFFF  }
0x98: {  	s19 =	sld [smem:$0x3FDB];
	_ =	sdelay $0x1  }
0x99: {  	s4 =	simm.s32 $_scs_section_size  }
0x9a: {  	s5 =	simm.s32 $_size__tile_overlayer_lowered;
	s6 =	simm.s32 $_tile_overlayer_lowered  }
0x9b: {  	s22 =	simm.s32 $0x1BFF;
	s21 =	sshll.u32 s6, $0x1;
	s3 =	sadd.s32 s4, s19  }
0x9c: {  	s7 =	simm.s32 $0x0;
	s20 =	sshll.u32 s5, $0x1;
	s5 =	sadd.s32 s21, s3  }
0x9d: {  	[timem:s7], [sflag:s22] =	dma.local [hbm:s5], s20  }
0x9e: {  	_ =	swait.ge [sflag:s22], s20  }
0x9f: {  	s4 =	ssub.s32 $0x0, s20;
	[sflag:s22] =	ssyncset.done $0x0  }
0xa0: {  	[sflag:s22] =	ssyncadd.s32 s4;
	_ =	sdelay $0x1  }
0xa1: {  	s23 =	simm.s32 $0x1B8B  }
0xa2: {  	_ =	swait.ge [sflag:s23], $0x1  }
0xa3: {  	[sflag:s23] =	ssyncset.done $0x0  }
0xa4: {  	s25 =	simm.s32 $0x1B8E;
	s24 =	sld [smem:$0x3FFE];
	[sflag:s23] =	ssyncadd.s32 $0xFFFFFFFF  }
0xa5: {  	s26 =	simm.s32 $execute0_lowered;
	[smem:$0x3FD2] =	sst s25  }
0xa6: {  	s5 =	sshll.u32 s26, $0x1;
	_ =	strace $0x80000046;
	[dreg:$0x1] =	wrdreg $0xFFFFFFFF  }
0xa7: {  	s28 =	simm.s32 $_size_execute0_lowered;
	s3 =	sadd.s32 s3, s5;
	[dreg:$0x0] =	wrdreg $0x0  }
0xa8: {  	s5 =	sshll.u32 s28, $0x1;
	[dreg:$0x2] =	wrdreg s3  }
0xa9: {  	[dreg:$0x3] =	wrdreg s5  }
0xaa: {  	[dreg:$0x4] =	wrdreg $0xC0  }
0xab: {  	_ =	task [dreg:s7], $0x5FFFF  }
0xac: {  	[dreg:$0x1] =	wrdreg $0xFFFFFFFF  }
0xad: {  	[dreg:$0x0] =	wrdreg $0x60  }
0xae: {  	[dreg:$0x2] =	wrdreg s24  }
0xaf: {  	[dreg:$0x3] =	wrdreg s2  }
0xb0: {  	[dreg:$0x4] =	wrdreg $0x9  }
0xb1: {  	_ =	task.clear_ibuf [dreg:s7], $0x5FFFF;
	_ =	strace $0x90000046  }
0xb2: {  	s29 =	simm.s32 $0x9;
	_ =	strace $0x80000048  }
0xb3: {  	_ =	swait.ge [sflag:s29], $0x1  }
0xb4: {  	[sflag:s29] =	ssyncadd.s32 $0xFFFFFFFF  }
0xb5: {  	_ =	strace $0x90000048  }
0xb6: {  	_ =	sfence  }
0xb7: {  	s30 =	sld [smem:$0x0];
	_ =	sdelay $0x2  }
0xb8: {  	s31 =	sshll.u32 s1, $0xD;
	s1 =	sshrl.u32 s1, $0x2  }
0xb9: {  	s3 =	sand.u32 $0x4000, s31;
	s1 =	sadd.s32 s1, s30  }
0xba: {  	s0 =	sor.u32 s3, s0;
	s1 =	sshll.u32 s1, $0x11  }
0xbb: {  	s0 =	sor.u32 s1, s0  }
0xbc: {  	s0 =	sadd.s32 $0x8F2B, s0  }
0xbd: {  	[sflag:s0] =	ssyncadd.remote.s32 $0x1  }
0xbe: {  	_ =	sfence.sel $0xFFFF  }
0xbf: {  	[dreg:$0x0] =	wrdreg $0xFFFFFFFF;
	(pc) =	sbr.abs _section_cstart, $3  }
0xc0: {  	[dreg:$0x1] =	wrdreg $0xFFFFFFFF  }
0xc1: {  	_ =	task.clear_ibuf [dreg:s7], $0x2FFFF;
	_ =	strace $0x9FFFFFFF  }
0xc2: {  	(tm) =	ssettm $0x7FFFFFFF  }
0xc3: {  	_ =	shalt  }
tec
execute0_lowered:
.L_overlay_start_1:
0x0: {  	(tag) =	ssettag $0x1  }
0x1: {  	v35 =	vlaneseq.u32  }
0x2: {  	v26 =	vor.u32 $0x200, v35  }
0x3: {  	v33 =	vor.u32 $0x280, v35;
	[tilespmem:$0x1FCB0] =	vst v26  }
0x4: {  	v34 =	vor.u32 $0x300, v35;
	[tilespmem:$0x1FCC0] =	vst v33  }
0x5: {  	v36 =	vor.u32 $0x380, v35;
	[tilespmem:$0x1FCD0] =	vst v34  }
0x6: {  	v37 =	vor.u32 $0x90, v35;
	[tilespmem:$0x1FCE0] =	vst v36  }
0x7: {  	v38 =	vor.u32 $0x110, v35;
	[tilespmem:$0x1FCF0] =	vst v37  }
0x8: {  	v39 =	vor.u32 $0x190, v35;
	[tilespmem:$0x1FD00] =	vst v38  }
0x9: {  	v40 =	vor.u32 $0x210, v35;
	[tilespmem:$0x1FD10] =	vst v39  }
0xa: {  	v41 =	vor.u32 $0x290, v35;
	[tilespmem:$0x1FD20] =	vst v40  }
0xb: {  	v42 =	vor.u32 $0x310, v35;
	[tilespmem:$0x1FD30] =	vst v41  }
0xc: {  	v44 =	vor.u32 $0x390, v35;
	[tilespmem:$0x1FD40] =	vst v42  }
0xd: {  	v45 =	vor.u32 $0x1A0, v35;
	[tilespmem:$0x1FD50] =	vst v44  }
0xe: {  	v46 =	vor.u32 $0x220, v35;
	[tilespmem:$0x1FD60] =	vst v45  }
0xf: {  	v47 =	vor.u32 $0x3A0, v35;
	[tilespmem:$0x1FD70] =	vst v46  }
0x10: {  	v48 =	vor.u32 $0x1B0, v35;
	[tilespmem:$0x1FD80] =	vst v47  }
0x11: {  	v49 =	vor.u32 $0x2B0, v35;
	[tilespmem:$0x1FD90] =	vst v48  }
0x12: {  	v50 =	vor.u32 $0x330, v35;
	[tilespmem:$0x1FDA0] =	vst v49  }
0x13: {  	v51 =	vor.u32 $0x3B0, v35;
	[tilespmem:$0x1FDB0] =	vst v50  }
0x14: {  	v52 =	vor.u32 $0xC0, v35;
	[tilespmem:$0x1FDC0] =	vst v51  }
0x15: {  	v53 =	vor.u32 $0x140, v35;
	[tilespmem:$0x1FDD0] =	vst v52  }
0x16: {  	v54 =	vor.u32 $0x1C0, v35;
	[tilespmem:$0x1FDE0] =	vst v53  }
0x17: {  	v55 =	vor.u32 $0x240, v35;
	[tilespmem:$0x1FDF0] =	vst v54  }
0x18: {  	v56 =	vor.u32 $0x2C0, v35;
	[tilespmem:$0x1FE00] =	vst v55  }
0x19: {  	v57 =	vor.u32 $0x340, v35;
	[tilespmem:$0x1FE10] =	vst v56  }
0x1a: {  	v58 =	vor.u32 $0x3C0, v35;
	[tilespmem:$0x1FE20] =	vst v57  }
0x1b: {  	v59 =	vor.u32 $0x150, v35;
	[tilespmem:$0x1FE30] =	vst v58  }
0x1c: {  	v60 =	vor.u32 $0x1D0, v35;
	[tilespmem:$0x1FE40] =	vst v59  }
0x1d: {  	s4 =	rddreg [dreg:$0x0];
	v0 =	vmul.u32 $0x32, v35;
	v61 =	vor.u32 $0x250, v35;
	[tilespmem:$0x1FE50] =	vst v60  }
0x1e: {  	s2 =	rddreg [dreg:$0x1];
	s3 =	simm.s32 $0x0;
	[tilespmem:$0x1FE60] =	vst v61  }
0x1f: {  	s1 =	srdreg.scid;
	[smem:$0x7FF] =	sst s3;
	v62 =	vor.u32 $0x260, v35;
	[tilespmem:$0x1FCA0] =	vst v0  }
0x20: {  	s5 =	sand.u32 $0x1, s1;
	s1 =	rddreg [dreg:$0x2];
	v63 =	vor.u32 $0x2E0, v35;
	_ =	strace $0x80000047;
	[tilespmem:$0x1FE70] =	vst v62  }
0x21: {  	v30 =	vor.u32 $0x180, v35;
	[tilespmem:$0x1FE80] =	vst v63  }
0x22: {  	v43 =	vor.u32 $0x10, v35;
	[tilespmem:$0x1FE90] =	vst v30  }
0x23: {  	v40 =	vor.u32 $0x20, v35;
	[tilespmem:$0x1FEA0] =	vst v43  }
0x24: {  	v41 =	vor.u32 $0xA0, v35;
	[tilespmem:$0x1FEB0] =	vst v40  }
0x25: {  	v44 =	vor.u32 $0x120, v35;
	[tilespmem:$0x1FEC0] =	vst v41  }
0x26: {  	v5 =	vor.u32 $0x320, v35;
	[tilespmem:$0x1FED0] =	vst v44  }
0x27: {  	v46 =	vor.u32 $0x30, v35;
	[tilespmem:$0x1FEE0] =	vst v5  }
0x28: {  	v42 =	vor.u32 $0xB0, v35;
	[tilespmem:$0x1FEF0] =	vst v46  }
0x29: {  	v39 =	vor.u32 $0x130, v35;
	[tilespmem:$0x1FF00] =	vst v42  }
0x2a: {  	v36 =	vor.u32 $0x40, v35;
	[tilespmem:$0x1FF10] =	vst v39  }
0x2b: {  	v49 =	vor.u32 $0x50, v35;
	[tilespmem:$0x1FF20] =	vst v36  }
0x2c: {  	v54 =	vor.u32 $0xD0, v35;
	[tilespmem:$0x1FF30] =	vst v49  }
0x2d: {  	v53 =	vor.u32 $0x2D0, v35;
	[tilespmem:$0x1FF40] =	vst v54  }
0x2e: {  	v6 =	vor.u32 $0x350, v35;
	[tilespmem:$0x1FF50] =	vst v53  }
0x2f: {  	v7 =	vor.u32 $0x3D0, v35;
	[tilespmem:$0x1FF60] =	vst v6  }
0x30: {  	v47 =	vor.u32 $0x60, v35;
	[tilespmem:$0x1FF70] =	vst v7  }
0x31: {  	s0 =	stileid.u32;
	v50 =	vor.u32 $0xE0, v35;
	[tilespmem:$0x1FF80] =	vst v47  }
0x32: {  	s9 =	simm.s32 $0x6400;
	s10 =	simm.s32 $0x7D80;
	s11 =	simm.s32 $0x9780;
	v52 =	vor.u32 $0x160, v35;
	[tilespmem:$0x1FF90] =	vst v50  }
0x33: {  	s12 =	simm.s32 $0x1000;
	s13 =	simm.s32 $0x20000;
	s31 =	sshll.u32 s0, $0x1;
	v55 =	vor.u32 $0x1E0, v35;
	[tilespmem:$0x1FFA0] =	vst v52  }
0x34: {  	s14 =	simm.s32 $0x11780;
	s15 =	simm.s32 $0x1;
	s6 =	sor.u32 s5, s31;
	v56 =	vor.u32 $0x360, v35;
	[tilespmem:$0x1FFB0] =	vst v55  }
0x35: {  	s16 =	simm.s32 $0x2;
	v29 =	vor.u32 $0x80, v35;
	v32 =	vor.u32 $0x100, v35;
	s5 =	ssub.s32 $0x2, s5;
	v57 =	vor.u32 $0x3E0, v35;
	s7 =	smul.u32 $0xC80, s6;
	[tilespmem:$0x1FFC0] =	vst v56  }
0x36: {  	s17 =	simm.s32 $0x0;
	v45 =	vor.u32 $0x2A0, v35;
	v48 =	vor.u32 $0x230, v35;
	v58 =	vor.u32 $0x70, v35;
	s8 =	sshrl.u32 s5, $0x1;
	s6 =	sshll.u32 s6, $0xC;
	[tilespmem:$0x1FFD0] =	vst v57  }
0x37: {  	v51 =	vor.u32 $0xF0, v35;
	v59 =	vor.u32 $0x170, v35;
	v60 =	vor.u32 $0x1F0, v35;
	s8 =	ssub.s32 s5, s8;
	[tilespmem:$0x1FFE0] =	vst v58;
	s7 =	sadd.s32 s7, s4;
	s4 =	sadd.s32 $0x400, s4  }
0x38: {  	v61 =	vor.u32 $0x270, v35;
	v62 =	vor.u32 $0x2F0, v35;
	v63 =	vor.u32 $0x370, v35;
	[tilespmem:$0x1FFF0] =	vst v51;
	s5 =	sadd.s32 $0x800, s7;
	s7 =	smax.u32 s8, $0x1;
	s8 =	simm.s32 $0x3  }
.LBB2_1:
0x39: {  	[tilespmem:s3], [sflag:$0x3] =	stream.linear.gather [hbm4b:s5+s3], $0x6400, $0x38;
	[tilespmem:$0x19780] =	vst v63  }
0x3a: {  	_ =	swait.ge [sflag:s8], $0x6400  }
0x3b: {  	[sflag:s8] =	ssyncset.done $0x0  }
0x3c: {  	[sflag:s8] =	ssyncadd.s32 $0xFFFF9C00  }
0x3d: {  	[tilespmem:s9], [sflag:$0x3] =	stream.linear.gather [hbm4b:s4+s3], $0x1980, $0x38;
	[tilespmem:$0x19780] =	vst v63  }
0x3e: {  	_ =	swait.ge [sflag:s8], $0x1980  }
0x3f: {  	[sflag:s8] =	ssyncset.done $0x0  }
0x40: {  	[sflag:s8] =	ssyncadd.s32 $0xFFFFE680  }
0x41: {  	v0 =	vld [tilespmem:$0x6400]  }
0x42: {  	v1 =	vld [tilespmem:$0x6410]  }
0x43: {  	v2 =	vld [tilespmem:$0x6420]  }
0x44: {  	v3 =	vld [tilespmem:$0x6430]  }
0x45: {  	v4 =	vld [tilespmem:$0x6440]  }
0x46: {  	v17 =	vld [tilespmem:$0x6450];
	[tilespmem:$0x7D80] =	vst v0  }
0x47: {  	v18 =	vld [tilespmem:$0x6460];
	[tilespmem:$0x7D90] =	vst v1  }
0x48: {  	v19 =	vld [tilespmem:$0x6470];
	[tilespmem:$0x7DA0] =	vst v2  }
0x49: {  	v20 =	vld [tilespmem:$0x6480];
	[tilespmem:$0x7DB0] =	vst v3  }
0x4a: {  	v21 =	vld [tilespmem:$0x6490];
	[tilespmem:$0x7DC1] =	vst v4  }
0x4b: {  	v22 =	vld [tilespmem:$0x64A0];
	[tilespmem:$0x7DD1] =	vst v17  }
0x4c: {  	v23 =	vld [tilespmem:$0x64B0];
	[tilespmem:$0x7DE1] =	vst v18  }
0x4d: {  	v24 =	vld [tilespmem:$0x64C0];
	[tilespmem:$0x7DF1] =	vst v19  }
0x4e: {  	v25 =	vld [tilespmem:$0x64D0];
	[tilespmem:$0x7E02] =	vst v20  }
0x4f: {  	v26 =	vld [tilespmem:$0x64E0];
	[tilespmem:$0x7E12] =	vst v21  }
0x50: {  	v33 =	vld [tilespmem:$0x64F0];
	[tilespmem:$0x7E22] =	vst v22  }
0x51: {  	v34 =	vld [tilespmem:$0x6500];
	[tilespmem:$0x7E32] =	vst v23  }
0x52: {  	v36 =	vld [tilespmem:$0x6510];
	[tilespmem:$0x7E43] =	vst v24  }
0x53: {  	v37 =	vld [tilespmem:$0x6520];
	[tilespmem:$0x7E53] =	vst v25  }
0x54: {  	v38 =	vld [tilespmem:$0x6530];
	[tilespmem:$0x7E63] =	vst v26  }
0x55: {  	v39 =	vld [tilespmem:$0x6540];
	[tilespmem:$0x7E73] =	vst v33  }
0x56: {  	v40 =	vld [tilespmem:$0x6550];
	[tilespmem:$0x7E84] =	vst v34  }
0x57: {  	v41 =	vld [tilespmem:$0x6560];
	[tilespmem:$0x7E94] =	vst v36  }
0x58: {  	v42 =	vld [tilespmem:$0x6570];
	[tilespmem:$0x7EA4] =	vst v37  }
0x59: {  	v44 =	vld [tilespmem:$0x6580];
	[tilespmem:$0x7EB4] =	vst v38  }
0x5a: {  	v46 =	vld [tilespmem:$0x6590];
	[tilespmem:$0x7EC5] =	vst v39  }
0x5b: {  	v47 =	vld [tilespmem:$0x65A0];
	[tilespmem:$0x7ED5] =	vst v40  }
0x5c: {  	v49 =	vld [tilespmem:$0x65B0];
	[tilespmem:$0x7EE5] =	vst v41  }
0x5d: {  	v50 =	vld [tilespmem:$0x65C0];
	[tilespmem:$0x7EF5] =	vst v42  }
0x5e: {  	v51 =	vld [tilespmem:$0x65D0];
	[tilespmem:$0x7F06] =	vst v44  }
0x5f: {  	v52 =	vld [tilespmem:$0x65E0];
	[tilespmem:$0x7F16] =	vst v46  }
0x60: {  	v53 =	vld [tilespmem:$0x65F0];
	[tilespmem:$0x7F26] =	vst v47  }
0x61: {  	v55 =	vld [tilespmem:$0x6600];
	[tilespmem:$0x7F36] =	vst v49  }
0x62: {  	v8 =	vld [tilespmem:$0x6610];
	[tilespmem:$0x7F47] =	vst v50  }
0x63: {  	v9 =	vld [tilespmem:$0x6620];
	[tilespmem:$0x7F57] =	vst v51  }
0x64: {  	v10 =	vld [tilespmem:$0x6630];
	[tilespmem:$0x7F67] =	vst v52  }
0x65: {  	v11 =	vld [tilespmem:$0x6640];
	[tilespmem:$0x7F77] =	vst v53  }
0x66: {  	v12 =	vld [tilespmem:$0x6650];
	[tilespmem:$0x7F88] =	vst v55  }
0x67: {  	v13 =	vld [tilespmem:$0x6660];
	[tilespmem:$0x7F98] =	vst v8  }
0x68: {  	v14 =	vld [tilespmem:$0x6670];
	[tilespmem:$0x7FA8] =	vst v9  }
0x69: {  	v15 =	vld [tilespmem:$0x6680];
	[tilespmem:$0x7FB8] =	vst v10  }
0x6a: {  	v16 =	vld [tilespmem:$0x6690];
	[tilespmem:$0x7FC9] =	vst v11  }
0x6b: {  	[tilespmem:$0x7FD9] =	vst v12;
	v17 =	vld [tilespmem:$0x66A0]  }
0x6c: {  	[tilespmem:$0x7FE9] =	vst v13;
	v18 =	vld [tilespmem:$0x66B0]  }
0x6d: {  	[tilespmem:$0x7FF9] =	vst v14;
	v19 =	vld [tilespmem:$0x66C0]  }
0x6e: {  	[tilespmem:$0x800A] =	vst v15;
	v20 =	vld [tilespmem:$0x66D0]  }
0x6f: {  	[tilespmem:$0x801A] =	vst v16;
	v21 =	vld [tilespmem:$0x66E0]  }
0x70: {  	v22 =	vld [tilespmem:$0x66F0];
	[tilespmem:$0x802A] =	vst v17  }
0x71: {  	v23 =	vld [tilespmem:$0x6700];
	[tilespmem:$0x803A] =	vst v18  }
0x72: {  	v24 =	vld [tilespmem:$0x6710];
	[tilespmem:$0x804B] =	vst v19  }
0x73: {  	v25 =	vld [tilespmem:$0x6720];
	[tilespmem:$0x805B] =	vst v20  }
0x74: {  	v26 =	vld [tilespmem:$0x6730];
	[tilespmem:$0x806B] =	vst v21  }
0x75: {  	v33 =	vld [tilespmem:$0x6740];
	[tilespmem:$0x807B] =	vst v22  }
0x76: {  	v34 =	vld [tilespmem:$0x6750];
	[tilespmem:$0x808C] =	vst v23  }
0x77: {  	v36 =	vld [tilespmem:$0x6760];
	[tilespmem:$0x809C] =	vst v24  }
0x78: {  	v37 =	vld [tilespmem:$0x6770];
	[tilespmem:$0x80AC] =	vst v25  }
0x79: {  	v38 =	vld [tilespmem:$0x6780];
	[tilespmem:$0x80BC] =	vst v26  }
0x7a: {  	v39 =	vld [tilespmem:$0x6790];
	[tilespmem:$0x80CD] =	vst v33  }
0x7b: {  	v40 =	vld [tilespmem:$0x67A0];
	[tilespmem:$0x80DD] =	vst v34  }
0x7c: {  	v41 =	vld [tilespmem:$0x67B0];
	[tilespmem:$0x80ED] =	vst v36  }
0x7d: {  	v42 =	vld [tilespmem:$0x67C0];
	[tilespmem:$0x80FD] =	vst v37  }
0x7e: {  	v44 =	vld [tilespmem:$0x67D0];
	[tilespmem:$0x810E] =	vst v38  }
0x7f: {  	v46 =	vld [tilespmem:$0x67E0];
	[tilespmem:$0x811E] =	vst v39  }
0x80: {  	v47 =	vld [tilespmem:$0x67F0];
	[tilespmem:$0x812E] =	vst v40  }
0x81: {  	v49 =	vld [tilespmem:$0x6800];
	[tilespmem:$0x813E] =	vst v41  }
0x82: {  	v50 =	vld [tilespmem:$0x6810];
	[tilespmem:$0x814F] =	vst v42  }
0x83: {  	v51 =	vld [tilespmem:$0x6820];
	[tilespmem:$0x815F] =	vst v44  }
0x84: {  	v52 =	vld [tilespmem:$0x6830];
	[tilespmem:$0x816F] =	vst v46  }
0x85: {  	v53 =	vld [tilespmem:$0x6840];
	[tilespmem:$0x817F] =	vst v47  }
0x86: {  	v55 =	vld [tilespmem:$0x6850];
	[tilespmem:$0x8190] =	vst v49  }
0x87: {  	v8 =	vld [tilespmem:$0x6860];
	[tilespmem:$0x81A0] =	vst v50  }
0x88: {  	v9 =	vld [tilespmem:$0x6870];
	[tilespmem:$0x81B0] =	vst v51  }
0x89: {  	v10 =	vld [tilespmem:$0x6880];
	[tilespmem:$0x81C0] =	vst v52  }
0x8a: {  	v11 =	vld [tilespmem:$0x6890];
	[tilespmem:$0x81D1] =	vst v53  }
0x8b: {  	v12 =	vld [tilespmem:$0x68A0];
	[tilespmem:$0x81E1] =	vst v55  }
0x8c: {  	v13 =	vld [tilespmem:$0x68B0];
	[tilespmem:$0x81F1] =	vst v8  }
0x8d: {  	v14 =	vld [tilespmem:$0x68C0];
	[tilespmem:$0x8201] =	vst v9  }
0x8e: {  	v15 =	vld [tilespmem:$0x68D0];
	[tilespmem:$0x8212] =	vst v10  }
0x8f: {  	v16 =	vld [tilespmem:$0x68E0];
	[tilespmem:$0x8222] =	vst v11  }
0x90: {  	[tilespmem:$0x8232] =	vst v12;
	v17 =	vld [tilespmem:$0x68F0]  }
0x91: {  	[tilespmem:$0x8242] =	vst v13;
	v18 =	vld [tilespmem:$0x6900]  }
0x92: {  	[tilespmem:$0x8253] =	vst v14;
	v19 =	vld [tilespmem:$0x6910]  }
0x93: {  	[tilespmem:$0x8263] =	vst v15;
	v20 =	vld [tilespmem:$0x6920]  }
0x94: {  	[tilespmem:$0x8273] =	vst v16;
	v21 =	vld [tilespmem:$0x6930]  }
0x95: {  	v22 =	vld [tilespmem:$0x6940];
	[tilespmem:$0x8283] =	vst v17  }
0x96: {  	v23 =	vld [tilespmem:$0x6950];
	[tilespmem:$0x8294] =	vst v18  }
0x97: {  	v24 =	vld [tilespmem:$0x6960];
	[tilespmem:$0x82A4] =	vst v19  }
0x98: {  	v25 =	vld [tilespmem:$0x6970];
	[tilespmem:$0x82B4] =	vst v20  }
0x99: {  	v26 =	vld [tilespmem:$0x6980];
	[tilespmem:$0x82C4] =	vst v21  }
0x9a: {  	v33 =	vld [tilespmem:$0x6990];
	[tilespmem:$0x82D5] =	vst v22  }
0x9b: {  	v34 =	vld [tilespmem:$0x69A0];
	[tilespmem:$0x82E5] =	vst v23  }
0x9c: {  	v36 =	vld [tilespmem:$0x69B0];
	[tilespmem:$0x82F5] =	vst v24  }
0x9d: {  	v37 =	vld [tilespmem:$0x69C0];
	[tilespmem:$0x8305] =	vst v25  }
0x9e: {  	v38 =	vld [tilespmem:$0x69D0];
	[tilespmem:$0x8316] =	vst v26  }
0x9f: {  	v39 =	vld [tilespmem:$0x69E0];
	[tilespmem:$0x8326] =	vst v33  }
0xa0: {  	v40 =	vld [tilespmem:$0x69F0];
	[tilespmem:$0x8336] =	vst v34  }
0xa1: {  	v41 =	vld [tilespmem:$0x6A00];
	[tilespmem:$0x8346] =	vst v36  }
0xa2: {  	v42 =	vld [tilespmem:$0x6A10];
	[tilespmem:$0x8357] =	vst v37  }
0xa3: {  	v44 =	vld [tilespmem:$0x6A20];
	[tilespmem:$0x8367] =	vst v38  }
0xa4: {  	v46 =	vld [tilespmem:$0x6A30];
	[tilespmem:$0x8377] =	vst v39  }
0xa5: {  	v47 =	vld [tilespmem:$0x6A40];
	[tilespmem:$0x8387] =	vst v40  }
0xa6: {  	v49 =	vld [tilespmem:$0x6A50];
	[tilespmem:$0x8398] =	vst v41  }
0xa7: {  	v50 =	vld [tilespmem:$0x6A60];
	[tilespmem:$0x83A8] =	vst v42  }
0xa8: {  	v51 =	vld [tilespmem:$0x6A70];
	[tilespmem:$0x83B8] =	vst v44  }
0xa9: {  	v52 =	vld [tilespmem:$0x6A80];
	[tilespmem:$0x83C8] =	vst v46  }
0xaa: {  	v53 =	vld [tilespmem:$0x6A90];
	[tilespmem:$0x83D9] =	vst v47  }
0xab: {  	v55 =	vld [tilespmem:$0x6AA0];
	[tilespmem:$0x83E9] =	vst v49  }
0xac: {  	v8 =	vld [tilespmem:$0x6AB0];
	[tilespmem:$0x83F9] =	vst v50  }
0xad: {  	v9 =	vld [tilespmem:$0x6AC0];
	[tilespmem:$0x8409] =	vst v51  }
0xae: {  	v10 =	vld [tilespmem:$0x6AD0];
	[tilespmem:$0x841A] =	vst v52  }
0xaf: {  	v11 =	vld [tilespmem:$0x6AE0];
	[tilespmem:$0x842A] =	vst v53  }
0xb0: {  	v12 =	vld [tilespmem:$0x6AF0];
	[tilespmem:$0x843A] =	vst v55  }
0xb1: {  	v13 =	vld [tilespmem:$0x6B00];
	[tilespmem:$0x844A] =	vst v8  }
0xb2: {  	v14 =	vld [tilespmem:$0x6B10];
	[tilespmem:$0x845B] =	vst v9  }
0xb3: {  	v15 =	vld [tilespmem:$0x6B20];
	[tilespmem:$0x846B] =	vst v10  }
0xb4: {  	v16 =	vld [tilespmem:$0x6B30];
	[tilespmem:$0x847B] =	vst v11  }
0xb5: {  	[tilespmem:$0x848B] =	vst v12;
	v17 =	vld [tilespmem:$0x6B40]  }
0xb6: {  	[tilespmem:$0x849C] =	vst v13;
	v18 =	vld [tilespmem:$0x6B50]  }
0xb7: {  	[tilespmem:$0x84AC] =	vst v14;
	v19 =	vld [tilespmem:$0x6B60]  }
0xb8: {  	[tilespmem:$0x84BC] =	vst v15;
	v20 =	vld [tilespmem:$0x6B70]  }
0xb9: {  	[tilespmem:$0x84CC] =	vst v16;
	v21 =	vld [tilespmem:$0x6B80]  }
0xba: {  	v22 =	vld [tilespmem:$0x6B90];
	[tilespmem:$0x84DD] =	vst v17  }
0xbb: {  	v23 =	vld [tilespmem:$0x6BA0];
	[tilespmem:$0x84ED] =	vst v18  }
0xbc: {  	v24 =	vld [tilespmem:$0x6BB0];
	[tilespmem:$0x84FD] =	vst v19  }
0xbd: {  	v25 =	vld [tilespmem:$0x6BC0];
	[tilespmem:$0x850D] =	vst v20  }
0xbe: {  	v26 =	vld [tilespmem:$0x6BD0];
	[tilespmem:$0x851E] =	vst v21  }
0xbf: {  	v33 =	vld [tilespmem:$0x6BE0];
	[tilespmem:$0x852E] =	vst v22  }
0xc0: {  	v34 =	vld [tilespmem:$0x6BF0];
	[tilespmem:$0x853E] =	vst v23  }
0xc1: {  	v36 =	vld [tilespmem:$0x6C00];
	[tilespmem:$0x854E] =	vst v24  }
0xc2: {  	v37 =	vld [tilespmem:$0x6C10];
	[tilespmem:$0x855F] =	vst v25  }
0xc3: {  	v38 =	vld [tilespmem:$0x6C20];
	[tilespmem:$0x856F] =	vst v26  }
0xc4: {  	v39 =	vld [tilespmem:$0x6C30];
	[tilespmem:$0x857F] =	vst v33  }
0xc5: {  	v40 =	vld [tilespmem:$0x6C40];
	[tilespmem:$0x858F] =	vst v34  }
0xc6: {  	v41 =	vld [tilespmem:$0x6C50];
	[tilespmem:$0x85A0] =	vst v36  }
0xc7: {  	v42 =	vld [tilespmem:$0x6C60];
	[tilespmem:$0x85B0] =	vst v37  }
0xc8: {  	v44 =	vld [tilespmem:$0x6C70];
	[tilespmem:$0x85C0] =	vst v38  }
0xc9: {  	v46 =	vld [tilespmem:$0x6C80];
	[tilespmem:$0x85D0] =	vst v39  }
0xca: {  	v47 =	vld [tilespmem:$0x6C90];
	[tilespmem:$0x85E1] =	vst v40  }
0xcb: {  	v49 =	vld [tilespmem:$0x6CA0];
	[tilespmem:$0x85F1] =	vst v41  }
0xcc: {  	v50 =	vld [tilespmem:$0x6CB0];
	[tilespmem:$0x8601] =	vst v42  }
0xcd: {  	v51 =	vld [tilespmem:$0x6CC0];
	[tilespmem:$0x8611] =	vst v44  }
0xce: {  	v52 =	vld [tilespmem:$0x6CD0];
	[tilespmem:$0x8622] =	vst v46  }
0xcf: {  	v53 =	vld [tilespmem:$0x6CE0];
	[tilespmem:$0x8632] =	vst v47  }
0xd0: {  	v55 =	vld [tilespmem:$0x6CF0];
	[tilespmem:$0x8642] =	vst v49  }
0xd1: {  	v8 =	vld [tilespmem:$0x6D00];
	[tilespmem:$0x8652] =	vst v50  }
0xd2: {  	v9 =	vld [tilespmem:$0x6D10];
	[tilespmem:$0x8663] =	vst v51  }
0xd3: {  	v10 =	vld [tilespmem:$0x6D20];
	[tilespmem:$0x8673] =	vst v52  }
0xd4: {  	v11 =	vld [tilespmem:$0x6D30];
	[tilespmem:$0x8683] =	vst v53  }
0xd5: {  	v12 =	vld [tilespmem:$0x6D40];
	[tilespmem:$0x8693] =	vst v55  }
0xd6: {  	v13 =	vld [tilespmem:$0x6D50];
	[tilespmem:$0x86A4] =	vst v8  }
0xd7: {  	v14 =	vld [tilespmem:$0x6D60];
	[tilespmem:$0x86B4] =	vst v9  }
0xd8: {  	v15 =	vld [tilespmem:$0x6D70];
	[tilespmem:$0x86C4] =	vst v10  }
0xd9: {  	v16 =	vld [tilespmem:$0x6D80];
	[tilespmem:$0x86D4] =	vst v11  }
0xda: {  	[tilespmem:$0x86E5] =	vst v12;
	v17 =	vld [tilespmem:$0x6D90]  }
0xdb: {  	[tilespmem:$0x86F5] =	vst v13  }
0xdc: {  	[tilespmem:$0x8705] =	vst v14  }
0xdd: {  	[tilespmem:$0x8715] =	vst v15  }
0xde: {  	[tilespmem:$0x8726] =	vst v16  }
0xdf: {  	[tilespmem:$0x8736] =	vst v17  }
0xe0: {  	v0 =	vld [tilespmem:$0x6DA0]  }
0xe1: {  	v18 =	vld [tilespmem:$0x6DB0]  }
0xe2: {  	v19 =	vld [tilespmem:$0x6DC0]  }
0xe3: {  	v20 =	vld [tilespmem:$0x6DD0]  }
0xe4: {  	v21 =	vld [tilespmem:$0x6DE0]  }
0xe5: {  	v22 =	vld [tilespmem:$0x6DF0];
	[tilespmem:$0x8746] =	vst v0  }
0xe6: {  	v23 =	vld [tilespmem:$0x6E00];
	[tilespmem:$0x8756] =	vst v18  }
0xe7: {  	v24 =	vld [tilespmem:$0x6E10];
	[tilespmem:$0x8767] =	vst v19  }
0xe8: {  	v25 =	vld [tilespmem:$0x6E20];
	[tilespmem:$0x8777] =	vst v20  }
0xe9: {  	v26 =	vld [tilespmem:$0x6E30];
	[tilespmem:$0x8787] =	vst v21  }
0xea: {  	v33 =	vld [tilespmem:$0x6E40];
	[tilespmem:$0x8797] =	vst v22  }
0xeb: {  	v34 =	vld [tilespmem:$0x6E50];
	[tilespmem:$0x87A8] =	vst v23  }
0xec: {  	v36 =	vld [tilespmem:$0x6E60];
	[tilespmem:$0x87B8] =	vst v24  }
0xed: {  	v37 =	vld [tilespmem:$0x6E70];
	[tilespmem:$0x87C8] =	vst v25  }
0xee: {  	v38 =	vld [tilespmem:$0x6E80];
	[tilespmem:$0x87D8] =	vst v26  }
0xef: {  	v39 =	vld [tilespmem:$0x6E90];
	[tilespmem:$0x87E9] =	vst v33  }
0xf0: {  	v40 =	vld [tilespmem:$0x6EA0];
	[tilespmem:$0x87F9] =	vst v34  }
0xf1: {  	v41 =	vld [tilespmem:$0x6EB0];
	[tilespmem:$0x8809] =	vst v36  }
0xf2: {  	v42 =	vld [tilespmem:$0x6EC0];
	[tilespmem:$0x8819] =	vst v37  }
0xf3: {  	v44 =	vld [tilespmem:$0x6ED0];
	[tilespmem:$0x882A] =	vst v38  }
0xf4: {  	v46 =	vld [tilespmem:$0x6EE0];
	[tilespmem:$0x883A] =	vst v39  }
0xf5: {  	v47 =	vld [tilespmem:$0x6EF0];
	[tilespmem:$0x884A] =	vst v40  }
0xf6: {  	v49 =	vld [tilespmem:$0x6F00];
	[tilespmem:$0x885A] =	vst v41  }
0xf7: {  	v50 =	vld [tilespmem:$0x6F10];
	[tilespmem:$0x886B] =	vst v42  }
0xf8: {  	v51 =	vld [tilespmem:$0x6F20];
	[tilespmem:$0x887B] =	vst v44  }
0xf9: {  	v52 =	vld [tilespmem:$0x6F30];
	[tilespmem:$0x888B] =	vst v46  }
0xfa: {  	v53 =	vld [tilespmem:$0x6F40];
	[tilespmem:$0x889B] =	vst v47  }
0xfb: {  	v55 =	vld [tilespmem:$0x6F50];
	[tilespmem:$0x88AC] =	vst v49  }
0xfc: {  	v8 =	vld [tilespmem:$0x6F60];
	[tilespmem:$0x88BC] =	vst v50  }
0xfd: {  	v9 =	vld [tilespmem:$0x6F70];
	[tilespmem:$0x88CC] =	vst v51  }
0xfe: {  	v10 =	vld [tilespmem:$0x6F80];
	[tilespmem:$0x88DC] =	vst v52  }
0xff: {  	v11 =	vld [tilespmem:$0x6F90];
	[tilespmem:$0x88ED] =	vst v53  }
0x100: {  	v12 =	vld [tilespmem:$0x6FA0];
	[tilespmem:$0x88FD] =	vst v55  }
0x101: {  	v13 =	vld [tilespmem:$0x6FB0];
	[tilespmem:$0x890D] =	vst v8  }
0x102: {  	v14 =	vld [tilespmem:$0x6FC0];
	[tilespmem:$0x891D] =	vst v9  }
0x103: {  	v15 =	vld [tilespmem:$0x6FD0];
	[tilespmem:$0x892E] =	vst v10  }
0x104: {  	v16 =	vld [tilespmem:$0x6FE0];
	[tilespmem:$0x893E] =	vst v11  }
0x105: {  	v17 =	vld [tilespmem:$0x6FF0];
	[tilespmem:$0x894E] =	vst v12  }
0x106: {  	[tilespmem:$0x895E] =	vst v13;
	v18 =	vld [tilespmem:$0x7000]  }
0x107: {  	[tilespmem:$0x896F] =	vst v14;
	v19 =	vld [tilespmem:$0x7010]  }
0x108: {  	[tilespmem:$0x897F] =	vst v15;
	v20 =	vld [tilespmem:$0x7020]  }
0x109: {  	[tilespmem:$0x898F] =	vst v16;
	v21 =	vld [tilespmem:$0x7030]  }
0x10a: {  	[tilespmem:$0x899F] =	vst v17;
	v22 =	vld [tilespmem:$0x7040]  }
0x10b: {  	v23 =	vld [tilespmem:$0x7050];
	[tilespmem:$0x89B0] =	vst v18  }
0x10c: {  	v24 =	vld [tilespmem:$0x7060];
	[tilespmem:$0x89C0] =	vst v19  }
0x10d: {  	v25 =	vld [tilespmem:$0x7070];
	[tilespmem:$0x89D0] =	vst v20  }
0x10e: {  	v26 =	vld [tilespmem:$0x7080];
	[tilespmem:$0x89E0] =	vst v21  }
0x10f: {  	v33 =	vld [tilespmem:$0x7090];
	[tilespmem:$0x89F1] =	vst v22  }
0x110: {  	v34 =	vld [tilespmem:$0x70A0];
	[tilespmem:$0x8A01] =	vst v23  }
0x111: {  	v36 =	vld [tilespmem:$0x70B0];
	[tilespmem:$0x8A11] =	vst v24  }
0x112: {  	v37 =	vld [tilespmem:$0x70C0];
	[tilespmem:$0x8A21] =	vst v25  }
0x113: {  	v38 =	vld [tilespmem:$0x70D0];
	[tilespmem:$0x8A32] =	vst v26  }
0x114: {  	v39 =	vld [tilespmem:$0x70E0];
	[tilespmem:$0x8A42] =	vst v33  }
0x115: {  	v40 =	vld [tilespmem:$0x70F0];
	[tilespmem:$0x8A52] =	vst v34  }
0x116: {  	v41 =	vld [tilespmem:$0x7100];
	[tilespmem:$0x8A62] =	vst v36  }
0x117: {  	v42 =	vld [tilespmem:$0x7110];
	[tilespmem:$0x8A73] =	vst v37  }
0x118: {  	v44 =	vld [tilespmem:$0x7120];
	[tilespmem:$0x8A83] =	vst v38  }
0x119: {  	v46 =	vld [tilespmem:$0x7130];
	[tilespmem:$0x8A93] =	vst v39  }
0x11a: {  	v47 =	vld [tilespmem:$0x7140];
	[tilespmem:$0x8AA3] =	vst v40  }
0x11b: {  	v49 =	vld [tilespmem:$0x7150];
	[tilespmem:$0x8AB4] =	vst v41  }
0x11c: {  	v50 =	vld [tilespmem:$0x7160];
	[tilespmem:$0x8AC4] =	vst v42  }
0x11d: {  	v51 =	vld [tilespmem:$0x7170];
	[tilespmem:$0x8AD4] =	vst v44  }
0x11e: {  	v52 =	vld [tilespmem:$0x7180];
	[tilespmem:$0x8AE4] =	vst v46  }
0x11f: {  	v53 =	vld [tilespmem:$0x7190];
	[tilespmem:$0x8AF5] =	vst v47  }
0x120: {  	v55 =	vld [tilespmem:$0x71A0];
	[tilespmem:$0x8B05] =	vst v49  }
0x121: {  	v8 =	vld [tilespmem:$0x71B0];
	[tilespmem:$0x8B15] =	vst v50  }
0x122: {  	v9 =	vld [tilespmem:$0x71C0];
	[tilespmem:$0x8B25] =	vst v51  }
0x123: {  	v10 =	vld [tilespmem:$0x71D0];
	[tilespmem:$0x8B36] =	vst v52  }
0x124: {  	v11 =	vld [tilespmem:$0x71E0];
	[tilespmem:$0x8B46] =	vst v53  }
0x125: {  	v12 =	vld [tilespmem:$0x71F0];
	[tilespmem:$0x8B56] =	vst v55  }
0x126: {  	v13 =	vld [tilespmem:$0x7200];
	[tilespmem:$0x8B66] =	vst v8  }
0x127: {  	v14 =	vld [tilespmem:$0x7210];
	[tilespmem:$0x8B77] =	vst v9  }
0x128: {  	v15 =	vld [tilespmem:$0x7220];
	[tilespmem:$0x8B87] =	vst v10  }
0x129: {  	v16 =	vld [tilespmem:$0x7230];
	[tilespmem:$0x8B97] =	vst v11  }
0x12a: {  	v17 =	vld [tilespmem:$0x7240];
	[tilespmem:$0x8BA7] =	vst v12  }
0x12b: {  	[tilespmem:$0x8BB8] =	vst v13;
	v18 =	vld [tilespmem:$0x7250]  }
0x12c: {  	[tilespmem:$0x8BC8] =	vst v14;
	v19 =	vld [tilespmem:$0x7260]  }
0x12d: {  	[tilespmem:$0x8BD8] =	vst v15;
	v20 =	vld [tilespmem:$0x7270]  }
0x12e: {  	[tilespmem:$0x8BE8] =	vst v16;
	v21 =	vld [tilespmem:$0x7280]  }
0x12f: {  	[tilespmem:$0x8BF9] =	vst v17;
	v22 =	vld [tilespmem:$0x7290]  }
0x130: {  	v23 =	vld [tilespmem:$0x72A0];
	[tilespmem:$0x8C09] =	vst v18  }
0x131: {  	v24 =	vld [tilespmem:$0x72B0];
	[tilespmem:$0x8C19] =	vst v19  }
0x132: {  	v25 =	vld [tilespmem:$0x72C0];
	[tilespmem:$0x8C29] =	vst v20  }
0x133: {  	v26 =	vld [tilespmem:$0x72D0];
	[tilespmem:$0x8C3A] =	vst v21  }
0x134: {  	v33 =	vld [tilespmem:$0x72E0];
	[tilespmem:$0x8C4A] =	vst v22  }
0x135: {  	v34 =	vld [tilespmem:$0x72F0];
	[tilespmem:$0x8C5A] =	vst v23  }
0x136: {  	v36 =	vld [tilespmem:$0x7300];
	[tilespmem:$0x8C6A] =	vst v24  }
0x137: {  	v37 =	vld [tilespmem:$0x7310];
	[tilespmem:$0x8C7B] =	vst v25  }
0x138: {  	v38 =	vld [tilespmem:$0x7320];
	[tilespmem:$0x8C8B] =	vst v26  }
0x139: {  	v39 =	vld [tilespmem:$0x7330];
	[tilespmem:$0x8C9B] =	vst v33  }
0x13a: {  	v40 =	vld [tilespmem:$0x7340];
	[tilespmem:$0x8CAB] =	vst v34  }
0x13b: {  	v41 =	vld [tilespmem:$0x7350];
	[tilespmem:$0x8CBC] =	vst v36  }
0x13c: {  	v42 =	vld [tilespmem:$0x7360];
	[tilespmem:$0x8CCC] =	vst v37  }
0x13d: {  	v44 =	vld [tilespmem:$0x7370];
	[tilespmem:$0x8CDC] =	vst v38  }
0x13e: {  	v46 =	vld [tilespmem:$0x7380];
	[tilespmem:$0x8CEC] =	vst v39  }
0x13f: {  	v47 =	vld [tilespmem:$0x7390];
	[tilespmem:$0x8CFD] =	vst v40  }
0x140: {  	v49 =	vld [tilespmem:$0x73A0];
	[tilespmem:$0x8D0D] =	vst v41  }
0x141: {  	v50 =	vld [tilespmem:$0x73B0];
	[tilespmem:$0x8D1D] =	vst v42  }
0x142: {  	v51 =	vld [tilespmem:$0x73C0];
	[tilespmem:$0x8D2D] =	vst v44  }
0x143: {  	v52 =	vld [tilespmem:$0x73D0];
	[tilespmem:$0x8D3E] =	vst v46  }
0x144: {  	v53 =	vld [tilespmem:$0x73E0];
	[tilespmem:$0x8D4E] =	vst v47  }
0x145: {  	v55 =	vld [tilespmem:$0x73F0];
	[tilespmem:$0x8D5E] =	vst v49  }
0x146: {  	v8 =	vld [tilespmem:$0x7400];
	[tilespmem:$0x8D6E] =	vst v50  }
0x147: {  	v9 =	vld [tilespmem:$0x7410];
	[tilespmem:$0x8D7F] =	vst v51  }
0x148: {  	v10 =	vld [tilespmem:$0x7420];
	[tilespmem:$0x8D8F] =	vst v52  }
0x149: {  	v11 =	vld [tilespmem:$0x7430];
	[tilespmem:$0x8D9F] =	vst v53  }
0x14a: {  	v12 =	vld [tilespmem:$0x7440];
	[tilespmem:$0x8DAF] =	vst v55  }
0x14b: {  	v13 =	vld [tilespmem:$0x7450];
	[tilespmem:$0x8DC0] =	vst v8  }
0x14c: {  	v14 =	vld [tilespmem:$0x7460];
	[tilespmem:$0x8DD0] =	vst v9  }
0x14d: {  	v15 =	vld [tilespmem:$0x7470];
	[tilespmem:$0x8DE0] =	vst v10  }
0x14e: {  	v16 =	vld [tilespmem:$0x7480];
	[tilespmem:$0x8DF0] =	vst v11  }
0x14f: {  	v17 =	vld [tilespmem:$0x7490];
	[tilespmem:$0x8E01] =	vst v12  }
0x150: {  	[tilespmem:$0x8E11] =	vst v13;
	v18 =	vld [tilespmem:$0x74A0]  }
0x151: {  	[tilespmem:$0x8E21] =	vst v14;
	v19 =	vld [tilespmem:$0x74B0]  }
0x152: {  	[tilespmem:$0x8E31] =	vst v15;
	v20 =	vld [tilespmem:$0x74C0]  }
0x153: {  	[tilespmem:$0x8E42] =	vst v16;
	v21 =	vld [tilespmem:$0x74D0]  }
0x154: {  	[tilespmem:$0x8E52] =	vst v17;
	v22 =	vld [tilespmem:$0x74E0]  }
0x155: {  	v23 =	vld [tilespmem:$0x74F0];
	[tilespmem:$0x8E62] =	vst v18  }
0x156: {  	v24 =	vld [tilespmem:$0x7500];
	[tilespmem:$0x8E72] =	vst v19  }
0x157: {  	v25 =	vld [tilespmem:$0x7510];
	[tilespmem:$0x8E83] =	vst v20  }
0x158: {  	v26 =	vld [tilespmem:$0x7520];
	[tilespmem:$0x8E93] =	vst v21  }
0x159: {  	v33 =	vld [tilespmem:$0x7530];
	[tilespmem:$0x8EA3] =	vst v22  }
0x15a: {  	v34 =	vld [tilespmem:$0x7540];
	[tilespmem:$0x8EB3] =	vst v23  }
0x15b: {  	v36 =	vld [tilespmem:$0x7550];
	[tilespmem:$0x8EC4] =	vst v24  }
0x15c: {  	v37 =	vld [tilespmem:$0x7560];
	[tilespmem:$0x8ED4] =	vst v25  }
0x15d: {  	v38 =	vld [tilespmem:$0x7570];
	[tilespmem:$0x8EE4] =	vst v26  }
0x15e: {  	v39 =	vld [tilespmem:$0x7580];
	[tilespmem:$0x8EF4] =	vst v33  }
0x15f: {  	v40 =	vld [tilespmem:$0x7590];
	[tilespmem:$0x8F05] =	vst v34  }
0x160: {  	v41 =	vld [tilespmem:$0x75A0];
	[tilespmem:$0x8F15] =	vst v36  }
0x161: {  	v42 =	vld [tilespmem:$0x75B0];
	[tilespmem:$0x8F25] =	vst v37  }
0x162: {  	v44 =	vld [tilespmem:$0x75C0];
	[tilespmem:$0x8F35] =	vst v38  }
0x163: {  	v46 =	vld [tilespmem:$0x75D0];
	[tilespmem:$0x8F46] =	vst v39  }
0x164: {  	v47 =	vld [tilespmem:$0x75E0];
	[tilespmem:$0x8F56] =	vst v40  }
0x165: {  	v49 =	vld [tilespmem:$0x75F0];
	[tilespmem:$0x8F66] =	vst v41  }
0x166: {  	v50 =	vld [tilespmem:$0x7600];
	[tilespmem:$0x8F76] =	vst v42  }
0x167: {  	v51 =	vld [tilespmem:$0x7610];
	[tilespmem:$0x8F87] =	vst v44  }
0x168: {  	v52 =	vld [tilespmem:$0x7620];
	[tilespmem:$0x8F97] =	vst v46  }
0x169: {  	v53 =	vld [tilespmem:$0x7630];
	[tilespmem:$0x8FA7] =	vst v47  }
0x16a: {  	v55 =	vld [tilespmem:$0x7640];
	[tilespmem:$0x8FB7] =	vst v49  }
0x16b: {  	v8 =	vld [tilespmem:$0x7650];
	[tilespmem:$0x8FC8] =	vst v50  }
0x16c: {  	v9 =	vld [tilespmem:$0x7660];
	[tilespmem:$0x8FD8] =	vst v51  }
0x16d: {  	v10 =	vld [tilespmem:$0x7670];
	[tilespmem:$0x8FE8] =	vst v52  }
0x16e: {  	v11 =	vld [tilespmem:$0x7680];
	[tilespmem:$0x8FF8] =	vst v53  }
0x16f: {  	v12 =	vld [tilespmem:$0x7690];
	[tilespmem:$0x9009] =	vst v55  }
0x170: {  	v13 =	vld [tilespmem:$0x76A0];
	[tilespmem:$0x9019] =	vst v8  }
0x171: {  	v14 =	vld [tilespmem:$0x76B0];
	[tilespmem:$0x9029] =	vst v9  }
0x172: {  	v15 =	vld [tilespmem:$0x76C0];
	[tilespmem:$0x9039] =	vst v10  }
0x173: {  	v16 =	vld [tilespmem:$0x76D0];
	[tilespmem:$0x904A] =	vst v11  }
0x174: {  	v17 =	vld [tilespmem:$0x76E0];
	[tilespmem:$0x905A] =	vst v12  }
0x175: {  	[tilespmem:$0x906A] =	vst v13;
	v18 =	vld [tilespmem:$0x76F0]  }
0x176: {  	[tilespmem:$0x907A] =	vst v14;
	v19 =	vld [tilespmem:$0x7700]  }
0x177: {  	[tilespmem:$0x908B] =	vst v15;
	v20 =	vld [tilespmem:$0x7710]  }
0x178: {  	[tilespmem:$0x909B] =	vst v16;
	v21 =	vld [tilespmem:$0x7720]  }
0x179: {  	[tilespmem:$0x90AB] =	vst v17;
	v22 =	vld [tilespmem:$0x7730]  }
0x17a: {  	v23 =	vld [tilespmem:$0x7740];
	[tilespmem:$0x90BB] =	vst v18  }
0x17b: {  	v24 =	vld [tilespmem:$0x7750];
	[tilespmem:$0x90CC] =	vst v19  }
0x17c: {  	v25 =	vld [tilespmem:$0x7760];
	[tilespmem:$0x90DC] =	vst v20  }
0x17d: {  	v26 =	vld [tilespmem:$0x7770];
	[tilespmem:$0x90EC] =	vst v21  }
0x17e: {  	v33 =	vld [tilespmem:$0x7780];
	[tilespmem:$0x90FC] =	vst v22  }
0x17f: {  	v34 =	vld [tilespmem:$0x7790];
	[tilespmem:$0x910D] =	vst v23  }
0x180: {  	v36 =	vld [tilespmem:$0x77A0];
	[tilespmem:$0x911D] =	vst v24  }
0x181: {  	v37 =	vld [tilespmem:$0x77B0];
	[tilespmem:$0x912D] =	vst v25  }
0x182: {  	v38 =	vld [tilespmem:$0x77C0];
	[tilespmem:$0x913D] =	vst v26  }
0x183: {  	v39 =	vld [tilespmem:$0x77D0];
	[tilespmem:$0x914E] =	vst v33  }
0x184: {  	v40 =	vld [tilespmem:$0x77E0];
	[tilespmem:$0x915E] =	vst v34  }
0x185: {  	v41 =	vld [tilespmem:$0x77F0];
	[tilespmem:$0x916E] =	vst v36  }
0x186: {  	v42 =	vld [tilespmem:$0x7800];
	[tilespmem:$0x917E] =	vst v37  }
0x187: {  	v44 =	vld [tilespmem:$0x7810];
	[tilespmem:$0x918F] =	vst v38  }
0x188: {  	v46 =	vld [tilespmem:$0x7820];
	[tilespmem:$0x919F] =	vst v39  }
0x189: {  	v47 =	vld [tilespmem:$0x7830];
	[tilespmem:$0x91AF] =	vst v40  }
0x18a: {  	v49 =	vld [tilespmem:$0x7840];
	[tilespmem:$0x91BF] =	vst v41  }
0x18b: {  	v50 =	vld [tilespmem:$0x7850];
	[tilespmem:$0x91D0] =	vst v42  }
0x18c: {  	v51 =	vld [tilespmem:$0x7860];
	[tilespmem:$0x91E0] =	vst v44  }
0x18d: {  	v52 =	vld [tilespmem:$0x7870];
	[tilespmem:$0x91F0] =	vst v46  }
0x18e: {  	v53 =	vld [tilespmem:$0x7880];
	[tilespmem:$0x9200] =	vst v47  }
0x18f: {  	v55 =	vld [tilespmem:$0x7890];
	[tilespmem:$0x9211] =	vst v49  }
0x190: {  	v8 =	vld [tilespmem:$0x78A0];
	[tilespmem:$0x9221] =	vst v50  }
0x191: {  	v9 =	vld [tilespmem:$0x78B0];
	[tilespmem:$0x9231] =	vst v51  }
0x192: {  	v10 =	vld [tilespmem:$0x78C0];
	[tilespmem:$0x9241] =	vst v52  }
0x193: {  	v11 =	vld [tilespmem:$0x78D0];
	[tilespmem:$0x9252] =	vst v53  }
0x194: {  	v12 =	vld [tilespmem:$0x78E0];
	[tilespmem:$0x9262] =	vst v55  }
0x195: {  	v13 =	vld [tilespmem:$0x78F0];
	[tilespmem:$0x9272] =	vst v8  }
0x196: {  	v14 =	vld [tilespmem:$0x7900];
	[tilespmem:$0x9282] =	vst v9  }
0x197: {  	v15 =	vld [tilespmem:$0x7910];
	[tilespmem:$0x9293] =	vst v10  }
0x198: {  	v16 =	vld [tilespmem:$0x7920];
	[tilespmem:$0x92A3] =	vst v11  }
0x199: {  	v17 =	vld [tilespmem:$0x7930];
	[tilespmem:$0x92B3] =	vst v12  }
0x19a: {  	[tilespmem:$0x92C3] =	vst v13;
	v18 =	vld [tilespmem:$0x7940]  }
0x19b: {  	[tilespmem:$0x92D4] =	vst v14;
	v19 =	vld [tilespmem:$0x7950]  }
0x19c: {  	[tilespmem:$0x92E4] =	vst v15;
	v20 =	vld [tilespmem:$0x7960]  }
0x19d: {  	[tilespmem:$0x92F4] =	vst v16;
	v21 =	vld [tilespmem:$0x7970]  }
0x19e: {  	[tilespmem:$0x9304] =	vst v17;
	v22 =	vld [tilespmem:$0x7980]  }
0x19f: {  	v23 =	vld [tilespmem:$0x7990];
	[tilespmem:$0x9315] =	vst v18  }
0x1a0: {  	v24 =	vld [tilespmem:$0x79A0];
	[tilespmem:$0x9325] =	vst v19  }
0x1a1: {  	v25 =	vld [tilespmem:$0x79B0];
	[tilespmem:$0x9335] =	vst v20  }
0x1a2: {  	v26 =	vld [tilespmem:$0x79C0];
	[tilespmem:$0x9345] =	vst v21  }
0x1a3: {  	v33 =	vld [tilespmem:$0x79D0];
	[tilespmem:$0x9356] =	vst v22  }
0x1a4: {  	v34 =	vld [tilespmem:$0x79E0];
	[tilespmem:$0x9366] =	vst v23  }
0x1a5: {  	v36 =	vld [tilespmem:$0x79F0];
	[tilespmem:$0x9376] =	vst v24  }
0x1a6: {  	v37 =	vld [tilespmem:$0x7A00];
	[tilespmem:$0x9386] =	vst v25  }
0x1a7: {  	v38 =	vld [tilespmem:$0x7A10];
	[tilespmem:$0x9397] =	vst v26  }
0x1a8: {  	v39 =	vld [tilespmem:$0x7A20];
	[tilespmem:$0x93A7] =	vst v33  }
0x1a9: {  	v40 =	vld [tilespmem:$0x7A30];
	[tilespmem:$0x93B7] =	vst v34  }
0x1aa: {  	v41 =	vld [tilespmem:$0x7A40];
	[tilespmem:$0x93C7] =	vst v36  }
0x1ab: {  	v42 =	vld [tilespmem:$0x7A50];
	[tilespmem:$0x93D8] =	vst v37  }
0x1ac: {  	v44 =	vld [tilespmem:$0x7A60];
	[tilespmem:$0x93E8] =	vst v38  }
0x1ad: {  	v46 =	vld [tilespmem:$0x7A70];
	[tilespmem:$0x93F8] =	vst v39  }
0x1ae: {  	v47 =	vld [tilespmem:$0x7A80];
	[tilespmem:$0x9408] =	vst v40  }
0x1af: {  	v49 =	vld [tilespmem:$0x7A90];
	[tilespmem:$0x9419] =	vst v41  }
0x1b0: {  	v50 =	vld [tilespmem:$0x7AA0];
	[tilespmem:$0x9429] =	vst v42  }
0x1b1: {  	v51 =	vld [tilespmem:$0x7AB0];
	[tilespmem:$0x9439] =	vst v44  }
0x1b2: {  	v52 =	vld [tilespmem:$0x7AC0];
	[tilespmem:$0x9449] =	vst v46  }
0x1b3: {  	v53 =	vld [tilespmem:$0x7AD0];
	[tilespmem:$0x945A] =	vst v47  }
0x1b4: {  	v55 =	vld [tilespmem:$0x7AE0];
	[tilespmem:$0x946A] =	vst v49  }
0x1b5: {  	v8 =	vld [tilespmem:$0x7AF0];
	[tilespmem:$0x947A] =	vst v50  }
0x1b6: {  	v9 =	vld [tilespmem:$0x7B00];
	[tilespmem:$0x948A] =	vst v51  }
0x1b7: {  	v10 =	vld [tilespmem:$0x7B10];
	[tilespmem:$0x949B] =	vst v52  }
0x1b8: {  	v11 =	vld [tilespmem:$0x7B20];
	[tilespmem:$0x94AB] =	vst v53  }
0x1b9: {  	v12 =	vld [tilespmem:$0x7B30];
	[tilespmem:$0x94BB] =	vst v55  }
0x1ba: {  	v13 =	vld [tilespmem:$0x7B40];
	[tilespmem:$0x94CB] =	vst v8  }
0x1bb: {  	v14 =	vld [tilespmem:$0x7B50];
	[tilespmem:$0x94DC] =	vst v9  }
0x1bc: {  	v15 =	vld [tilespmem:$0x7B60];
	[tilespmem:$0x94EC] =	vst v10  }
0x1bd: {  	v16 =	vld [tilespmem:$0x7B70];
	[tilespmem:$0x94FC] =	vst v11  }
0x1be: {  	v17 =	vld [tilespmem:$0x7B80];
	[tilespmem:$0x950C] =	vst v12  }
0x1bf: {  	[tilespmem:$0x951D] =	vst v13;
	v18 =	vld [tilespmem:$0x7B90]  }
0x1c0: {  	[tilespmem:$0x952D] =	vst v14;
	v19 =	vld [tilespmem:$0x7BA0]  }
0x1c1: {  	[tilespmem:$0x953D] =	vst v15;
	v20 =	vld [tilespmem:$0x7BB0]  }
0x1c2: {  	[tilespmem:$0x954D] =	vst v16;
	v21 =	vld [tilespmem:$0x7BC0]  }
0x1c3: {  	[tilespmem:$0x955E] =	vst v17;
	v22 =	vld [tilespmem:$0x7BD0]  }
0x1c4: {  	v23 =	vld [tilespmem:$0x7BE0];
	[tilespmem:$0x956E] =	vst v18  }
0x1c5: {  	v24 =	vld [tilespmem:$0x7BF0];
	[tilespmem:$0x957E] =	vst v19  }
0x1c6: {  	v25 =	vld [tilespmem:$0x7C00];
	[tilespmem:$0x958E] =	vst v20  }
0x1c7: {  	v26 =	vld [tilespmem:$0x7C10];
	[tilespmem:$0x959F] =	vst v21  }
0x1c8: {  	v33 =	vld [tilespmem:$0x7C20];
	[tilespmem:$0x95AF] =	vst v22  }
0x1c9: {  	v34 =	vld [tilespmem:$0x7C30];
	[tilespmem:$0x95BF] =	vst v23  }
0x1ca: {  	v36 =	vld [tilespmem:$0x7C40];
	[tilespmem:$0x95CF] =	vst v24  }
0x1cb: {  	v37 =	vld [tilespmem:$0x7C50];
	[tilespmem:$0x95E0] =	vst v25  }
0x1cc: {  	v38 =	vld [tilespmem:$0x7C60];
	[tilespmem:$0x95F0] =	vst v26  }
0x1cd: {  	v39 =	vld [tilespmem:$0x7C70];
	[tilespmem:$0x9600] =	vst v33  }
0x1ce: {  	v40 =	vld [tilespmem:$0x7C80];
	[tilespmem:$0x9610] =	vst v34  }
0x1cf: {  	v41 =	vld [tilespmem:$0x7C90];
	[tilespmem:$0x9621] =	vst v36  }
0x1d0: {  	v42 =	vld [tilespmem:$0x7CA0];
	[tilespmem:$0x9631] =	vst v37  }
0x1d1: {  	v44 =	vld [tilespmem:$0x7CB0];
	[tilespmem:$0x9641] =	vst v38  }
0x1d2: {  	v46 =	vld [tilespmem:$0x7CC0];
	[tilespmem:$0x9651] =	vst v39  }
0x1d3: {  	v47 =	vld [tilespmem:$0x7CD0];
	[tilespmem:$0x9662] =	vst v40  }
0x1d4: {  	v49 =	vld [tilespmem:$0x7CE0];
	[tilespmem:$0x9672] =	vst v41  }
0x1d5: {  	v50 =	vld [tilespmem:$0x7CF0];
	[tilespmem:$0x9682] =	vst v42  }
0x1d6: {  	v51 =	vld [tilespmem:$0x7D00];
	[tilespmem:$0x9692] =	vst v44  }
0x1d7: {  	v52 =	vld [tilespmem:$0x7D10];
	[tilespmem:$0x96A3] =	vst v46  }
0x1d8: {  	v53 =	vld [tilespmem:$0x7D20];
	[tilespmem:$0x96B3] =	vst v47  }
0x1d9: {  	v55 =	vld [tilespmem:$0x7D30];
	[tilespmem:$0x96C3] =	vst v49  }
0x1da: {  	[tilespmem:$0x96D3] =	vst v50  }
0x1db: {  	[tilespmem:$0x96E4] =	vst v51  }
0x1dc: {  	[tilespmem:$0x96F4] =	vst v52  }
0x1dd: {  	[tilespmem:$0x9704] =	vst v53  }
0x1de: {  	s18 =	simm.s32 $0x0;
	[tilespmem:$0x9714] =	vst v55  }
.LBB2_2:
0x1df: {  	p0 =	seq.s32 s18, $0x0  }
0x1e0: {  	s20 =	simm.s32 @!p0 $0x1  }
0x1e1: {  	_ =	swait.ge @!p0 [sflag:s20], $0x8000  }
0x1e2: {  	s19 =	sshll.u32 s18, $0x1;
	[sflag:s20] =	ssyncset.done @!p0 $0x0  }
0x1e3: {  	s21 =	simm.s32 $0x0;
	[sflag:s20] =	ssyncadd.s32 @!p0 $0xFFFF8000;
	s20 =	simm.s32 $0x0  }
.LBB2_3:
0x1e4: {  	v0 =	vld [tilespmem:$0x1FCA0];
	_ =	sdelay $0x1  }
0x1e5: {  	s22 =	smul.u32 $0x320, s21;
	_ =	sdelay $0x1  }
0x1e6: {  	s22 =	sadd.s32 s19, s22  }
0x1e7: {  	v0 =	vadd.s32 s22, v0;
	_ =	sdelay $0x4  }
0x1e8: {  	v0 =	vld.idx.msk [tilespmem:v0+s20+$0x0], $0xffff;
	_ =	sdelay $0x4  }
0x1e9: {  	s26 =	sshll.u32 s21, $0x4;
	v11 =	vmul.u32 $0x41, v0  }
0x1ea: {  	v0 =	vmov s26  }
0x1eb: {  	v0 =	vshrl.u32 v0, $0x7;
	v9 =	vadd.s32 s20, v11  }
0x1ec: {  	v0 =	vshll.u32 v0, $0xA  }
0x1ed: {  	v1 =	vmov s20;
	v0 =	vbroadcast v0, $0x0  }
0x1ee: {  	v1 =	vshll.u32 v1, $0x9  }
0x1ef: {  	v10 =	vadd.s32 v0, v1  }
0x1f0: {  	v2 =	vor.u32 v35, v10;
	v1 =	vld.idx.msk [tilespmem:v9+s10+$0x0], $0xffff  }
0x1f1: {  	v3 =	vadd.s32 $0x1, v9  }
0x1f2: {  	s28 =	simm.s32 $0x8  }
0x1f3: {  	v6 =	vadd.s32 s28, v11;
	_ =	sdelay $0x1  }
0x1f4: {  	[tilespmem:v2+s11+$0x0] =	vst.idx.msk $0xffff, v1;
	v1 =	vmov s28  }
0x1f5: {  	v2 =	vld.idx.msk [tilespmem:v3+s10+$0x0], $0xffff;
	v3 =	vor.u32 v29, v10;
	v1 =	vshll.u32 v1, $0x9  }
0x1f6: {  	v4 =	vadd.s32 $0x2, v9;
	v8 =	vadd.s32 v0, v1  }
0x1f7: {  	v1 =	vld.idx.msk [tilespmem:v6+s10+$0x0], $0xffff;
	v5 =	vor.u32 v35, v8;
	_ =	sdelay $0x2  }
0x1f8: {  	s29 =	simm.s32 $0x10;
	v12 =	vadd.s32 $0x1, v6;
	[tilespmem:v3+s11+$0x0] =	vst.idx.msk $0xffff, v2  }
0x1f9: {  	v7 =	vadd.s32 s29, v11;
	v3 =	vor.u32 v32, v10;
	v2 =	vld.idx.msk [tilespmem:v4+s10+$0x0], $0xffff  }
0x1fa: {  	[tilespmem:v5+s11+$0x0] =	vst.idx.msk $0xffff, v1;
	v1 =	vadd.s32 $0x3, v9  }
0x1fb: {  	v5 =	vmov s29  }
0x1fc: {  	v5 =	vshll.u32 v5, $0x9  }
0x1fd: {  	v4 =	vld.idx.msk [tilespmem:v12+s10+$0x0], $0xffff;
	v12 =	vor.u32 v29, v8;
	v5 =	vadd.s32 v0, v5  }
0x1fe: {  	v14 =	vld.idx.msk [tilespmem:v7+s10+$0x0], $0xffff;
	[tilespmem:v3+s11+$0x0] =	vst.idx.msk $0xffff, v2;
	v2 =	vor.u32 v35, v5  }
0x1ff: {  	v13 =	vadd.s32 $0x2, v6;
	v15 =	vor.u32 v30, v10;
	v1 =	vld.idx.msk [tilespmem:v1+s10+$0x0], $0xffff;
	_ =	sdelay $0x2  }
0x200: {  	[tilespmem:v12+s11+$0x0] =	vst.idx.msk $0xffff, v4  }
0x201: {  	s30 =	simm.s32 $0x18;
	v3 =	vadd.s32 $0x1, v7;
	[tilespmem:v2+s11+$0x0] =	vst.idx.msk $0xffff, v14  }
0x202: {  	v16 =	vor.u32 v32, v8;
	v4 =	vadd.s32 s30, v11;
	v13 =	vld.idx.msk [tilespmem:v13+s10+$0x0], $0xffff;
	[tilespmem:v15+s11+$0x0] =	vst.idx.msk $0xffff, v1  }
0x203: {  	v12 =	vadd.s32 $0x4, v9;
	v40 =	vld [tilespmem:$0x1FCB0]  }
0x204: {  	v2 =	vmov s30  }
0x205: {  	v2 =	vshll.u32 v2, $0x9  }
0x206: {  	v14 =	vld.idx.msk [tilespmem:v3+s10+$0x0], $0xffff;
	v1 =	vor.u32 v29, v5;
	v3 =	vadd.s32 v0, v2  }
0x207: {  	v20 =	vld.idx.msk [tilespmem:v4+s10+$0x0], $0xffff;
	[tilespmem:v16+s11+$0x0] =	vst.idx.msk $0xffff, v13;
	v13 =	vor.u32 v35, v3  }
0x208: {  	v17 =	vadd.s32 $0x3, v6;
	v12 =	vld.idx.msk [tilespmem:v12+s10+$0x0], $0xffff;
	v18 =	vor.u32 v40, v10;
	_ =	sdelay $0x2  }
0x209: {  	[tilespmem:v1+s11+$0x0] =	vst.idx.msk $0xffff, v14  }
0x20a: {  	v15 =	vadd.s32 $0x2, v7;
	[tilespmem:v13+s11+$0x0] =	vst.idx.msk $0xffff, v20  }
0x20b: {  	v21 =	vor.u32 v30, v8;
	v16 =	vld.idx.msk [tilespmem:v17+s10+$0x0], $0xffff;
	v17 =	vadd.s32 $0x1, v4;
	[tilespmem:v18+s11+$0x0] =	vst.idx.msk $0xffff, v12  }
0x20c: {  	v19 =	vadd.s32 $0x5, v9;
	v41 =	vld [tilespmem:$0x1FCC0];
	_ =	sdelay $0x2  }
0x20d: {  	v1 =	vld.idx.msk [tilespmem:v15+s10+$0x0], $0xffff;
	v12 =	vor.u32 v32, v5  }
0x20e: {  	v17 =	vld.idx.msk [tilespmem:v17+s10+$0x0], $0xffff;
	[tilespmem:v21+s11+$0x0] =	vst.idx.msk $0xffff, v16;
	v21 =	vor.u32 v29, v3  }
0x20f: {  	v22 =	vadd.s32 $0x4, v6;
	v18 =	vld.idx.msk [tilespmem:v19+s10+$0x0], $0xffff;
	v19 =	vor.u32 v41, v10;
	_ =	sdelay $0x1  }
0x210: {  	s31 =	simm.s32 $0x20  }
0x211: {  	v2 =	vadd.s32 s31, v11;
	[tilespmem:v12+s11+$0x0] =	vst.idx.msk $0xffff, v1  }
0x212: {  	v13 =	vadd.s32 $0x3, v7;
	[tilespmem:v21+s11+$0x0] =	vst.idx.msk $0xffff, v17  }
0x213: {  	v24 =	vadd.s32 $0x2, v4;
	v26 =	vld.idx.msk [tilespmem:v22+s10+$0x0], $0xffff;
	[tilespmem:v19+s11+$0x0] =	vst.idx.msk $0xffff, v18  }
0x214: {  	v14 =	vmov s31;
	v27 =	vor.u32 v40, v8;
	v16 =	vadd.s32 $0x6, v9;
	v44 =	vld [tilespmem:$0x1FCD0]  }
0x215: {  	v25 =	vadd.s32 $0x5, v6;
	v15 =	vshll.u32 v14, $0x9  }
0x216: {  	v14 =	vld.idx.msk [tilespmem:v2+s10+$0x0], $0xffff;
	v1 =	vadd.s32 v0, v15  }
0x217: {  	v15 =	vld.idx.msk [tilespmem:v13+s10+$0x0], $0xffff;
	v20 =	vor.u32 v35, v1  }
0x218: {  	v23 =	vadd.s32 $0x1, v2;
	v13 =	vld.idx.msk [tilespmem:v24+s10+$0x0], $0xffff;
	v19 =	vor.u32 v30, v5  }
0x219: {  	v22 =	vadd.s32 $0x4, v7;
	v12 =	vld.idx.msk [tilespmem:v16+s10+$0x0], $0xffff;
	[tilespmem:v27+s11+$0x0] =	vst.idx.msk $0xffff, v26;
	v21 =	vor.u32 v44, v10  }
0x21a: {  	s22 =	simm.s32 $0x28;
	v17 =	vadd.s32 $0x7, v9;
	v16 =	vld.idx.msk [tilespmem:v25+s10+$0x0], $0xffff  }
0x21b: {  	s23 =	simm.s32 $0x30;
	v36 =	vmov v30;
	v9 =	vadd.s32 s22, v11;
	v18 =	vor.u32 v32, v3;
	v42 =	vld [tilespmem:$0x1FCE0]  }
.LBB2_4:
0x21c: {  	p1 =	sne.s32 s23, $0x38;
	[tilespmem:v20+s11+$0x0] =	vst.idx.msk $0xffff, v14;
	v24 =	vadd.s32 $0x3, v4;
	v25 =	vor.u32 v41, v8  }
0x21d: {  	v27 =	vadd.s32 $0x6, v6;
	v26 =	vld.idx.msk [tilespmem:v23+s10+$0x0], $0xffff;
	[tilespmem:v19+s11+$0x0] =	vst.idx.msk $0xffff, v15  }
0x21e: {  	v14 =	vmov s22;
	v28 =	vor.u32 v29, v1;
	v37 =	vmovc v29;
	v30 =	vadd.s32 $0x5, v7;
	s22 =	smov.u32 s23;
	v29 =	vld.idx.msk [tilespmem:v22+s10+$0x0], $0xffff;
	[tilespmem:v21+s11+$0x0] =	vst.idx.msk $0xffff, v12  }
0x21f: {  	v31 =	vadd.s32 $0x2, v2;
	v38 =	vmovc v32;
	v32 =	vor.u32 v40, v5;
	v12 =	vshll.u32 v14, $0x9;
	v33 =	vld.idx.msk [tilespmem:v17+s10+$0x0], $0xffff  }
0x220: {  	v34 =	vor.u32 v42, v10;
	v17 =	vadd.s32 v0, v12;
	v14 =	vld.idx.msk [tilespmem:v9+s10+$0x0], $0xffff;
	[tilespmem:v18+s11+$0x0] =	vst.idx.msk $0xffff, v13  }
.Ltmp0:
0x221: {  	v10 =	vmov v8;
	v8 =	vmov v5;
	v20 =	vor.u32 v35, v17;
	v15 =	vld.idx.msk [tilespmem:v24+s10+$0x0], $0xffff;
	[tilespmem:v25+s11+$0x0] =	vst.idx.msk $0xffff, v16;
	(pc) =	sbr.rel @p1 .LBB2_4-.Ltmp0, $4  }
0x222: {  	v5 =	vmovc v3;
	v23 =	vadd.s32 $0x1, v9;
	v19 =	vor.u32 v36, v3;
	v3 =	vmovc v1;
	v1 =	vmov v17;
	v12 =	vld.idx.msk [tilespmem:v27+s10+$0x0], $0xffff  }
0x223: {  	v22 =	vadd.s32 $0x4, v4;
	v21 =	vor.u32 v44, v10;
	v17 =	vadd.s32 $0x7, v6;
	v6 =	vmovc v7;
	[tilespmem:v28+s11+$0x0] =	vst.idx.msk $0xffff, v26  }
0x224: {  	v7 =	vmovc v4;
	v4 =	vmov v2;
	v13 =	vld.idx.msk [tilespmem:v31+s10+$0x0], $0xffff;
	[tilespmem:v32+s11+$0x0] =	vst.idx.msk $0xffff, v29;
	v32 =	vmov v38;
	v29 =	vmov v37  }
0x225: {  	s23 =	sadd.s32 $0x8, s23;
	v18 =	vor.u32 v38, v3;
	v2 =	vmov v9;
	v9 =	vadd.s32 s22, v11;
	v16 =	vld.idx.msk [tilespmem:v30+s10+$0x0], $0xffff;
	[tilespmem:v34+s11+$0x0] =	vst.idx.msk $0xffff, v33  }
0x226: {  	v11 =	vld [tilespmem:$0x1FCA0]  }
0x227: {  	s23 =	sor.u32 $0x1, s21  }
0x228: {  	s23 =	smul.u32 $0x320, s23;
	_ =	sdelay $0x1  }
0x229: {  	s23 =	sadd.s32 s19, s23  }
0x22a: {  	v11 =	vadd.s32 s23, v11  }
0x22b: {  	[tilespmem:v20+s11+$0x0] =	vst.idx.msk $0xffff, v14;
	v14 =	vadd.s32 $0x3, v4;
	v20 =	vor.u32 v41, v8;
	v26 =	vld.idx.msk [tilespmem:v9+s10+$0x0], $0xffff  }
0x22c: {  	[tilespmem:v19+s11+$0x0] =	vst.idx.msk $0xffff, v15;
	v19 =	vmov s22;
	v24 =	vor.u32 v29, v1;
	v23 =	vld.idx.msk [tilespmem:v23+s10+$0x0], $0xffff  }
0x22d: {  	v15 =	vadd.s32 $0x6, v6;
	v22 =	vld.idx.msk [tilespmem:v22+s10+$0x0], $0xffff;
	[tilespmem:v21+s11+$0x0] =	vst.idx.msk $0xffff, v12;
	v12 =	vshll.u32 v19, $0x9;
	v21 =	vor.u32 v40, v5  }
0x22e: {  	s26 =	simm.s32 $0x0;
	v10 =	vor.u32 v42, v10;
	v19 =	vadd.s32 $0x2, v2;
	v17 =	vld.idx.msk [tilespmem:v17+s10+$0x0], $0xffff;
	v12 =	vadd.s32 v0, v12  }
0x22f: {  	v25 =	vadd.s32 $0x5, v7;
	[tilespmem:v18+s11+$0x0] =	vst.idx.msk $0xffff, v13;
	v13 =	vor.u32 v35, v12;
	v11 =	vld.idx.msk [tilespmem:v11+s26+$0x0], $0xffff  }
0x230: {  	v18 =	vor.u32 v36, v3;
	v14 =	vld.idx.msk [tilespmem:v14+s10+$0x0], $0xffff;
	[tilespmem:v20+s11+$0x0] =	vst.idx.msk $0xffff, v16;
	v16 =	vadd.s32 $0x1, v9  }
0x231: {  	[tilespmem:v24+s11+$0x0] =	vst.idx.msk $0xffff, v23  }
0x232: {  	v20 =	vadd.s32 $0x4, v4;
	v15 =	vld.idx.msk [tilespmem:v15+s10+$0x0], $0xffff;
	v23 =	vor.u32 v44, v8;
	[tilespmem:v21+s11+$0x0] =	vst.idx.msk $0xffff, v22  }
0x233: {  	v21 =	vadd.s32 $0x7, v6;
	v22 =	vor.u32 v32, v1;
	v19 =	vld.idx.msk [tilespmem:v19+s10+$0x0], $0xffff;
	[tilespmem:v10+s11+$0x0] =	vst.idx.msk $0xffff, v17  }
0x234: {  	v46 =	vor.u32 v41, v5;
	v10 =	vadd.s32 $0x3, v2;
	v17 =	vld.idx.msk [tilespmem:v25+s10+$0x0], $0xffff;
	[tilespmem:v13+s11+$0x0] =	vst.idx.msk $0xffff, v26;
	v6 =	vmul.u32 $0x41, v11  }
0x235: {  	v16 =	vld.idx.msk [tilespmem:v16+s10+$0x0], $0xffff;
	[tilespmem:v18+s11+$0x0] =	vst.idx.msk $0xffff, v14;
	v14 =	vadd.s32 $0x6, v7;
	v18 =	vor.u32 v29, v12  }
0x236: {  	v13 =	vadd.s32 s26, v6  }
0x237: {  	v20 =	vld.idx.msk [tilespmem:v20+s10+$0x0], $0xffff;
	[tilespmem:v23+s11+$0x0] =	vst.idx.msk $0xffff, v15;
	v15 =	vor.u32 v40, v3  }
0x238: {  	v8 =	vor.u32 v42, v8;
	v21 =	vld.idx.msk [tilespmem:v21+s10+$0x0], $0xffff;
	[tilespmem:v22+s11+$0x0] =	vst.idx.msk $0xffff, v19;
	v11 =	vmov s26  }
0x239: {  	v22 =	vor.u32 v36, v1;
	[tilespmem:v46+s11+$0x0] =	vst.idx.msk $0xffff, v17;
	v10 =	vld.idx.msk [tilespmem:v10+s10+$0x0], $0xffff;
	v11 =	vshll.u32 v11, $0x9  }
0x23a: {  	v14 =	vld.idx.msk [tilespmem:v14+s10+$0x0], $0xffff;
	[tilespmem:v18+s11+$0x0] =	vst.idx.msk $0xffff, v16;
	v16 =	vor.u32 v44, v5;
	v11 =	vadd.s32 v0, v11  }
0x23b: {  	v49 =	vor.u32 v43, v11;
	v47 =	vld.idx.msk [tilespmem:v13+s10+$0x0], $0xffff  }
0x23c: {  	[tilespmem:v15+s11+$0x0] =	vst.idx.msk $0xffff, v20  }
0x23d: {  	v23 =	vadd.s32 $0x2, v9;
	[tilespmem:v8+s11+$0x0] =	vst.idx.msk $0xffff, v21  }
0x23e: {  	v19 =	vadd.s32 $0x5, v4;
	[tilespmem:v22+s11+$0x0] =	vst.idx.msk $0xffff, v10  }
0x23f: {  	v17 =	vadd.s32 $0x4, v2;
	[tilespmem:v16+s11+$0x0] =	vst.idx.msk $0xffff, v14  }
0x240: {  	v15 =	vadd.s32 $0x7, v7;
	[tilespmem:v49+s11+$0x0] =	vst.idx.msk $0xffff, v47  }
0x241: {  	v18 =	vadd.s32 $0x1, v13;
	v39 =	vld [tilespmem:$0x1FCF0]  }
0x242: {  	v20 =	vld.idx.msk [tilespmem:v23+s10+$0x0], $0xffff;
	v23 =	vor.u32 v32, v12  }
0x243: {  	v8 =	vld.idx.msk [tilespmem:v19+s10+$0x0], $0xffff;
	v21 =	vor.u32 v41, v3  }
0x244: {  	v22 =	vor.u32 v40, v1;
	v17 =	vld.idx.msk [tilespmem:v17+s10+$0x0], $0xffff  }
0x245: {  	v51 =	vor.u32 v42, v5;
	v15 =	vld.idx.msk [tilespmem:v15+s10+$0x0], $0xffff  }
0x246: {  	v14 =	vld.idx.msk [tilespmem:v18+s10+$0x0], $0xffff;
	v16 =	vor.u32 v39, v11  }
0x247: {  	s28 =	simm.s32 $0x8;
	[tilespmem:v23+s11+$0x0] =	vst.idx.msk $0xffff, v20  }
0x248: {  	v7 =	vadd.s32 s28, v6;
	[tilespmem:v21+s11+$0x0] =	vst.idx.msk $0xffff, v8  }
0x249: {  	v50 =	vmov s28;
	v19 =	vadd.s32 $0x3, v9;
	[tilespmem:v22+s11+$0x0] =	vst.idx.msk $0xffff, v17  }
0x24a: {  	v10 =	vadd.s32 $0x6, v4;
	v18 =	vshll.u32 v50, $0x9;
	[tilespmem:v51+s11+$0x0] =	vst.idx.msk $0xffff, v15  }
0x24b: {  	v5 =	vadd.s32 v0, v18;
	v18 =	vadd.s32 $0x5, v2;
	[tilespmem:v16+s11+$0x0] =	vst.idx.msk $0xffff, v14  }
0x24c: {  	v52 =	vadd.s32 $0x2, v13;
	v21 =	vor.u32 v36, v12;
	v36 =	vld [tilespmem:$0x1FD00]  }
0x24d: {  	v20 =	vld.idx.msk [tilespmem:v7+s10+$0x0], $0xffff;
	v23 =	vor.u32 v43, v5  }
0x24e: {  	v19 =	vld.idx.msk [tilespmem:v19+s10+$0x0], $0xffff  }
0x24f: {  	v28 =	vor.u32 v44, v3;
	v10 =	vld.idx.msk [tilespmem:v10+s10+$0x0], $0xffff  }
0x250: {  	v17 =	vor.u32 v41, v1;
	v16 =	vld.idx.msk [tilespmem:v18+s10+$0x0], $0xffff  }
0x251: {  	v14 =	vld.idx.msk [tilespmem:v52+s10+$0x0], $0xffff;
	v15 =	vor.u32 v36, v11  }
0x252: {  	[tilespmem:v23+s11+$0x0] =	vst.idx.msk $0xffff, v20  }
0x253: {  	v53 =	vadd.s32 $0x1, v7;
	[tilespmem:v21+s11+$0x0] =	vst.idx.msk $0xffff, v19  }
0x254: {  	v27 =	vadd.s32 $0x4, v9;
	[tilespmem:v28+s11+$0x0] =	vst.idx.msk $0xffff, v10  }
0x255: {  	s29 =	simm.s32 $0x10;
	v4 =	vadd.s32 $0x7, v4;
	[tilespmem:v17+s11+$0x0] =	vst.idx.msk $0xffff, v16  }
0x256: {  	v8 =	vadd.s32 s29, v6;
	[tilespmem:v15+s11+$0x0] =	vst.idx.msk $0xffff, v14  }
0x257: {  	v3 =	vor.u32 v42, v3;
	v18 =	vadd.s32 $0x3, v13;
	v28 =	vmov v42;
	v42 =	vld [tilespmem:$0x1FD10]  }
0x258: {  	v20 =	vmov s29;
	v21 =	vor.u32 v39, v5;
	v19 =	vld.idx.msk [tilespmem:v53+s10+$0x0], $0xffff  }
0x259: {  	v23 =	vor.u32 v40, v12;
	v22 =	vld.idx.msk [tilespmem:v27+s10+$0x0], $0xffff;
	v10 =	vshll.u32 v20, $0x9  }
0x25a: {  	v32 =	vld.idx.msk [tilespmem:v4+s10+$0x0], $0xffff;
	v10 =	vadd.s32 v0, v10  }
0x25b: {  	v27 =	vld.idx.msk [tilespmem:v8+s10+$0x0], $0xffff;
	v14 =	vor.u32 v43, v10  }
0x25c: {  	v20 =	vadd.s32 $0x2, v7;
	v15 =	vld.idx.msk [tilespmem:v18+s10+$0x0], $0xffff;
	v17 =	vor.u32 v42, v11  }
0x25d: {  	[tilespmem:v21+s11+$0x0] =	vst.idx.msk $0xffff, v19  }
0x25e: {  	v55 =	vadd.s32 $0x5, v9;
	[tilespmem:v23+s11+$0x0] =	vst.idx.msk $0xffff, v22  }
0x25f: {  	v33 =	vadd.s32 $0x6, v2;
	[tilespmem:v3+s11+$0x0] =	vst.idx.msk $0xffff, v32  }
0x260: {  	s30 =	simm.s32 $0x18;
	v16 =	vadd.s32 $0x1, v8;
	[tilespmem:v14+s11+$0x0] =	vst.idx.msk $0xffff, v27  }
0x261: {  	v4 =	vadd.s32 s30, v6;
	v19 =	vld.idx.msk [tilespmem:v20+s10+$0x0], $0xffff;
	v20 =	vor.u32 v36, v5;
	[tilespmem:v17+s11+$0x0] =	vst.idx.msk $0xffff, v15  }
0x262: {  	v18 =	vadd.s32 $0x4, v13;
	v40 =	vld [tilespmem:$0x1FD20]  }
0x263: {  	v22 =	vor.u32 v41, v12;
	v3 =	vmov s30;
	v21 =	vld.idx.msk [tilespmem:v55+s10+$0x0], $0xffff  }
0x264: {  	v46 =	vor.u32 v44, v1;
	v34 =	vld.idx.msk [tilespmem:v33+s10+$0x0], $0xffff;
	v3 =	vshll.u32 v3, $0x9  }
0x265: {  	v3 =	vadd.s32 v0, v3;
	v14 =	vld.idx.msk [tilespmem:v16+s10+$0x0], $0xffff;
	v15 =	vor.u32 v39, v10  }
0x266: {  	[tilespmem:v20+s11+$0x0] =	vst.idx.msk $0xffff, v19;
	v19 =	vld.idx.msk [tilespmem:v4+s10+$0x0], $0xffff;
	v20 =	vor.u32 v43, v3  }
0x267: {  	v23 =	vadd.s32 $0x3, v7;
	v16 =	vld.idx.msk [tilespmem:v18+s10+$0x0], $0xffff;
	v18 =	vor.u32 v40, v11  }
0x268: {  	[tilespmem:v22+s11+$0x0] =	vst.idx.msk $0xffff, v21  }
0x269: {  	v47 =	vadd.s32 $0x6, v9;
	[tilespmem:v46+s11+$0x0] =	vst.idx.msk $0xffff, v34  }
0x26a: {  	v2 =	vadd.s32 $0x7, v2;
	[tilespmem:v15+s11+$0x0] =	vst.idx.msk $0xffff, v14  }
0x26b: {  	v17 =	vadd.s32 $0x2, v8;
	[tilespmem:v20+s11+$0x0] =	vst.idx.msk $0xffff, v19  }
0x26c: {  	v22 =	vadd.s32 $0x1, v4;
	v21 =	vld.idx.msk [tilespmem:v23+s10+$0x0], $0xffff;
	v23 =	vor.u32 v42, v5;
	[tilespmem:v18+s11+$0x0] =	vst.idx.msk $0xffff, v16  }
0x26d: {  	v27 =	vadd.s32 $0x5, v13;
	v29 =	vld [tilespmem:$0x1FD30]  }
0x26e: {  	v50 =	vor.u32 v44, v12;
	v49 =	vld.idx.msk [tilespmem:v47+s10+$0x0], $0xffff  }
0x26f: {  	v1 =	vor.u32 v28, v1;
	v14 =	vld.idx.msk [tilespmem:v2+s10+$0x0], $0xffff  }
0x270: {  	v51 =	vadd.s32 $0x4, v7;
	v15 =	vld.idx.msk [tilespmem:v17+s10+$0x0], $0xffff;
	v16 =	vor.u32 v36, v10  }
0x271: {  	s31 =	simm.s32 $0x20;
	v9 =	vadd.s32 $0x7, v9;
	v22 =	vld.idx.msk [tilespmem:v22+s10+$0x0], $0xffff;
	[tilespmem:v23+s11+$0x0] =	vst.idx.msk $0xffff, v21;
	v23 =	vor.u32 v39, v3  }
0x272: {  	v2 =	vadd.s32 s31, v6;
	v17 =	vld.idx.msk [tilespmem:v27+s10+$0x0], $0xffff;
	v19 =	vor.u32 v29, v11  }
0x273: {  	[tilespmem:v50+s11+$0x0] =	vst.idx.msk $0xffff, v49  }
0x274: {  	v18 =	vadd.s32 $0x3, v8;
	[tilespmem:v1+s11+$0x0] =	vst.idx.msk $0xffff, v14  }
0x275: {  	v53 =	vadd.s32 $0x2, v4;
	v52 =	vld.idx.msk [tilespmem:v51+s10+$0x0], $0xffff;
	[tilespmem:v16+s11+$0x0] =	vst.idx.msk $0xffff, v15  }
0x276: {  	v55 =	vor.u32 v40, v5;
	v21 =	vadd.s32 $0x6, v13;
	v9 =	vld.idx.msk [tilespmem:v9+s10+$0x0], $0xffff;
	[tilespmem:v23+s11+$0x0] =	vst.idx.msk $0xffff, v22  }
0x277: {  	v27 =	vor.u32 v28, v12;
	v28 =	vadd.s32 $0x5, v7;
	v16 =	vld.idx.msk [tilespmem:v2+s10+$0x0], $0xffff;
	[tilespmem:v19+s11+$0x0] =	vst.idx.msk $0xffff, v17  }
0x278: {  	v1 =	vmov s31;
	v41 =	vld [tilespmem:$0x1FD40]  }
0x279: {  	v1 =	vshll.u32 v1, $0x9;
	v15 =	vld.idx.msk [tilespmem:v18+s10+$0x0], $0xffff  }
0x27a: {  	v1 =	vadd.s32 v0, v1;
	v14 =	vld.idx.msk [tilespmem:v53+s10+$0x0], $0xffff  }
0x27b: {  	v20 =	vor.u32 v43, v1;
	v23 =	vadd.s32 $0x1, v2;
	v12 =	vld.idx.msk [tilespmem:v21+s10+$0x0], $0xffff;
	[tilespmem:v55+s11+$0x0] =	vst.idx.msk $0xffff, v52  }
0x27c: {  	s22 =	simm.s32 $0x28;
	v22 =	vadd.s32 $0x4, v8;
	v18 =	vor.u32 v36, v3;
	v17 =	vadd.s32 $0x7, v13;
	[tilespmem:v27+s11+$0x0] =	vst.idx.msk $0xffff, v9;
	v13 =	vld.idx.msk [tilespmem:v28+s10+$0x0], $0xffff  }
0x27d: {  	s23 =	simm.s32 $0x30;
	v19 =	vor.u32 v42, v10;
	v9 =	vadd.s32 s22, v6;
	v44 =	vld [tilespmem:$0x1FD50];
	v21 =	vor.u32 v41, v11  }
.LBB2_6:
0x27e: {  	_ =	sdelay $0x2  }
0x27f: {  	[tilespmem:v20+s11+$0x0] =	vst.idx.msk $0xffff, v16;
	v24 =	vadd.s32 $0x3, v4;
	v25 =	vor.u32 v29, v5  }
0x280: {  	v27 =	vadd.s32 $0x6, v7;
	v28 =	vor.u32 v39, v1;
	v26 =	vld.idx.msk [tilespmem:v23+s10+$0x0], $0xffff;
	[tilespmem:v19+s11+$0x0] =	vst.idx.msk $0xffff, v15  }
0x281: {  	v31 =	vadd.s32 $0x2, v2;
	v29 =	vld.idx.msk [tilespmem:v22+s10+$0x0], $0xffff;
	[tilespmem:v21+s11+$0x0] =	vst.idx.msk $0xffff, v12  }
0x282: {  	v30 =	vadd.s32 $0x5, v8;
	v32 =	vor.u32 v40, v10;
	v33 =	vld.idx.msk [tilespmem:v17+s10+$0x0], $0xffff  }
0x283: {  	p1 =	sne.s32 s23, $0x38;
	v34 =	vor.u32 v44, v11;
	v11 =	vmovc v5;
	v15 =	vmov s22;
	v23 =	vadd.s32 $0x1, v9;
	v16 =	vld.idx.msk [tilespmem:v9+s10+$0x0], $0xffff;
	[tilespmem:v18+s11+$0x0] =	vst.idx.msk $0xffff, v14  }
.Ltmp1:
0x284: {  	v19 =	vor.u32 v42, v3;
	v12 =	vshll.u32 v15, $0x9;
	v5 =	vmov v10;
	v15 =	vld.idx.msk [tilespmem:v24+s10+$0x0], $0xffff;
	[tilespmem:v25+s11+$0x0] =	vst.idx.msk $0xffff, v13;
	(pc) =	sbr.rel @p1 .LBB2_6-.Ltmp1, $4  }
0x285: {  	v10 =	vmov v3;
	v3 =	vmov v1;
	v17 =	vadd.s32 v0, v12;
	v12 =	vld.idx.msk [tilespmem:v27+s10+$0x0], $0xffff;
	[tilespmem:v28+s11+$0x0] =	vst.idx.msk $0xffff, v26  }
0x286: {  	v22 =	vadd.s32 $0x4, v4;
	v21 =	vor.u32 v41, v11;
	v18 =	vor.u32 v36, v3;
	v14 =	vld.idx.msk [tilespmem:v31+s10+$0x0], $0xffff  }
0x287: {  	s22 =	smov.u32 s23;
	v20 =	vor.u32 v43, v17;
	v1 =	vmovc v17;
	v17 =	vadd.s32 $0x7, v7;
	v7 =	vmov v8;
	[tilespmem:v32+s11+$0x0] =	vst.idx.msk $0xffff, v29;
	v29 =	vld [tilespmem:$0x1FD30]  }
0x288: {  	s23 =	sadd.s32 $0x8, s23;
	v8 =	vmovc v4;
	v4 =	vmov v2;
	v2 =	vmov v9;
	v9 =	vadd.s32 s22, v6;
	v13 =	vld.idx.msk [tilespmem:v30+s10+$0x0], $0xffff;
	[tilespmem:v34+s11+$0x0] =	vst.idx.msk $0xffff, v33  }
0x289: {  	_ =	sdelay $0x3  }
0x28a: {  	v6 =	vld [tilespmem:$0x1FCA0];
	[tilespmem:v20+s11+$0x0] =	vst.idx.msk $0xffff, v16  }
0x28b: {  	s23 =	sor.u32 $0x2, s21;
	[tilespmem:v19+s11+$0x0] =	vst.idx.msk $0xffff, v15;
	v24 =	vor.u32 v39, v1;
	v23 =	vld.idx.msk [tilespmem:v23+s10+$0x0], $0xffff  }
0x28c: {  	v16 =	vadd.s32 $0x3, v4;
	v19 =	vmov s22;
	s23 =	smul.u32 $0x320, s23;
	v22 =	vld.idx.msk [tilespmem:v22+s10+$0x0], $0xffff;
	[tilespmem:v21+s11+$0x0] =	vst.idx.msk $0xffff, v12;
	v21 =	vor.u32 v40, v10  }
0x28d: {  	v11 =	vor.u32 v44, v11;
	v12 =	vshll.u32 v19, $0x9;
	v19 =	vadd.s32 $0x2, v2;
	v17 =	vld.idx.msk [tilespmem:v17+s10+$0x0], $0xffff  }
0x28e: {  	v25 =	vadd.s32 $0x5, v8;
	v12 =	vadd.s32 v0, v12;
	s23 =	sadd.s32 s19, s23;
	v20 =	vor.u32 v29, v5  }
0x28f: {  	v26 =	vld.idx.msk [tilespmem:v9+s10+$0x0], $0xffff;
	[tilespmem:v18+s11+$0x0] =	vst.idx.msk $0xffff, v14;
	v14 =	vor.u32 v43, v12;
	v6 =	vadd.s32 s23, v6  }
0x290: {  	v15 =	vadd.s32 $0x6, v7;
	[tilespmem:v24+s11+$0x0] =	vst.idx.msk $0xffff, v23  }
0x291: {  	v16 =	vld.idx.msk [tilespmem:v16+s10+$0x0], $0xffff;
	[tilespmem:v21+s11+$0x0] =	vst.idx.msk $0xffff, v22  }
0x292: {  	v21 =	vor.u32 v36, v1;
	v19 =	vld.idx.msk [tilespmem:v19+s10+$0x0], $0xffff;
	[tilespmem:v11+s11+$0x0] =	vst.idx.msk $0xffff, v17  }
0x293: {  	s26 =	simm.s32 $0x0;
	v17 =	vld.idx.msk [tilespmem:v25+s10+$0x0], $0xffff;
	[tilespmem:v20+s11+$0x0] =	vst.idx.msk $0xffff, v13;
	v20 =	vor.u32 v42, v3  }
0x294: {  	[tilespmem:v14+s11+$0x0] =	vst.idx.msk $0xffff, v26;
	v14 =	vor.u32 v29, v10;
	v6 =	vld.idx.msk [tilespmem:v6+s26+$0x0], $0xffff  }
0x295: {  	v34 =	vor.u32 v41, v5;
	v18 =	vadd.s32 $0x1, v9;
	v15 =	vld.idx.msk [tilespmem:v15+s10+$0x0], $0xffff;
	_ =	sdelay $0x1  }
0x296: {  	v23 =	vadd.s32 $0x4, v4;
	[tilespmem:v21+s11+$0x0] =	vst.idx.msk $0xffff, v19  }
0x297: {  	v7 =	vadd.s32 $0x7, v7;
	[tilespmem:v20+s11+$0x0] =	vst.idx.msk $0xffff, v16  }
0x298: {  	v11 =	vadd.s32 $0x3, v2;
	[tilespmem:v14+s11+$0x0] =	vst.idx.msk $0xffff, v17;
	v6 =	vmul.u32 $0x41, v6  }
0x299: {  	v18 =	vld.idx.msk [tilespmem:v18+s10+$0x0], $0xffff;
	v16 =	vadd.s32 $0x6, v8;
	v20 =	vor.u32 v39, v12;
	[tilespmem:v34+s11+$0x0] =	vst.idx.msk $0xffff, v15  }
0x29a: {  	v30 =	vld [tilespmem:$0x1FEB0];
	v13 =	vadd.s32 s26, v6  }
0x29b: {  	v22 =	vld.idx.msk [tilespmem:v23+s10+$0x0], $0xffff;
	v15 =	vor.u32 v40, v3  }
0x29c: {  	v5 =	vor.u32 v44, v5;
	v23 =	vmov s26;
	v7 =	vld.idx.msk [tilespmem:v7+s10+$0x0], $0xffff  }
0x29d: {  	v47 =	vor.u32 v42, v1;
	v19 =	vshll.u32 v23, $0x9;
	v23 =	vld.idx.msk [tilespmem:v11+s10+$0x0], $0xffff  }
0x29e: {  	v11 =	vadd.s32 v0, v19;
	v16 =	vld.idx.msk [tilespmem:v16+s10+$0x0], $0xffff;
	[tilespmem:v20+s11+$0x0] =	vst.idx.msk $0xffff, v18;
	v18 =	vor.u32 v41, v10  }
0x29f: {  	v19 =	vor.u32 v30, v11;
	v17 =	vld.idx.msk [tilespmem:v13+s10+$0x0], $0xffff  }
0x2a0: {  	[tilespmem:v15+s11+$0x0] =	vst.idx.msk $0xffff, v22  }
0x2a1: {  	v46 =	vadd.s32 $0x2, v9;
	[tilespmem:v5+s11+$0x0] =	vst.idx.msk $0xffff, v7  }
0x2a2: {  	v21 =	vadd.s32 $0x5, v4;
	[tilespmem:v47+s11+$0x0] =	vst.idx.msk $0xffff, v23  }
0x2a3: {  	v14 =	vadd.s32 $0x4, v2;
	[tilespmem:v18+s11+$0x0] =	vst.idx.msk $0xffff, v16  }
0x2a4: {  	v8 =	vadd.s32 $0x7, v8;
	[tilespmem:v19+s11+$0x0] =	vst.idx.msk $0xffff, v17  }
0x2a5: {  	v20 =	vadd.s32 $0x1, v13;
	v31 =	vld [tilespmem:$0x1FEC0]  }
0x2a6: {  	v15 =	vld.idx.msk [tilespmem:v46+s10+$0x0], $0xffff;
	v22 =	vor.u32 v36, v12  }
0x2a7: {  	v50 =	vor.u32 v29, v3;
	v21 =	vld.idx.msk [tilespmem:v21+s10+$0x0], $0xffff  }
0x2a8: {  	v51 =	vor.u32 v40, v1;
	v14 =	vld.idx.msk [tilespmem:v14+s10+$0x0], $0xffff  }
0x2a9: {  	s28 =	simm.s32 $0x8;
	v10 =	vor.u32 v44, v10;
	v8 =	vld.idx.msk [tilespmem:v8+s10+$0x0], $0xffff  }
0x2aa: {  	v7 =	vadd.s32 s28, v6;
	v16 =	vld.idx.msk [tilespmem:v20+s10+$0x0], $0xffff;
	v17 =	vor.u32 v31, v11  }
0x2ab: {  	[tilespmem:v22+s11+$0x0] =	vst.idx.msk $0xffff, v15  }
0x2ac: {  	v49 =	vadd.s32 $0x3, v9;
	[tilespmem:v50+s11+$0x0] =	vst.idx.msk $0xffff, v21  }
0x2ad: {  	v23 =	vadd.s32 $0x6, v4;
	[tilespmem:v51+s11+$0x0] =	vst.idx.msk $0xffff, v14  }
0x2ae: {  	v5 =	vmov s28;
	v19 =	vadd.s32 $0x5, v2;
	[tilespmem:v10+s11+$0x0] =	vst.idx.msk $0xffff, v8  }
0x2af: {  	v5 =	vshll.u32 v5, $0x9;
	v18 =	vadd.s32 $0x2, v13;
	v15 =	vld.idx.msk [tilespmem:v7+s10+$0x0], $0xffff;
	[tilespmem:v17+s11+$0x0] =	vst.idx.msk $0xffff, v16  }
0x2b0: {  	v5 =	vadd.s32 v0, v5;
	v32 =	vld [tilespmem:$0x1FED0]  }
0x2b1: {  	v20 =	vor.u32 v30, v5;
	v22 =	vld.idx.msk [tilespmem:v49+s10+$0x0], $0xffff  }
0x2b2: {  	v21 =	vor.u32 v42, v12;
	v23 =	vld.idx.msk [tilespmem:v23+s10+$0x0], $0xffff  }
0x2b3: {  	v27 =	vor.u32 v41, v3;
	v17 =	vld.idx.msk [tilespmem:v19+s10+$0x0], $0xffff  }
0x2b4: {  	v14 =	vld.idx.msk [tilespmem:v18+s10+$0x0], $0xffff;
	v18 =	vor.u32 v29, v1  }
0x2b5: {  	v16 =	vor.u32 v32, v11  }
0x2b6: {  	[tilespmem:v20+s11+$0x0] =	vst.idx.msk $0xffff, v15  }
0x2b7: {  	v52 =	vadd.s32 $0x1, v7;
	[tilespmem:v21+s11+$0x0] =	vst.idx.msk $0xffff, v22  }
0x2b8: {  	v53 =	vadd.s32 $0x4, v9;
	[tilespmem:v27+s11+$0x0] =	vst.idx.msk $0xffff, v23  }
0x2b9: {  	s29 =	simm.s32 $0x10;
	v4 =	vadd.s32 $0x7, v4;
	[tilespmem:v18+s11+$0x0] =	vst.idx.msk $0xffff, v17  }
0x2ba: {  	v8 =	vadd.s32 s29, v6;
	[tilespmem:v16+s11+$0x0] =	vst.idx.msk $0xffff, v14  }
0x2bb: {  	v15 =	vadd.s32 $0x3, v13;
	v39 =	vld [tilespmem:$0x1FD60]  }
0x2bc: {  	v10 =	vmov s29;
	v20 =	vor.u32 v31, v5;
	v19 =	vld.idx.msk [tilespmem:v52+s10+$0x0], $0xffff  }
0x2bd: {  	v10 =	vshll.u32 v10, $0x9;
	v22 =	vor.u32 v40, v12;
	v21 =	vld.idx.msk [tilespmem:v53+s10+$0x0], $0xffff  }
0x2be: {  	v3 =	vor.u32 v44, v3;
	v10 =	vadd.s32 v0, v10;
	v33 =	vld.idx.msk [tilespmem:v4+s10+$0x0], $0xffff  }
0x2bf: {  	v23 =	vadd.s32 $0x2, v7;
	v27 =	vld.idx.msk [tilespmem:v8+s10+$0x0], $0xffff;
	v14 =	vor.u32 v30, v10  }
0x2c0: {  	v55 =	vadd.s32 $0x5, v9;
	v15 =	vld.idx.msk [tilespmem:v15+s10+$0x0], $0xffff;
	v17 =	vor.u32 v39, v11  }
0x2c1: {  	[tilespmem:v20+s11+$0x0] =	vst.idx.msk $0xffff, v19  }
0x2c2: {  	v34 =	vadd.s32 $0x6, v2;
	[tilespmem:v22+s11+$0x0] =	vst.idx.msk $0xffff, v21  }
0x2c3: {  	s30 =	simm.s32 $0x18;
	v16 =	vadd.s32 $0x1, v8;
	[tilespmem:v3+s11+$0x0] =	vst.idx.msk $0xffff, v33  }
0x2c4: {  	v4 =	vadd.s32 s30, v6;
	v20 =	vor.u32 v32, v5;
	v19 =	vld.idx.msk [tilespmem:v23+s10+$0x0], $0xffff;
	[tilespmem:v14+s11+$0x0] =	vst.idx.msk $0xffff, v27  }
0x2c5: {  	v22 =	vor.u32 v29, v12;
	v21 =	vld.idx.msk [tilespmem:v55+s10+$0x0], $0xffff;
	v23 =	vadd.s32 $0x3, v7;
	[tilespmem:v17+s11+$0x0] =	vst.idx.msk $0xffff, v15  }
0x2c6: {  	v18 =	vadd.s32 $0x4, v13;
	v3 =	vmov s30;
	v46 =	vld [tilespmem:$0x1FD70]  }
0x2c7: {  	v40 =	vor.u32 v41, v1;
	v36 =	vld.idx.msk [tilespmem:v34+s10+$0x0], $0xffff;
	v3 =	vshll.u32 v3, $0x9  }
0x2c8: {  	v42 =	vadd.s32 $0x6, v9;
	v3 =	vadd.s32 v0, v3;
	v14 =	vld.idx.msk [tilespmem:v16+s10+$0x0], $0xffff;
	v15 =	vor.u32 v31, v10  }
0x2c9: {  	v2 =	vadd.s32 $0x7, v2;
	[tilespmem:v20+s11+$0x0] =	vst.idx.msk $0xffff, v19;
	v19 =	vld.idx.msk [tilespmem:v4+s10+$0x0], $0xffff;
	v20 =	vor.u32 v30, v3  }
0x2ca: {  	[tilespmem:v22+s11+$0x0] =	vst.idx.msk $0xffff, v21;
	v22 =	vadd.s32 $0x1, v4;
	v21 =	vld.idx.msk [tilespmem:v23+s10+$0x0], $0xffff;
	v23 =	vor.u32 v39, v5  }
0x2cb: {  	v17 =	vadd.s32 $0x2, v8;
	v16 =	vld.idx.msk [tilespmem:v18+s10+$0x0], $0xffff;
	v18 =	vor.u32 v46, v11  }
0x2cc: {  	v27 =	vadd.s32 $0x5, v13;
	[tilespmem:v40+s11+$0x0] =	vst.idx.msk $0xffff, v36  }
0x2cd: {  	v50 =	vor.u32 v41, v12;
	v49 =	vld.idx.msk [tilespmem:v42+s10+$0x0], $0xffff;
	[tilespmem:v15+s11+$0x0] =	vst.idx.msk $0xffff, v14  }
0x2ce: {  	v1 =	vor.u32 v44, v1;
	v14 =	vld.idx.msk [tilespmem:v2+s10+$0x0], $0xffff;
	[tilespmem:v20+s11+$0x0] =	vst.idx.msk $0xffff, v19  }
0x2cf: {  	v22 =	vld.idx.msk [tilespmem:v22+s10+$0x0], $0xffff;
	[tilespmem:v23+s11+$0x0] =	vst.idx.msk $0xffff, v21;
	v23 =	vor.u32 v31, v3  }
0x2d0: {  	v15 =	vld.idx.msk [tilespmem:v17+s10+$0x0], $0xffff;
	[tilespmem:v18+s11+$0x0] =	vst.idx.msk $0xffff, v16;
	v16 =	vor.u32 v32, v10  }
0x2d1: {  	v51 =	vadd.s32 $0x4, v7;
	v19 =	vor.u32 v45, v11;
	v17 =	vld.idx.msk [tilespmem:v27+s10+$0x0], $0xffff  }
0x2d2: {  	[tilespmem:v50+s11+$0x0] =	vst.idx.msk $0xffff, v49  }
0x2d3: {  	v9 =	vadd.s32 $0x7, v9;
	[tilespmem:v1+s11+$0x0] =	vst.idx.msk $0xffff, v14  }
0x2d4: {  	s31 =	simm.s32 $0x20;
	v53 =	vadd.s32 $0x2, v4;
	[tilespmem:v23+s11+$0x0] =	vst.idx.msk $0xffff, v22  }
0x2d5: {  	v2 =	vadd.s32 s31, v6;
	[tilespmem:v16+s11+$0x0] =	vst.idx.msk $0xffff, v15  }
0x2d6: {  	v52 =	vld.idx.msk [tilespmem:v51+s10+$0x0], $0xffff;
	v18 =	vadd.s32 $0x3, v8;
	[tilespmem:v19+s11+$0x0] =	vst.idx.msk $0xffff, v17  }
0x2d7: {  	v55 =	vor.u32 v46, v5;
	v21 =	vadd.s32 $0x6, v13;
	v1 =	vmov s31;
	v42 =	vld [tilespmem:$0x1FEE0]  }
0x2d8: {  	v28 =	vadd.s32 $0x5, v7;
	v9 =	vld.idx.msk [tilespmem:v9+s10+$0x0], $0xffff;
	v1 =	vshll.u32 v1, $0x9;
	v27 =	vor.u32 v44, v12  }
0x2d9: {  	v1 =	vadd.s32 v0, v1;
	v14 =	vld.idx.msk [tilespmem:v53+s10+$0x0], $0xffff  }
0x2da: {  	v20 =	vor.u32 v30, v1;
	v16 =	vld.idx.msk [tilespmem:v2+s10+$0x0], $0xffff  }
0x2db: {  	v23 =	vadd.s32 $0x1, v2;
	v15 =	vld.idx.msk [tilespmem:v18+s10+$0x0], $0xffff;
	v19 =	vor.u32 v39, v10  }
0x2dc: {  	v22 =	vadd.s32 $0x4, v8;
	v12 =	vld.idx.msk [tilespmem:v21+s10+$0x0], $0xffff;
	[tilespmem:v55+s11+$0x0] =	vst.idx.msk $0xffff, v52;
	v21 =	vor.u32 v42, v11  }
0x2dd: {  	s22 =	simm.s32 $0x28;
	v41 =	vmov v31;
	v17 =	vadd.s32 $0x7, v13;
	[tilespmem:v27+s11+$0x0] =	vst.idx.msk $0xffff, v9;
	v13 =	vld.idx.msk [tilespmem:v28+s10+$0x0], $0xffff  }
0x2de: {  	s23 =	simm.s32 $0x30;
	v29 =	vmovc v45;
	v40 =	vmovc v30;
	v44 =	vmov v32;
	v18 =	vor.u32 v32, v3;
	v9 =	vadd.s32 s22, v6;
	v36 =	vld [tilespmem:$0x1FD80]  }
.LBB2_8:
0x2df: {  	p1 =	sne.s32 s23, $0x38;
	[tilespmem:v20+s11+$0x0] =	vst.idx.msk $0xffff, v16;
	v24 =	vadd.s32 $0x3, v4;
	v25 =	vor.u32 v29, v5  }
0x2e0: {  	v27 =	vadd.s32 $0x6, v7;
	v26 =	vld.idx.msk [tilespmem:v23+s10+$0x0], $0xffff;
	[tilespmem:v19+s11+$0x0] =	vst.idx.msk $0xffff, v15  }
0x2e1: {  	v28 =	vor.u32 v41, v1;
	v30 =	vadd.s32 $0x5, v8;
	v15 =	vmov s22;
	s22 =	smov.u32 s23;
	v29 =	vld.idx.msk [tilespmem:v22+s10+$0x0], $0xffff;
	[tilespmem:v21+s11+$0x0] =	vst.idx.msk $0xffff, v12  }
0x2e2: {  	v31 =	vadd.s32 $0x2, v2;
	v32 =	vor.u32 v46, v10;
	v12 =	vshll.u32 v15, $0x9;
	v33 =	vld.idx.msk [tilespmem:v17+s10+$0x0], $0xffff  }
0x2e3: {  	v34 =	vor.u32 v36, v11;
	v17 =	vadd.s32 v0, v12;
	v16 =	vld.idx.msk [tilespmem:v9+s10+$0x0], $0xffff;
	[tilespmem:v18+s11+$0x0] =	vst.idx.msk $0xffff, v14  }
.Ltmp2:
0x2e4: {  	v11 =	vmov v5;
	v5 =	vmov v10;
	v20 =	vor.u32 v40, v17;
	v15 =	vld.idx.msk [tilespmem:v24+s10+$0x0], $0xffff;
	[tilespmem:v25+s11+$0x0] =	vst.idx.msk $0xffff, v13;
	(pc) =	sbr.rel @p1 .LBB2_8-.Ltmp2, $4  }
0x2e5: {  	v10 =	vmovc v3;
	v23 =	vadd.s32 $0x1, v9;
	v19 =	vor.u32 v39, v3;
	v3 =	vmovc v1;
	v1 =	vmov v17;
	v12 =	vld.idx.msk [tilespmem:v27+s10+$0x0], $0xffff  }
0x2e6: {  	v22 =	vadd.s32 $0x4, v4;
	v21 =	vor.u32 v42, v11;
	v17 =	vadd.s32 $0x7, v7;
	v7 =	vmovc v8;
	[tilespmem:v28+s11+$0x0] =	vst.idx.msk $0xffff, v26  }
0x2e7: {  	v8 =	vmov v4;
	v4 =	vmov v2;
	v18 =	vor.u32 v44, v3;
	v14 =	vld.idx.msk [tilespmem:v31+s10+$0x0], $0xffff;
	[tilespmem:v32+s11+$0x0] =	vst.idx.msk $0xffff, v29  }
0x2e8: {  	s23 =	sadd.s32 $0x8, s23;
	v2 =	vmov v9;
	v9 =	vadd.s32 s22, v6;
	v29 =	vmov v45;
	v13 =	vld.idx.msk [tilespmem:v30+s10+$0x0], $0xffff;
	[tilespmem:v34+s11+$0x0] =	vst.idx.msk $0xffff, v33  }
0x2e9: {  	_ =	sdelay $0x1  }
0x2ea: {  	v6 =	vld [tilespmem:$0x1FCA0]  }
0x2eb: {  	s23 =	sor.u32 $0x3, s21  }
0x2ec: {  	[tilespmem:v20+s11+$0x0] =	vst.idx.msk $0xffff, v16;
	v16 =	vadd.s32 $0x3, v4;
	v20 =	vor.u32 v29, v5;
	s23 =	smul.u32 $0x320, s23  }
0x2ed: {  	[tilespmem:v19+s11+$0x0] =	vst.idx.msk $0xffff, v15;
	v15 =	vadd.s32 $0x6, v7;
	v19 =	vmov s22;
	v24 =	vor.u32 v41, v1;
	v23 =	vld.idx.msk [tilespmem:v23+s10+$0x0], $0xffff  }
0x2ee: {  	v22 =	vld.idx.msk [tilespmem:v22+s10+$0x0], $0xffff;
	[tilespmem:v21+s11+$0x0] =	vst.idx.msk $0xffff, v12;
	v12 =	vshll.u32 v19, $0x9;
	v19 =	vadd.s32 $0x2, v2;
	v21 =	vor.u32 v46, v10;
	s23 =	sadd.s32 s19, s23  }
0x2ef: {  	v11 =	vor.u32 v36, v11;
	v17 =	vld.idx.msk [tilespmem:v17+s10+$0x0], $0xffff;
	v12 =	vadd.s32 v0, v12;
	v6 =	vadd.s32 s23, v6  }
0x2f0: {  	v25 =	vadd.s32 $0x5, v8;
	v26 =	vld.idx.msk [tilespmem:v9+s10+$0x0], $0xffff;
	[tilespmem:v18+s11+$0x0] =	vst.idx.msk $0xffff, v14;
	v14 =	vor.u32 v40, v12  }
0x2f1: {  	v16 =	vld.idx.msk [tilespmem:v16+s10+$0x0], $0xffff;
	[tilespmem:v20+s11+$0x0] =	vst.idx.msk $0xffff, v13  }
0x2f2: {  	v20 =	vor.u32 v39, v3;
	v15 =	vld.idx.msk [tilespmem:v15+s10+$0x0], $0xffff;
	[tilespmem:v24+s11+$0x0] =	vst.idx.msk $0xffff, v23  }
0x2f3: {  	s26 =	simm.s32 $0x0;
	v47 =	vor.u32 v42, v5;
	[tilespmem:v21+s11+$0x0] =	vst.idx.msk $0xffff, v22;
	v19 =	vld.idx.msk [tilespmem:v19+s10+$0x0], $0xffff  }
0x2f4: {  	v21 =	vor.u32 v44, v1;
	[tilespmem:v11+s11+$0x0] =	vst.idx.msk $0xffff, v17;
	v6 =	vld.idx.msk [tilespmem:v6+s26+$0x0], $0xffff  }
0x2f5: {  	v18 =	vadd.s32 $0x1, v9;
	v17 =	vld.idx.msk [tilespmem:v25+s10+$0x0], $0xffff;
	[tilespmem:v14+s11+$0x0] =	vst.idx.msk $0xffff, v26;
	v14 =	vor.u32 v29, v10;
	_ =	sdelay $0x1  }
0x2f6: {  	v23 =	vadd.s32 $0x4, v4;
	[tilespmem:v20+s11+$0x0] =	vst.idx.msk $0xffff, v16  }
0x2f7: {  	v7 =	vadd.s32 $0x7, v7;
	[tilespmem:v47+s11+$0x0] =	vst.idx.msk $0xffff, v15  }
0x2f8: {  	v11 =	vadd.s32 $0x3, v2;
	[tilespmem:v21+s11+$0x0] =	vst.idx.msk $0xffff, v19;
	v6 =	vmul.u32 $0x41, v6  }
0x2f9: {  	v18 =	vld.idx.msk [tilespmem:v18+s10+$0x0], $0xffff;
	v16 =	vadd.s32 $0x6, v8;
	v20 =	vor.u32 v41, v12;
	[tilespmem:v14+s11+$0x0] =	vst.idx.msk $0xffff, v17  }
0x2fa: {  	v30 =	vld [tilespmem:$0x1FEF0];
	v13 =	vadd.s32 s26, v6  }
0x2fb: {  	v22 =	vld.idx.msk [tilespmem:v23+s10+$0x0], $0xffff;
	v15 =	vor.u32 v46, v3  }
0x2fc: {  	v5 =	vor.u32 v36, v5;
	v23 =	vmov s26;
	v7 =	vld.idx.msk [tilespmem:v7+s10+$0x0], $0xffff  }
0x2fd: {  	v50 =	vor.u32 v39, v1;
	v19 =	vshll.u32 v23, $0x9;
	v23 =	vld.idx.msk [tilespmem:v11+s10+$0x0], $0xffff  }
0x2fe: {  	v11 =	vadd.s32 v0, v19;
	v16 =	vld.idx.msk [tilespmem:v16+s10+$0x0], $0xffff;
	[tilespmem:v20+s11+$0x0] =	vst.idx.msk $0xffff, v18;
	v18 =	vor.u32 v42, v10  }
0x2ff: {  	v19 =	vor.u32 v30, v11;
	v17 =	vld.idx.msk [tilespmem:v13+s10+$0x0], $0xffff  }
0x300: {  	[tilespmem:v15+s11+$0x0] =	vst.idx.msk $0xffff, v22  }
0x301: {  	v49 =	vadd.s32 $0x2, v9;
	[tilespmem:v5+s11+$0x0] =	vst.idx.msk $0xffff, v7  }
0x302: {  	v21 =	vadd.s32 $0x5, v4;
	[tilespmem:v50+s11+$0x0] =	vst.idx.msk $0xffff, v23  }
0x303: {  	v14 =	vadd.s32 $0x4, v2;
	[tilespmem:v18+s11+$0x0] =	vst.idx.msk $0xffff, v16  }
0x304: {  	v8 =	vadd.s32 $0x7, v8;
	[tilespmem:v19+s11+$0x0] =	vst.idx.msk $0xffff, v17  }
0x305: {  	v20 =	vadd.s32 $0x1, v13;
	v28 =	vld [tilespmem:$0x1FF00]  }
0x306: {  	v15 =	vld.idx.msk [tilespmem:v49+s10+$0x0], $0xffff;
	v22 =	vor.u32 v44, v12  }
0x307: {  	v52 =	vor.u32 v29, v3;
	v21 =	vld.idx.msk [tilespmem:v21+s10+$0x0], $0xffff  }
0x308: {  	v53 =	vor.u32 v46, v1;
	v14 =	vld.idx.msk [tilespmem:v14+s10+$0x0], $0xffff  }
0x309: {  	s28 =	simm.s32 $0x8;
	v10 =	vor.u32 v36, v10;
	v8 =	vld.idx.msk [tilespmem:v8+s10+$0x0], $0xffff  }
0x30a: {  	v7 =	vadd.s32 s28, v6;
	v16 =	vld.idx.msk [tilespmem:v20+s10+$0x0], $0xffff;
	v17 =	vor.u32 v28, v11  }
0x30b: {  	[tilespmem:v22+s11+$0x0] =	vst.idx.msk $0xffff, v15  }
0x30c: {  	v51 =	vadd.s32 $0x3, v9;
	[tilespmem:v52+s11+$0x0] =	vst.idx.msk $0xffff, v21  }
0x30d: {  	v23 =	vadd.s32 $0x6, v4;
	[tilespmem:v53+s11+$0x0] =	vst.idx.msk $0xffff, v14  }
0x30e: {  	v5 =	vmov s28;
	v19 =	vadd.s32 $0x5, v2;
	[tilespmem:v10+s11+$0x0] =	vst.idx.msk $0xffff, v8  }
0x30f: {  	v5 =	vshll.u32 v5, $0x9;
	v18 =	vadd.s32 $0x2, v13;
	v15 =	vld.idx.msk [tilespmem:v7+s10+$0x0], $0xffff;
	[tilespmem:v17+s11+$0x0] =	vst.idx.msk $0xffff, v16  }
0x310: {  	v5 =	vadd.s32 v0, v5;
	v21 =	vor.u32 v39, v12;
	v39 =	vld [tilespmem:$0x1FF10]  }
0x311: {  	v20 =	vor.u32 v30, v5;
	v22 =	vld.idx.msk [tilespmem:v51+s10+$0x0], $0xffff  }
0x312: {  	v23 =	vld.idx.msk [tilespmem:v23+s10+$0x0], $0xffff  }
0x313: {  	v27 =	vor.u32 v42, v3;
	v17 =	vld.idx.msk [tilespmem:v19+s10+$0x0], $0xffff  }
0x314: {  	v55 =	vadd.s32 $0x1, v7;
	v14 =	vld.idx.msk [tilespmem:v18+s10+$0x0], $0xffff;
	v18 =	vor.u32 v29, v1  }
0x315: {  	v16 =	vor.u32 v39, v11  }
0x316: {  	[tilespmem:v20+s11+$0x0] =	vst.idx.msk $0xffff, v15  }
0x317: {  	v4 =	vadd.s32 $0x7, v4;
	[tilespmem:v21+s11+$0x0] =	vst.idx.msk $0xffff, v22  }
0x318: {  	v32 =	vadd.s32 $0x4, v9;
	s29 =	simm.s32 $0x10;
	[tilespmem:v27+s11+$0x0] =	vst.idx.msk $0xffff, v23  }
0x319: {  	v8 =	vadd.s32 s29, v6;
	v20 =	vor.u32 v28, v5;
	v19 =	vld.idx.msk [tilespmem:v55+s10+$0x0], $0xffff;
	[tilespmem:v18+s11+$0x0] =	vst.idx.msk $0xffff, v17  }
0x31a: {  	v23 =	vadd.s32 $0x2, v7;
	[tilespmem:v16+s11+$0x0] =	vst.idx.msk $0xffff, v14  }
0x31b: {  	v10 =	vmov s29;
	v15 =	vadd.s32 $0x3, v13;
	v47 =	vld [tilespmem:$0x1FD90]  }
0x31c: {  	v3 =	vor.u32 v36, v3;
	v10 =	vshll.u32 v10, $0x9;
	v34 =	vld.idx.msk [tilespmem:v4+s10+$0x0], $0xffff  }
0x31d: {  	v40 =	vadd.s32 $0x6, v2;
	v10 =	vadd.s32 v0, v10;
	v22 =	vor.u32 v46, v12;
	v21 =	vld.idx.msk [tilespmem:v32+s10+$0x0], $0xffff  }
0x31e: {  	v33 =	vadd.s32 $0x5, v9;
	s30 =	simm.s32 $0x18;
	v27 =	vld.idx.msk [tilespmem:v8+s10+$0x0], $0xffff;
	v14 =	vor.u32 v30, v10;
	[tilespmem:v20+s11+$0x0] =	vst.idx.msk $0xffff, v19  }
0x31f: {  	v4 =	vadd.s32 s30, v6;
	v20 =	vor.u32 v39, v5;
	v19 =	vld.idx.msk [tilespmem:v23+s10+$0x0], $0xffff  }
0x320: {  	v16 =	vadd.s32 $0x1, v8;
	v15 =	vld.idx.msk [tilespmem:v15+s10+$0x0], $0xffff;
	v17 =	vor.u32 v47, v11  }
0x321: {  	v18 =	vadd.s32 $0x4, v13;
	[tilespmem:v3+s11+$0x0] =	vst.idx.msk $0xffff, v34;
	v3 =	vmov s30  }
0x322: {  	v44 =	vor.u32 v42, v1;
	v41 =	vld.idx.msk [tilespmem:v40+s10+$0x0], $0xffff;
	[tilespmem:v22+s11+$0x0] =	vst.idx.msk $0xffff, v21;
	v3 =	vshll.u32 v3, $0x9  }
0x323: {  	v22 =	vor.u32 v29, v12;
	v21 =	vld.idx.msk [tilespmem:v33+s10+$0x0], $0xffff;
	v3 =	vadd.s32 v0, v3;
	[tilespmem:v14+s11+$0x0] =	vst.idx.msk $0xffff, v27  }
0x324: {  	[tilespmem:v20+s11+$0x0] =	vst.idx.msk $0xffff, v19;
	v19 =	vld.idx.msk [tilespmem:v4+s10+$0x0], $0xffff;
	v20 =	vor.u32 v30, v3  }
0x325: {  	v14 =	vld.idx.msk [tilespmem:v16+s10+$0x0], $0xffff;
	[tilespmem:v17+s11+$0x0] =	vst.idx.msk $0xffff, v15;
	v15 =	vor.u32 v28, v10  }
0x326: {  	v23 =	vadd.s32 $0x3, v7;
	v16 =	vld.idx.msk [tilespmem:v18+s10+$0x0], $0xffff;
	v18 =	vor.u32 v48, v11  }
0x327: {  	[tilespmem:v44+s11+$0x0] =	vst.idx.msk $0xffff, v41  }
0x328: {  	v46 =	vadd.s32 $0x6, v9;
	[tilespmem:v22+s11+$0x0] =	vst.idx.msk $0xffff, v21  }
0x329: {  	v2 =	vadd.s32 $0x7, v2;
	[tilespmem:v20+s11+$0x0] =	vst.idx.msk $0xffff, v19  }
0x32a: {  	v17 =	vadd.s32 $0x2, v8;
	[tilespmem:v15+s11+$0x0] =	vst.idx.msk $0xffff, v14  }
0x32b: {  	v22 =	vadd.s32 $0x1, v4;
	v21 =	vld.idx.msk [tilespmem:v23+s10+$0x0], $0xffff;
	v23 =	vor.u32 v47, v5;
	[tilespmem:v18+s11+$0x0] =	vst.idx.msk $0xffff, v16  }
0x32c: {  	v27 =	vadd.s32 $0x5, v13;
	v29 =	vld [tilespmem:$0x1FDA0]  }
0x32d: {  	v50 =	vor.u32 v42, v12;
	v49 =	vld.idx.msk [tilespmem:v46+s10+$0x0], $0xffff  }
0x32e: {  	v1 =	vor.u32 v36, v1;
	v14 =	vld.idx.msk [tilespmem:v2+s10+$0x0], $0xffff  }
0x32f: {  	v51 =	vadd.s32 $0x4, v7;
	v15 =	vld.idx.msk [tilespmem:v17+s10+$0x0], $0xffff;
	v16 =	vor.u32 v39, v10  }
0x330: {  	s31 =	simm.s32 $0x20;
	v9 =	vadd.s32 $0x7, v9;
	v22 =	vld.idx.msk [tilespmem:v22+s10+$0x0], $0xffff;
	[tilespmem:v23+s11+$0x0] =	vst.idx.msk $0xffff, v21;
	v23 =	vor.u32 v28, v3  }
0x331: {  	v2 =	vadd.s32 s31, v6;
	v17 =	vld.idx.msk [tilespmem:v27+s10+$0x0], $0xffff;
	v19 =	vor.u32 v29, v11  }
0x332: {  	[tilespmem:v50+s11+$0x0] =	vst.idx.msk $0xffff, v49  }
0x333: {  	v18 =	vadd.s32 $0x3, v8;
	[tilespmem:v1+s11+$0x0] =	vst.idx.msk $0xffff, v14  }
0x334: {  	v53 =	vadd.s32 $0x2, v4;
	v52 =	vld.idx.msk [tilespmem:v51+s10+$0x0], $0xffff;
	[tilespmem:v16+s11+$0x0] =	vst.idx.msk $0xffff, v15  }
0x335: {  	v55 =	vor.u32 v48, v5;
	v21 =	vadd.s32 $0x6, v13;
	v9 =	vld.idx.msk [tilespmem:v9+s10+$0x0], $0xffff;
	[tilespmem:v23+s11+$0x0] =	vst.idx.msk $0xffff, v22  }
0x336: {  	v42 =	vmov v28;
	v27 =	vor.u32 v36, v12;
	v28 =	vadd.s32 $0x5, v7;
	v16 =	vld.idx.msk [tilespmem:v2+s10+$0x0], $0xffff;
	[tilespmem:v19+s11+$0x0] =	vst.idx.msk $0xffff, v17  }
0x337: {  	v1 =	vmov s31;
	v49 =	vld [tilespmem:$0x1FDB0]  }
0x338: {  	v1 =	vshll.u32 v1, $0x9;
	v15 =	vld.idx.msk [tilespmem:v18+s10+$0x0], $0xffff  }
0x339: {  	v1 =	vadd.s32 v0, v1;
	v14 =	vld.idx.msk [tilespmem:v53+s10+$0x0], $0xffff  }
0x33a: {  	v23 =	vadd.s32 $0x1, v2;
	v18 =	vor.u32 v39, v3;
	v12 =	vld.idx.msk [tilespmem:v21+s10+$0x0], $0xffff;
	[tilespmem:v55+s11+$0x0] =	vst.idx.msk $0xffff, v52  }
0x33b: {  	s22 =	simm.s32 $0x28;
	v22 =	vadd.s32 $0x4, v8;
	v20 =	vor.u32 v30, v1;
	v17 =	vadd.s32 $0x7, v13;
	[tilespmem:v27+s11+$0x0] =	vst.idx.msk $0xffff, v9;
	v13 =	vld.idx.msk [tilespmem:v28+s10+$0x0], $0xffff  }
0x33c: {  	s23 =	simm.s32 $0x30;
	v32 =	vmovc v48;
	v46 =	vmovc v30;
	v19 =	vor.u32 v47, v10;
	v9 =	vadd.s32 s22, v6;
	v36 =	vld [tilespmem:$0x1FDC0];
	v21 =	vor.u32 v49, v11  }
.LBB2_10:
0x33d: {  	_ =	sdelay $0x2  }
0x33e: {  	[tilespmem:v20+s11+$0x0] =	vst.idx.msk $0xffff, v16;
	v24 =	vadd.s32 $0x3, v4;
	v25 =	vor.u32 v29, v5  }
0x33f: {  	v27 =	vadd.s32 $0x6, v7;
	v28 =	vor.u32 v42, v1;
	v26 =	vld.idx.msk [tilespmem:v23+s10+$0x0], $0xffff;
	[tilespmem:v19+s11+$0x0] =	vst.idx.msk $0xffff, v15  }
0x340: {  	v31 =	vadd.s32 $0x2, v2;
	v29 =	vld.idx.msk [tilespmem:v22+s10+$0x0], $0xffff;
	[tilespmem:v21+s11+$0x0] =	vst.idx.msk $0xffff, v12  }
0x341: {  	v30 =	vadd.s32 $0x5, v8;
	v32 =	vor.u32 v32, v10;
	v33 =	vld.idx.msk [tilespmem:v17+s10+$0x0], $0xffff  }
0x342: {  	p1 =	sne.s32 s23, $0x38;
	v34 =	vor.u32 v36, v11;
	v11 =	vmovc v5;
	v15 =	vmov s22;
	v23 =	vadd.s32 $0x1, v9;
	v16 =	vld.idx.msk [tilespmem:v9+s10+$0x0], $0xffff;
	[tilespmem:v18+s11+$0x0] =	vst.idx.msk $0xffff, v14  }
.Ltmp3:
0x343: {  	v19 =	vor.u32 v47, v3;
	v12 =	vshll.u32 v15, $0x9;
	v5 =	vmov v10;
	v15 =	vld.idx.msk [tilespmem:v24+s10+$0x0], $0xffff;
	[tilespmem:v25+s11+$0x0] =	vst.idx.msk $0xffff, v13;
	(pc) =	sbr.rel @p1 .LBB2_10-.Ltmp3, $4  }
0x344: {  	v10 =	vmov v3;
	v3 =	vmov v1;
	v17 =	vadd.s32 v0, v12;
	v12 =	vld.idx.msk [tilespmem:v27+s10+$0x0], $0xffff;
	[tilespmem:v28+s11+$0x0] =	vst.idx.msk $0xffff, v26  }
0x345: {  	v21 =	vor.u32 v49, v11;
	v18 =	vor.u32 v39, v3;
	v20 =	vor.u32 v46, v17;
	v14 =	vld.idx.msk [tilespmem:v31+s10+$0x0], $0xffff  }
0x346: {  	s22 =	smov.u32 s23;
	v22 =	vadd.s32 $0x4, v4;
	v1 =	vmovc v17;
	v17 =	vadd.s32 $0x7, v7;
	v7 =	vmovc v8;
	v8 =	vmov v4;
	[tilespmem:v32+s11+$0x0] =	vst.idx.msk $0xffff, v29;
	v29 =	vld [tilespmem:$0x1FDA0]  }
0x347: {  	s23 =	sadd.s32 $0x8, s23;
	v4 =	vmovc v2;
	v2 =	vmov v9;
	v9 =	vadd.s32 s22, v6;
	v32 =	vmov v48;
	v13 =	vld.idx.msk [tilespmem:v30+s10+$0x0], $0xffff;
	[tilespmem:v34+s11+$0x0] =	vst.idx.msk $0xffff, v33  }
0x348: {  	_ =	sdelay $0x3  }
0x349: {  	v6 =	vld [tilespmem:$0x1FCA0];
	[tilespmem:v20+s11+$0x0] =	vst.idx.msk $0xffff, v16  }
0x34a: {  	s23 =	sor.u32 $0x4, s21;
	[tilespmem:v19+s11+$0x0] =	vst.idx.msk $0xffff, v15;
	v24 =	vor.u32 v42, v1;
	v23 =	vld.idx.msk [tilespmem:v23+s10+$0x0], $0xffff  }
0x34b: {  	v16 =	vadd.s32 $0x3, v4;
	v19 =	vmov s22;
	s23 =	smul.u32 $0x320, s23;
	v22 =	vld.idx.msk [tilespmem:v22+s10+$0x0], $0xffff;
	[tilespmem:v21+s11+$0x0] =	vst.idx.msk $0xffff, v12;
	v21 =	vor.u32 v32, v10  }
0x34c: {  	v11 =	vor.u32 v36, v11;
	v12 =	vshll.u32 v19, $0x9;
	v19 =	vadd.s32 $0x2, v2;
	v17 =	vld.idx.msk [tilespmem:v17+s10+$0x0], $0xffff  }
0x34d: {  	v25 =	vadd.s32 $0x5, v8;
	v12 =	vadd.s32 v0, v12;
	s23 =	sadd.s32 s19, s23;
	v20 =	vor.u32 v29, v5  }
0x34e: {  	v26 =	vld.idx.msk [tilespmem:v9+s10+$0x0], $0xffff;
	[tilespmem:v18+s11+$0x0] =	vst.idx.msk $0xffff, v14;
	v14 =	vor.u32 v46, v12;
	v6 =	vadd.s32 s23, v6  }
0x34f: {  	v15 =	vadd.s32 $0x6, v7;
	[tilespmem:v24+s11+$0x0] =	vst.idx.msk $0xffff, v23  }
0x350: {  	v16 =	vld.idx.msk [tilespmem:v16+s10+$0x0], $0xffff;
	[tilespmem:v21+s11+$0x0] =	vst.idx.msk $0xffff, v22  }
0x351: {  	v21 =	vor.u32 v39, v1;
	v19 =	vld.idx.msk [tilespmem:v19+s10+$0x0], $0xffff;
	[tilespmem:v11+s11+$0x0] =	vst.idx.msk $0xffff, v17  }
0x352: {  	s26 =	simm.s32 $0x0;
	v17 =	vld.idx.msk [tilespmem:v25+s10+$0x0], $0xffff;
	[tilespmem:v20+s11+$0x0] =	vst.idx.msk $0xffff, v13;
	v20 =	vor.u32 v47, v3  }
0x353: {  	[tilespmem:v14+s11+$0x0] =	vst.idx.msk $0xffff, v26;
	v14 =	vor.u32 v29, v10;
	v6 =	vld.idx.msk [tilespmem:v6+s26+$0x0], $0xffff  }
0x354: {  	v51 =	vor.u32 v49, v5;
	v18 =	vadd.s32 $0x1, v9;
	v15 =	vld.idx.msk [tilespmem:v15+s10+$0x0], $0xffff;
	_ =	sdelay $0x1  }
0x355: {  	v23 =	vadd.s32 $0x4, v4;
	[tilespmem:v21+s11+$0x0] =	vst.idx.msk $0xffff, v19  }
0x356: {  	v7 =	vadd.s32 $0x7, v7;
	[tilespmem:v20+s11+$0x0] =	vst.idx.msk $0xffff, v16  }
0x357: {  	v11 =	vadd.s32 $0x3, v2;
	[tilespmem:v14+s11+$0x0] =	vst.idx.msk $0xffff, v17;
	v6 =	vmul.u32 $0x41, v6  }
0x358: {  	v18 =	vld.idx.msk [tilespmem:v18+s10+$0x0], $0xffff;
	v16 =	vadd.s32 $0x6, v8;
	v20 =	vor.u32 v42, v12;
	[tilespmem:v51+s11+$0x0] =	vst.idx.msk $0xffff, v15  }
0x359: {  	v28 =	vld [tilespmem:$0x1FF20];
	v13 =	vadd.s32 s26, v6  }
0x35a: {  	v22 =	vld.idx.msk [tilespmem:v23+s10+$0x0], $0xffff;
	v15 =	vor.u32 v32, v3  }
0x35b: {  	v5 =	vor.u32 v36, v5;
	v23 =	vmov s26;
	v7 =	vld.idx.msk [tilespmem:v7+s10+$0x0], $0xffff  }
0x35c: {  	v53 =	vor.u32 v47, v1;
	v19 =	vshll.u32 v23, $0x9;
	v23 =	vld.idx.msk [tilespmem:v11+s10+$0x0], $0xffff  }
0x35d: {  	v11 =	vadd.s32 v0, v19;
	v16 =	vld.idx.msk [tilespmem:v16+s10+$0x0], $0xffff;
	[tilespmem:v20+s11+$0x0] =	vst.idx.msk $0xffff, v18;
	v18 =	vor.u32 v49, v10  }
0x35e: {  	v19 =	vor.u32 v28, v11;
	v17 =	vld.idx.msk [tilespmem:v13+s10+$0x0], $0xffff  }
0x35f: {  	[tilespmem:v15+s11+$0x0] =	vst.idx.msk $0xffff, v22  }
0x360: {  	v52 =	vadd.s32 $0x2, v9;
	[tilespmem:v5+s11+$0x0] =	vst.idx.msk $0xffff, v7  }
0x361: {  	v21 =	vadd.s32 $0x5, v4;
	[tilespmem:v53+s11+$0x0] =	vst.idx.msk $0xffff, v23  }
0x362: {  	v14 =	vadd.s32 $0x4, v2;
	[tilespmem:v18+s11+$0x0] =	vst.idx.msk $0xffff, v16  }
0x363: {  	v8 =	vadd.s32 $0x7, v8;
	[tilespmem:v19+s11+$0x0] =	vst.idx.msk $0xffff, v17  }
0x364: {  	v20 =	vadd.s32 $0x1, v13;
	v30 =	vld [tilespmem:$0x1FDD0]  }
0x365: {  	v15 =	vld.idx.msk [tilespmem:v52+s10+$0x0], $0xffff;
	v22 =	vor.u32 v39, v12  }
0x366: {  	v33 =	vor.u32 v29, v3;
	v21 =	vld.idx.msk [tilespmem:v21+s10+$0x0], $0xffff  }
0x367: {  	v34 =	vor.u32 v32, v1;
	v14 =	vld.idx.msk [tilespmem:v14+s10+$0x0], $0xffff  }
0x368: {  	s28 =	simm.s32 $0x8;
	v10 =	vor.u32 v36, v10;
	v8 =	vld.idx.msk [tilespmem:v8+s10+$0x0], $0xffff  }
0x369: {  	v7 =	vadd.s32 s28, v6;
	v16 =	vld.idx.msk [tilespmem:v20+s10+$0x0], $0xffff;
	v17 =	vor.u32 v30, v11  }
0x36a: {  	[tilespmem:v22+s11+$0x0] =	vst.idx.msk $0xffff, v15  }
0x36b: {  	v55 =	vadd.s32 $0x3, v9;
	[tilespmem:v33+s11+$0x0] =	vst.idx.msk $0xffff, v21  }
0x36c: {  	v23 =	vadd.s32 $0x6, v4;
	[tilespmem:v34+s11+$0x0] =	vst.idx.msk $0xffff, v14  }
0x36d: {  	v5 =	vmov s28;
	v19 =	vadd.s32 $0x5, v2;
	[tilespmem:v10+s11+$0x0] =	vst.idx.msk $0xffff, v8  }
0x36e: {  	v5 =	vshll.u32 v5, $0x9;
	v18 =	vadd.s32 $0x2, v13;
	v15 =	vld.idx.msk [tilespmem:v7+s10+$0x0], $0xffff;
	[tilespmem:v17+s11+$0x0] =	vst.idx.msk $0xffff, v16  }
0x36f: {  	v5 =	vadd.s32 v0, v5;
	v31 =	vld [tilespmem:$0x1FDE0]  }
0x370: {  	v20 =	vor.u32 v28, v5;
	v22 =	vld.idx.msk [tilespmem:v55+s10+$0x0], $0xffff  }
0x371: {  	v21 =	vor.u32 v47, v12;
	v23 =	vld.idx.msk [tilespmem:v23+s10+$0x0], $0xffff  }
0x372: {  	v27 =	vor.u32 v49, v3;
	v17 =	vld.idx.msk [tilespmem:v19+s10+$0x0], $0xffff  }
0x373: {  	v14 =	vld.idx.msk [tilespmem:v18+s10+$0x0], $0xffff;
	v18 =	vor.u32 v29, v1  }
0x374: {  	v16 =	vor.u32 v31, v11  }
0x375: {  	[tilespmem:v20+s11+$0x0] =	vst.idx.msk $0xffff, v15  }
0x376: {  	v39 =	vadd.s32 $0x1, v7;
	[tilespmem:v21+s11+$0x0] =	vst.idx.msk $0xffff, v22  }
0x377: {  	v40 =	vadd.s32 $0x4, v9;
	[tilespmem:v27+s11+$0x0] =	vst.idx.msk $0xffff, v23  }
0x378: {  	s29 =	simm.s32 $0x10;
	v4 =	vadd.s32 $0x7, v4;
	[tilespmem:v18+s11+$0x0] =	vst.idx.msk $0xffff, v17  }
0x379: {  	v8 =	vadd.s32 s29, v6;
	[tilespmem:v16+s11+$0x0] =	vst.idx.msk $0xffff, v14  }
0x37a: {  	v15 =	vadd.s32 $0x3, v13;
	v51 =	vld [tilespmem:$0x1FDF0]  }
0x37b: {  	v10 =	vmov s29;
	v20 =	vor.u32 v30, v5;
	v19 =	vld.idx.msk [tilespmem:v39+s10+$0x0], $0xffff  }
0x37c: {  	v10 =	vshll.u32 v10, $0x9;
	v22 =	vor.u32 v32, v12;
	v21 =	vld.idx.msk [tilespmem:v40+s10+$0x0], $0xffff  }
0x37d: {  	v3 =	vor.u32 v36, v3;
	v10 =	vadd.s32 v0, v10;
	v42 =	vld.idx.msk [tilespmem:v4+s10+$0x0], $0xffff  }
0x37e: {  	v47 =	vld.idx.msk [tilespmem:v8+s10+$0x0], $0xffff;
	v14 =	vor.u32 v28, v10  }
0x37f: {  	v23 =	vadd.s32 $0x2, v7;
	v15 =	vld.idx.msk [tilespmem:v15+s10+$0x0], $0xffff;
	v17 =	vor.u32 v51, v11  }
0x380: {  	[tilespmem:v20+s11+$0x0] =	vst.idx.msk $0xffff, v19  }
0x381: {  	v41 =	vadd.s32 $0x5, v9;
	[tilespmem:v22+s11+$0x0] =	vst.idx.msk $0xffff, v21  }
0x382: {  	v44 =	vadd.s32 $0x6, v2;
	[tilespmem:v3+s11+$0x0] =	vst.idx.msk $0xffff, v42  }
0x383: {  	s30 =	simm.s32 $0x18;
	v16 =	vadd.s32 $0x1, v8;
	[tilespmem:v14+s11+$0x0] =	vst.idx.msk $0xffff, v47  }
0x384: {  	v4 =	vadd.s32 s30, v6;
	v20 =	vor.u32 v31, v5;
	v19 =	vld.idx.msk [tilespmem:v23+s10+$0x0], $0xffff;
	[tilespmem:v17+s11+$0x0] =	vst.idx.msk $0xffff, v15  }
0x385: {  	v18 =	vadd.s32 $0x4, v13;
	v50 =	vld [tilespmem:$0x1FE00]  }
0x386: {  	v22 =	vor.u32 v29, v12;
	v3 =	vmov s30;
	v21 =	vld.idx.msk [tilespmem:v41+s10+$0x0], $0xffff  }
0x387: {  	v53 =	vor.u32 v49, v1;
	v52 =	vld.idx.msk [tilespmem:v44+s10+$0x0], $0xffff;
	v3 =	vshll.u32 v3, $0x9  }
0x388: {  	v3 =	vadd.s32 v0, v3;
	v14 =	vld.idx.msk [tilespmem:v16+s10+$0x0], $0xffff;
	v15 =	vor.u32 v30, v10  }
0x389: {  	[tilespmem:v20+s11+$0x0] =	vst.idx.msk $0xffff, v19;
	v19 =	vld.idx.msk [tilespmem:v4+s10+$0x0], $0xffff;
	v20 =	vor.u32 v28, v3  }
0x38a: {  	v23 =	vadd.s32 $0x3, v7;
	v16 =	vld.idx.msk [tilespmem:v18+s10+$0x0], $0xffff;
	v18 =	vor.u32 v50, v11  }
0x38b: {  	[tilespmem:v22+s11+$0x0] =	vst.idx.msk $0xffff, v21  }
0x38c: {  	v55 =	vadd.s32 $0x6, v9;
	[tilespmem:v53+s11+$0x0] =	vst.idx.msk $0xffff, v52  }
0x38d: {  	v2 =	vadd.s32 $0x7, v2;
	[tilespmem:v15+s11+$0x0] =	vst.idx.msk $0xffff, v14  }
0x38e: {  	v17 =	vadd.s32 $0x2, v8;
	[tilespmem:v20+s11+$0x0] =	vst.idx.msk $0xffff, v19  }
0x38f: {  	v22 =	vadd.s32 $0x1, v4;
	v21 =	vld.idx.msk [tilespmem:v23+s10+$0x0], $0xffff;
	v23 =	vor.u32 v51, v5;
	[tilespmem:v18+s11+$0x0] =	vst.idx.msk $0xffff, v16  }
0x390: {  	v32 =	vadd.s32 $0x5, v13;
	v47 =	vld [tilespmem:$0x1FE10]  }
0x391: {  	v34 =	vor.u32 v49, v12;
	v33 =	vld.idx.msk [tilespmem:v55+s10+$0x0], $0xffff  }
0x392: {  	v1 =	vor.u32 v36, v1;
	v14 =	vld.idx.msk [tilespmem:v2+s10+$0x0], $0xffff  }
0x393: {  	v39 =	vadd.s32 $0x4, v7;
	v15 =	vld.idx.msk [tilespmem:v17+s10+$0x0], $0xffff;
	v16 =	vor.u32 v31, v10  }
0x394: {  	s31 =	simm.s32 $0x20;
	v9 =	vadd.s32 $0x7, v9;
	v22 =	vld.idx.msk [tilespmem:v22+s10+$0x0], $0xffff;
	[tilespmem:v23+s11+$0x0] =	vst.idx.msk $0xffff, v21;
	v23 =	vor.u32 v30, v3  }
0x395: {  	v2 =	vadd.s32 s31, v6;
	v17 =	vld.idx.msk [tilespmem:v32+s10+$0x0], $0xffff;
	v19 =	vor.u32 v47, v11  }
0x396: {  	[tilespmem:v34+s11+$0x0] =	vst.idx.msk $0xffff, v33  }
0x397: {  	v18 =	vadd.s32 $0x3, v8;
	[tilespmem:v1+s11+$0x0] =	vst.idx.msk $0xffff, v14  }
0x398: {  	v41 =	vadd.s32 $0x2, v4;
	v40 =	vld.idx.msk [tilespmem:v39+s10+$0x0], $0xffff;
	[tilespmem:v16+s11+$0x0] =	vst.idx.msk $0xffff, v15  }
0x399: {  	v42 =	vor.u32 v50, v5;
	v21 =	vadd.s32 $0x6, v13;
	v9 =	vld.idx.msk [tilespmem:v9+s10+$0x0], $0xffff;
	[tilespmem:v23+s11+$0x0] =	vst.idx.msk $0xffff, v22  }
0x39a: {  	v49 =	vadd.s32 $0x5, v7;
	v44 =	vor.u32 v36, v12;
	v16 =	vld.idx.msk [tilespmem:v2+s10+$0x0], $0xffff;
	[tilespmem:v19+s11+$0x0] =	vst.idx.msk $0xffff, v17  }
0x39b: {  	v1 =	vmov s31;
	v52 =	vld [tilespmem:$0x1FE20]  }
0x39c: {  	v1 =	vshll.u32 v1, $0x9;
	v15 =	vld.idx.msk [tilespmem:v18+s10+$0x0], $0xffff  }
0x39d: {  	v36 =	vmov v28;
	v1 =	vadd.s32 v0, v1;
	v12 =	vld.idx.msk [tilespmem:v41+s10+$0x0], $0xffff  }
0x39e: {  	v20 =	vor.u32 v36, v1;
	v23 =	vadd.s32 $0x1, v2;
	v14 =	vld.idx.msk [tilespmem:v21+s10+$0x0], $0xffff;
	[tilespmem:v42+s11+$0x0] =	vst.idx.msk $0xffff, v40  }
0x39f: {  	s22 =	simm.s32 $0x28;
	v22 =	vadd.s32 $0x4, v8;
	v19 =	vor.u32 v51, v10;
	v17 =	vadd.s32 $0x7, v13;
	[tilespmem:v44+s11+$0x0] =	vst.idx.msk $0xffff, v9;
	v13 =	vld.idx.msk [tilespmem:v49+s10+$0x0], $0xffff  }
0x3a0: {  	s23 =	simm.s32 $0x30;
	v18 =	vor.u32 v31, v3;
	v9 =	vadd.s32 s22, v6;
	v49 =	vmovc v30;
	v55 =	vld [tilespmem:$0x1FE30];
	v21 =	vor.u32 v52, v11  }
.LBB2_12:
0x3a1: {  	_ =	sdelay $0x1  }
0x3a2: {  	[tilespmem:v20+s11+$0x0] =	vst.idx.msk $0xffff, v16;
	v24 =	vadd.s32 $0x3, v4;
	v25 =	vor.u32 v47, v5  }
0x3a3: {  	v27 =	vadd.s32 $0x6, v7;
	v26 =	vld.idx.msk [tilespmem:v23+s10+$0x0], $0xffff;
	[tilespmem:v19+s11+$0x0] =	vst.idx.msk $0xffff, v15  }
0x3a4: {  	v29 =	vld.idx.msk [tilespmem:v22+s10+$0x0], $0xffff;
	[tilespmem:v21+s11+$0x0] =	vst.idx.msk $0xffff, v14  }
0x3a5: {  	v33 =	vld.idx.msk [tilespmem:v17+s10+$0x0], $0xffff  }
0x3a6: {  	v15 =	vmov s22;
	v16 =	vld.idx.msk [tilespmem:v9+s10+$0x0], $0xffff;
	[tilespmem:v18+s11+$0x0] =	vst.idx.msk $0xffff, v12  }
0x3a7: {  	v28 =	vor.u32 v49, v1;
	v14 =	vshll.u32 v15, $0x9;
	v15 =	vld.idx.msk [tilespmem:v24+s10+$0x0], $0xffff;
	[tilespmem:v25+s11+$0x0] =	vst.idx.msk $0xffff, v13  }
0x3a8: {  	v31 =	vadd.s32 $0x2, v2;
	v32 =	vor.u32 v50, v10;
	v17 =	vadd.s32 v0, v14;
	v14 =	vld.idx.msk [tilespmem:v27+s10+$0x0], $0xffff  }
0x3a9: {  	p1 =	sne.s32 s23, $0x38;
	v30 =	vadd.s32 $0x5, v8;
	v34 =	vor.u32 v55, v11;
	v27 =	vld [tilespmem:$0x1FDE0]  }
.Ltmp4:
0x3aa: {  	v11 =	vmov v5;
	v5 =	vmov v10;
	(pc) =	sbr.rel @p1 .LBB2_12-.Ltmp4, $4  }
0x3ab: {  	v10 =	vmovc v3;
	v23 =	vadd.s32 $0x1, v9;
	v19 =	vor.u32 v51, v3;
	v3 =	vmovc v1;
	v22 =	vadd.s32 $0x4, v4  }
0x3ac: {  	v21 =	vor.u32 v52, v11;
	v20 =	vor.u32 v36, v17;
	v1 =	vmov v17;
	[tilespmem:v28+s11+$0x0] =	vst.idx.msk $0xffff, v26  }
0x3ad: {  	s22 =	smov.u32 s23;
	v17 =	vadd.s32 $0x7, v7;
	v7 =	vmovc v8;
	v8 =	vmov v4;
	v4 =	vmov v2;
	v12 =	vld.idx.msk [tilespmem:v31+s10+$0x0], $0xffff;
	[tilespmem:v32+s11+$0x0] =	vst.idx.msk $0xffff, v29  }
0x3ae: {  	s23 =	sadd.s32 $0x8, s23;
	v2 =	vmov v9;
	v9 =	vadd.s32 s22, v6;
	v13 =	vld.idx.msk [tilespmem:v30+s10+$0x0], $0xffff;
	[tilespmem:v34+s11+$0x0] =	vst.idx.msk $0xffff, v33;
	v18 =	vor.u32 v27, v3  }
0x3af: {  	_ =	sdelay $0x1  }
0x3b0: {  	v6 =	vld [tilespmem:$0x1FCA0]  }
0x3b1: {  	s23 =	sor.u32 $0x5, s21  }
0x3b2: {  	[tilespmem:v20+s11+$0x0] =	vst.idx.msk $0xffff, v16;
	v16 =	vadd.s32 $0x3, v4;
	v20 =	vor.u32 v47, v5;
	s23 =	smul.u32 $0x320, s23  }
0x3b3: {  	[tilespmem:v19+s11+$0x0] =	vst.idx.msk $0xffff, v15;
	v15 =	vadd.s32 $0x6, v7;
	v19 =	vmov s22;
	v24 =	vor.u32 v49, v1;
	v23 =	vld.idx.msk [tilespmem:v23+s10+$0x0], $0xffff  }
0x3b4: {  	[tilespmem:v21+s11+$0x0] =	vst.idx.msk $0xffff, v14;
	v26 =	vld.idx.msk [tilespmem:v9+s10+$0x0], $0xffff;
	v14 =	vshll.u32 v19, $0x9;
	v19 =	vadd.s32 $0x2, v2;
	s23 =	sadd.s32 s19, s23  }
0x3b5: {  	v21 =	vor.u32 v50, v10;
	v22 =	vld.idx.msk [tilespmem:v22+s10+$0x0], $0xffff;
	v14 =	vadd.s32 v0, v14;
	v6 =	vadd.s32 s23, v6  }
0x3b6: {  	v25 =	vadd.s32 $0x5, v8;
	v17 =	vld.idx.msk [tilespmem:v17+s10+$0x0], $0xffff;
	[tilespmem:v18+s11+$0x0] =	vst.idx.msk $0xffff, v12;
	v12 =	vor.u32 v36, v14  }
0x3b7: {  	v11 =	vor.u32 v55, v11;
	v16 =	vld.idx.msk [tilespmem:v16+s10+$0x0], $0xffff;
	[tilespmem:v20+s11+$0x0] =	vst.idx.msk $0xffff, v13  }
0x3b8: {  	v18 =	vor.u32 v51, v3;
	v15 =	vld.idx.msk [tilespmem:v15+s10+$0x0], $0xffff;
	[tilespmem:v24+s11+$0x0] =	vst.idx.msk $0xffff, v23  }
0x3b9: {  	s26 =	simm.s32 $0x0;
	v23 =	vor.u32 v52, v5;
	v19 =	vld.idx.msk [tilespmem:v19+s10+$0x0], $0xffff  }
0x3ba: {  	[tilespmem:v21+s11+$0x0] =	vst.idx.msk $0xffff, v22;
	v21 =	vor.u32 v27, v1;
	v6 =	vld.idx.msk [tilespmem:v6+s26+$0x0], $0xffff  }
0x3bb: {  	v13 =	vadd.s32 $0x1, v9;
	v22 =	vld.idx.msk [tilespmem:v25+s10+$0x0], $0xffff;
	[tilespmem:v12+s11+$0x0] =	vst.idx.msk $0xffff, v26;
	v12 =	vor.u32 v47, v10  }
0x3bc: {  	[tilespmem:v11+s11+$0x0] =	vst.idx.msk $0xffff, v17  }
0x3bd: {  	[tilespmem:v18+s11+$0x0] =	vst.idx.msk $0xffff, v16  }
0x3be: {  	v20 =	vadd.s32 $0x4, v4;
	[tilespmem:v23+s11+$0x0] =	vst.idx.msk $0xffff, v15  }
0x3bf: {  	v17 =	vadd.s32 $0x3, v2;
	[tilespmem:v21+s11+$0x0] =	vst.idx.msk $0xffff, v19;
	v6 =	vmul.u32 $0x41, v6  }
0x3c0: {  	v29 =	vld.idx.msk [tilespmem:v13+s10+$0x0], $0xffff;
	v16 =	vadd.s32 $0x6, v8;
	v18 =	vor.u32 v49, v14;
	[tilespmem:v12+s11+$0x0] =	vst.idx.msk $0xffff, v22  }
0x3c1: {  	v49 =	vld [tilespmem:$0x1FF30];
	v11 =	vadd.s32 s26, v6  }
0x3c2: {  	v7 =	vadd.s32 $0x7, v7;
	v13 =	vmov s26  }
0x3c3: {  	v20 =	vld.idx.msk [tilespmem:v20+s10+$0x0], $0xffff;
	v15 =	vor.u32 v50, v3;
	v23 =	vadd.s32 $0x2, v9;
	v13 =	vshll.u32 v13, $0x9  }
0x3c4: {  	v19 =	vadd.s32 $0x5, v4;
	v21 =	vor.u32 v51, v1;
	v13 =	vadd.s32 v0, v13;
	v17 =	vld.idx.msk [tilespmem:v17+s10+$0x0], $0xffff  }
0x3c5: {  	v12 =	vadd.s32 $0x4, v2;
	v16 =	vld.idx.msk [tilespmem:v16+s10+$0x0], $0xffff;
	[tilespmem:v18+s11+$0x0] =	vst.idx.msk $0xffff, v29;
	v18 =	vor.u32 v52, v10  }
0x3c6: {  	v8 =	vadd.s32 $0x7, v8;
	v30 =	vor.u32 v49, v13;
	v22 =	vld.idx.msk [tilespmem:v11+s10+$0x0], $0xffff  }
0x3c7: {  	v5 =	vor.u32 v55, v5;
	v7 =	vld.idx.msk [tilespmem:v7+s10+$0x0], $0xffff;
	v31 =	vadd.s32 $0x1, v11  }
0x3c8: {  	[tilespmem:v15+s11+$0x0] =	vst.idx.msk $0xffff, v20;
	v15 =	vld.idx.msk [tilespmem:v23+s10+$0x0], $0xffff;
	v20 =	vor.u32 v27, v14  }
0x3c9: {  	v32 =	vor.u32 v47, v3;
	v19 =	vld.idx.msk [tilespmem:v19+s10+$0x0], $0xffff;
	[tilespmem:v21+s11+$0x0] =	vst.idx.msk $0xffff, v17  }
0x3ca: {  	v21 =	vor.u32 v50, v1;
	v12 =	vld.idx.msk [tilespmem:v12+s10+$0x0], $0xffff;
	[tilespmem:v18+s11+$0x0] =	vst.idx.msk $0xffff, v16  }
0x3cb: {  	v10 =	vor.u32 v55, v10;
	v8 =	vld.idx.msk [tilespmem:v8+s10+$0x0], $0xffff;
	[tilespmem:v30+s11+$0x0] =	vst.idx.msk $0xffff, v22  }
0x3cc: {  	[tilespmem:v5+s11+$0x0] =	vst.idx.msk $0xffff, v7;
	v18 =	vor.u32 v54, v13;
	v16 =	vld.idx.msk [tilespmem:v31+s10+$0x0], $0xffff  }
0x3cd: {  	s28 =	simm.s32 $0x8;
	[tilespmem:v20+s11+$0x0] =	vst.idx.msk $0xffff, v15  }
0x3ce: {  	v7 =	vadd.s32 s28, v6;
	[tilespmem:v32+s11+$0x0] =	vst.idx.msk $0xffff, v19  }
0x3cf: {  	v23 =	vadd.s32 $0x3, v9;
	[tilespmem:v21+s11+$0x0] =	vst.idx.msk $0xffff, v12  }
0x3d0: {  	v5 =	vmov s28;
	v17 =	vadd.s32 $0x6, v4;
	[tilespmem:v10+s11+$0x0] =	vst.idx.msk $0xffff, v8  }
0x3d1: {  	v33 =	vadd.s32 $0x5, v2;
	v5 =	vshll.u32 v5, $0x9;
	[tilespmem:v18+s11+$0x0] =	vst.idx.msk $0xffff, v16  }
0x3d2: {  	v5 =	vadd.s32 v0, v5;
	v19 =	vor.u32 v51, v14;
	v22 =	vadd.s32 $0x2, v11;
	v51 =	vld [tilespmem:$0x1FE40]  }
0x3d3: {  	v20 =	vor.u32 v49, v5;
	v15 =	vld.idx.msk [tilespmem:v7+s10+$0x0], $0xffff  }
0x3d4: {  	v23 =	vld.idx.msk [tilespmem:v23+s10+$0x0], $0xffff  }
0x3d5: {  	v39 =	vor.u32 v52, v3;
	v17 =	vld.idx.msk [tilespmem:v17+s10+$0x0], $0xffff  }
0x3d6: {  	v21 =	vor.u32 v47, v1;
	v18 =	vld.idx.msk [tilespmem:v33+s10+$0x0], $0xffff  }
0x3d7: {  	v10 =	vld.idx.msk [tilespmem:v22+s10+$0x0], $0xffff;
	v16 =	vor.u32 v51, v13  }
0x3d8: {  	[tilespmem:v20+s11+$0x0] =	vst.idx.msk $0xffff, v15  }
0x3d9: {  	v34 =	vadd.s32 $0x1, v7;
	[tilespmem:v19+s11+$0x0] =	vst.idx.msk $0xffff, v23  }
0x3da: {  	v36 =	vadd.s32 $0x4, v9;
	[tilespmem:v39+s11+$0x0] =	vst.idx.msk $0xffff, v17  }
0x3db: {  	s29 =	simm.s32 $0x10;
	v4 =	vadd.s32 $0x7, v4;
	[tilespmem:v21+s11+$0x0] =	vst.idx.msk $0xffff, v18  }
0x3dc: {  	v8 =	vadd.s32 s29, v6;
	[tilespmem:v16+s11+$0x0] =	vst.idx.msk $0xffff, v10  }
0x3dd: {  	v15 =	vadd.s32 $0x3, v11;
	v53 =	vld [tilespmem:$0x1FE50]  }
0x3de: {  	v12 =	vmov s29;
	v20 =	vor.u32 v54, v5;
	v19 =	vld.idx.msk [tilespmem:v34+s10+$0x0], $0xffff  }
0x3df: {  	v12 =	vshll.u32 v12, $0x9;
	v17 =	vor.u32 v50, v14;
	v22 =	vld.idx.msk [tilespmem:v36+s10+$0x0], $0xffff  }
0x3e0: {  	v3 =	vor.u32 v55, v3;
	v12 =	vadd.s32 v0, v12;
	v41 =	vld.idx.msk [tilespmem:v4+s10+$0x0], $0xffff  }
0x3e1: {  	v44 =	vld.idx.msk [tilespmem:v8+s10+$0x0], $0xffff;
	v10 =	vor.u32 v49, v12  }
0x3e2: {  	v23 =	vadd.s32 $0x2, v7;
	v15 =	vld.idx.msk [tilespmem:v15+s10+$0x0], $0xffff;
	v18 =	vor.u32 v53, v13  }
0x3e3: {  	[tilespmem:v20+s11+$0x0] =	vst.idx.msk $0xffff, v19  }
0x3e4: {  	v40 =	vadd.s32 $0x5, v9;
	[tilespmem:v17+s11+$0x0] =	vst.idx.msk $0xffff, v22  }
0x3e5: {  	v42 =	vadd.s32 $0x6, v2;
	[tilespmem:v3+s11+$0x0] =	vst.idx.msk $0xffff, v41  }
0x3e6: {  	s30 =	simm.s32 $0x18;
	v16 =	vadd.s32 $0x1, v8;
	[tilespmem:v10+s11+$0x0] =	vst.idx.msk $0xffff, v44  }
0x3e7: {  	v4 =	vadd.s32 s30, v6;
	v20 =	vor.u32 v51, v5;
	v17 =	vld.idx.msk [tilespmem:v23+s10+$0x0], $0xffff;
	[tilespmem:v18+s11+$0x0] =	vst.idx.msk $0xffff, v15  }
0x3e8: {  	v19 =	vadd.s32 $0x4, v11;
	v50 =	vld [tilespmem:$0x1FE60]  }
0x3e9: {  	v22 =	vor.u32 v47, v14;
	v3 =	vmov s30;
	v21 =	vld.idx.msk [tilespmem:v40+s10+$0x0], $0xffff  }
0x3ea: {  	v30 =	vor.u32 v52, v1;
	v47 =	vld.idx.msk [tilespmem:v42+s10+$0x0], $0xffff;
	v3 =	vshll.u32 v3, $0x9  }
0x3eb: {  	v3 =	vadd.s32 v0, v3;
	v10 =	vld.idx.msk [tilespmem:v16+s10+$0x0], $0xffff;
	v15 =	vor.u32 v54, v12  }
0x3ec: {  	[tilespmem:v20+s11+$0x0] =	vst.idx.msk $0xffff, v17;
	v17 =	vld.idx.msk [tilespmem:v4+s10+$0x0], $0xffff;
	v20 =	vor.u32 v49, v3  }
0x3ed: {  	v23 =	vadd.s32 $0x3, v7;
	v16 =	vld.idx.msk [tilespmem:v19+s10+$0x0], $0xffff;
	v19 =	vor.u32 v50, v13  }
0x3ee: {  	[tilespmem:v22+s11+$0x0] =	vst.idx.msk $0xffff, v21  }
0x3ef: {  	v31 =	vadd.s32 $0x6, v9;
	[tilespmem:v30+s11+$0x0] =	vst.idx.msk $0xffff, v47  }
0x3f0: {  	v2 =	vadd.s32 $0x7, v2;
	[tilespmem:v15+s11+$0x0] =	vst.idx.msk $0xffff, v10  }
0x3f1: {  	v18 =	vadd.s32 $0x2, v8;
	[tilespmem:v20+s11+$0x0] =	vst.idx.msk $0xffff, v17  }
0x3f2: {  	v22 =	vadd.s32 $0x1, v4;
	v21 =	vld.idx.msk [tilespmem:v23+s10+$0x0], $0xffff;
	v23 =	vor.u32 v53, v5;
	[tilespmem:v19+s11+$0x0] =	vst.idx.msk $0xffff, v16  }
0x3f3: {  	v32 =	vadd.s32 $0x5, v11;
	v34 =	vor.u32 v52, v14;
	v52 =	vld [tilespmem:$0x1FF50]  }
0x3f4: {  	v33 =	vld.idx.msk [tilespmem:v31+s10+$0x0], $0xffff  }
0x3f5: {  	v1 =	vor.u32 v55, v1;
	v10 =	vld.idx.msk [tilespmem:v2+s10+$0x0], $0xffff  }
0x3f6: {  	v15 =	vld.idx.msk [tilespmem:v18+s10+$0x0], $0xffff;
	v16 =	vor.u32 v51, v12  }
0x3f7: {  	v22 =	vld.idx.msk [tilespmem:v22+s10+$0x0], $0xffff;
	[tilespmem:v23+s11+$0x0] =	vst.idx.msk $0xffff, v21;
	v23 =	vor.u32 v54, v3  }
0x3f8: {  	v36 =	vadd.s32 $0x4, v7;
	v18 =	vld.idx.msk [tilespmem:v32+s10+$0x0], $0xffff;
	v19 =	vor.u32 v52, v13  }
0x3f9: {  	[tilespmem:v34+s11+$0x0] =	vst.idx.msk $0xffff, v33  }
0x3fa: {  	s31 =	simm.s32 $0x20;
	v9 =	vadd.s32 $0x7, v9;
	[tilespmem:v1+s11+$0x0] =	vst.idx.msk $0xffff, v10  }
0x3fb: {  	v2 =	vadd.s32 s31, v6;
	[tilespmem:v16+s11+$0x0] =	vst.idx.msk $0xffff, v15  }
0x3fc: {  	v17 =	vadd.s32 $0x3, v8;
	[tilespmem:v23+s11+$0x0] =	vst.idx.msk $0xffff, v22  }
0x3fd: {  	v40 =	vadd.s32 $0x2, v4;
	v39 =	vld.idx.msk [tilespmem:v36+s10+$0x0], $0xffff;
	[tilespmem:v19+s11+$0x0] =	vst.idx.msk $0xffff, v18  }
0x3fe: {  	v41 =	vor.u32 v50, v5;
	v21 =	vadd.s32 $0x6, v11;
	v1 =	vmov s31;
	v47 =	vld [tilespmem:$0x1FF60]  }
0x3ff: {  	v28 =	vor.u32 v55, v14;
	v29 =	vadd.s32 $0x5, v7;
	v42 =	vld.idx.msk [tilespmem:v9+s10+$0x0], $0xffff;
	v1 =	vshll.u32 v1, $0x9  }
0x400: {  	v1 =	vadd.s32 v0, v1;
	v15 =	vld.idx.msk [tilespmem:v2+s10+$0x0], $0xffff  }
0x401: {  	v20 =	vor.u32 v49, v1;
	v14 =	vld.idx.msk [tilespmem:v17+s10+$0x0], $0xffff  }
0x402: {  	v23 =	vadd.s32 $0x1, v2;
	v9 =	vld.idx.msk [tilespmem:v40+s10+$0x0], $0xffff;
	v19 =	vor.u32 v53, v12  }
0x403: {  	v22 =	vadd.s32 $0x4, v8;
	v10 =	vld.idx.msk [tilespmem:v21+s10+$0x0], $0xffff;
	[tilespmem:v41+s11+$0x0] =	vst.idx.msk $0xffff, v39;
	v21 =	vor.u32 v47, v13  }
0x404: {  	s22 =	simm.s32 $0x28;
	v17 =	vadd.s32 $0x7, v11;
	[tilespmem:v28+s11+$0x0] =	vst.idx.msk $0xffff, v42;
	v16 =	vld.idx.msk [tilespmem:v29+s10+$0x0], $0xffff  }
0x405: {  	s23 =	simm.s32 $0x30;
	v11 =	vadd.s32 s22, v6;
	v18 =	vor.u32 v51, v3;
	v55 =	vld [tilespmem:$0x1FF70]  }
.LBB2_14:
0x406: {  	p1 =	sne.s32 s23, $0x38;
	[tilespmem:v20+s11+$0x0] =	vst.idx.msk $0xffff, v15;
	v24 =	vadd.s32 $0x3, v4;
	v25 =	vor.u32 v52, v5  }
0x407: {  	v27 =	vadd.s32 $0x6, v7;
	v26 =	vld.idx.msk [tilespmem:v23+s10+$0x0], $0xffff;
	[tilespmem:v19+s11+$0x0] =	vst.idx.msk $0xffff, v14  }
0x408: {  	v28 =	vor.u32 v54, v1;
	v30 =	vadd.s32 $0x5, v8;
	v14 =	vmov s22;
	s22 =	smov.u32 s23;
	v29 =	vld.idx.msk [tilespmem:v22+s10+$0x0], $0xffff;
	[tilespmem:v21+s11+$0x0] =	vst.idx.msk $0xffff, v10  }
0x409: {  	v31 =	vadd.s32 $0x2, v2;
	v32 =	vor.u32 v50, v12;
	v10 =	vshll.u32 v14, $0x9;
	v33 =	vld.idx.msk [tilespmem:v17+s10+$0x0], $0xffff  }
0x40a: {  	v34 =	vor.u32 v55, v13;
	v17 =	vadd.s32 v0, v10;
	v15 =	vld.idx.msk [tilespmem:v11+s10+$0x0], $0xffff;
	[tilespmem:v18+s11+$0x0] =	vst.idx.msk $0xffff, v9  }
.Ltmp5:
0x40b: {  	v13 =	vmov v5;
	v5 =	vmov v12;
	v20 =	vor.u32 v49, v17;
	v14 =	vld.idx.msk [tilespmem:v24+s10+$0x0], $0xffff;
	[tilespmem:v25+s11+$0x0] =	vst.idx.msk $0xffff, v16;
	(pc) =	sbr.rel @p1 .LBB2_14-.Ltmp5, $4  }
0x40c: {  	v12 =	vmovc v3;
	v23 =	vadd.s32 $0x1, v11;
	v19 =	vor.u32 v53, v3;
	v3 =	vmovc v1;
	v1 =	vmov v17;
	v10 =	vld.idx.msk [tilespmem:v27+s10+$0x0], $0xffff  }
0x40d: {  	v22 =	vadd.s32 $0x4, v4;
	v21 =	vor.u32 v47, v13;
	[tilespmem:v28+s11+$0x0] =	vst.idx.msk $0xffff, v26  }
0x40e: {  	v17 =	vadd.s32 $0x7, v7;
	v7 =	vmovc v8;
	v8 =	vmov v4;
	v4 =	vmov v2;
	v9 =	vld.idx.msk [tilespmem:v31+s10+$0x0], $0xffff;
	[tilespmem:v32+s11+$0x0] =	vst.idx.msk $0xffff, v29  }
0x40f: {  	s23 =	sadd.s32 $0x8, s23;
	v18 =	vor.u32 v51, v3;
	v2 =	vmov v11;
	v11 =	vadd.s32 s22, v6;
	v16 =	vld.idx.msk [tilespmem:v30+s10+$0x0], $0xffff;
	[tilespmem:v34+s11+$0x0] =	vst.idx.msk $0xffff, v33  }
0x410: {  	_ =	sdelay $0x1  }
0x411: {  	v6 =	vld [tilespmem:$0x1FCA0]  }
0x412: {  	s23 =	sor.u32 $0x6, s21  }
0x413: {  	[tilespmem:v20+s11+$0x0] =	vst.idx.msk $0xffff, v15;
	v15 =	vadd.s32 $0x3, v4;
	v20 =	vor.u32 v52, v5;
	v26 =	vld.idx.msk [tilespmem:v11+s10+$0x0], $0xffff;
	s23 =	smul.u32 $0x320, s23  }
0x414: {  	[tilespmem:v19+s11+$0x0] =	vst.idx.msk $0xffff, v14;
	v19 =	vadd.s32 $0x6, v7;
	v24 =	vor.u32 v54, v1;
	v23 =	vld.idx.msk [tilespmem:v23+s10+$0x0], $0xffff  }
0x415: {  	v14 =	vmov s22;
	v22 =	vld.idx.msk [tilespmem:v22+s10+$0x0], $0xffff;
	[tilespmem:v21+s11+$0x0] =	vst.idx.msk $0xffff, v10;
	v21 =	vadd.s32 $0x2, v2;
	s23 =	sadd.s32 s19, s23  }
0x416: {  	v25 =	vor.u32 v50, v12;
	v10 =	vshll.u32 v14, $0x9;
	v17 =	vld.idx.msk [tilespmem:v17+s10+$0x0], $0xffff;
	v6 =	vadd.s32 s23, v6  }
0x417: {  	v14 =	vadd.s32 v0, v10;
	v10 =	vor.u32 v55, v13;
	v13 =	vadd.s32 $0x5, v8;
	[tilespmem:v18+s11+$0x0] =	vst.idx.msk $0xffff, v9  }
0x418: {  	v18 =	vor.u32 v49, v14;
	v27 =	vld.idx.msk [tilespmem:v15+s10+$0x0], $0xffff;
	[tilespmem:v20+s11+$0x0] =	vst.idx.msk $0xffff, v16  }
0x419: {  	v20 =	vor.u32 v53, v3;
	v19 =	vld.idx.msk [tilespmem:v19+s10+$0x0], $0xffff;
	[tilespmem:v24+s11+$0x0] =	vst.idx.msk $0xffff, v23  }
0x41a: {  	s26 =	simm.s32 $0x0;
	v42 =	vor.u32 v47, v5;
	v21 =	vld.idx.msk [tilespmem:v21+s10+$0x0], $0xffff  }
0x41b: {  	v16 =	vadd.s32 $0x1, v11;
	[tilespmem:v25+s11+$0x0] =	vst.idx.msk $0xffff, v22;
	v22 =	vor.u32 v51, v1;
	v6 =	vld.idx.msk [tilespmem:v6+s26+$0x0], $0xffff  }
0x41c: {  	[tilespmem:v10+s11+$0x0] =	vst.idx.msk $0xffff, v17;
	v10 =	vld.idx.msk [tilespmem:v13+s10+$0x0], $0xffff;
	v17 =	vor.u32 v52, v12  }
0x41d: {  	[tilespmem:v18+s11+$0x0] =	vst.idx.msk $0xffff, v26  }
0x41e: {  	v23 =	vadd.s32 $0x4, v4;
	[tilespmem:v20+s11+$0x0] =	vst.idx.msk $0xffff, v27  }
0x41f: {  	v7 =	vadd.s32 $0x7, v7;
	[tilespmem:v42+s11+$0x0] =	vst.idx.msk $0xffff, v19  }
0x420: {  	v18 =	vadd.s32 $0x6, v8;
	v16 =	vld.idx.msk [tilespmem:v16+s10+$0x0], $0xffff;
	v20 =	vor.u32 v54, v14;
	[tilespmem:v22+s11+$0x0] =	vst.idx.msk $0xffff, v21;
	v9 =	vmul.u32 $0x41, v6  }
0x421: {  	[tilespmem:v17+s11+$0x0] =	vst.idx.msk $0xffff, v10;
	v6 =	vadd.s32 $0x3, v2  }
0x422: {  	v28 =	vld [tilespmem:$0x1FF80];
	v15 =	vadd.s32 s26, v9  }
0x423: {  	v23 =	vld.idx.msk [tilespmem:v23+s10+$0x0], $0xffff;
	v19 =	vor.u32 v50, v3  }
0x424: {  	v5 =	vor.u32 v55, v5;
	v13 =	vmov s26;
	v7 =	vld.idx.msk [tilespmem:v7+s10+$0x0], $0xffff  }
0x425: {  	v13 =	vshll.u32 v13, $0x9;
	v18 =	vld.idx.msk [tilespmem:v18+s10+$0x0], $0xffff;
	[tilespmem:v20+s11+$0x0] =	vst.idx.msk $0xffff, v16;
	v16 =	vor.u32 v47, v12  }
0x426: {  	v13 =	vadd.s32 v0, v13;
	v22 =	vor.u32 v53, v1;
	v6 =	vld.idx.msk [tilespmem:v6+s10+$0x0], $0xffff  }
0x427: {  	v31 =	vor.u32 v28, v13;
	v49 =	vld.idx.msk [tilespmem:v15+s10+$0x0], $0xffff  }
0x428: {  	[tilespmem:v19+s11+$0x0] =	vst.idx.msk $0xffff, v23  }
0x429: {  	v44 =	vadd.s32 $0x2, v11;
	[tilespmem:v5+s11+$0x0] =	vst.idx.msk $0xffff, v7  }
0x42a: {  	v21 =	vadd.s32 $0x5, v4;
	[tilespmem:v16+s11+$0x0] =	vst.idx.msk $0xffff, v18  }
0x42b: {  	v8 =	vadd.s32 $0x7, v8;
	[tilespmem:v22+s11+$0x0] =	vst.idx.msk $0xffff, v6  }
0x42c: {  	v17 =	vadd.s32 $0x4, v2;
	[tilespmem:v31+s11+$0x0] =	vst.idx.msk $0xffff, v49  }
0x42d: {  	v20 =	vadd.s32 $0x1, v15;
	v29 =	vld [tilespmem:$0x1FF90]  }
0x42e: {  	v19 =	vld.idx.msk [tilespmem:v44+s10+$0x0], $0xffff;
	v23 =	vor.u32 v51, v14  }
0x42f: {  	v5 =	vld.idx.msk [tilespmem:v21+s10+$0x0], $0xffff;
	v21 =	vor.u32 v52, v3  }
0x430: {  	v12 =	vor.u32 v55, v12;
	v33 =	vld.idx.msk [tilespmem:v8+s10+$0x0], $0xffff  }
0x431: {  	v22 =	vor.u32 v50, v1;
	v17 =	vld.idx.msk [tilespmem:v17+s10+$0x0], $0xffff  }
0x432: {  	v16 =	vld.idx.msk [tilespmem:v20+s10+$0x0], $0xffff;
	v18 =	vor.u32 v29, v13  }
0x433: {  	s28 =	simm.s32 $0x8;
	[tilespmem:v23+s11+$0x0] =	vst.idx.msk $0xffff, v19  }
0x434: {  	v10 =	vadd.s32 s28, v9;
	[tilespmem:v21+s11+$0x0] =	vst.idx.msk $0xffff, v5  }
0x435: {  	v32 =	vmov s28;
	v7 =	vadd.s32 $0x3, v11;
	[tilespmem:v12+s11+$0x0] =	vst.idx.msk $0xffff, v33  }
0x436: {  	v6 =	vadd.s32 $0x6, v4;
	v20 =	vshll.u32 v32, $0x9;
	[tilespmem:v22+s11+$0x0] =	vst.idx.msk $0xffff, v17  }
0x437: {  	v8 =	vadd.s32 v0, v20;
	v20 =	vadd.s32 $0x5, v2;
	[tilespmem:v18+s11+$0x0] =	vst.idx.msk $0xffff, v16  }
0x438: {  	v34 =	vadd.s32 $0x2, v15;
	v30 =	vld [tilespmem:$0x1FFA0]  }
0x439: {  	v19 =	vld.idx.msk [tilespmem:v10+s10+$0x0], $0xffff;
	v23 =	vor.u32 v28, v8  }
0x43a: {  	v5 =	vor.u32 v53, v14;
	v7 =	vld.idx.msk [tilespmem:v7+s10+$0x0], $0xffff  }
0x43b: {  	v39 =	vor.u32 v47, v3;
	v6 =	vld.idx.msk [tilespmem:v6+s10+$0x0], $0xffff  }
0x43c: {  	v18 =	vld.idx.msk [tilespmem:v20+s10+$0x0], $0xffff;
	v20 =	vor.u32 v52, v1  }
0x43d: {  	v21 =	vadd.s32 $0x1, v10;
	v12 =	vld.idx.msk [tilespmem:v34+s10+$0x0], $0xffff;
	v16 =	vor.u32 v30, v13  }
0x43e: {  	[tilespmem:v23+s11+$0x0] =	vst.idx.msk $0xffff, v19  }
0x43f: {  	[tilespmem:v5+s11+$0x0] =	vst.idx.msk $0xffff, v7  }
0x440: {  	v36 =	vadd.s32 $0x4, v11;
	[tilespmem:v39+s11+$0x0] =	vst.idx.msk $0xffff, v6  }
0x441: {  	s29 =	simm.s32 $0x10;
	v17 =	vadd.s32 $0x7, v4;
	[tilespmem:v20+s11+$0x0] =	vst.idx.msk $0xffff, v18  }
0x442: {  	v4 =	vadd.s32 s29, v9;
	v5 =	vld.idx.msk [tilespmem:v21+s10+$0x0], $0xffff;
	[tilespmem:v16+s11+$0x0] =	vst.idx.msk $0xffff, v12  }
0x443: {  	v19 =	vadd.s32 $0x3, v15;
	v6 =	vor.u32 v50, v14;
	v50 =	vmovc v29;
	v21 =	vor.u32 v29, v8;
	v29 =	vld [tilespmem:$0x1FFB0]  }
0x444: {  	v7 =	vmov s29  }
0x445: {  	v22 =	vld.idx.msk [tilespmem:v36+s10+$0x0], $0xffff;
	v7 =	vshll.u32 v7, $0x9  }
0x446: {  	v41 =	vor.u32 v55, v3;
	v17 =	vld.idx.msk [tilespmem:v17+s10+$0x0], $0xffff;
	v3 =	vadd.s32 v0, v7  }
0x447: {  	v42 =	vld.idx.msk [tilespmem:v4+s10+$0x0], $0xffff;
	v7 =	vadd.s32 $0x6, v2;
	v12 =	vor.u32 v28, v3  }
0x448: {  	v23 =	vadd.s32 $0x2, v10;
	v16 =	vld.idx.msk [tilespmem:v19+s10+$0x0], $0xffff;
	v19 =	vor.u32 v29, v13  }
0x449: {  	[tilespmem:v21+s11+$0x0] =	vst.idx.msk $0xffff, v5  }
0x44a: {  	v40 =	vadd.s32 $0x5, v11;
	[tilespmem:v6+s11+$0x0] =	vst.idx.msk $0xffff, v22  }
0x44b: {  	[tilespmem:v41+s11+$0x0] =	vst.idx.msk $0xffff, v17  }
0x44c: {  	s30 =	simm.s32 $0x18;
	v18 =	vadd.s32 $0x1, v4;
	v44 =	vld.idx.msk [tilespmem:v7+s10+$0x0], $0xffff;
	[tilespmem:v12+s11+$0x0] =	vst.idx.msk $0xffff, v42  }
0x44d: {  	v6 =	vadd.s32 s30, v9;
	v21 =	vor.u32 v30, v8;
	v20 =	vld.idx.msk [tilespmem:v23+s10+$0x0], $0xffff;
	[tilespmem:v19+s11+$0x0] =	vst.idx.msk $0xffff, v16  }
0x44e: {  	v5 =	vadd.s32 $0x4, v15;
	v51 =	vld [tilespmem:$0x1FE70]  }
0x44f: {  	v7 =	vmov s30;
	v17 =	vor.u32 v52, v14;
	v22 =	vld.idx.msk [tilespmem:v40+s10+$0x0], $0xffff  }
0x450: {  	v31 =	vor.u32 v47, v1;
	v7 =	vshll.u32 v7, $0x9  }
0x451: {  	v7 =	vadd.s32 v0, v7;
	v12 =	vld.idx.msk [tilespmem:v18+s10+$0x0], $0xffff;
	v16 =	vor.u32 v50, v3  }
0x452: {  	[tilespmem:v21+s11+$0x0] =	vst.idx.msk $0xffff, v20;
	v20 =	vld.idx.msk [tilespmem:v6+s10+$0x0], $0xffff;
	v21 =	vor.u32 v28, v7  }
0x453: {  	v5 =	vld.idx.msk [tilespmem:v5+s10+$0x0], $0xffff;
	v19 =	vor.u32 v51, v13  }
0x454: {  	[tilespmem:v17+s11+$0x0] =	vst.idx.msk $0xffff, v22  }
0x455: {  	v23 =	vadd.s32 $0x3, v10;
	[tilespmem:v31+s11+$0x0] =	vst.idx.msk $0xffff, v44  }
0x456: {  	v2 =	vadd.s32 $0x7, v2;
	[tilespmem:v16+s11+$0x0] =	vst.idx.msk $0xffff, v12  }
0x457: {  	v32 =	vadd.s32 $0x6, v11;
	[tilespmem:v21+s11+$0x0] =	vst.idx.msk $0xffff, v20  }
0x458: {  	v18 =	vadd.s32 $0x2, v4;
	[tilespmem:v19+s11+$0x0] =	vst.idx.msk $0xffff, v5  }
0x459: {  	v33 =	vadd.s32 $0x5, v15;
	v53 =	vld [tilespmem:$0x1FE80]  }
0x45a: {  	v17 =	vld.idx.msk [tilespmem:v23+s10+$0x0], $0xffff;
	v23 =	vor.u32 v29, v8  }
0x45b: {  	v1 =	vor.u32 v55, v1;
	v22 =	vadd.s32 $0x1, v6;
	v2 =	vld.idx.msk [tilespmem:v2+s10+$0x0], $0xffff  }
0x45c: {  	v39 =	vadd.s32 $0x4, v10;
	v36 =	vor.u32 v47, v14;
	v34 =	vld.idx.msk [tilespmem:v32+s10+$0x0], $0xffff  }
0x45d: {  	s31 =	simm.s32 $0x20;
	v11 =	vadd.s32 $0x7, v11;
	v16 =	vor.u32 v30, v3;
	v12 =	vld.idx.msk [tilespmem:v18+s10+$0x0], $0xffff  }
0x45e: {  	v5 =	vadd.s32 s31, v9;
	v18 =	vld.idx.msk [tilespmem:v33+s10+$0x0], $0xffff;
	v20 =	vor.u32 v53, v13  }
0x45f: {  	v49 =	vadd.s32 $0x5, v10;
	v19 =	vadd.s32 $0x3, v4;
	[tilespmem:v23+s11+$0x0] =	vst.idx.msk $0xffff, v17  }
0x460: {  	v47 =	vmovc v28;
	v21 =	vld.idx.msk [tilespmem:v22+s10+$0x0], $0xffff;
	v22 =	vor.u32 v50, v7;
	v17 =	vadd.s32 $0x6, v15;
	[tilespmem:v1+s11+$0x0] =	vst.idx.msk $0xffff, v2;
	v1 =	vmov s31  }
0x461: {  	v41 =	vadd.s32 $0x2, v6;
	v42 =	vor.u32 v51, v8;
	[tilespmem:v36+s11+$0x0] =	vst.idx.msk $0xffff, v34;
	v40 =	vld.idx.msk [tilespmem:v39+s10+$0x0], $0xffff;
	v1 =	vshll.u32 v1, $0x9  }
0x462: {  	v44 =	vor.u32 v55, v14;
	[tilespmem:v16+s11+$0x0] =	vst.idx.msk $0xffff, v12;
	v11 =	vld.idx.msk [tilespmem:v11+s10+$0x0], $0xffff;
	v1 =	vadd.s32 v0, v1  }
0x463: {  	v16 =	vld.idx.msk [tilespmem:v5+s10+$0x0], $0xffff;
	[tilespmem:v20+s11+$0x0] =	vst.idx.msk $0xffff, v18;
	v20 =	vor.u32 v47, v1  }
0x464: {  	v23 =	vadd.s32 $0x1, v5;
	v14 =	vld.idx.msk [tilespmem:v19+s10+$0x0], $0xffff;
	v19 =	vor.u32 v29, v3  }
0x465: {  	[tilespmem:v22+s11+$0x0] =	vst.idx.msk $0xffff, v21;
	v22 =	vadd.s32 $0x4, v4;
	v21 =	vor.u32 v56, v13;
	v12 =	vld.idx.msk [tilespmem:v17+s10+$0x0], $0xffff  }
0x466: {  	s22 =	simm.s32 $0x28;
	v52 =	vmov v30;
	v2 =	vld.idx.msk [tilespmem:v41+s10+$0x0], $0xffff;
	[tilespmem:v42+s11+$0x0] =	vst.idx.msk $0xffff, v40;
	v17 =	vadd.s32 $0x7, v15  }
0x467: {  	s23 =	simm.s32 $0x30;
	v55 =	vmov v29;
	[tilespmem:v44+s11+$0x0] =	vst.idx.msk $0xffff, v11;
	v11 =	vadd.s32 s22, v9;
	v18 =	vor.u32 v30, v7;
	v15 =	vld.idx.msk [tilespmem:v49+s10+$0x0], $0xffff  }
.LBB2_16:
0x468: {  	p1 =	sne.s32 s23, $0x38;
	[tilespmem:v20+s11+$0x0] =	vst.idx.msk $0xffff, v16;
	v24 =	vadd.s32 $0x3, v6;
	v25 =	vor.u32 v53, v8  }
0x469: {  	v27 =	vadd.s32 $0x6, v10;
	v26 =	vld.idx.msk [tilespmem:v23+s10+$0x0], $0xffff;
	[tilespmem:v19+s11+$0x0] =	vst.idx.msk $0xffff, v14  }
0x46a: {  	v28 =	vor.u32 v50, v1;
	v30 =	vadd.s32 $0x5, v4;
	v14 =	vmov s22;
	s22 =	smov.u32 s23;
	v29 =	vld.idx.msk [tilespmem:v22+s10+$0x0], $0xffff;
	[tilespmem:v21+s11+$0x0] =	vst.idx.msk $0xffff, v12  }
0x46b: {  	v31 =	vadd.s32 $0x2, v5;
	v32 =	vor.u32 v51, v3;
	v12 =	vshll.u32 v14, $0x9;
	v33 =	vld.idx.msk [tilespmem:v17+s10+$0x0], $0xffff  }
0x46c: {  	v34 =	vor.u32 v57, v13;
	v17 =	vadd.s32 v0, v12;
	v16 =	vld.idx.msk [tilespmem:v11+s10+$0x0], $0xffff;
	[tilespmem:v18+s11+$0x0] =	vst.idx.msk $0xffff, v2  }
.Ltmp6:
0x46d: {  	v13 =	vmov v8;
	v8 =	vmov v3;
	v20 =	vor.u32 v47, v17;
	v14 =	vld.idx.msk [tilespmem:v24+s10+$0x0], $0xffff;
	[tilespmem:v25+s11+$0x0] =	vst.idx.msk $0xffff, v15;
	(pc) =	sbr.rel @p1 .LBB2_16-.Ltmp6, $4  }
0x46e: {  	v3 =	vmovc v7;
	v23 =	vadd.s32 $0x1, v11;
	v19 =	vor.u32 v55, v7;
	v7 =	vmovc v1;
	v1 =	vmov v17;
	v12 =	vld.idx.msk [tilespmem:v27+s10+$0x0], $0xffff  }
0x46f: {  	v22 =	vadd.s32 $0x4, v6;
	v21 =	vor.u32 v56, v13;
	[tilespmem:v28+s11+$0x0] =	vst.idx.msk $0xffff, v26  }
0x470: {  	v17 =	vadd.s32 $0x7, v10;
	v10 =	vmovc v4;
	v4 =	vmov v6;
	v6 =	vmov v5;
	v2 =	vld.idx.msk [tilespmem:v31+s10+$0x0], $0xffff;
	[tilespmem:v32+s11+$0x0] =	vst.idx.msk $0xffff, v29  }
0x471: {  	s23 =	sadd.s32 $0x8, s23;
	v18 =	vor.u32 v52, v7;
	v5 =	vmov v11;
	v11 =	vadd.s32 s22, v9;
	v15 =	vld.idx.msk [tilespmem:v30+s10+$0x0], $0xffff;
	[tilespmem:v34+s11+$0x0] =	vst.idx.msk $0xffff, v33  }
0x472: {  	v9 =	vld [tilespmem:$0x1FCA0]  }
0x473: {  	s23 =	sor.u32 $0x7, s21  }
0x474: {  	s23 =	smul.u32 $0x320, s23;
	_ =	sdelay $0x1  }
0x475: {  	s23 =	sadd.s32 s19, s23  }
0x476: {  	v9 =	vadd.s32 s23, v9  }
0x477: {  	[tilespmem:v20+s11+$0x0] =	vst.idx.msk $0xffff, v16;
	v16 =	vadd.s32 $0x3, v6;
	v20 =	vor.u32 v53, v8;
	v26 =	vld.idx.msk [tilespmem:v11+s10+$0x0], $0xffff  }
0x478: {  	[tilespmem:v19+s11+$0x0] =	vst.idx.msk $0xffff, v14;
	v19 =	vmov s22;
	v24 =	vor.u32 v50, v1;
	v23 =	vld.idx.msk [tilespmem:v23+s10+$0x0], $0xffff  }
0x479: {  	v14 =	vadd.s32 $0x6, v10;
	v22 =	vld.idx.msk [tilespmem:v22+s10+$0x0], $0xffff;
	[tilespmem:v21+s11+$0x0] =	vst.idx.msk $0xffff, v12;
	v12 =	vshll.u32 v19, $0x9;
	v21 =	vor.u32 v51, v3  }
0x47a: {  	s26 =	simm.s32 $0x0;
	v13 =	vor.u32 v57, v13;
	v19 =	vadd.s32 $0x2, v5;
	v17 =	vld.idx.msk [tilespmem:v17+s10+$0x0], $0xffff;
	v12 =	vadd.s32 v0, v12  }
0x47b: {  	v25 =	vadd.s32 $0x5, v4;
	[tilespmem:v18+s11+$0x0] =	vst.idx.msk $0xffff, v2;
	v2 =	vor.u32 v47, v12;
	v9 =	vld.idx.msk [tilespmem:v9+s26+$0x0], $0xffff  }
0x47c: {  	v18 =	vor.u32 v55, v7;
	v16 =	vld.idx.msk [tilespmem:v16+s10+$0x0], $0xffff;
	[tilespmem:v20+s11+$0x0] =	vst.idx.msk $0xffff, v15;
	v15 =	vadd.s32 $0x1, v11  }
0x47d: {  	[tilespmem:v24+s11+$0x0] =	vst.idx.msk $0xffff, v23  }
0x47e: {  	v20 =	vadd.s32 $0x4, v6;
	v14 =	vld.idx.msk [tilespmem:v14+s10+$0x0], $0xffff;
	v23 =	vor.u32 v56, v8;
	[tilespmem:v21+s11+$0x0] =	vst.idx.msk $0xffff, v22  }
0x47f: {  	v10 =	vadd.s32 $0x7, v10;
	v21 =	vor.u32 v52, v1;
	v19 =	vld.idx.msk [tilespmem:v19+s10+$0x0], $0xffff;
	[tilespmem:v13+s11+$0x0] =	vst.idx.msk $0xffff, v17  }
0x480: {  	v24 =	vor.u32 v53, v3;
	v17 =	vadd.s32 $0x3, v5;
	v22 =	vld.idx.msk [tilespmem:v25+s10+$0x0], $0xffff;
	[tilespmem:v2+s11+$0x0] =	vst.idx.msk $0xffff, v26;
	v9 =	vmul.u32 $0x41, v9  }
0x481: {  	v15 =	vld.idx.msk [tilespmem:v15+s10+$0x0], $0xffff;
	[tilespmem:v18+s11+$0x0] =	vst.idx.msk $0xffff, v16;
	v16 =	vadd.s32 $0x6, v4;
	v18 =	vor.u32 v50, v12  }
0x482: {  	v2 =	vmov s26;
	v13 =	vadd.s32 s26, v9  }
0x483: {  	v2 =	vshll.u32 v2, $0x9;
	v20 =	vld.idx.msk [tilespmem:v20+s10+$0x0], $0xffff;
	[tilespmem:v23+s11+$0x0] =	vst.idx.msk $0xffff, v14;
	v14 =	vor.u32 v51, v7  }
0x484: {  	v8 =	vor.u32 v57, v8;
	v2 =	vadd.s32 v0, v2;
	v10 =	vld.idx.msk [tilespmem:v10+s10+$0x0], $0xffff;
	[tilespmem:v21+s11+$0x0] =	vst.idx.msk $0xffff, v19  }
0x485: {  	v23 =	vadd.s32 $0x2, v11;
	v21 =	vor.u32 v55, v1;
	[tilespmem:v24+s11+$0x0] =	vst.idx.msk $0xffff, v22;
	v17 =	vld.idx.msk [tilespmem:v17+s10+$0x0], $0xffff  }
0x486: {  	v19 =	vadd.s32 $0x5, v6;
	v16 =	vld.idx.msk [tilespmem:v16+s10+$0x0], $0xffff;
	[tilespmem:v18+s11+$0x0] =	vst.idx.msk $0xffff, v15;
	v15 =	vor.u32 v56, v3  }
0x487: {  	v25 =	vor.u32 v58, v2;
	v24 =	vld.idx.msk [tilespmem:v13+s10+$0x0], $0xffff  }
0x488: {  	[tilespmem:v14+s11+$0x0] =	vst.idx.msk $0xffff, v20  }
0x489: {  	[tilespmem:v8+s11+$0x0] =	vst.idx.msk $0xffff, v10  }
0x48a: {  	v22 =	vadd.s32 $0x4, v5;
	v20 =	vld.idx.msk [tilespmem:v23+s10+$0x0], $0xffff;
	v23 =	vor.u32 v52, v12;
	[tilespmem:v21+s11+$0x0] =	vst.idx.msk $0xffff, v17  }
0x48b: {  	v8 =	vld.idx.msk [tilespmem:v19+s10+$0x0], $0xffff;
	v10 =	vadd.s32 $0x3, v11;
	v19 =	vor.u32 v53, v7;
	[tilespmem:v15+s11+$0x0] =	vst.idx.msk $0xffff, v16  }
0x48c: {  	v17 =	vadd.s32 $0x6, v6;
	[tilespmem:v25+s11+$0x0] =	vst.idx.msk $0xffff, v24  }
0x48d: {  	v18 =	vadd.s32 $0x1, v13;
	v28 =	vld [tilespmem:$0x1FFF0]  }
0x48e: {  	v14 =	vadd.s32 $0x7, v4  }
0x48f: {  	s28 =	simm.s32 $0x8;
	v21 =	vld.idx.msk [tilespmem:v22+s10+$0x0], $0xffff;
	v22 =	vor.u32 v51, v1;
	[tilespmem:v23+s11+$0x0] =	vst.idx.msk $0xffff, v20  }
0x490: {  	v4 =	vadd.s32 s28, v9;
	[tilespmem:v19+s11+$0x0] =	vst.idx.msk $0xffff, v8;
	v8 =	vor.u32 v55, v12;
	v10 =	vld.idx.msk [tilespmem:v10+s10+$0x0], $0xffff  }
0x491: {  	v27 =	vor.u32 v56, v7;
	v17 =	vld.idx.msk [tilespmem:v17+s10+$0x0], $0xffff  }
0x492: {  	v26 =	vadd.s32 $0x4, v11;
	v24 =	vmov s28;
	v15 =	vld.idx.msk [tilespmem:v18+s10+$0x0], $0xffff;
	v16 =	vor.u32 v28, v2  }
0x493: {  	v14 =	vld.idx.msk [tilespmem:v14+s10+$0x0], $0xffff;
	v25 =	vadd.s32 $0x2, v13;
	v18 =	vshll.u32 v24, $0x9;
	v24 =	vor.u32 v57, v3  }
0x494: {  	[tilespmem:v22+s11+$0x0] =	vst.idx.msk $0xffff, v21;
	v21 =	vadd.s32 $0x7, v6;
	v3 =	vadd.s32 v0, v18  }
0x495: {  	v20 =	vld.idx.msk [tilespmem:v4+s10+$0x0], $0xffff;
	v18 =	vadd.s32 $0x5, v5;
	v23 =	vor.u32 v58, v3;
	[tilespmem:v8+s11+$0x0] =	vst.idx.msk $0xffff, v10  }
0x496: {  	[tilespmem:v27+s11+$0x0] =	vst.idx.msk $0xffff, v17  }
0x497: {  	s29 =	simm.s32 $0x10;
	v19 =	vadd.s32 $0x1, v4;
	v17 =	vor.u32 v51, v12;
	v22 =	vld.idx.msk [tilespmem:v26+s10+$0x0], $0xffff;
	[tilespmem:v16+s11+$0x0] =	vst.idx.msk $0xffff, v15  }
0x498: {  	v6 =	vadd.s32 s29, v9;
	[tilespmem:v24+s11+$0x0] =	vst.idx.msk $0xffff, v14;
	v15 =	vor.u32 v59, v2;
	v14 =	vld.idx.msk [tilespmem:v25+s10+$0x0], $0xffff  }
0x499: {  	v24 =	vadd.s32 $0x5, v11;
	v10 =	vmov s29;
	v21 =	vld.idx.msk [tilespmem:v21+s10+$0x0], $0xffff;
	v25 =	vor.u32 v57, v7  }
0x49a: {  	[tilespmem:v23+s11+$0x0] =	vst.idx.msk $0xffff, v20;
	v20 =	vadd.s32 $0x3, v13;
	v10 =	vshll.u32 v10, $0x9;
	v16 =	vld.idx.msk [tilespmem:v18+s10+$0x0], $0xffff;
	v18 =	vor.u32 v53, v1  }
0x49b: {  	v7 =	vadd.s32 v0, v10;
	v10 =	vadd.s32 $0x6, v5  }
0x49c: {  	v8 =	vld.idx.msk [tilespmem:v19+s10+$0x0], $0xffff;
	v19 =	vor.u32 v28, v3;
	[tilespmem:v17+s11+$0x0] =	vst.idx.msk $0xffff, v22  }
0x49d: {  	v23 =	vadd.s32 $0x2, v4;
	v26 =	vld.idx.msk [tilespmem:v6+s10+$0x0], $0xffff;
	[tilespmem:v15+s11+$0x0] =	vst.idx.msk $0xffff, v14;
	v14 =	vor.u32 v58, v7  }
0x49e: {  	v22 =	vld.idx.msk [tilespmem:v24+s10+$0x0], $0xffff;
	[tilespmem:v25+s11+$0x0] =	vst.idx.msk $0xffff, v21;
	v21 =	vor.u32 v53, v12  }
0x49f: {  	[tilespmem:v18+s11+$0x0] =	vst.idx.msk $0xffff, v16;
	v16 =	vadd.s32 $0x1, v6;
	v18 =	vor.u32 v60, v2;
	v15 =	vld.idx.msk [tilespmem:v20+s10+$0x0], $0xffff  }
0x4a0: {  	v24 =	vor.u32 v56, v1;
	v10 =	vld.idx.msk [tilespmem:v10+s10+$0x0], $0xffff;
	v25 =	vadd.s32 $0x6, v11  }
0x4a1: {  	s30 =	simm.s32 $0x18;
	[tilespmem:v19+s11+$0x0] =	vst.idx.msk $0xffff, v8;
	v19 =	vadd.s32 $0x4, v13  }
0x4a2: {  	v8 =	vadd.s32 s30, v9;
	v17 =	vld.idx.msk [tilespmem:v23+s10+$0x0], $0xffff;
	v20 =	vor.u32 v59, v3;
	[tilespmem:v14+s11+$0x0] =	vst.idx.msk $0xffff, v26  }
0x4a3: {  	v23 =	vadd.s32 $0x3, v4;
	[tilespmem:v21+s11+$0x0] =	vst.idx.msk $0xffff, v22  }
0x4a4: {  	v14 =	vmov s30;
	v16 =	vld.idx.msk [tilespmem:v16+s10+$0x0], $0xffff;
	[tilespmem:v18+s11+$0x0] =	vst.idx.msk $0xffff, v15;
	v15 =	vor.u32 v28, v7  }
0x4a5: {  	v26 =	vadd.s32 $0x7, v5;
	[tilespmem:v24+s11+$0x0] =	vst.idx.msk $0xffff, v10;
	v24 =	vor.u32 v56, v12;
	v5 =	vshll.u32 v14, $0x9;
	v10 =	vld.idx.msk [tilespmem:v25+s10+$0x0], $0xffff  }
0x4a6: {  	v18 =	vadd.s32 $0x2, v6;
	v14 =	vld.idx.msk [tilespmem:v19+s10+$0x0], $0xffff;
	v19 =	vor.u32 v61, v2;
	v5 =	vadd.s32 v0, v5  }
0x4a7: {  	v27 =	vadd.s32 $0x5, v13;
	[tilespmem:v20+s11+$0x0] =	vst.idx.msk $0xffff, v17;
	v17 =	vld.idx.msk [tilespmem:v8+s10+$0x0], $0xffff;
	v20 =	vor.u32 v58, v5  }
0x4a8: {  	v22 =	vadd.s32 $0x1, v8;
	v21 =	vld.idx.msk [tilespmem:v23+s10+$0x0], $0xffff;
	v23 =	vor.u32 v60, v3  }
0x4a9: {  	v29 =	vor.u32 v61, v3;
	v25 =	vadd.s32 $0x4, v4;
	[tilespmem:v15+s11+$0x0] =	vst.idx.msk $0xffff, v16  }
0x4aa: {  	s31 =	simm.s32 $0x20;
	v1 =	vor.u32 v57, v1;
	v15 =	vld.idx.msk [tilespmem:v26+s10+$0x0], $0xffff;
	v16 =	vadd.s32 $0x7, v11;
	[tilespmem:v24+s11+$0x0] =	vst.idx.msk $0xffff, v10  }
0x4ab: {  	v11 =	vadd.s32 s31, v9;
	v18 =	vld.idx.msk [tilespmem:v18+s10+$0x0], $0xffff;
	[tilespmem:v19+s11+$0x0] =	vst.idx.msk $0xffff, v14;
	v14 =	vor.u32 v59, v7  }
0x4ac: {  	v19 =	vld.idx.msk [tilespmem:v27+s10+$0x0], $0xffff;
	[tilespmem:v20+s11+$0x0] =	vst.idx.msk $0xffff, v17;
	v17 =	vadd.s32 $0x3, v6;
	v20 =	vor.u32 v62, v2  }
0x4ad: {  	v26 =	vadd.s32 $0x6, v13;
	v10 =	vmov s31;
	[tilespmem:v23+s11+$0x0] =	vst.idx.msk $0xffff, v21;
	v27 =	vor.u32 v28, v5;
	v22 =	vld.idx.msk [tilespmem:v22+s10+$0x0], $0xffff  }
0x4ae: {  	v55 =	vadd.s32 $0x2, v8;
	v12 =	vor.u32 v57, v12;
	v10 =	vshll.u32 v10, $0x9;
	v25 =	vld.idx.msk [tilespmem:v25+s10+$0x0], $0xffff  }
0x4af: {  	v10 =	vadd.s32 v0, v10;
	[tilespmem:v1+s11+$0x0] =	vst.idx.msk $0xffff, v15;
	v1 =	vld.idx.msk [tilespmem:v16+s10+$0x0], $0xffff;
	v16 =	vadd.s32 $0x5, v4  }
0x4b0: {  	v23 =	vor.u32 v58, v10;
	v21 =	vld.idx.msk [tilespmem:v11+s10+$0x0], $0xffff;
	[tilespmem:v14+s11+$0x0] =	vst.idx.msk $0xffff, v18  }
0x4b1: {  	v24 =	vadd.s32 $0x1, v11;
	v18 =	vor.u32 v60, v7;
	v17 =	vld.idx.msk [tilespmem:v17+s10+$0x0], $0xffff;
	[tilespmem:v20+s11+$0x0] =	vst.idx.msk $0xffff, v19  }
0x4b2: {  	v15 =	vor.u32 v63, v2;
	v19 =	vadd.s32 $0x4, v6;
	v14 =	vld.idx.msk [tilespmem:v26+s10+$0x0], $0xffff;
	[tilespmem:v27+s11+$0x0] =	vst.idx.msk $0xffff, v22  }
0x4b3: {  	s22 =	simm.s32 $0x28;
	v13 =	vadd.s32 $0x7, v13;
	[tilespmem:v29+s11+$0x0] =	vst.idx.msk $0xffff, v25;
	v20 =	vld.idx.msk [tilespmem:v55+s10+$0x0], $0xffff  }
0x4b4: {  	s23 =	simm.s32 $0x30;
	v51 =	vmov v28;
	v22 =	vor.u32 v59, v5;
	[tilespmem:v12+s11+$0x0] =	vst.idx.msk $0xffff, v1;
	v12 =	vadd.s32 s22, v9;
	v16 =	vld.idx.msk [tilespmem:v16+s10+$0x0], $0xffff  }
.LBB2_18:
0x4b5: {  	p1 =	sne.s32 s23, $0x38;
	[tilespmem:v23+s11+$0x0] =	vst.idx.msk $0xffff, v21;
	v25 =	vadd.s32 $0x3, v8;
	v26 =	vor.u32 v62, v3  }
0x4b6: {  	v28 =	vadd.s32 $0x6, v4;
	v1 =	vor.u32 $0x3F0, v35;
	v27 =	vld.idx.msk [tilespmem:v24+s10+$0x0], $0xffff;
	[tilespmem:v18+s11+$0x0] =	vst.idx.msk $0xffff, v17  }
0x4b7: {  	v29 =	vor.u32 v51, v10;
	v31 =	vadd.s32 $0x5, v6;
	v17 =	vmov s22;
	s22 =	smov.u32 s23;
	v30 =	vld.idx.msk [tilespmem:v19+s10+$0x0], $0xffff;
	[tilespmem:v15+s11+$0x0] =	vst.idx.msk $0xffff, v14  }
0x4b8: {  	v32 =	vadd.s32 $0x2, v11;
	v33 =	vor.u32 v61, v7;
	v14 =	vshll.u32 v17, $0x9;
	v34 =	vld.idx.msk [tilespmem:v13+s10+$0x0], $0xffff  }
0x4b9: {  	v35 =	vor.u32 v1, v2;
	v13 =	vadd.s32 v0, v14;
	v21 =	vld.idx.msk [tilespmem:v12+s10+$0x0], $0xffff;
	[tilespmem:v22+s11+$0x0] =	vst.idx.msk $0xffff, v20  }
.Ltmp7:
0x4ba: {  	v2 =	vmov v3;
	v3 =	vmov v7;
	v23 =	vor.u32 v58, v13;
	v17 =	vld.idx.msk [tilespmem:v25+s10+$0x0], $0xffff;
	[tilespmem:v26+s11+$0x0] =	vst.idx.msk $0xffff, v16;
	(pc) =	sbr.rel @p1 .LBB2_18-.Ltmp7, $4  }
0x4bb: {  	v24 =	vadd.s32 $0x1, v12;
	v18 =	vor.u32 v60, v5;
	v7 =	vmovc v5;
	v5 =	vmovc v10;
	v10 =	vmov v13;
	v14 =	vld.idx.msk [tilespmem:v28+s10+$0x0], $0xffff  }
0x4bc: {  	v19 =	vadd.s32 $0x4, v8;
	v15 =	vor.u32 v63, v2;
	[tilespmem:v29+s11+$0x0] =	vst.idx.msk $0xffff, v27  }
0x4bd: {  	v13 =	vadd.s32 $0x7, v4;
	v4 =	vmovc v6;
	v6 =	vmov v8;
	v8 =	vmov v11;
	v20 =	vld.idx.msk [tilespmem:v32+s10+$0x0], $0xffff;
	[tilespmem:v33+s11+$0x0] =	vst.idx.msk $0xffff, v30  }
0x4be: {  	s23 =	sadd.s32 $0x8, s23;
	v22 =	vor.u32 v59, v5;
	v11 =	vmovc v12;
	v12 =	vadd.s32 s22, v9;
	v16 =	vld.idx.msk [tilespmem:v31+s10+$0x0], $0xffff;
	[tilespmem:v35+s11+$0x0] =	vst.idx.msk $0xffff, v34;
	v35 =	vlaneseq.u32  }
0x4bf: {  	_ = 	snop  }
0x4c0: {  	v9 =	vmov s22  }
0x4c1: {  	v9 =	vshll.u32 v9, $0x9  }
0x4c2: {  	v0 =	vadd.s32 v0, v9  }
0x4c3: {  	v33 =	vld.idx.msk [tilespmem:v12+s10+$0x0], $0xffff;
	v25 =	vor.u32 v58, v0  }
0x4c4: {  	v26 =	vadd.s32 $0x1, v12;
	_ =	sdelay $0x2  }
0x4c5: {  	[tilespmem:v23+s11+$0x0] =	vst.idx.msk $0xffff, v21  }
0x4c6: {  	v34 =	vor.u32 v51, v10;
	v21 =	vld.idx.msk [tilespmem:v24+s10+$0x0], $0xffff;
	[tilespmem:v25+s11+$0x0] =	vst.idx.msk $0xffff, v33  }
0x4c7: {  	v36 =	vadd.s32 $0x2, v11;
	v40 =	vor.u32 v51, v0;
	v39 =	vld.idx.msk [tilespmem:v26+s10+$0x0], $0xffff  }
0x4c8: {  	v41 =	vadd.s32 $0x2, v12;
	_ =	sdelay $0x2  }
0x4c9: {  	v42 =	vadd.s32 $0x3, v8;
	[tilespmem:v34+s11+$0x0] =	vst.idx.msk $0xffff, v21  }
0x4ca: {  	v44 =	vor.u32 v59, v10;
	v9 =	vld.idx.msk [tilespmem:v36+s10+$0x0], $0xffff;
	[tilespmem:v40+s11+$0x0] =	vst.idx.msk $0xffff, v39  }
0x4cb: {  	v47 =	vadd.s32 $0x3, v11;
	v49 =	vor.u32 v59, v0;
	v25 =	vld.idx.msk [tilespmem:v41+s10+$0x0], $0xffff  }
0x4cc: {  	v27 =	vadd.s32 $0x3, v12  }
0x4cd: {  	[tilespmem:v22+s11+$0x0] =	vst.idx.msk $0xffff, v20  }
0x4ce: {  	v50 =	vor.u32 v60, v5;
	v20 =	vld.idx.msk [tilespmem:v42+s10+$0x0], $0xffff  }
0x4cf: {  	v51 =	vadd.s32 $0x4, v8;
	[tilespmem:v44+s11+$0x0] =	vst.idx.msk $0xffff, v9  }
0x4d0: {  	v53 =	vor.u32 v60, v10;
	v52 =	vld.idx.msk [tilespmem:v47+s10+$0x0], $0xffff;
	[tilespmem:v49+s11+$0x0] =	vst.idx.msk $0xffff, v25  }
0x4d1: {  	v55 =	vadd.s32 $0x4, v11;
	v32 =	vor.u32 v60, v0;
	v25 =	vld.idx.msk [tilespmem:v27+s10+$0x0], $0xffff  }
0x4d2: {  	[tilespmem:v18+s11+$0x0] =	vst.idx.msk $0xffff, v17;
	v27 =	vadd.s32 $0x4, v12  }
0x4d3: {  	v17 =	vld.idx.msk [tilespmem:v19+s10+$0x0], $0xffff;
	v33 =	vor.u32 v61, v7;
	[tilespmem:v50+s11+$0x0] =	vst.idx.msk $0xffff, v20  }
0x4d4: {  	v34 =	vadd.s32 $0x5, v6;
	v36 =	vor.u32 v61, v5;
	v9 =	vld.idx.msk [tilespmem:v51+s10+$0x0], $0xffff  }
0x4d5: {  	v39 =	vadd.s32 $0x5, v8;
	[tilespmem:v53+s11+$0x0] =	vst.idx.msk $0xffff, v52  }
0x4d6: {  	v40 =	vor.u32 v61, v10;
	v22 =	vld.idx.msk [tilespmem:v55+s10+$0x0], $0xffff;
	[tilespmem:v32+s11+$0x0] =	vst.idx.msk $0xffff, v25  }
0x4d7: {  	v42 =	vor.u32 v61, v0;
	v41 =	vadd.s32 $0x5, v11;
	v25 =	vld.idx.msk [tilespmem:v27+s10+$0x0], $0xffff  }
0x4d8: {  	[tilespmem:v33+s11+$0x0] =	vst.idx.msk $0xffff, v17;
	v27 =	vadd.s32 $0x5, v12  }
0x4d9: {  	v47 =	vor.u32 v62, v7;
	v18 =	vld.idx.msk [tilespmem:v34+s10+$0x0], $0xffff;
	[tilespmem:v36+s11+$0x0] =	vst.idx.msk $0xffff, v9  }
0x4da: {  	v50 =	vor.u32 v62, v5;
	v20 =	vld.idx.msk [tilespmem:v39+s10+$0x0], $0xffff;
	v49 =	vadd.s32 $0x6, v6  }
0x4db: {  	v28 =	vor.u32 v62, v3;
	v51 =	vadd.s32 $0x6, v8;
	[tilespmem:v40+s11+$0x0] =	vst.idx.msk $0xffff, v22  }
0x4dc: {  	v44 =	vadd.s32 $0x6, v4;
	v52 =	vor.u32 v62, v10;
	v23 =	vld.idx.msk [tilespmem:v41+s10+$0x0], $0xffff;
	[tilespmem:v42+s11+$0x0] =	vst.idx.msk $0xffff, v25  }
0x4dd: {  	v53 =	vadd.s32 $0x6, v11;
	v26 =	vld.idx.msk [tilespmem:v27+s10+$0x0], $0xffff;
	v27 =	vor.u32 v62, v0  }
0x4de: {  	v55 =	vadd.s32 $0x6, v12;
	[tilespmem:v47+s11+$0x0] =	vst.idx.msk $0xffff, v18  }
0x4df: {  	v34 =	vor.u32 v63, v7;
	[tilespmem:v50+s11+$0x0] =	vst.idx.msk $0xffff, v20;
	v9 =	vld.idx.msk [tilespmem:v49+s10+$0x0], $0xffff  }
0x4e0: {  	[tilespmem:v28+s11+$0x0] =	vst.idx.msk $0xffff, v16;
	v36 =	vadd.s32 $0x7, v6;
	v39 =	vor.u32 v63, v5;
	v20 =	vld.idx.msk [tilespmem:v51+s10+$0x0], $0xffff  }
0x4e1: {  	v17 =	vld.idx.msk [tilespmem:v44+s10+$0x0], $0xffff;
	v40 =	vadd.s32 $0x7, v8;
	v32 =	vor.u32 v63, v3;
	[tilespmem:v52+s11+$0x0] =	vst.idx.msk $0xffff, v23  }
0x4e2: {  	v33 =	vadd.s32 $0x7, v4;
	v41 =	vld.idx.msk [tilespmem:v53+s10+$0x0], $0xffff;
	v42 =	vor.u32 v63, v10;
	[tilespmem:v27+s11+$0x0] =	vst.idx.msk $0xffff, v26  }
0x4e3: {  	[tilespmem:v15+s11+$0x0] =	vst.idx.msk $0xffff, v14;
	v44 =	vadd.s32 $0x7, v11;
	v49 =	vor.u32 v63, v0;
	v47 =	vld.idx.msk [tilespmem:v55+s10+$0x0], $0xffff  }
0x4e4: {  	v2 =	vor.u32 v1, v2;
	v13 =	vld.idx.msk [tilespmem:v13+s10+$0x0], $0xffff;
	v50 =	vadd.s32 $0x7, v12;
	[tilespmem:v34+s11+$0x0] =	vst.idx.msk $0xffff, v9  }
0x4e5: {  	v51 =	vor.u32 v1, v7;
	[tilespmem:v39+s11+$0x0] =	vst.idx.msk $0xffff, v20;
	v6 =	vld.idx.msk [tilespmem:v36+s10+$0x0], $0xffff  }
0x4e6: {  	v52 =	vor.u32 v1, v5;
	[tilespmem:v32+s11+$0x0] =	vst.idx.msk $0xffff, v17;
	v8 =	vld.idx.msk [tilespmem:v40+s10+$0x0], $0xffff  }
0x4e7: {  	v3 =	vor.u32 v1, v3;
	v4 =	vld.idx.msk [tilespmem:v33+s10+$0x0], $0xffff;
	[tilespmem:v42+s11+$0x0] =	vst.idx.msk $0xffff, v41  }
0x4e8: {  	v53 =	vld.idx.msk [tilespmem:v44+s10+$0x0], $0xffff;
	v55 =	vor.u32 v1, v10;
	[tilespmem:v49+s11+$0x0] =	vst.idx.msk $0xffff, v47  }
0x4e9: {  	[tilespmem:v2+s11+$0x0] =	vst.idx.msk $0xffff, v13;
	v0 =	vor.u32 v1, v0;
	v2 =	vld.idx.msk [tilespmem:v50+s10+$0x0], $0xffff  }
0x4ea: {  	p1 =	slt.u32 s21, $0x18;
	[tilespmem:v51+s11+$0x0] =	vst.idx.msk $0xffff, v6  }
.Ltmp8:
0x4eb: {  	[tilespmem:v52+s11+$0x0] =	vst.idx.msk $0xffff, v8;
	(pc) =	sbr.rel @p1 .LBB2_3-.Ltmp8, $4  }
0x4ec: {  	[tilespmem:v3+s11+$0x0] =	vst.idx.msk $0xffff, v4  }
0x4ed: {  	[tilespmem:v55+s11+$0x0] =	vst.idx.msk $0xffff, v53  }
0x4ee: {  	s31 =	sadd.s32 $0x8, s21;
	[tilespmem:v0+s11+$0x0] =	vst.idx.msk $0xffff, v2  }
0x4ef: {  	v29 =	vmov v37;
	s21 =	smov.u32 s31;
	v32 =	vmov v38;
	v30 =	vld [tilespmem:$0x1FE90]  }
0x4f0: {  	s20 =	sshll.u32 s18, $0x15  }
0x4f1: {  	s20 =	sor.u32 s6, s20  }
0x4f2: {  	s20 =	sshrl.u32 s20, $0x3  }
0x4f3: {  	s20 =	sadd.s32 s2, s20  }
0x4f4: {  	[hbm4b:s20+s12] =	stream.strided.scatter [tilespmem:s11], [sflag:$0x1], $0x8000, s13, s12, $0x38;
	[tilespmem:$0x19780] =	vst v63  }
0x4f5: {  	s20 =	simm.s32 @!p0 $0x2  }
0x4f6: {  	_ =	swait.ge @!p0 [sflag:s20], $0x8000  }
0x4f7: {  	s19 =	sor.u32 $0x1, s19;
	[sflag:s20] =	ssyncset.done @!p0 $0x0  }
0x4f8: {  	s21 =	simm.s32 $0x0;
	[sflag:s20] =	ssyncadd.s32 @!p0 $0xFFFF8000;
	s20 =	simm.s32 $0x0  }
.LBB2_21:
0x4f9: {  	v0 =	vld [tilespmem:$0x1FCA0];
	_ =	sdelay $0x1  }
0x4fa: {  	s22 =	smul.u32 $0x320, s21;
	_ =	sdelay $0x1  }
0x4fb: {  	s22 =	sadd.s32 s19, s22  }
0x4fc: {  	v0 =	vadd.s32 s22, v0;
	_ =	sdelay $0x4  }
0x4fd: {  	v0 =	vld.idx.msk [tilespmem:v0+s20+$0x0], $0xffff;
	_ =	sdelay $0x4  }
0x4fe: {  	s26 =	sshll.u32 s21, $0x4;
	v12 =	vmul.u32 $0x41, v0  }
0x4ff: {  	v0 =	vmov s26  }
0x500: {  	v0 =	vshrl.u32 v0, $0x7;
	v10 =	vadd.s32 s20, v12  }
0x501: {  	v0 =	vshll.u32 v0, $0xA  }
0x502: {  	v2 =	vmov s20;
	v0 =	vbroadcast v0, $0x0  }
0x503: {  	v2 =	vshll.u32 v2, $0x9  }
0x504: {  	v11 =	vadd.s32 v0, v2  }
0x505: {  	v3 =	vor.u32 v35, v11;
	v2 =	vld.idx.msk [tilespmem:v10+s10+$0x0], $0xffff  }
0x506: {  	v4 =	vadd.s32 $0x1, v10  }
0x507: {  	s28 =	simm.s32 $0x8  }
0x508: {  	v7 =	vadd.s32 s28, v12;
	_ =	sdelay $0x1  }
0x509: {  	[tilespmem:v3+s14+$0x0] =	vst.idx.msk $0xffff, v2;
	v2 =	vmov s28  }
0x50a: {  	v3 =	vld.idx.msk [tilespmem:v4+s10+$0x0], $0xffff;
	v4 =	vor.u32 v29, v11;
	v2 =	vshll.u32 v2, $0x9  }
0x50b: {  	v5 =	vadd.s32 $0x2, v10;
	v9 =	vadd.s32 v0, v2  }
0x50c: {  	v2 =	vld.idx.msk [tilespmem:v7+s10+$0x0], $0xffff;
	v6 =	vor.u32 v35, v9;
	_ =	sdelay $0x2  }
0x50d: {  	s29 =	simm.s32 $0x10;
	v13 =	vadd.s32 $0x1, v7;
	[tilespmem:v4+s14+$0x0] =	vst.idx.msk $0xffff, v3  }
0x50e: {  	v8 =	vadd.s32 s29, v12;
	v4 =	vor.u32 v32, v11;
	v3 =	vld.idx.msk [tilespmem:v5+s10+$0x0], $0xffff  }
0x50f: {  	[tilespmem:v6+s14+$0x0] =	vst.idx.msk $0xffff, v2;
	v2 =	vadd.s32 $0x3, v10  }
0x510: {  	v6 =	vmov s29  }
0x511: {  	v6 =	vshll.u32 v6, $0x9  }
0x512: {  	v5 =	vld.idx.msk [tilespmem:v13+s10+$0x0], $0xffff;
	v13 =	vor.u32 v29, v9;
	v6 =	vadd.s32 v0, v6  }
0x513: {  	v15 =	vld.idx.msk [tilespmem:v8+s10+$0x0], $0xffff;
	[tilespmem:v4+s14+$0x0] =	vst.idx.msk $0xffff, v3;
	v3 =	vor.u32 v35, v6  }
0x514: {  	v14 =	vadd.s32 $0x2, v7;
	v16 =	vor.u32 v30, v11;
	v2 =	vld.idx.msk [tilespmem:v2+s10+$0x0], $0xffff;
	_ =	sdelay $0x2  }
0x515: {  	[tilespmem:v13+s14+$0x0] =	vst.idx.msk $0xffff, v5  }
0x516: {  	s30 =	simm.s32 $0x18;
	v4 =	vadd.s32 $0x1, v8;
	[tilespmem:v3+s14+$0x0] =	vst.idx.msk $0xffff, v15  }
0x517: {  	v17 =	vor.u32 v32, v9;
	v5 =	vadd.s32 s30, v12;
	v14 =	vld.idx.msk [tilespmem:v14+s10+$0x0], $0xffff;
	[tilespmem:v16+s14+$0x0] =	vst.idx.msk $0xffff, v2  }
0x518: {  	v13 =	vadd.s32 $0x4, v10;
	v43 =	vld [tilespmem:$0x1FCB0]  }
0x519: {  	v3 =	vmov s30  }
0x51a: {  	v3 =	vshll.u32 v3, $0x9  }
0x51b: {  	v15 =	vld.idx.msk [tilespmem:v4+s10+$0x0], $0xffff;
	v2 =	vor.u32 v29, v6;
	v4 =	vadd.s32 v0, v3  }
0x51c: {  	v21 =	vld.idx.msk [tilespmem:v5+s10+$0x0], $0xffff;
	[tilespmem:v17+s14+$0x0] =	vst.idx.msk $0xffff, v14;
	v14 =	vor.u32 v35, v4  }
0x51d: {  	v18 =	vadd.s32 $0x3, v7;
	v13 =	vld.idx.msk [tilespmem:v13+s10+$0x0], $0xffff;
	v19 =	vor.u32 v43, v11;
	_ =	sdelay $0x2  }
0x51e: {  	[tilespmem:v2+s14+$0x0] =	vst.idx.msk $0xffff, v15  }
0x51f: {  	v16 =	vadd.s32 $0x2, v8;
	[tilespmem:v14+s14+$0x0] =	vst.idx.msk $0xffff, v21  }
0x520: {  	v22 =	vor.u32 v30, v9;
	v17 =	vld.idx.msk [tilespmem:v18+s10+$0x0], $0xffff;
	v18 =	vadd.s32 $0x1, v5;
	[tilespmem:v19+s14+$0x0] =	vst.idx.msk $0xffff, v13  }
0x521: {  	v20 =	vadd.s32 $0x5, v10;
	v40 =	vld [tilespmem:$0x1FCC0];
	_ =	sdelay $0x2  }
0x522: {  	v2 =	vld.idx.msk [tilespmem:v16+s10+$0x0], $0xffff;
	v13 =	vor.u32 v32, v6  }
0x523: {  	v18 =	vld.idx.msk [tilespmem:v18+s10+$0x0], $0xffff;
	[tilespmem:v22+s14+$0x0] =	vst.idx.msk $0xffff, v17;
	v22 =	vor.u32 v29, v4  }
0x524: {  	v23 =	vadd.s32 $0x4, v7;
	v19 =	vld.idx.msk [tilespmem:v20+s10+$0x0], $0xffff;
	v20 =	vor.u32 v40, v11;
	_ =	sdelay $0x1  }
0x525: {  	s31 =	simm.s32 $0x20  }
0x526: {  	v3 =	vadd.s32 s31, v12;
	[tilespmem:v13+s14+$0x0] =	vst.idx.msk $0xffff, v2  }
0x527: {  	v14 =	vadd.s32 $0x3, v8;
	[tilespmem:v22+s14+$0x0] =	vst.idx.msk $0xffff, v18  }
0x528: {  	v26 =	vadd.s32 $0x2, v5;
	v25 =	vld.idx.msk [tilespmem:v23+s10+$0x0], $0xffff;
	[tilespmem:v20+s14+$0x0] =	vst.idx.msk $0xffff, v19  }
0x529: {  	v15 =	vmov s31;
	v27 =	vor.u32 v43, v9;
	v17 =	vadd.s32 $0x6, v10;
	v41 =	vld [tilespmem:$0x1FCD0]  }
0x52a: {  	v28 =	vadd.s32 $0x5, v7;
	v16 =	vshll.u32 v15, $0x9  }
0x52b: {  	v15 =	vld.idx.msk [tilespmem:v3+s10+$0x0], $0xffff;
	v2 =	vadd.s32 v0, v16  }
0x52c: {  	v16 =	vld.idx.msk [tilespmem:v14+s10+$0x0], $0xffff;
	v21 =	vor.u32 v35, v2  }
0x52d: {  	v24 =	vadd.s32 $0x1, v3;
	v14 =	vld.idx.msk [tilespmem:v26+s10+$0x0], $0xffff;
	v20 =	vor.u32 v30, v6  }
0x52e: {  	v23 =	vadd.s32 $0x4, v8;
	v13 =	vld.idx.msk [tilespmem:v17+s10+$0x0], $0xffff;
	[tilespmem:v27+s14+$0x0] =	vst.idx.msk $0xffff, v25;
	v22 =	vor.u32 v41, v11  }
0x52f: {  	s22 =	simm.s32 $0x28;
	v18 =	vadd.s32 $0x7, v10;
	v17 =	vld.idx.msk [tilespmem:v28+s10+$0x0], $0xffff  }
0x530: {  	s23 =	simm.s32 $0x30;
	v36 =	vlaneseq.u32;
	v39 =	vmovc v30;
	v10 =	vadd.s32 s22, v12;
	v19 =	vor.u32 v32, v4;
	v42 =	vld [tilespmem:$0x1FCE0]  }
.LBB2_22:
0x531: {  	p0 =	sne.s32 s23, $0x38;
	[tilespmem:v21+s14+$0x0] =	vst.idx.msk $0xffff, v15;
	v25 =	vadd.s32 $0x3, v5;
	v26 =	vor.u32 v40, v9  }
0x532: {  	v28 =	vadd.s32 $0x6, v7;
	v27 =	vld.idx.msk [tilespmem:v24+s10+$0x0], $0xffff;
	[tilespmem:v20+s14+$0x0] =	vst.idx.msk $0xffff, v16  }
0x533: {  	v15 =	vmov s22;
	v29 =	vor.u32 v37, v2;
	v31 =	vadd.s32 $0x5, v8;
	s22 =	smov.u32 s23;
	v30 =	vld.idx.msk [tilespmem:v23+s10+$0x0], $0xffff;
	[tilespmem:v22+s14+$0x0] =	vst.idx.msk $0xffff, v13  }
0x534: {  	v32 =	vadd.s32 $0x2, v3;
	v33 =	vor.u32 v43, v6;
	v13 =	vshll.u32 v15, $0x9;
	v34 =	vld.idx.msk [tilespmem:v18+s10+$0x0], $0xffff  }
0x535: {  	v35 =	vor.u32 v42, v11;
	v18 =	vadd.s32 v0, v13;
	v15 =	vld.idx.msk [tilespmem:v10+s10+$0x0], $0xffff;
	[tilespmem:v19+s14+$0x0] =	vst.idx.msk $0xffff, v14  }
.Ltmp9:
0x536: {  	v11 =	vmov v9;
	v9 =	vmov v6;
	v21 =	vor.u32 v36, v18;
	v16 =	vld.idx.msk [tilespmem:v25+s10+$0x0], $0xffff;
	[tilespmem:v26+s14+$0x0] =	vst.idx.msk $0xffff, v17;
	(pc) =	sbr.rel @p0 .LBB2_22-.Ltmp9, $4  }
0x537: {  	v6 =	vmovc v4;
	v24 =	vadd.s32 $0x1, v10;
	v20 =	vor.u32 v39, v4;
	v4 =	vmovc v2;
	v2 =	vmov v18;
	v13 =	vld.idx.msk [tilespmem:v28+s10+$0x0], $0xffff  }
0x538: {  	v23 =	vadd.s32 $0x4, v5;
	v22 =	vor.u32 v41, v11;
	[tilespmem:v29+s14+$0x0] =	vst.idx.msk $0xffff, v27  }
0x539: {  	v18 =	vadd.s32 $0x7, v7;
	v7 =	vmovc v8;
	v8 =	vmov v5;
	v5 =	vmov v3;
	v14 =	vld.idx.msk [tilespmem:v32+s10+$0x0], $0xffff;
	[tilespmem:v33+s14+$0x0] =	vst.idx.msk $0xffff, v30  }
0x53a: {  	s23 =	sadd.s32 $0x8, s23;
	v19 =	vor.u32 v38, v4;
	v3 =	vmov v10;
	v10 =	vadd.s32 s22, v12;
	v17 =	vld.idx.msk [tilespmem:v31+s10+$0x0], $0xffff;
	[tilespmem:v35+s14+$0x0] =	vst.idx.msk $0xffff, v34  }
0x53b: {  	_ =	sdelay $0x1  }
0x53c: {  	v12 =	vld [tilespmem:$0x1FCA0]  }
0x53d: {  	s23 =	sor.u32 $0x1, s21  }
0x53e: {  	[tilespmem:v21+s14+$0x0] =	vst.idx.msk $0xffff, v15;
	v15 =	vadd.s32 $0x3, v5;
	v21 =	vor.u32 v40, v9;
	s23 =	smul.u32 $0x320, s23  }
0x53f: {  	[tilespmem:v20+s14+$0x0] =	vst.idx.msk $0xffff, v16;
	v16 =	vadd.s32 $0x6, v7;
	v20 =	vmov s22;
	v25 =	vor.u32 v37, v2;
	v24 =	vld.idx.msk [tilespmem:v24+s10+$0x0], $0xffff  }
0x540: {  	v27 =	vld.idx.msk [tilespmem:v10+s10+$0x0], $0xffff;
	[tilespmem:v22+s14+$0x0] =	vst.idx.msk $0xffff, v13;
	v13 =	vshll.u32 v20, $0x9;
	v20 =	vadd.s32 $0x2, v3;
	s23 =	sadd.s32 s19, s23  }
0x541: {  	v11 =	vor.u32 v42, v11;
	v23 =	vld.idx.msk [tilespmem:v23+s10+$0x0], $0xffff;
	v22 =	vor.u32 v43, v6;
	v12 =	vadd.s32 s23, v12  }
0x542: {  	v26 =	vadd.s32 $0x5, v8;
	v18 =	vld.idx.msk [tilespmem:v18+s10+$0x0], $0xffff;
	v13 =	vadd.s32 v0, v13;
	[tilespmem:v19+s14+$0x0] =	vst.idx.msk $0xffff, v14  }
0x543: {  	v14 =	vor.u32 v36, v13;
	v15 =	vld.idx.msk [tilespmem:v15+s10+$0x0], $0xffff;
	[tilespmem:v21+s14+$0x0] =	vst.idx.msk $0xffff, v17  }
0x544: {  	v19 =	vor.u32 v39, v4;
	v16 =	vld.idx.msk [tilespmem:v16+s10+$0x0], $0xffff;
	[tilespmem:v25+s14+$0x0] =	vst.idx.msk $0xffff, v24  }
0x545: {  	s26 =	simm.s32 $0x0;
	v24 =	vor.u32 v41, v9;
	v20 =	vld.idx.msk [tilespmem:v20+s10+$0x0], $0xffff  }
0x546: {  	[tilespmem:v22+s14+$0x0] =	vst.idx.msk $0xffff, v23;
	v23 =	vor.u32 v38, v2;
	v12 =	vld.idx.msk [tilespmem:v12+s26+$0x0], $0xffff  }
0x547: {  	v17 =	vadd.s32 $0x1, v10;
	v25 =	vor.u32 v40, v6;
	[tilespmem:v11+s14+$0x0] =	vst.idx.msk $0xffff, v18;
	v18 =	vld.idx.msk [tilespmem:v26+s10+$0x0], $0xffff  }
0x548: {  	[tilespmem:v14+s14+$0x0] =	vst.idx.msk $0xffff, v27  }
0x549: {  	v21 =	vadd.s32 $0x4, v5;
	[tilespmem:v19+s14+$0x0] =	vst.idx.msk $0xffff, v15  }
0x54a: {  	v22 =	vadd.s32 $0x7, v7;
	[tilespmem:v24+s14+$0x0] =	vst.idx.msk $0xffff, v16  }
0x54b: {  	v11 =	vadd.s32 $0x3, v3;
	[tilespmem:v23+s14+$0x0] =	vst.idx.msk $0xffff, v20;
	v7 =	vmul.u32 $0x41, v12  }
0x54c: {  	v17 =	vld.idx.msk [tilespmem:v17+s10+$0x0], $0xffff;
	v15 =	vadd.s32 $0x6, v8;
	v19 =	vor.u32 v37, v13;
	[tilespmem:v25+s14+$0x0] =	vst.idx.msk $0xffff, v18  }
0x54d: {  	v30 =	vld [tilespmem:$0x1FEA0];
	v14 =	vadd.s32 s26, v7  }
0x54e: {  	v21 =	vld.idx.msk [tilespmem:v21+s10+$0x0], $0xffff;
	v16 =	vor.u32 v43, v4  }
0x54f: {  	v9 =	vor.u32 v42, v9;
	v22 =	vld.idx.msk [tilespmem:v22+s10+$0x0], $0xffff;
	v12 =	vmov s26  }
0x550: {  	v23 =	vor.u32 v39, v2;
	v11 =	vld.idx.msk [tilespmem:v11+s10+$0x0], $0xffff;
	v12 =	vshll.u32 v12, $0x9  }
0x551: {  	v15 =	vld.idx.msk [tilespmem:v15+s10+$0x0], $0xffff;
	[tilespmem:v19+s14+$0x0] =	vst.idx.msk $0xffff, v17;
	v17 =	vor.u32 v41, v6;
	v12 =	vadd.s32 v0, v12  }
0x552: {  	v24 =	vadd.s32 $0x2, v10;
	v26 =	vor.u32 v30, v12;
	v25 =	vld.idx.msk [tilespmem:v14+s10+$0x0], $0xffff  }
0x553: {  	[tilespmem:v16+s14+$0x0] =	vst.idx.msk $0xffff, v21  }
0x554: {  	v20 =	vadd.s32 $0x5, v5;
	[tilespmem:v9+s14+$0x0] =	vst.idx.msk $0xffff, v22  }
0x555: {  	v18 =	vadd.s32 $0x4, v3;
	[tilespmem:v23+s14+$0x0] =	vst.idx.msk $0xffff, v11  }
0x556: {  	v16 =	vadd.s32 $0x7, v8;
	[tilespmem:v17+s14+$0x0] =	vst.idx.msk $0xffff, v15  }
0x557: {  	v21 =	vld.idx.msk [tilespmem:v24+s10+$0x0], $0xffff;
	v19 =	vadd.s32 $0x1, v14;
	[tilespmem:v26+s14+$0x0] =	vst.idx.msk $0xffff, v25  }
0x558: {  	v31 =	vld [tilespmem:$0x1FCF0]  }
0x559: {  	v24 =	vor.u32 v38, v13;
	v9 =	vld.idx.msk [tilespmem:v20+s10+$0x0], $0xffff  }
0x55a: {  	s28 =	simm.s32 $0x8;
	v22 =	vor.u32 v40, v4;
	v18 =	vld.idx.msk [tilespmem:v18+s10+$0x0], $0xffff  }
0x55b: {  	v23 =	vor.u32 v43, v2;
	v16 =	vld.idx.msk [tilespmem:v16+s10+$0x0], $0xffff;
	v25 =	vmov s28  }
0x55c: {  	v15 =	vld.idx.msk [tilespmem:v19+s10+$0x0], $0xffff;
	v19 =	vshll.u32 v25, $0x9;
	v25 =	vor.u32 v42, v6  }
0x55d: {  	v17 =	vor.u32 v31, v12  }
0x55e: {  	[tilespmem:v24+s14+$0x0] =	vst.idx.msk $0xffff, v21  }
0x55f: {  	v8 =	vadd.s32 s28, v7;
	[tilespmem:v22+s14+$0x0] =	vst.idx.msk $0xffff, v9  }
0x560: {  	v20 =	vadd.s32 $0x3, v10;
	[tilespmem:v23+s14+$0x0] =	vst.idx.msk $0xffff, v18  }
0x561: {  	v11 =	vadd.s32 $0x6, v5;
	[tilespmem:v25+s14+$0x0] =	vst.idx.msk $0xffff, v16  }
0x562: {  	v6 =	vadd.s32 v0, v19;
	v19 =	vadd.s32 $0x5, v3;
	[tilespmem:v17+s14+$0x0] =	vst.idx.msk $0xffff, v15  }
0x563: {  	v26 =	vadd.s32 $0x2, v14;
	v32 =	vld [tilespmem:$0x1FD00]  }
0x564: {  	v21 =	vld.idx.msk [tilespmem:v8+s10+$0x0], $0xffff;
	v24 =	vor.u32 v30, v6  }
0x565: {  	v22 =	vor.u32 v39, v13;
	v20 =	vld.idx.msk [tilespmem:v20+s10+$0x0], $0xffff  }
0x566: {  	v29 =	vor.u32 v41, v4;
	v11 =	vld.idx.msk [tilespmem:v11+s10+$0x0], $0xffff  }
0x567: {  	v18 =	vor.u32 v40, v2;
	v17 =	vld.idx.msk [tilespmem:v19+s10+$0x0], $0xffff  }
0x568: {  	v15 =	vld.idx.msk [tilespmem:v26+s10+$0x0], $0xffff;
	v16 =	vor.u32 v32, v12  }
0x569: {  	[tilespmem:v24+s14+$0x0] =	vst.idx.msk $0xffff, v21  }
0x56a: {  	v27 =	vadd.s32 $0x1, v8;
	[tilespmem:v22+s14+$0x0] =	vst.idx.msk $0xffff, v20  }
0x56b: {  	v28 =	vadd.s32 $0x4, v10;
	[tilespmem:v29+s14+$0x0] =	vst.idx.msk $0xffff, v11  }
0x56c: {  	s29 =	simm.s32 $0x10;
	v5 =	vadd.s32 $0x7, v5;
	[tilespmem:v18+s14+$0x0] =	vst.idx.msk $0xffff, v17  }
0x56d: {  	v9 =	vadd.s32 s29, v7;
	[tilespmem:v16+s14+$0x0] =	vst.idx.msk $0xffff, v15  }
0x56e: {  	v19 =	vadd.s32 $0x3, v14;
	v29 =	vld [tilespmem:$0x1FD10]  }
0x56f: {  	v21 =	vmov s29;
	v22 =	vor.u32 v31, v6;
	v20 =	vld.idx.msk [tilespmem:v27+s10+$0x0], $0xffff  }
0x570: {  	v24 =	vor.u32 v43, v13;
	v23 =	vld.idx.msk [tilespmem:v28+s10+$0x0], $0xffff;
	v11 =	vshll.u32 v21, $0x9  }
0x571: {  	v4 =	vor.u32 v42, v4;
	v26 =	vld.idx.msk [tilespmem:v5+s10+$0x0], $0xffff;
	v11 =	vadd.s32 v0, v11  }
0x572: {  	v54 =	vld.idx.msk [tilespmem:v9+s10+$0x0], $0xffff;
	v15 =	vor.u32 v30, v11  }
0x573: {  	v21 =	vadd.s32 $0x2, v8;
	v16 =	vld.idx.msk [tilespmem:v19+s10+$0x0], $0xffff;
	v18 =	vor.u32 v29, v12  }
0x574: {  	[tilespmem:v22+s14+$0x0] =	vst.idx.msk $0xffff, v20  }
0x575: {  	v25 =	vadd.s32 $0x5, v10;
	[tilespmem:v24+s14+$0x0] =	vst.idx.msk $0xffff, v23  }
0x576: {  	v27 =	vadd.s32 $0x6, v3;
	[tilespmem:v4+s14+$0x0] =	vst.idx.msk $0xffff, v26  }
0x577: {  	s30 =	simm.s32 $0x18;
	v17 =	vadd.s32 $0x1, v9;
	[tilespmem:v15+s14+$0x0] =	vst.idx.msk $0xffff, v54  }
0x578: {  	v5 =	vadd.s32 s30, v7;
	v20 =	vld.idx.msk [tilespmem:v21+s10+$0x0], $0xffff;
	v21 =	vor.u32 v32, v6;
	[tilespmem:v18+s14+$0x0] =	vst.idx.msk $0xffff, v16  }
0x579: {  	v19 =	vadd.s32 $0x4, v14;
	v55 =	vld [tilespmem:$0x1FD20]  }
0x57a: {  	v23 =	vor.u32 v40, v13;
	v4 =	vmov s30;
	v22 =	vld.idx.msk [tilespmem:v25+s10+$0x0], $0xffff  }
0x57b: {  	v26 =	vor.u32 v41, v2;
	v25 =	vld.idx.msk [tilespmem:v27+s10+$0x0], $0xffff;
	v4 =	vshll.u32 v4, $0x9  }
0x57c: {  	v4 =	vadd.s32 v0, v4;
	v15 =	vld.idx.msk [tilespmem:v17+s10+$0x0], $0xffff;
	v16 =	vor.u32 v31, v11  }
0x57d: {  	[tilespmem:v21+s14+$0x0] =	vst.idx.msk $0xffff, v20;
	v20 =	vld.idx.msk [tilespmem:v5+s10+$0x0], $0xffff;
	v21 =	vor.u32 v30, v4  }
0x57e: {  	v24 =	vadd.s32 $0x3, v8;
	v17 =	vld.idx.msk [tilespmem:v19+s10+$0x0], $0xffff;
	v19 =	vor.u32 v55, v12  }
0x57f: {  	[tilespmem:v23+s14+$0x0] =	vst.idx.msk $0xffff, v22  }
0x580: {  	v27 =	vadd.s32 $0x6, v10;
	[tilespmem:v26+s14+$0x0] =	vst.idx.msk $0xffff, v25  }
0x581: {  	v3 =	vadd.s32 $0x7, v3;
	[tilespmem:v16+s14+$0x0] =	vst.idx.msk $0xffff, v15  }
0x582: {  	v18 =	vadd.s32 $0x2, v9;
	[tilespmem:v21+s14+$0x0] =	vst.idx.msk $0xffff, v20  }
0x583: {  	v23 =	vadd.s32 $0x1, v5;
	v22 =	vld.idx.msk [tilespmem:v24+s10+$0x0], $0xffff;
	v24 =	vor.u32 v29, v6;
	[tilespmem:v19+s14+$0x0] =	vst.idx.msk $0xffff, v17  }
0x584: {  	v56 =	vadd.s32 $0x5, v14;
	v40 =	vmov v32;
	v17 =	vor.u32 v32, v11;
	v32 =	vld [tilespmem:$0x1FD30]  }
0x585: {  	v26 =	vor.u32 v41, v13;
	v25 =	vld.idx.msk [tilespmem:v27+s10+$0x0], $0xffff  }
0x586: {  	v2 =	vor.u32 v42, v2;
	v15 =	vld.idx.msk [tilespmem:v3+s10+$0x0], $0xffff  }
0x587: {  	v39 =	vmov v31;
	v27 =	vadd.s32 $0x4, v8;
	v16 =	vld.idx.msk [tilespmem:v18+s10+$0x0], $0xffff  }
0x588: {  	s31 =	simm.s32 $0x20;
	v10 =	vadd.s32 $0x7, v10;
	v23 =	vld.idx.msk [tilespmem:v23+s10+$0x0], $0xffff;
	[tilespmem:v24+s14+$0x0] =	vst.idx.msk $0xffff, v22;
	v24 =	vor.u32 v39, v4  }
0x589: {  	v3 =	vadd.s32 s31, v7;
	v18 =	vld.idx.msk [tilespmem:v56+s10+$0x0], $0xffff;
	v20 =	vor.u32 v32, v12  }
0x58a: {  	[tilespmem:v26+s14+$0x0] =	vst.idx.msk $0xffff, v25  }
0x58b: {  	v19 =	vadd.s32 $0x3, v9;
	[tilespmem:v2+s14+$0x0] =	vst.idx.msk $0xffff, v15  }
0x58c: {  	v26 =	vadd.s32 $0x2, v5;
	v25 =	vld.idx.msk [tilespmem:v27+s10+$0x0], $0xffff;
	[tilespmem:v17+s14+$0x0] =	vst.idx.msk $0xffff, v16  }
0x58d: {  	v22 =	vadd.s32 $0x6, v14;
	v27 =	vor.u32 v55, v6;
	v10 =	vld.idx.msk [tilespmem:v10+s10+$0x0], $0xffff;
	[tilespmem:v24+s14+$0x0] =	vst.idx.msk $0xffff, v23  }
0x58e: {  	v57 =	vor.u32 v42, v13;
	v58 =	vadd.s32 $0x5, v8;
	v17 =	vld.idx.msk [tilespmem:v3+s10+$0x0], $0xffff;
	[tilespmem:v20+s14+$0x0] =	vst.idx.msk $0xffff, v18  }
0x58f: {  	v2 =	vmov s31;
	v36 =	vld [tilespmem:$0x1FD40]  }
0x590: {  	v2 =	vshll.u32 v2, $0x9;
	v16 =	vld.idx.msk [tilespmem:v19+s10+$0x0], $0xffff  }
0x591: {  	v2 =	vadd.s32 v0, v2;
	v15 =	vld.idx.msk [tilespmem:v26+s10+$0x0], $0xffff  }
0x592: {  	v41 =	vmov v29;
	v21 =	vor.u32 v30, v2;
	v13 =	vld.idx.msk [tilespmem:v22+s10+$0x0], $0xffff;
	[tilespmem:v27+s14+$0x0] =	vst.idx.msk $0xffff, v25  }
0x593: {  	v24 =	vadd.s32 $0x1, v3;
	v20 =	vor.u32 v41, v11;
	v18 =	vadd.s32 $0x7, v14;
	[tilespmem:v57+s14+$0x0] =	vst.idx.msk $0xffff, v10;
	v14 =	vld.idx.msk [tilespmem:v58+s10+$0x0], $0xffff  }
0x594: {  	s22 =	simm.s32 $0x28;
	v23 =	vadd.s32 $0x4, v9;
	v44 =	vld [tilespmem:$0x1FD50];
	v22 =	vor.u32 v36, v12  }
0x595: {  	s23 =	simm.s32 $0x30;
	v43 =	vmovc v30;
	v42 =	vmov v55;
	v19 =	vor.u32 v40, v4;
	v10 =	vadd.s32 s22, v7;
	v53 =	vld [tilespmem:$0x1FDC0]  }
.LBB2_24:
0x596: {  	_ = 	snop  }
0x597: {  	[tilespmem:v21+s14+$0x0] =	vst.idx.msk $0xffff, v17  }
0x598: {  	v25 =	vadd.s32 $0x3, v5;
	v27 =	vld.idx.msk [tilespmem:v24+s10+$0x0], $0xffff;
	[tilespmem:v20+s14+$0x0] =	vst.idx.msk $0xffff, v16;
	v26 =	vor.u32 v32, v6  }
0x599: {  	v28 =	vadd.s32 $0x6, v8;
	v29 =	vor.u32 v39, v2;
	v31 =	vadd.s32 $0x5, v9;
	v30 =	vld.idx.msk [tilespmem:v23+s10+$0x0], $0xffff;
	[tilespmem:v22+s14+$0x0] =	vst.idx.msk $0xffff, v13  }
0x59a: {  	v58 =	vadd.s32 $0x2, v3;
	v33 =	vor.u32 v42, v11;
	v16 =	vmov s22;
	v34 =	vld.idx.msk [tilespmem:v18+s10+$0x0], $0xffff  }
0x59b: {  	p0 =	sne.s32 s23, $0x38;
	v35 =	vor.u32 v44, v12;
	v12 =	vmovc v6;
	v24 =	vadd.s32 $0x1, v10;
	v13 =	vshll.u32 v16, $0x9;
	v17 =	vld.idx.msk [tilespmem:v10+s10+$0x0], $0xffff  }
.Ltmp10:
0x59c: {  	v20 =	vor.u32 v41, v4;
	v23 =	vadd.s32 $0x4, v5;
	v18 =	vadd.s32 v0, v13;
	[tilespmem:v19+s14+$0x0] =	vst.idx.msk $0xffff, v15;
	v32 =	vld [tilespmem:$0x1FD30];
	(pc) =	sbr.rel @p0 .LBB2_24-.Ltmp10, $4  }
0x59d: {  	v22 =	vor.u32 v36, v12;
	v21 =	vor.u32 v43, v18;
	v16 =	vld.idx.msk [tilespmem:v25+s10+$0x0], $0xffff;
	[tilespmem:v26+s14+$0x0] =	vst.idx.msk $0xffff, v14  }
0x59e: {  	v6 =	vmovc v11;
	v11 =	vmov v4;
	v4 =	vmov v2;
	v2 =	vmov v18;
	v13 =	vld.idx.msk [tilespmem:v28+s10+$0x0], $0xffff;
	[tilespmem:v29+s14+$0x0] =	vst.idx.msk $0xffff, v27  }
0x59f: {  	s22 =	smov.u32 s23;
	v18 =	vadd.s32 $0x7, v8;
	v8 =	vmovc v9;
	v9 =	vmov v5;
	v5 =	vmov v3;
	v15 =	vld.idx.msk [tilespmem:v58+s10+$0x0], $0xffff;
	[tilespmem:v33+s14+$0x0] =	vst.idx.msk $0xffff, v30  }
0x5a0: {  	s23 =	sadd.s32 $0x8, s23;
	v3 =	vmov v10;
	v10 =	vadd.s32 s22, v7;
	v19 =	vor.u32 v40, v4;
	v14 =	vld.idx.msk [tilespmem:v31+s10+$0x0], $0xffff;
	[tilespmem:v35+s14+$0x0] =	vst.idx.msk $0xffff, v34  }
0x5a1: {  	_ =	sdelay $0x1  }
0x5a2: {  	v7 =	vld [tilespmem:$0x1FCA0]  }
0x5a3: {  	s23 =	sor.u32 $0x2, s21  }
0x5a4: {  	[tilespmem:v21+s14+$0x0] =	vst.idx.msk $0xffff, v17;
	v17 =	vadd.s32 $0x3, v5;
	v21 =	vor.u32 v32, v6;
	s23 =	smul.u32 $0x320, s23  }
0x5a5: {  	v25 =	vor.u32 v39, v2;
	v24 =	vld.idx.msk [tilespmem:v24+s10+$0x0], $0xffff;
	[tilespmem:v20+s14+$0x0] =	vst.idx.msk $0xffff, v16;
	v16 =	vadd.s32 $0x6, v8;
	v20 =	vmov s22  }
0x5a6: {  	v23 =	vld.idx.msk [tilespmem:v23+s10+$0x0], $0xffff;
	[tilespmem:v22+s14+$0x0] =	vst.idx.msk $0xffff, v13;
	v13 =	vshll.u32 v20, $0x9;
	v20 =	vadd.s32 $0x2, v3;
	v22 =	vor.u32 v42, v11;
	s23 =	sadd.s32 s19, s23  }
0x5a7: {  	v12 =	vor.u32 v44, v12;
	v18 =	vld.idx.msk [tilespmem:v18+s10+$0x0], $0xffff;
	v13 =	vadd.s32 v0, v13;
	v7 =	vadd.s32 s23, v7  }
0x5a8: {  	v26 =	vadd.s32 $0x5, v9;
	v27 =	vld.idx.msk [tilespmem:v10+s10+$0x0], $0xffff;
	[tilespmem:v19+s14+$0x0] =	vst.idx.msk $0xffff, v15;
	v15 =	vor.u32 v43, v13  }
0x5a9: {  	v17 =	vld.idx.msk [tilespmem:v17+s10+$0x0], $0xffff;
	[tilespmem:v21+s14+$0x0] =	vst.idx.msk $0xffff, v14  }
0x5aa: {  	v21 =	vor.u32 v41, v4;
	v16 =	vld.idx.msk [tilespmem:v16+s10+$0x0], $0xffff;
	[tilespmem:v25+s14+$0x0] =	vst.idx.msk $0xffff, v24  }
0x5ab: {  	s26 =	simm.s32 $0x0;
	v25 =	vor.u32 v36, v6;
	v20 =	vld.idx.msk [tilespmem:v20+s10+$0x0], $0xffff;
	[tilespmem:v22+s14+$0x0] =	vst.idx.msk $0xffff, v23  }
0x5ac: {  	v22 =	vor.u32 v40, v2;
	[tilespmem:v12+s14+$0x0] =	vst.idx.msk $0xffff, v18;
	v7 =	vld.idx.msk [tilespmem:v7+s26+$0x0], $0xffff  }
0x5ad: {  	v19 =	vadd.s32 $0x1, v10;
	v18 =	vld.idx.msk [tilespmem:v26+s10+$0x0], $0xffff;
	[tilespmem:v15+s14+$0x0] =	vst.idx.msk $0xffff, v27;
	v15 =	vor.u32 v32, v11;
	_ =	sdelay $0x1  }
0x5ae: {  	v24 =	vadd.s32 $0x4, v5;
	[tilespmem:v21+s14+$0x0] =	vst.idx.msk $0xffff, v17  }
0x5af: {  	v8 =	vadd.s32 $0x7, v8;
	[tilespmem:v25+s14+$0x0] =	vst.idx.msk $0xffff, v16  }
0x5b0: {  	v12 =	vadd.s32 $0x3, v3;
	[tilespmem:v22+s14+$0x0] =	vst.idx.msk $0xffff, v20;
	v7 =	vmul.u32 $0x41, v7  }
0x5b1: {  	v19 =	vld.idx.msk [tilespmem:v19+s10+$0x0], $0xffff;
	v17 =	vadd.s32 $0x6, v9;
	v21 =	vor.u32 v39, v13;
	[tilespmem:v15+s14+$0x0] =	vst.idx.msk $0xffff, v18  }
0x5b2: {  	v27 =	vld [tilespmem:$0x1FEB0];
	v14 =	vadd.s32 s26, v7  }
0x5b3: {  	v23 =	vld.idx.msk [tilespmem:v24+s10+$0x0], $0xffff;
	v16 =	vor.u32 v42, v4  }
0x5b4: {  	v6 =	vor.u32 v44, v6;
	v24 =	vmov s26;
	v8 =	vld.idx.msk [tilespmem:v8+s10+$0x0], $0xffff  }
0x5b5: {  	v26 =	vor.u32 v41, v2;
	v20 =	vshll.u32 v24, $0x9;
	v24 =	vld.idx.msk [tilespmem:v12+s10+$0x0], $0xffff  }
0x5b6: {  	v12 =	vadd.s32 v0, v20;
	v17 =	vld.idx.msk [tilespmem:v17+s10+$0x0], $0xffff;
	[tilespmem:v21+s14+$0x0] =	vst.idx.msk $0xffff, v19;
	v19 =	vor.u32 v36, v11  }
0x5b7: {  	v20 =	vor.u32 v27, v12;
	v18 =	vld.idx.msk [tilespmem:v14+s10+$0x0], $0xffff  }
0x5b8: {  	[tilespmem:v16+s14+$0x0] =	vst.idx.msk $0xffff, v23  }
0x5b9: {  	v25 =	vadd.s32 $0x2, v10;
	[tilespmem:v6+s14+$0x0] =	vst.idx.msk $0xffff, v8  }
0x5ba: {  	v22 =	vadd.s32 $0x5, v5;
	[tilespmem:v26+s14+$0x0] =	vst.idx.msk $0xffff, v24  }
0x5bb: {  	v15 =	vadd.s32 $0x4, v3;
	[tilespmem:v19+s14+$0x0] =	vst.idx.msk $0xffff, v17  }
0x5bc: {  	v9 =	vadd.s32 $0x7, v9;
	[tilespmem:v20+s14+$0x0] =	vst.idx.msk $0xffff, v18  }
0x5bd: {  	v21 =	vadd.s32 $0x1, v14;
	v28 =	vld [tilespmem:$0x1FEC0]  }
0x5be: {  	v16 =	vld.idx.msk [tilespmem:v25+s10+$0x0], $0xffff;
	v23 =	vor.u32 v40, v13  }
0x5bf: {  	v22 =	vld.idx.msk [tilespmem:v22+s10+$0x0], $0xffff;
	v40 =	vmov v27;
	v27 =	vor.u32 v32, v4  }
0x5c0: {  	v26 =	vor.u32 v42, v2;
	v15 =	vld.idx.msk [tilespmem:v15+s10+$0x0], $0xffff  }
0x5c1: {  	s28 =	simm.s32 $0x8;
	v11 =	vor.u32 v44, v11;
	v9 =	vld.idx.msk [tilespmem:v9+s10+$0x0], $0xffff  }
0x5c2: {  	v8 =	vadd.s32 s28, v7;
	v17 =	vld.idx.msk [tilespmem:v21+s10+$0x0], $0xffff;
	v18 =	vor.u32 v28, v12  }
0x5c3: {  	[tilespmem:v23+s14+$0x0] =	vst.idx.msk $0xffff, v16  }
0x5c4: {  	v25 =	vadd.s32 $0x3, v10;
	[tilespmem:v27+s14+$0x0] =	vst.idx.msk $0xffff, v22  }
0x5c5: {  	v24 =	vadd.s32 $0x6, v5;
	[tilespmem:v26+s14+$0x0] =	vst.idx.msk $0xffff, v15  }
0x5c6: {  	v6 =	vmov s28;
	v20 =	vadd.s32 $0x5, v3;
	[tilespmem:v11+s14+$0x0] =	vst.idx.msk $0xffff, v9  }
0x5c7: {  	v6 =	vshll.u32 v6, $0x9;
	v19 =	vadd.s32 $0x2, v14;
	v16 =	vld.idx.msk [tilespmem:v8+s10+$0x0], $0xffff;
	[tilespmem:v18+s14+$0x0] =	vst.idx.msk $0xffff, v17  }
0x5c8: {  	v6 =	vadd.s32 v0, v6;
	v29 =	vld [tilespmem:$0x1FED0]  }
0x5c9: {  	v21 =	vor.u32 v40, v6;
	v23 =	vld.idx.msk [tilespmem:v25+s10+$0x0], $0xffff  }
0x5ca: {  	v22 =	vor.u32 v41, v13;
	v24 =	vld.idx.msk [tilespmem:v24+s10+$0x0], $0xffff  }
0x5cb: {  	v54 =	vor.u32 v36, v4;
	v18 =	vld.idx.msk [tilespmem:v20+s10+$0x0], $0xffff  }
0x5cc: {  	v15 =	vld.idx.msk [tilespmem:v19+s10+$0x0], $0xffff;
	v19 =	vor.u32 v32, v2  }
0x5cd: {  	v17 =	vor.u32 v29, v12  }
0x5ce: {  	[tilespmem:v21+s14+$0x0] =	vst.idx.msk $0xffff, v16  }
0x5cf: {  	v25 =	vadd.s32 $0x1, v8;
	[tilespmem:v22+s14+$0x0] =	vst.idx.msk $0xffff, v23  }
0x5d0: {  	v27 =	vadd.s32 $0x4, v10;
	[tilespmem:v54+s14+$0x0] =	vst.idx.msk $0xffff, v24  }
0x5d1: {  	s29 =	simm.s32 $0x10;
	v5 =	vadd.s32 $0x7, v5;
	[tilespmem:v19+s14+$0x0] =	vst.idx.msk $0xffff, v18  }
0x5d2: {  	v9 =	vadd.s32 s29, v7;
	[tilespmem:v17+s14+$0x0] =	vst.idx.msk $0xffff, v15  }
0x5d3: {  	v41 =	vmov v28;
	v16 =	vadd.s32 $0x3, v14;
	v30 =	vld [tilespmem:$0x1FD60]  }
0x5d4: {  	v11 =	vmov s29;
	v21 =	vor.u32 v41, v6;
	v20 =	vld.idx.msk [tilespmem:v25+s10+$0x0], $0xffff  }
0x5d5: {  	v11 =	vshll.u32 v11, $0x9;
	v23 =	vor.u32 v42, v13;
	v22 =	vld.idx.msk [tilespmem:v27+s10+$0x0], $0xffff  }
0x5d6: {  	v4 =	vor.u32 v44, v4;
	v11 =	vadd.s32 v0, v11;
	v26 =	vld.idx.msk [tilespmem:v5+s10+$0x0], $0xffff  }
0x5d7: {  	v55 =	vld.idx.msk [tilespmem:v9+s10+$0x0], $0xffff;
	v24 =	vadd.s32 $0x2, v8;
	v15 =	vor.u32 v40, v11  }
0x5d8: {  	v25 =	vadd.s32 $0x5, v10;
	v16 =	vld.idx.msk [tilespmem:v16+s10+$0x0], $0xffff;
	v18 =	vor.u32 v30, v12  }
0x5d9: {  	[tilespmem:v21+s14+$0x0] =	vst.idx.msk $0xffff, v20  }
0x5da: {  	v27 =	vadd.s32 $0x6, v3;
	[tilespmem:v23+s14+$0x0] =	vst.idx.msk $0xffff, v22  }
0x5db: {  	s30 =	simm.s32 $0x18;
	v17 =	vadd.s32 $0x1, v9;
	[tilespmem:v4+s14+$0x0] =	vst.idx.msk $0xffff, v26  }
0x5dc: {  	v5 =	vadd.s32 s30, v7;
	v21 =	vor.u32 v29, v6;
	v20 =	vld.idx.msk [tilespmem:v24+s10+$0x0], $0xffff;
	[tilespmem:v15+s14+$0x0] =	vst.idx.msk $0xffff, v55  }
0x5dd: {  	v23 =	vor.u32 v32, v13;
	v22 =	vld.idx.msk [tilespmem:v25+s10+$0x0], $0xffff;
	v24 =	vadd.s32 $0x3, v8;
	[tilespmem:v18+s14+$0x0] =	vst.idx.msk $0xffff, v16  }
0x5de: {  	v19 =	vadd.s32 $0x4, v14;
	v4 =	vmov s30;
	v52 =	vld [tilespmem:$0x1FD70]  }
0x5df: {  	v26 =	vor.u32 v36, v2;
	v25 =	vld.idx.msk [tilespmem:v27+s10+$0x0], $0xffff;
	v4 =	vshll.u32 v4, $0x9  }
0x5e0: {  	v27 =	vadd.s32 $0x6, v10;
	v4 =	vadd.s32 v0, v4;
	v15 =	vld.idx.msk [tilespmem:v17+s10+$0x0], $0xffff;
	v16 =	vor.u32 v41, v11  }
0x5e1: {  	v3 =	vadd.s32 $0x7, v3;
	[tilespmem:v21+s14+$0x0] =	vst.idx.msk $0xffff, v20;
	v20 =	vld.idx.msk [tilespmem:v5+s10+$0x0], $0xffff;
	v21 =	vor.u32 v40, v4  }
0x5e2: {  	[tilespmem:v23+s14+$0x0] =	vst.idx.msk $0xffff, v22;
	v23 =	vadd.s32 $0x1, v5;
	v22 =	vld.idx.msk [tilespmem:v24+s10+$0x0], $0xffff;
	v24 =	vor.u32 v30, v6  }
0x5e3: {  	v18 =	vadd.s32 $0x2, v9;
	v17 =	vld.idx.msk [tilespmem:v19+s10+$0x0], $0xffff;
	v19 =	vor.u32 v52, v12  }
0x5e4: {  	v56 =	vadd.s32 $0x5, v14;
	[tilespmem:v26+s14+$0x0] =	vst.idx.msk $0xffff, v25  }
0x5e5: {  	v26 =	vor.u32 v36, v13;
	v25 =	vld.idx.msk [tilespmem:v27+s10+$0x0], $0xffff;
	[tilespmem:v16+s14+$0x0] =	vst.idx.msk $0xffff, v15  }
0x5e6: {  	v2 =	vor.u32 v44, v2;
	v15 =	vld.idx.msk [tilespmem:v3+s10+$0x0], $0xffff;
	[tilespmem:v21+s14+$0x0] =	vst.idx.msk $0xffff, v20  }
0x5e7: {  	v23 =	vld.idx.msk [tilespmem:v23+s10+$0x0], $0xffff;
	[tilespmem:v24+s14+$0x0] =	vst.idx.msk $0xffff, v22;
	v24 =	vor.u32 v41, v4  }
0x5e8: {  	v16 =	vld.idx.msk [tilespmem:v18+s10+$0x0], $0xffff;
	[tilespmem:v19+s14+$0x0] =	vst.idx.msk $0xffff, v17;
	v17 =	vor.u32 v29, v11  }
0x5e9: {  	v27 =	vadd.s32 $0x4, v8;
	v20 =	vor.u32 v45, v12;
	v18 =	vld.idx.msk [tilespmem:v56+s10+$0x0], $0xffff  }
0x5ea: {  	[tilespmem:v26+s14+$0x0] =	vst.idx.msk $0xffff, v25  }
0x5eb: {  	v10 =	vadd.s32 $0x7, v10;
	[tilespmem:v2+s14+$0x0] =	vst.idx.msk $0xffff, v15  }
0x5ec: {  	s31 =	simm.s32 $0x20;
	v26 =	vadd.s32 $0x2, v5;
	[tilespmem:v24+s14+$0x0] =	vst.idx.msk $0xffff, v23  }
0x5ed: {  	v3 =	vadd.s32 s31, v7;
	[tilespmem:v17+s14+$0x0] =	vst.idx.msk $0xffff, v16  }
0x5ee: {  	v25 =	vld.idx.msk [tilespmem:v27+s10+$0x0], $0xffff;
	v19 =	vadd.s32 $0x3, v9;
	[tilespmem:v20+s14+$0x0] =	vst.idx.msk $0xffff, v18  }
0x5ef: {  	v22 =	vadd.s32 $0x6, v14;
	v27 =	vor.u32 v52, v6;
	v2 =	vmov s31;
	v42 =	vld [tilespmem:$0x1FEE0]  }
0x5f0: {  	v57 =	vor.u32 v44, v13;
	v58 =	vadd.s32 $0x5, v8;
	v10 =	vld.idx.msk [tilespmem:v10+s10+$0x0], $0xffff;
	v2 =	vshll.u32 v2, $0x9  }
0x5f1: {  	v2 =	vadd.s32 v0, v2;
	v15 =	vld.idx.msk [tilespmem:v26+s10+$0x0], $0xffff  }
0x5f2: {  	v21 =	vor.u32 v40, v2;
	v17 =	vld.idx.msk [tilespmem:v3+s10+$0x0], $0xffff  }
0x5f3: {  	v24 =	vadd.s32 $0x1, v3;
	v16 =	vld.idx.msk [tilespmem:v19+s10+$0x0], $0xffff;
	v20 =	vor.u32 v30, v11  }
0x5f4: {  	v23 =	vadd.s32 $0x4, v9;
	v13 =	vld.idx.msk [tilespmem:v22+s10+$0x0], $0xffff;
	[tilespmem:v27+s14+$0x0] =	vst.idx.msk $0xffff, v25;
	v22 =	vor.u32 v42, v12  }
0x5f5: {  	s22 =	simm.s32 $0x28;
	v44 =	vmov v29;
	v18 =	vadd.s32 $0x7, v14;
	[tilespmem:v57+s14+$0x0] =	vst.idx.msk $0xffff, v10;
	v14 =	vld.idx.msk [tilespmem:v58+s10+$0x0], $0xffff  }
0x5f6: {  	s23 =	simm.s32 $0x30;
	v32 =	vmovc v45;
	v36 =	vmov v30;
	v19 =	vor.u32 v44, v4;
	v10 =	vadd.s32 s22, v7;
	v39 =	vld [tilespmem:$0x1FD80]  }
.LBB2_26:
0x5f7: {  	p0 =	sne.s32 s23, $0x38;
	[tilespmem:v21+s14+$0x0] =	vst.idx.msk $0xffff, v17;
	v25 =	vadd.s32 $0x3, v5;
	v26 =	vor.u32 v32, v6  }
0x5f8: {  	v28 =	vadd.s32 $0x6, v8;
	v27 =	vld.idx.msk [tilespmem:v24+s10+$0x0], $0xffff;
	[tilespmem:v20+s14+$0x0] =	vst.idx.msk $0xffff, v16  }
0x5f9: {  	v29 =	vor.u32 v41, v2;
	v31 =	vadd.s32 $0x5, v9;
	v16 =	vmov s22;
	s22 =	smov.u32 s23;
	v30 =	vld.idx.msk [tilespmem:v23+s10+$0x0], $0xffff;
	[tilespmem:v22+s14+$0x0] =	vst.idx.msk $0xffff, v13  }
0x5fa: {  	v32 =	vadd.s32 $0x2, v3;
	v33 =	vor.u32 v52, v11;
	v13 =	vshll.u32 v16, $0x9;
	v34 =	vld.idx.msk [tilespmem:v18+s10+$0x0], $0xffff  }
0x5fb: {  	v35 =	vor.u32 v39, v12;
	v18 =	vadd.s32 v0, v13;
	v17 =	vld.idx.msk [tilespmem:v10+s10+$0x0], $0xffff;
	[tilespmem:v19+s14+$0x0] =	vst.idx.msk $0xffff, v15  }
.Ltmp11:
0x5fc: {  	v12 =	vmov v6;
	v6 =	vmov v11;
	v21 =	vor.u32 v40, v18;
	v16 =	vld.idx.msk [tilespmem:v25+s10+$0x0], $0xffff;
	[tilespmem:v26+s14+$0x0] =	vst.idx.msk $0xffff, v14;
	(pc) =	sbr.rel @p0 .LBB2_26-.Ltmp11, $4  }
0x5fd: {  	v11 =	vmovc v4;
	v24 =	vadd.s32 $0x1, v10;
	v20 =	vor.u32 v36, v4;
	v4 =	vmovc v2;
	v2 =	vmov v18;
	v13 =	vld.idx.msk [tilespmem:v28+s10+$0x0], $0xffff  }
0x5fe: {  	v23 =	vadd.s32 $0x4, v5;
	v22 =	vor.u32 v42, v12;
	v18 =	vadd.s32 $0x7, v8;
	[tilespmem:v29+s14+$0x0] =	vst.idx.msk $0xffff, v27  }
0x5ff: {  	v8 =	vmovc v9;
	v9 =	vmov v5;
	v5 =	vmov v3;
	v15 =	vld.idx.msk [tilespmem:v32+s10+$0x0], $0xffff;
	[tilespmem:v33+s14+$0x0] =	vst.idx.msk $0xffff, v30;
	v32 =	vmov v45  }
0x600: {  	s23 =	sadd.s32 $0x8, s23;
	v19 =	vor.u32 v44, v4;
	v3 =	vmov v10;
	v10 =	vadd.s32 s22, v7;
	v14 =	vld.idx.msk [tilespmem:v31+s10+$0x0], $0xffff;
	[tilespmem:v35+s14+$0x0] =	vst.idx.msk $0xffff, v34  }
0x601: {  	v7 =	vld [tilespmem:$0x1FCA0]  }
0x602: {  	s23 =	sor.u32 $0x3, s21  }
0x603: {  	s23 =	smul.u32 $0x320, s23;
	_ =	sdelay $0x1  }
0x604: {  	s23 =	sadd.s32 s19, s23  }
0x605: {  	v7 =	vadd.s32 s23, v7  }
0x606: {  	[tilespmem:v21+s14+$0x0] =	vst.idx.msk $0xffff, v17;
	v17 =	vadd.s32 $0x3, v5;
	v21 =	vor.u32 v32, v6;
	v27 =	vld.idx.msk [tilespmem:v10+s10+$0x0], $0xffff  }
0x607: {  	[tilespmem:v20+s14+$0x0] =	vst.idx.msk $0xffff, v16;
	v20 =	vmov s22;
	v25 =	vor.u32 v41, v2;
	v24 =	vld.idx.msk [tilespmem:v24+s10+$0x0], $0xffff  }
0x608: {  	v16 =	vadd.s32 $0x6, v8;
	v23 =	vld.idx.msk [tilespmem:v23+s10+$0x0], $0xffff;
	[tilespmem:v22+s14+$0x0] =	vst.idx.msk $0xffff, v13;
	v13 =	vshll.u32 v20, $0x9;
	v22 =	vor.u32 v52, v11  }
0x609: {  	s26 =	simm.s32 $0x0;
	v12 =	vor.u32 v39, v12;
	v20 =	vadd.s32 $0x2, v3;
	v18 =	vld.idx.msk [tilespmem:v18+s10+$0x0], $0xffff;
	v13 =	vadd.s32 v0, v13  }
0x60a: {  	v26 =	vadd.s32 $0x5, v9;
	[tilespmem:v19+s14+$0x0] =	vst.idx.msk $0xffff, v15;
	v15 =	vor.u32 v40, v13;
	v7 =	vld.idx.msk [tilespmem:v7+s26+$0x0], $0xffff  }
0x60b: {  	v19 =	vadd.s32 $0x1, v10;
	v17 =	vld.idx.msk [tilespmem:v17+s10+$0x0], $0xffff;
	[tilespmem:v21+s14+$0x0] =	vst.idx.msk $0xffff, v14;
	v21 =	vor.u32 v36, v4  }
0x60c: {  	[tilespmem:v25+s14+$0x0] =	vst.idx.msk $0xffff, v24  }
0x60d: {  	v16 =	vld.idx.msk [tilespmem:v16+s10+$0x0], $0xffff;
	v24 =	vadd.s32 $0x4, v5;
	v25 =	vor.u32 v42, v6;
	[tilespmem:v22+s14+$0x0] =	vst.idx.msk $0xffff, v23  }
0x60e: {  	v8 =	vadd.s32 $0x7, v8;
	v22 =	vor.u32 v44, v2;
	v20 =	vld.idx.msk [tilespmem:v20+s10+$0x0], $0xffff;
	[tilespmem:v12+s14+$0x0] =	vst.idx.msk $0xffff, v18  }
0x60f: {  	v12 =	vadd.s32 $0x3, v3;
	v18 =	vld.idx.msk [tilespmem:v26+s10+$0x0], $0xffff;
	[tilespmem:v15+s14+$0x0] =	vst.idx.msk $0xffff, v27;
	v15 =	vor.u32 v32, v11;
	v7 =	vmul.u32 $0x41, v7  }
0x610: {  	v19 =	vld.idx.msk [tilespmem:v19+s10+$0x0], $0xffff;
	[tilespmem:v21+s14+$0x0] =	vst.idx.msk $0xffff, v17;
	v17 =	vadd.s32 $0x6, v9;
	v21 =	vor.u32 v41, v13  }
0x611: {  	v14 =	vadd.s32 s26, v7  }
0x612: {  	v23 =	vld.idx.msk [tilespmem:v24+s10+$0x0], $0xffff;
	[tilespmem:v25+s14+$0x0] =	vst.idx.msk $0xffff, v16;
	v16 =	vor.u32 v52, v4  }
0x613: {  	v6 =	vor.u32 v39, v6;
	v24 =	vmov s26;
	v8 =	vld.idx.msk [tilespmem:v8+s10+$0x0], $0xffff;
	[tilespmem:v22+s14+$0x0] =	vst.idx.msk $0xffff, v20  }
0x614: {  	v26 =	vor.u32 v36, v2;
	v20 =	vshll.u32 v24, $0x9;
	v24 =	vld.idx.msk [tilespmem:v12+s10+$0x0], $0xffff;
	[tilespmem:v15+s14+$0x0] =	vst.idx.msk $0xffff, v18  }
0x615: {  	v12 =	vadd.s32 v0, v20;
	v17 =	vld.idx.msk [tilespmem:v17+s10+$0x0], $0xffff;
	[tilespmem:v21+s14+$0x0] =	vst.idx.msk $0xffff, v19;
	v19 =	vor.u32 v42, v11  }
0x616: {  	v20 =	vor.u32 v46, v12;
	v18 =	vld.idx.msk [tilespmem:v14+s10+$0x0], $0xffff  }
0x617: {  	[tilespmem:v16+s14+$0x0] =	vst.idx.msk $0xffff, v23  }
0x618: {  	v25 =	vadd.s32 $0x2, v10;
	[tilespmem:v6+s14+$0x0] =	vst.idx.msk $0xffff, v8  }
0x619: {  	v22 =	vadd.s32 $0x5, v5;
	[tilespmem:v26+s14+$0x0] =	vst.idx.msk $0xffff, v24  }
0x61a: {  	v15 =	vadd.s32 $0x4, v3;
	[tilespmem:v19+s14+$0x0] =	vst.idx.msk $0xffff, v17  }
0x61b: {  	v9 =	vadd.s32 $0x7, v9;
	[tilespmem:v20+s14+$0x0] =	vst.idx.msk $0xffff, v18  }
0x61c: {  	v21 =	vadd.s32 $0x1, v14;
	v29 =	vld [tilespmem:$0x1FF00]  }
0x61d: {  	v16 =	vld.idx.msk [tilespmem:v25+s10+$0x0], $0xffff;
	v23 =	vor.u32 v44, v13  }
0x61e: {  	v27 =	vor.u32 v32, v4;
	v22 =	vld.idx.msk [tilespmem:v22+s10+$0x0], $0xffff  }
0x61f: {  	v26 =	vor.u32 v52, v2;
	v15 =	vld.idx.msk [tilespmem:v15+s10+$0x0], $0xffff  }
0x620: {  	s28 =	simm.s32 $0x8;
	v11 =	vor.u32 v39, v11;
	v9 =	vld.idx.msk [tilespmem:v9+s10+$0x0], $0xffff  }
0x621: {  	v8 =	vadd.s32 s28, v7;
	v17 =	vld.idx.msk [tilespmem:v21+s10+$0x0], $0xffff;
	v18 =	vor.u32 v29, v12  }
0x622: {  	[tilespmem:v23+s14+$0x0] =	vst.idx.msk $0xffff, v16  }
0x623: {  	v25 =	vadd.s32 $0x3, v10;
	[tilespmem:v27+s14+$0x0] =	vst.idx.msk $0xffff, v22  }
0x624: {  	v24 =	vadd.s32 $0x6, v5;
	[tilespmem:v26+s14+$0x0] =	vst.idx.msk $0xffff, v15  }
0x625: {  	v6 =	vmov s28;
	v20 =	vadd.s32 $0x5, v3;
	[tilespmem:v11+s14+$0x0] =	vst.idx.msk $0xffff, v9  }
0x626: {  	v6 =	vshll.u32 v6, $0x9;
	v19 =	vadd.s32 $0x2, v14;
	v16 =	vld.idx.msk [tilespmem:v8+s10+$0x0], $0xffff;
	[tilespmem:v18+s14+$0x0] =	vst.idx.msk $0xffff, v17  }
0x627: {  	v6 =	vadd.s32 v0, v6;
	v30 =	vld [tilespmem:$0x1FF10]  }
0x628: {  	v21 =	vor.u32 v46, v6;
	v23 =	vld.idx.msk [tilespmem:v25+s10+$0x0], $0xffff  }
0x629: {  	v22 =	vor.u32 v36, v13;
	v24 =	vld.idx.msk [tilespmem:v24+s10+$0x0], $0xffff  }
0x62a: {  	v28 =	vor.u32 v42, v4;
	v18 =	vld.idx.msk [tilespmem:v20+s10+$0x0], $0xffff  }
0x62b: {  	v25 =	vadd.s32 $0x1, v8;
	v15 =	vld.idx.msk [tilespmem:v19+s10+$0x0], $0xffff;
	v19 =	vor.u32 v32, v2  }
0x62c: {  	v27 =	vadd.s32 $0x4, v10;
	v17 =	vor.u32 v30, v12  }
0x62d: {  	[tilespmem:v21+s14+$0x0] =	vst.idx.msk $0xffff, v16  }
0x62e: {  	v5 =	vadd.s32 $0x7, v5;
	[tilespmem:v22+s14+$0x0] =	vst.idx.msk $0xffff, v23  }
0x62f: {  	s29 =	simm.s32 $0x10;
	[tilespmem:v28+s14+$0x0] =	vst.idx.msk $0xffff, v24  }
0x630: {  	v9 =	vadd.s32 s29, v7;
	v21 =	vor.u32 v29, v6;
	v20 =	vld.idx.msk [tilespmem:v25+s10+$0x0], $0xffff;
	[tilespmem:v19+s14+$0x0] =	vst.idx.msk $0xffff, v18  }
0x631: {  	v24 =	vadd.s32 $0x2, v8;
	v22 =	vld.idx.msk [tilespmem:v27+s10+$0x0], $0xffff;
	[tilespmem:v17+s14+$0x0] =	vst.idx.msk $0xffff, v15  }
0x632: {  	v11 =	vmov s29;
	v16 =	vadd.s32 $0x3, v14;
	v23 =	vor.u32 v52, v13;
	v47 =	vld [tilespmem:$0x1FD90]  }
0x633: {  	v4 =	vor.u32 v39, v4;
	v11 =	vshll.u32 v11, $0x9;
	v26 =	vld.idx.msk [tilespmem:v5+s10+$0x0], $0xffff  }
0x634: {  	v11 =	vadd.s32 v0, v11;
	v25 =	vadd.s32 $0x5, v10  }
0x635: {  	s30 =	simm.s32 $0x18;
	v55 =	vld.idx.msk [tilespmem:v9+s10+$0x0], $0xffff;
	v27 =	vadd.s32 $0x6, v3;
	v15 =	vor.u32 v46, v11;
	[tilespmem:v21+s14+$0x0] =	vst.idx.msk $0xffff, v20  }
0x636: {  	v5 =	vadd.s32 s30, v7;
	v21 =	vor.u32 v30, v6;
	v20 =	vld.idx.msk [tilespmem:v24+s10+$0x0], $0xffff  }
0x637: {  	v17 =	vadd.s32 $0x1, v9;
	v16 =	vld.idx.msk [tilespmem:v16+s10+$0x0], $0xffff;
	[tilespmem:v23+s14+$0x0] =	vst.idx.msk $0xffff, v22;
	v18 =	vor.u32 v47, v12  }
0x638: {  	v19 =	vadd.s32 $0x4, v14;
	[tilespmem:v4+s14+$0x0] =	vst.idx.msk $0xffff, v26;
	v4 =	vmov s30  }
0x639: {  	v23 =	vor.u32 v32, v13;
	v22 =	vld.idx.msk [tilespmem:v25+s10+$0x0], $0xffff;
	v4 =	vshll.u32 v4, $0x9  }
0x63a: {  	v26 =	vor.u32 v42, v2;
	v25 =	vld.idx.msk [tilespmem:v27+s10+$0x0], $0xffff;
	v4 =	vadd.s32 v0, v4;
	[tilespmem:v15+s14+$0x0] =	vst.idx.msk $0xffff, v55  }
0x63b: {  	[tilespmem:v21+s14+$0x0] =	vst.idx.msk $0xffff, v20;
	v20 =	vld.idx.msk [tilespmem:v5+s10+$0x0], $0xffff;
	v21 =	vor.u32 v46, v4  }
0x63c: {  	v15 =	vld.idx.msk [tilespmem:v17+s10+$0x0], $0xffff;
	[tilespmem:v18+s14+$0x0] =	vst.idx.msk $0xffff, v16;
	v16 =	vor.u32 v29, v11  }
0x63d: {  	v24 =	vadd.s32 $0x3, v8;
	v17 =	vld.idx.msk [tilespmem:v19+s10+$0x0], $0xffff;
	v19 =	vor.u32 v48, v12  }
0x63e: {  	[tilespmem:v23+s14+$0x0] =	vst.idx.msk $0xffff, v22  }
0x63f: {  	v27 =	vadd.s32 $0x6, v10;
	[tilespmem:v26+s14+$0x0] =	vst.idx.msk $0xffff, v25  }
0x640: {  	v3 =	vadd.s32 $0x7, v3;
	[tilespmem:v21+s14+$0x0] =	vst.idx.msk $0xffff, v20  }
0x641: {  	v18 =	vadd.s32 $0x2, v9;
	[tilespmem:v16+s14+$0x0] =	vst.idx.msk $0xffff, v15  }
0x642: {  	v23 =	vadd.s32 $0x1, v5;
	v22 =	vld.idx.msk [tilespmem:v24+s10+$0x0], $0xffff;
	v24 =	vor.u32 v47, v6;
	[tilespmem:v19+s14+$0x0] =	vst.idx.msk $0xffff, v17  }
0x643: {  	v56 =	vadd.s32 $0x5, v14;
	v32 =	vld [tilespmem:$0x1FDA0]  }
0x644: {  	v26 =	vor.u32 v42, v13;
	v25 =	vld.idx.msk [tilespmem:v27+s10+$0x0], $0xffff  }
0x645: {  	v2 =	vor.u32 v39, v2;
	v15 =	vld.idx.msk [tilespmem:v3+s10+$0x0], $0xffff  }
0x646: {  	v16 =	vld.idx.msk [tilespmem:v18+s10+$0x0], $0xffff;
	v17 =	vor.u32 v30, v11  }
0x647: {  	v23 =	vld.idx.msk [tilespmem:v23+s10+$0x0], $0xffff;
	[tilespmem:v24+s14+$0x0] =	vst.idx.msk $0xffff, v22;
	v24 =	vor.u32 v29, v4  }
0x648: {  	v27 =	vadd.s32 $0x4, v8;
	v18 =	vld.idx.msk [tilespmem:v56+s10+$0x0], $0xffff;
	v20 =	vor.u32 v32, v12  }
0x649: {  	[tilespmem:v26+s14+$0x0] =	vst.idx.msk $0xffff, v25  }
0x64a: {  	s31 =	simm.s32 $0x20;
	v10 =	vadd.s32 $0x7, v10;
	[tilespmem:v2+s14+$0x0] =	vst.idx.msk $0xffff, v15  }
0x64b: {  	v3 =	vadd.s32 s31, v7;
	[tilespmem:v17+s14+$0x0] =	vst.idx.msk $0xffff, v16  }
0x64c: {  	v19 =	vadd.s32 $0x3, v9;
	[tilespmem:v24+s14+$0x0] =	vst.idx.msk $0xffff, v23  }
0x64d: {  	v26 =	vadd.s32 $0x2, v5;
	v25 =	vld.idx.msk [tilespmem:v27+s10+$0x0], $0xffff;
	[tilespmem:v20+s14+$0x0] =	vst.idx.msk $0xffff, v18  }
0x64e: {  	v22 =	vadd.s32 $0x6, v14;
	v27 =	vor.u32 v48, v6;
	v2 =	vmov s31;
	v36 =	vld [tilespmem:$0x1FDB0]  }
0x64f: {  	v57 =	vor.u32 v39, v13;
	v58 =	vadd.s32 $0x5, v8;
	v10 =	vld.idx.msk [tilespmem:v10+s10+$0x0], $0xffff;
	v2 =	vshll.u32 v2, $0x9  }
0x650: {  	v17 =	vld.idx.msk [tilespmem:v3+s10+$0x0], $0xffff;
	v2 =	vadd.s32 v0, v2  }
0x651: {  	v16 =	vld.idx.msk [tilespmem:v19+s10+$0x0], $0xffff;
	v21 =	vor.u32 v46, v2  }
0x652: {  	v39 =	vmov v30;
	v24 =	vadd.s32 $0x1, v3;
	v15 =	vld.idx.msk [tilespmem:v26+s10+$0x0], $0xffff;
	v20 =	vor.u32 v47, v11  }
0x653: {  	s22 =	simm.s32 $0x28;
	v42 =	vmov v29;
	v23 =	vadd.s32 $0x4, v9;
	v13 =	vld.idx.msk [tilespmem:v22+s10+$0x0], $0xffff;
	[tilespmem:v27+s14+$0x0] =	vst.idx.msk $0xffff, v25;
	v22 =	vor.u32 v36, v12  }
0x654: {  	s23 =	simm.s32 $0x30;
	v19 =	vor.u32 v30, v4;
	v18 =	vadd.s32 $0x7, v14;
	[tilespmem:v57+s14+$0x0] =	vst.idx.msk $0xffff, v10;
	v10 =	vadd.s32 s22, v7;
	v14 =	vld.idx.msk [tilespmem:v58+s10+$0x0], $0xffff  }
.LBB2_28:
0x655: {  	_ = 	snop  }
0x656: {  	[tilespmem:v21+s14+$0x0] =	vst.idx.msk $0xffff, v17  }
0x657: {  	v25 =	vadd.s32 $0x3, v5;
	v27 =	vld.idx.msk [tilespmem:v24+s10+$0x0], $0xffff;
	[tilespmem:v20+s14+$0x0] =	vst.idx.msk $0xffff, v16;
	v26 =	vor.u32 v32, v6  }
0x658: {  	v28 =	vadd.s32 $0x6, v8;
	v29 =	vor.u32 v42, v2;
	v31 =	vadd.s32 $0x5, v9;
	v30 =	vld.idx.msk [tilespmem:v23+s10+$0x0], $0xffff;
	[tilespmem:v22+s14+$0x0] =	vst.idx.msk $0xffff, v13  }
0x659: {  	v58 =	vadd.s32 $0x2, v3;
	v33 =	vor.u32 v48, v11;
	v16 =	vmov s22;
	v34 =	vld.idx.msk [tilespmem:v18+s10+$0x0], $0xffff  }
0x65a: {  	p0 =	sne.s32 s23, $0x38;
	v35 =	vor.u32 v53, v12;
	v12 =	vmovc v6;
	v24 =	vadd.s32 $0x1, v10;
	v13 =	vshll.u32 v16, $0x9;
	v17 =	vld.idx.msk [tilespmem:v10+s10+$0x0], $0xffff  }
.Ltmp12:
0x65b: {  	v20 =	vor.u32 v47, v4;
	v23 =	vadd.s32 $0x4, v5;
	v18 =	vadd.s32 v0, v13;
	[tilespmem:v19+s14+$0x0] =	vst.idx.msk $0xffff, v15;
	v32 =	vld [tilespmem:$0x1FDA0];
	(pc) =	sbr.rel @p0 .LBB2_28-.Ltmp12, $4  }
0x65c: {  	v22 =	vor.u32 v36, v12;
	v21 =	vor.u32 v46, v18;
	v16 =	vld.idx.msk [tilespmem:v25+s10+$0x0], $0xffff;
	[tilespmem:v26+s14+$0x0] =	vst.idx.msk $0xffff, v14  }
0x65d: {  	v6 =	vmovc v11;
	v11 =	vmov v4;
	v4 =	vmov v2;
	v2 =	vmov v18;
	v13 =	vld.idx.msk [tilespmem:v28+s10+$0x0], $0xffff;
	[tilespmem:v29+s14+$0x0] =	vst.idx.msk $0xffff, v27  }
0x65e: {  	s22 =	smov.u32 s23;
	v18 =	vadd.s32 $0x7, v8;
	v8 =	vmovc v9;
	v9 =	vmov v5;
	v5 =	vmov v3;
	v15 =	vld.idx.msk [tilespmem:v58+s10+$0x0], $0xffff;
	[tilespmem:v33+s14+$0x0] =	vst.idx.msk $0xffff, v30  }
0x65f: {  	s23 =	sadd.s32 $0x8, s23;
	v3 =	vmov v10;
	v10 =	vadd.s32 s22, v7;
	v19 =	vor.u32 v39, v4;
	v14 =	vld.idx.msk [tilespmem:v31+s10+$0x0], $0xffff;
	[tilespmem:v35+s14+$0x0] =	vst.idx.msk $0xffff, v34  }
0x660: {  	_ =	sdelay $0x1  }
0x661: {  	v7 =	vld [tilespmem:$0x1FCA0]  }
0x662: {  	s23 =	sor.u32 $0x4, s21  }
0x663: {  	[tilespmem:v21+s14+$0x0] =	vst.idx.msk $0xffff, v17;
	v17 =	vadd.s32 $0x3, v5;
	v21 =	vor.u32 v32, v6;
	s23 =	smul.u32 $0x320, s23  }
0x664: {  	v25 =	vor.u32 v42, v2;
	v24 =	vld.idx.msk [tilespmem:v24+s10+$0x0], $0xffff;
	[tilespmem:v20+s14+$0x0] =	vst.idx.msk $0xffff, v16;
	v16 =	vadd.s32 $0x6, v8;
	v20 =	vmov s22  }
0x665: {  	v23 =	vld.idx.msk [tilespmem:v23+s10+$0x0], $0xffff;
	[tilespmem:v22+s14+$0x0] =	vst.idx.msk $0xffff, v13;
	v13 =	vshll.u32 v20, $0x9;
	v20 =	vadd.s32 $0x2, v3;
	v22 =	vor.u32 v48, v11;
	s23 =	sadd.s32 s19, s23  }
0x666: {  	v12 =	vor.u32 v53, v12;
	v18 =	vld.idx.msk [tilespmem:v18+s10+$0x0], $0xffff;
	v13 =	vadd.s32 v0, v13;
	v7 =	vadd.s32 s23, v7  }
0x667: {  	v26 =	vadd.s32 $0x5, v9;
	v27 =	vld.idx.msk [tilespmem:v10+s10+$0x0], $0xffff;
	[tilespmem:v19+s14+$0x0] =	vst.idx.msk $0xffff, v15;
	v15 =	vor.u32 v46, v13  }
0x668: {  	v17 =	vld.idx.msk [tilespmem:v17+s10+$0x0], $0xffff;
	[tilespmem:v21+s14+$0x0] =	vst.idx.msk $0xffff, v14  }
0x669: {  	v21 =	vor.u32 v47, v4;
	v16 =	vld.idx.msk [tilespmem:v16+s10+$0x0], $0xffff;
	[tilespmem:v25+s14+$0x0] =	vst.idx.msk $0xffff, v24  }
0x66a: {  	s26 =	simm.s32 $0x0;
	v25 =	vor.u32 v36, v6;
	v20 =	vld.idx.msk [tilespmem:v20+s10+$0x0], $0xffff;
	[tilespmem:v22+s14+$0x0] =	vst.idx.msk $0xffff, v23  }
0x66b: {  	v22 =	vor.u32 v39, v2;
	[tilespmem:v12+s14+$0x0] =	vst.idx.msk $0xffff, v18;
	v7 =	vld.idx.msk [tilespmem:v7+s26+$0x0], $0xffff  }
0x66c: {  	v19 =	vadd.s32 $0x1, v10;
	v18 =	vld.idx.msk [tilespmem:v26+s10+$0x0], $0xffff;
	[tilespmem:v15+s14+$0x0] =	vst.idx.msk $0xffff, v27;
	v15 =	vor.u32 v32, v11;
	_ =	sdelay $0x1  }
0x66d: {  	v24 =	vadd.s32 $0x4, v5;
	[tilespmem:v21+s14+$0x0] =	vst.idx.msk $0xffff, v17  }
0x66e: {  	v8 =	vadd.s32 $0x7, v8;
	[tilespmem:v25+s14+$0x0] =	vst.idx.msk $0xffff, v16  }
0x66f: {  	v12 =	vadd.s32 $0x3, v3;
	[tilespmem:v22+s14+$0x0] =	vst.idx.msk $0xffff, v20;
	v7 =	vmul.u32 $0x41, v7  }
0x670: {  	v19 =	vld.idx.msk [tilespmem:v19+s10+$0x0], $0xffff;
	v17 =	vadd.s32 $0x6, v9;
	v21 =	vor.u32 v42, v13;
	[tilespmem:v15+s14+$0x0] =	vst.idx.msk $0xffff, v18  }
0x671: {  	v30 =	vld [tilespmem:$0x1FF20];
	v14 =	vadd.s32 s26, v7  }
0x672: {  	v23 =	vld.idx.msk [tilespmem:v24+s10+$0x0], $0xffff;
	v16 =	vor.u32 v48, v4  }
0x673: {  	v6 =	vor.u32 v53, v6;
	v24 =	vmov s26;
	v8 =	vld.idx.msk [tilespmem:v8+s10+$0x0], $0xffff  }
0x674: {  	v26 =	vor.u32 v47, v2;
	v20 =	vshll.u32 v24, $0x9;
	v24 =	vld.idx.msk [tilespmem:v12+s10+$0x0], $0xffff  }
0x675: {  	v12 =	vadd.s32 v0, v20;
	v17 =	vld.idx.msk [tilespmem:v17+s10+$0x0], $0xffff;
	[tilespmem:v21+s14+$0x0] =	vst.idx.msk $0xffff, v19;
	v19 =	vor.u32 v36, v11  }
0x676: {  	v20 =	vor.u32 v30, v12;
	v18 =	vld.idx.msk [tilespmem:v14+s10+$0x0], $0xffff  }
0x677: {  	[tilespmem:v16+s14+$0x0] =	vst.idx.msk $0xffff, v23  }
0x678: {  	v25 =	vadd.s32 $0x2, v10;
	[tilespmem:v6+s14+$0x0] =	vst.idx.msk $0xffff, v8  }
0x679: {  	v22 =	vadd.s32 $0x5, v5;
	[tilespmem:v26+s14+$0x0] =	vst.idx.msk $0xffff, v24  }
0x67a: {  	v15 =	vadd.s32 $0x4, v3;
	[tilespmem:v19+s14+$0x0] =	vst.idx.msk $0xffff, v17  }
0x67b: {  	v9 =	vadd.s32 $0x7, v9;
	[tilespmem:v20+s14+$0x0] =	vst.idx.msk $0xffff, v18  }
0x67c: {  	v21 =	vadd.s32 $0x1, v14;
	v49 =	vld [tilespmem:$0x1FDD0]  }
0x67d: {  	v16 =	vld.idx.msk [tilespmem:v25+s10+$0x0], $0xffff;
	v23 =	vor.u32 v39, v13  }
0x67e: {  	v27 =	vor.u32 v32, v4;
	v22 =	vld.idx.msk [tilespmem:v22+s10+$0x0], $0xffff  }
0x67f: {  	v26 =	vor.u32 v48, v2;
	v15 =	vld.idx.msk [tilespmem:v15+s10+$0x0], $0xffff  }
0x680: {  	s28 =	simm.s32 $0x8;
	v11 =	vor.u32 v53, v11;
	v9 =	vld.idx.msk [tilespmem:v9+s10+$0x0], $0xffff  }
0x681: {  	v8 =	vadd.s32 s28, v7;
	v17 =	vld.idx.msk [tilespmem:v21+s10+$0x0], $0xffff;
	v18 =	vor.u32 v49, v12  }
0x682: {  	[tilespmem:v23+s14+$0x0] =	vst.idx.msk $0xffff, v16  }
0x683: {  	v25 =	vadd.s32 $0x3, v10;
	[tilespmem:v27+s14+$0x0] =	vst.idx.msk $0xffff, v22  }
0x684: {  	v24 =	vadd.s32 $0x6, v5;
	[tilespmem:v26+s14+$0x0] =	vst.idx.msk $0xffff, v15  }
0x685: {  	v6 =	vmov s28;
	v20 =	vadd.s32 $0x5, v3;
	[tilespmem:v11+s14+$0x0] =	vst.idx.msk $0xffff, v9  }
0x686: {  	v6 =	vshll.u32 v6, $0x9;
	v19 =	vadd.s32 $0x2, v14;
	v16 =	vld.idx.msk [tilespmem:v8+s10+$0x0], $0xffff;
	[tilespmem:v18+s14+$0x0] =	vst.idx.msk $0xffff, v17  }
0x687: {  	v6 =	vadd.s32 v0, v6;
	v22 =	vor.u32 v47, v13;
	v47 =	vld [tilespmem:$0x1FDE0]  }
0x688: {  	v21 =	vor.u32 v30, v6;
	v23 =	vld.idx.msk [tilespmem:v25+s10+$0x0], $0xffff  }
0x689: {  	v24 =	vld.idx.msk [tilespmem:v24+s10+$0x0], $0xffff  }
0x68a: {  	v28 =	vor.u32 v36, v4;
	v18 =	vld.idx.msk [tilespmem:v20+s10+$0x0], $0xffff  }
0x68b: {  	v15 =	vld.idx.msk [tilespmem:v19+s10+$0x0], $0xffff;
	v19 =	vor.u32 v32, v2  }
0x68c: {  	v17 =	vor.u32 v47, v12  }
0x68d: {  	[tilespmem:v21+s14+$0x0] =	vst.idx.msk $0xffff, v16  }
0x68e: {  	v25 =	vadd.s32 $0x1, v8;
	[tilespmem:v22+s14+$0x0] =	vst.idx.msk $0xffff, v23  }
0x68f: {  	v27 =	vadd.s32 $0x4, v10;
	[tilespmem:v28+s14+$0x0] =	vst.idx.msk $0xffff, v24  }
0x690: {  	s29 =	simm.s32 $0x10;
	v5 =	vadd.s32 $0x7, v5;
	[tilespmem:v19+s14+$0x0] =	vst.idx.msk $0xffff, v18  }
0x691: {  	v9 =	vadd.s32 s29, v7;
	[tilespmem:v17+s14+$0x0] =	vst.idx.msk $0xffff, v15  }
0x692: {  	v16 =	vadd.s32 $0x3, v14;
	v50 =	vld [tilespmem:$0x1FDF0]  }
0x693: {  	v11 =	vmov s29;
	v21 =	vor.u32 v49, v6;
	v20 =	vld.idx.msk [tilespmem:v25+s10+$0x0], $0xffff  }
0x694: {  	v11 =	vshll.u32 v11, $0x9;
	v23 =	vor.u32 v48, v13;
	v22 =	vld.idx.msk [tilespmem:v27+s10+$0x0], $0xffff  }
0x695: {  	v4 =	vor.u32 v53, v4;
	v11 =	vadd.s32 v0, v11;
	v26 =	vld.idx.msk [tilespmem:v5+s10+$0x0], $0xffff  }
0x696: {  	v56 =	vld.idx.msk [tilespmem:v9+s10+$0x0], $0xffff;
	v15 =	vor.u32 v30, v11  }
0x697: {  	v24 =	vadd.s32 $0x2, v8;
	v16 =	vld.idx.msk [tilespmem:v16+s10+$0x0], $0xffff;
	v18 =	vor.u32 v50, v12  }
0x698: {  	[tilespmem:v21+s14+$0x0] =	vst.idx.msk $0xffff, v20  }
0x699: {  	v25 =	vadd.s32 $0x5, v10;
	[tilespmem:v23+s14+$0x0] =	vst.idx.msk $0xffff, v22  }
0x69a: {  	v27 =	vadd.s32 $0x6, v3;
	[tilespmem:v4+s14+$0x0] =	vst.idx.msk $0xffff, v26  }
0x69b: {  	s30 =	simm.s32 $0x18;
	v17 =	vadd.s32 $0x1, v9;
	[tilespmem:v15+s14+$0x0] =	vst.idx.msk $0xffff, v56  }
0x69c: {  	v5 =	vadd.s32 s30, v7;
	v21 =	vor.u32 v47, v6;
	v20 =	vld.idx.msk [tilespmem:v24+s10+$0x0], $0xffff;
	[tilespmem:v18+s14+$0x0] =	vst.idx.msk $0xffff, v16  }
0x69d: {  	v19 =	vadd.s32 $0x4, v14;
	v51 =	vld [tilespmem:$0x1FE00]  }
0x69e: {  	v23 =	vor.u32 v32, v13;
	v4 =	vmov s30;
	v22 =	vld.idx.msk [tilespmem:v25+s10+$0x0], $0xffff  }
0x69f: {  	v26 =	vor.u32 v36, v2;
	v25 =	vld.idx.msk [tilespmem:v27+s10+$0x0], $0xffff;
	v4 =	vshll.u32 v4, $0x9  }
0x6a0: {  	v4 =	vadd.s32 v0, v4;
	v15 =	vld.idx.msk [tilespmem:v17+s10+$0x0], $0xffff;
	v16 =	vor.u32 v49, v11  }
0x6a1: {  	[tilespmem:v21+s14+$0x0] =	vst.idx.msk $0xffff, v20;
	v20 =	vld.idx.msk [tilespmem:v5+s10+$0x0], $0xffff;
	v21 =	vor.u32 v30, v4  }
0x6a2: {  	v24 =	vadd.s32 $0x3, v8;
	v17 =	vld.idx.msk [tilespmem:v19+s10+$0x0], $0xffff;
	v19 =	vor.u32 v51, v12  }
0x6a3: {  	[tilespmem:v23+s14+$0x0] =	vst.idx.msk $0xffff, v22  }
0x6a4: {  	v27 =	vadd.s32 $0x6, v10;
	[tilespmem:v26+s14+$0x0] =	vst.idx.msk $0xffff, v25  }
0x6a5: {  	v3 =	vadd.s32 $0x7, v3;
	[tilespmem:v16+s14+$0x0] =	vst.idx.msk $0xffff, v15  }
0x6a6: {  	v18 =	vadd.s32 $0x2, v9;
	[tilespmem:v21+s14+$0x0] =	vst.idx.msk $0xffff, v20  }
0x6a7: {  	v23 =	vadd.s32 $0x1, v5;
	v22 =	vld.idx.msk [tilespmem:v24+s10+$0x0], $0xffff;
	v24 =	vor.u32 v50, v6;
	[tilespmem:v19+s14+$0x0] =	vst.idx.msk $0xffff, v17  }
0x6a8: {  	v57 =	vadd.s32 $0x5, v14;
	v52 =	vld [tilespmem:$0x1FE10]  }
0x6a9: {  	v26 =	vor.u32 v36, v13;
	v25 =	vld.idx.msk [tilespmem:v27+s10+$0x0], $0xffff  }
0x6aa: {  	v2 =	vor.u32 v53, v2;
	v15 =	vld.idx.msk [tilespmem:v3+s10+$0x0], $0xffff  }
0x6ab: {  	v16 =	vld.idx.msk [tilespmem:v18+s10+$0x0], $0xffff;
	v17 =	vor.u32 v47, v11  }
0x6ac: {  	v23 =	vld.idx.msk [tilespmem:v23+s10+$0x0], $0xffff;
	[tilespmem:v24+s14+$0x0] =	vst.idx.msk $0xffff, v22;
	v24 =	vor.u32 v49, v4  }
0x6ad: {  	v27 =	vadd.s32 $0x4, v8;
	v18 =	vld.idx.msk [tilespmem:v57+s10+$0x0], $0xffff;
	v20 =	vor.u32 v52, v12  }
0x6ae: {  	[tilespmem:v26+s14+$0x0] =	vst.idx.msk $0xffff, v25  }
0x6af: {  	s31 =	simm.s32 $0x20;
	v10 =	vadd.s32 $0x7, v10;
	[tilespmem:v2+s14+$0x0] =	vst.idx.msk $0xffff, v15  }
0x6b0: {  	v3 =	vadd.s32 s31, v7;
	[tilespmem:v17+s14+$0x0] =	vst.idx.msk $0xffff, v16  }
0x6b1: {  	v19 =	vadd.s32 $0x3, v9;
	[tilespmem:v24+s14+$0x0] =	vst.idx.msk $0xffff, v23  }
0x6b2: {  	v58 =	vor.u32 v53, v13;
	v26 =	vadd.s32 $0x2, v5;
	v25 =	vld.idx.msk [tilespmem:v27+s10+$0x0], $0xffff;
	[tilespmem:v20+s14+$0x0] =	vst.idx.msk $0xffff, v18  }
0x6b3: {  	v22 =	vadd.s32 $0x6, v14;
	v2 =	vmov s31;
	v27 =	vor.u32 v51, v6;
	v53 =	vld [tilespmem:$0x1FE20]  }
0x6b4: {  	v29 =	vadd.s32 $0x5, v8;
	v10 =	vld.idx.msk [tilespmem:v10+s10+$0x0], $0xffff;
	v2 =	vshll.u32 v2, $0x9  }
0x6b5: {  	v2 =	vadd.s32 v0, v2;
	v17 =	vld.idx.msk [tilespmem:v3+s10+$0x0], $0xffff  }
0x6b6: {  	v21 =	vor.u32 v30, v2;
	v16 =	vld.idx.msk [tilespmem:v19+s10+$0x0], $0xffff  }
0x6b7: {  	v24 =	vadd.s32 $0x1, v3;
	v15 =	vld.idx.msk [tilespmem:v26+s10+$0x0], $0xffff;
	v20 =	vor.u32 v50, v11  }
0x6b8: {  	v23 =	vadd.s32 $0x4, v9;
	v13 =	vld.idx.msk [tilespmem:v22+s10+$0x0], $0xffff;
	[tilespmem:v27+s14+$0x0] =	vst.idx.msk $0xffff, v25;
	v22 =	vor.u32 v53, v12  }
0x6b9: {  	s22 =	simm.s32 $0x28;
	v18 =	vadd.s32 $0x7, v14;
	[tilespmem:v58+s14+$0x0] =	vst.idx.msk $0xffff, v10;
	v14 =	vld.idx.msk [tilespmem:v29+s10+$0x0], $0xffff  }
0x6ba: {  	s23 =	simm.s32 $0x30;
	v36 =	vmov v30;
	v19 =	vor.u32 v47, v4;
	v10 =	vadd.s32 s22, v7;
	v54 =	vld [tilespmem:$0x1FE30]  }
.LBB2_30:
0x6bb: {  	p0 =	sne.s32 s23, $0x38;
	[tilespmem:v21+s14+$0x0] =	vst.idx.msk $0xffff, v17;
	v25 =	vadd.s32 $0x3, v5;
	v26 =	vor.u32 v52, v6  }
0x6bc: {  	v28 =	vadd.s32 $0x6, v8;
	v27 =	vld.idx.msk [tilespmem:v24+s10+$0x0], $0xffff;
	[tilespmem:v20+s14+$0x0] =	vst.idx.msk $0xffff, v16  }
0x6bd: {  	v29 =	vor.u32 v49, v2;
	v31 =	vadd.s32 $0x5, v9;
	v16 =	vmov s22;
	s22 =	smov.u32 s23;
	v30 =	vld.idx.msk [tilespmem:v23+s10+$0x0], $0xffff;
	[tilespmem:v22+s14+$0x0] =	vst.idx.msk $0xffff, v13  }
0x6be: {  	v32 =	vadd.s32 $0x2, v3;
	v33 =	vor.u32 v51, v11;
	v13 =	vshll.u32 v16, $0x9;
	v34 =	vld.idx.msk [tilespmem:v18+s10+$0x0], $0xffff  }
0x6bf: {  	v35 =	vor.u32 v54, v12;
	v18 =	vadd.s32 v0, v13;
	v17 =	vld.idx.msk [tilespmem:v10+s10+$0x0], $0xffff;
	[tilespmem:v19+s14+$0x0] =	vst.idx.msk $0xffff, v15  }
.Ltmp13:
0x6c0: {  	v12 =	vmov v6;
	v6 =	vmov v11;
	v21 =	vor.u32 v36, v18;
	v16 =	vld.idx.msk [tilespmem:v25+s10+$0x0], $0xffff;
	[tilespmem:v26+s14+$0x0] =	vst.idx.msk $0xffff, v14;
	(pc) =	sbr.rel @p0 .LBB2_30-.Ltmp13, $4  }
0x6c1: {  	v11 =	vmovc v4;
	v24 =	vadd.s32 $0x1, v10;
	v20 =	vor.u32 v50, v4;
	v4 =	vmovc v2;
	v2 =	vmov v18;
	v13 =	vld.idx.msk [tilespmem:v28+s10+$0x0], $0xffff  }
0x6c2: {  	v23 =	vadd.s32 $0x4, v5;
	v22 =	vor.u32 v53, v12;
	[tilespmem:v29+s14+$0x0] =	vst.idx.msk $0xffff, v27  }
0x6c3: {  	v18 =	vadd.s32 $0x7, v8;
	v8 =	vmovc v9;
	v9 =	vmov v5;
	v5 =	vmov v3;
	v15 =	vld.idx.msk [tilespmem:v32+s10+$0x0], $0xffff;
	[tilespmem:v33+s14+$0x0] =	vst.idx.msk $0xffff, v30  }
0x6c4: {  	s23 =	sadd.s32 $0x8, s23;
	v19 =	vor.u32 v47, v4;
	v3 =	vmov v10;
	v10 =	vadd.s32 s22, v7;
	v14 =	vld.idx.msk [tilespmem:v31+s10+$0x0], $0xffff;
	[tilespmem:v35+s14+$0x0] =	vst.idx.msk $0xffff, v34  }
0x6c5: {  	_ =	sdelay $0x1  }
0x6c6: {  	v7 =	vld [tilespmem:$0x1FCA0]  }
0x6c7: {  	s23 =	sor.u32 $0x5, s21  }
0x6c8: {  	[tilespmem:v21+s14+$0x0] =	vst.idx.msk $0xffff, v17;
	v17 =	vadd.s32 $0x3, v5;
	v21 =	vor.u32 v52, v6;
	s23 =	smul.u32 $0x320, s23  }
0x6c9: {  	[tilespmem:v20+s14+$0x0] =	vst.idx.msk $0xffff, v16;
	v16 =	vadd.s32 $0x6, v8;
	v20 =	vmov s22;
	v25 =	vor.u32 v49, v2;
	v24 =	vld.idx.msk [tilespmem:v24+s10+$0x0], $0xffff  }
0x6ca: {  	v27 =	vld.idx.msk [tilespmem:v10+s10+$0x0], $0xffff;
	[tilespmem:v22+s14+$0x0] =	vst.idx.msk $0xffff, v13;
	v13 =	vshll.u32 v20, $0x9;
	v20 =	vadd.s32 $0x2, v3;
	s23 =	sadd.s32 s19, s23  }
0x6cb: {  	v12 =	vor.u32 v54, v12;
	v23 =	vld.idx.msk [tilespmem:v23+s10+$0x0], $0xffff;
	v22 =	vor.u32 v51, v11;
	v7 =	vadd.s32 s23, v7  }
0x6cc: {  	v26 =	vadd.s32 $0x5, v9;
	v18 =	vld.idx.msk [tilespmem:v18+s10+$0x0], $0xffff;
	v13 =	vadd.s32 v0, v13;
	[tilespmem:v19+s14+$0x0] =	vst.idx.msk $0xffff, v15  }
0x6cd: {  	v15 =	vor.u32 v36, v13;
	v17 =	vld.idx.msk [tilespmem:v17+s10+$0x0], $0xffff;
	[tilespmem:v21+s14+$0x0] =	vst.idx.msk $0xffff, v14  }
0x6ce: {  	v19 =	vor.u32 v50, v4;
	v16 =	vld.idx.msk [tilespmem:v16+s10+$0x0], $0xffff;
	[tilespmem:v25+s14+$0x0] =	vst.idx.msk $0xffff, v24  }
0x6cf: {  	s26 =	simm.s32 $0x0;
	v24 =	vor.u32 v53, v6;
	v20 =	vld.idx.msk [tilespmem:v20+s10+$0x0], $0xffff  }
0x6d0: {  	[tilespmem:v22+s14+$0x0] =	vst.idx.msk $0xffff, v23;
	v22 =	vor.u32 v47, v2;
	v7 =	vld.idx.msk [tilespmem:v7+s26+$0x0], $0xffff  }
0x6d1: {  	v14 =	vadd.s32 $0x1, v10;
	v23 =	vor.u32 v52, v11;
	[tilespmem:v12+s14+$0x0] =	vst.idx.msk $0xffff, v18;
	v18 =	vld.idx.msk [tilespmem:v26+s10+$0x0], $0xffff  }
0x6d2: {  	[tilespmem:v15+s14+$0x0] =	vst.idx.msk $0xffff, v27  }
0x6d3: {  	v21 =	vadd.s32 $0x4, v5;
	[tilespmem:v19+s14+$0x0] =	vst.idx.msk $0xffff, v17  }
0x6d4: {  	v8 =	vadd.s32 $0x7, v8;
	[tilespmem:v24+s14+$0x0] =	vst.idx.msk $0xffff, v16  }
0x6d5: {  	v12 =	vadd.s32 $0x3, v3;
	[tilespmem:v22+s14+$0x0] =	vst.idx.msk $0xffff, v20;
	v7 =	vmul.u32 $0x41, v7  }
0x6d6: {  	v25 =	vld.idx.msk [tilespmem:v14+s10+$0x0], $0xffff;
	v17 =	vadd.s32 $0x6, v9;
	v19 =	vor.u32 v49, v13;
	[tilespmem:v23+s14+$0x0] =	vst.idx.msk $0xffff, v18  }
0x6d7: {  	v49 =	vld [tilespmem:$0x1FF30];
	v15 =	vadd.s32 s26, v7  }
0x6d8: {  	v21 =	vld.idx.msk [tilespmem:v21+s10+$0x0], $0xffff;
	v16 =	vor.u32 v51, v4  }
0x6d9: {  	v6 =	vor.u32 v54, v6;
	v14 =	vmov s26;
	v8 =	vld.idx.msk [tilespmem:v8+s10+$0x0], $0xffff  }
0x6da: {  	v14 =	vshll.u32 v14, $0x9;
	v22 =	vor.u32 v50, v2;
	v12 =	vld.idx.msk [tilespmem:v12+s10+$0x0], $0xffff  }
0x6db: {  	v14 =	vadd.s32 v0, v14;
	v17 =	vld.idx.msk [tilespmem:v17+s10+$0x0], $0xffff;
	[tilespmem:v19+s14+$0x0] =	vst.idx.msk $0xffff, v25;
	v19 =	vor.u32 v53, v11  }
0x6dc: {  	v26 =	vor.u32 v49, v14;
	v23 =	vld.idx.msk [tilespmem:v15+s10+$0x0], $0xffff  }
0x6dd: {  	[tilespmem:v16+s14+$0x0] =	vst.idx.msk $0xffff, v21  }
0x6de: {  	v24 =	vadd.s32 $0x2, v10;
	[tilespmem:v6+s14+$0x0] =	vst.idx.msk $0xffff, v8  }
0x6df: {  	v20 =	vadd.s32 $0x5, v5;
	[tilespmem:v22+s14+$0x0] =	vst.idx.msk $0xffff, v12  }
0x6e0: {  	v18 =	vadd.s32 $0x4, v3;
	[tilespmem:v19+s14+$0x0] =	vst.idx.msk $0xffff, v17  }
0x6e1: {  	v9 =	vadd.s32 $0x7, v9;
	[tilespmem:v26+s14+$0x0] =	vst.idx.msk $0xffff, v23  }
0x6e2: {  	v25 =	vadd.s32 $0x1, v15;
	v30 =	vld [tilespmem:$0x1FF40]  }
0x6e3: {  	v16 =	vld.idx.msk [tilespmem:v24+s10+$0x0], $0xffff;
	v21 =	vor.u32 v47, v13  }
0x6e4: {  	v27 =	vor.u32 v52, v4;
	v20 =	vld.idx.msk [tilespmem:v20+s10+$0x0], $0xffff  }
0x6e5: {  	v22 =	vor.u32 v51, v2;
	v18 =	vld.idx.msk [tilespmem:v18+s10+$0x0], $0xffff  }
0x6e6: {  	v11 =	vor.u32 v54, v11;
	v9 =	vld.idx.msk [tilespmem:v9+s10+$0x0], $0xffff  }
0x6e7: {  	v17 =	vld.idx.msk [tilespmem:v25+s10+$0x0], $0xffff;
	v19 =	vor.u32 v30, v14  }
0x6e8: {  	s28 =	simm.s32 $0x8;
	[tilespmem:v21+s14+$0x0] =	vst.idx.msk $0xffff, v16  }
0x6e9: {  	v8 =	vadd.s32 s28, v7;
	[tilespmem:v27+s14+$0x0] =	vst.idx.msk $0xffff, v20  }
0x6ea: {  	v24 =	vadd.s32 $0x3, v10;
	[tilespmem:v22+s14+$0x0] =	vst.idx.msk $0xffff, v18  }
0x6eb: {  	v6 =	vmov s28;
	v12 =	vadd.s32 $0x6, v5;
	[tilespmem:v11+s14+$0x0] =	vst.idx.msk $0xffff, v9  }
0x6ec: {  	v6 =	vshll.u32 v6, $0x9;
	v25 =	vadd.s32 $0x5, v3;
	[tilespmem:v19+s14+$0x0] =	vst.idx.msk $0xffff, v17  }
0x6ed: {  	v6 =	vadd.s32 v0, v6;
	v23 =	vadd.s32 $0x2, v15;
	v20 =	vor.u32 v50, v13;
	v50 =	vld [tilespmem:$0x1FE40]  }
0x6ee: {  	v16 =	vld.idx.msk [tilespmem:v8+s10+$0x0], $0xffff;
	v21 =	vor.u32 v49, v6  }
0x6ef: {  	v24 =	vld.idx.msk [tilespmem:v24+s10+$0x0], $0xffff  }
0x6f0: {  	v28 =	vor.u32 v53, v4;
	v12 =	vld.idx.msk [tilespmem:v12+s10+$0x0], $0xffff  }
0x6f1: {  	v18 =	vld.idx.msk [tilespmem:v25+s10+$0x0], $0xffff;
	v19 =	vor.u32 v52, v2  }
0x6f2: {  	v11 =	vld.idx.msk [tilespmem:v23+s10+$0x0], $0xffff;
	v17 =	vor.u32 v50, v14  }
0x6f3: {  	[tilespmem:v21+s14+$0x0] =	vst.idx.msk $0xffff, v16  }
0x6f4: {  	v26 =	vadd.s32 $0x1, v8;
	[tilespmem:v20+s14+$0x0] =	vst.idx.msk $0xffff, v24  }
0x6f5: {  	v27 =	vadd.s32 $0x4, v10;
	[tilespmem:v28+s14+$0x0] =	vst.idx.msk $0xffff, v12  }
0x6f6: {  	s29 =	simm.s32 $0x10;
	v5 =	vadd.s32 $0x7, v5;
	[tilespmem:v19+s14+$0x0] =	vst.idx.msk $0xffff, v18  }
0x6f7: {  	v9 =	vadd.s32 s29, v7;
	[tilespmem:v17+s14+$0x0] =	vst.idx.msk $0xffff, v11  }
0x6f8: {  	v16 =	vadd.s32 $0x3, v15;
	v24 =	vor.u32 v51, v13;
	v51 =	vld [tilespmem:$0x1FE50]  }
0x6f9: {  	v22 =	vor.u32 v30, v6;
	v21 =	vmov s29;
	v20 =	vld.idx.msk [tilespmem:v26+s10+$0x0], $0xffff  }
0x6fa: {  	v23 =	vld.idx.msk [tilespmem:v27+s10+$0x0], $0xffff;
	v12 =	vshll.u32 v21, $0x9  }
0x6fb: {  	v4 =	vor.u32 v54, v4;
	v26 =	vld.idx.msk [tilespmem:v5+s10+$0x0], $0xffff;
	v12 =	vadd.s32 v0, v12  }
0x6fc: {  	v56 =	vld.idx.msk [tilespmem:v9+s10+$0x0], $0xffff;
	v11 =	vor.u32 v49, v12  }
0x6fd: {  	v21 =	vadd.s32 $0x2, v8;
	v16 =	vld.idx.msk [tilespmem:v16+s10+$0x0], $0xffff;
	v18 =	vor.u32 v51, v14  }
0x6fe: {  	[tilespmem:v22+s14+$0x0] =	vst.idx.msk $0xffff, v20  }
0x6ff: {  	v25 =	vadd.s32 $0x5, v10;
	[tilespmem:v24+s14+$0x0] =	vst.idx.msk $0xffff, v23  }
0x700: {  	v27 =	vadd.s32 $0x6, v3;
	[tilespmem:v4+s14+$0x0] =	vst.idx.msk $0xffff, v26  }
0x701: {  	s30 =	simm.s32 $0x18;
	v17 =	vadd.s32 $0x1, v9;
	[tilespmem:v11+s14+$0x0] =	vst.idx.msk $0xffff, v56  }
0x702: {  	v5 =	vadd.s32 s30, v7;
	v20 =	vld.idx.msk [tilespmem:v21+s10+$0x0], $0xffff;
	v21 =	vor.u32 v50, v6;
	[tilespmem:v18+s14+$0x0] =	vst.idx.msk $0xffff, v16  }
0x703: {  	v19 =	vadd.s32 $0x4, v15;
	v23 =	vor.u32 v52, v13;
	v52 =	vld [tilespmem:$0x1FE60]  }
0x704: {  	v4 =	vmov s30;
	v22 =	vld.idx.msk [tilespmem:v25+s10+$0x0], $0xffff  }
0x705: {  	v26 =	vor.u32 v53, v2;
	v25 =	vld.idx.msk [tilespmem:v27+s10+$0x0], $0xffff;
	v4 =	vshll.u32 v4, $0x9  }
0x706: {  	v4 =	vadd.s32 v0, v4;
	v11 =	vld.idx.msk [tilespmem:v17+s10+$0x0], $0xffff;
	v16 =	vor.u32 v30, v12  }
0x707: {  	[tilespmem:v21+s14+$0x0] =	vst.idx.msk $0xffff, v20;
	v20 =	vld.idx.msk [tilespmem:v5+s10+$0x0], $0xffff;
	v21 =	vor.u32 v49, v4  }
0x708: {  	v24 =	vadd.s32 $0x3, v8;
	v17 =	vld.idx.msk [tilespmem:v19+s10+$0x0], $0xffff;
	v19 =	vor.u32 v52, v14  }
0x709: {  	[tilespmem:v23+s14+$0x0] =	vst.idx.msk $0xffff, v22  }
0x70a: {  	v27 =	vadd.s32 $0x6, v10;
	[tilespmem:v26+s14+$0x0] =	vst.idx.msk $0xffff, v25  }
0x70b: {  	v3 =	vadd.s32 $0x7, v3;
	[tilespmem:v16+s14+$0x0] =	vst.idx.msk $0xffff, v11  }
0x70c: {  	v18 =	vadd.s32 $0x2, v9;
	[tilespmem:v21+s14+$0x0] =	vst.idx.msk $0xffff, v20  }
0x70d: {  	v23 =	vadd.s32 $0x1, v5;
	v22 =	vld.idx.msk [tilespmem:v24+s10+$0x0], $0xffff;
	v24 =	vor.u32 v51, v6;
	[tilespmem:v19+s14+$0x0] =	vst.idx.msk $0xffff, v17  }
0x70e: {  	v57 =	vadd.s32 $0x5, v15;
	v26 =	vor.u32 v53, v13;
	v53 =	vld [tilespmem:$0x1FF50]  }
0x70f: {  	v25 =	vld.idx.msk [tilespmem:v27+s10+$0x0], $0xffff  }
0x710: {  	v2 =	vor.u32 v54, v2;
	v11 =	vld.idx.msk [tilespmem:v3+s10+$0x0], $0xffff  }
0x711: {  	v16 =	vld.idx.msk [tilespmem:v18+s10+$0x0], $0xffff;
	v17 =	vor.u32 v50, v12  }
0x712: {  	v23 =	vld.idx.msk [tilespmem:v23+s10+$0x0], $0xffff;
	[tilespmem:v24+s14+$0x0] =	vst.idx.msk $0xffff, v22;
	v24 =	vor.u32 v30, v4  }
0x713: {  	v27 =	vadd.s32 $0x4, v8;
	v18 =	vld.idx.msk [tilespmem:v57+s10+$0x0], $0xffff;
	v20 =	vor.u32 v53, v14  }
0x714: {  	[tilespmem:v26+s14+$0x0] =	vst.idx.msk $0xffff, v25  }
0x715: {  	s31 =	simm.s32 $0x20;
	v10 =	vadd.s32 $0x7, v10;
	[tilespmem:v2+s14+$0x0] =	vst.idx.msk $0xffff, v11  }
0x716: {  	v3 =	vadd.s32 s31, v7;
	[tilespmem:v17+s14+$0x0] =	vst.idx.msk $0xffff, v16  }
0x717: {  	v19 =	vadd.s32 $0x3, v9;
	[tilespmem:v24+s14+$0x0] =	vst.idx.msk $0xffff, v23  }
0x718: {  	v26 =	vadd.s32 $0x2, v5;
	v25 =	vld.idx.msk [tilespmem:v27+s10+$0x0], $0xffff;
	[tilespmem:v20+s14+$0x0] =	vst.idx.msk $0xffff, v18  }
0x719: {  	v22 =	vadd.s32 $0x6, v15;
	v2 =	vmov s31;
	v27 =	vor.u32 v52, v6;
	v47 =	vld [tilespmem:$0x1FF60]  }
0x71a: {  	v29 =	vadd.s32 $0x5, v8;
	v13 =	vor.u32 v54, v13;
	v58 =	vld.idx.msk [tilespmem:v10+s10+$0x0], $0xffff;
	v2 =	vshll.u32 v2, $0x9  }
0x71b: {  	v2 =	vadd.s32 v0, v2;
	v17 =	vld.idx.msk [tilespmem:v3+s10+$0x0], $0xffff  }
0x71c: {  	v21 =	vor.u32 v49, v2;
	v16 =	vld.idx.msk [tilespmem:v19+s10+$0x0], $0xffff  }
0x71d: {  	v24 =	vadd.s32 $0x1, v3;
	v10 =	vld.idx.msk [tilespmem:v26+s10+$0x0], $0xffff;
	v20 =	vor.u32 v51, v12  }
0x71e: {  	v23 =	vadd.s32 $0x4, v9;
	v11 =	vld.idx.msk [tilespmem:v22+s10+$0x0], $0xffff;
	[tilespmem:v27+s14+$0x0] =	vst.idx.msk $0xffff, v25;
	v22 =	vor.u32 v47, v14  }
0x71f: {  	s22 =	simm.s32 $0x28;
	v18 =	vadd.s32 $0x7, v15;
	[tilespmem:v13+s14+$0x0] =	vst.idx.msk $0xffff, v58;
	v15 =	vld.idx.msk [tilespmem:v29+s10+$0x0], $0xffff  }
0x720: {  	s23 =	simm.s32 $0x30;
	v54 =	vmov v30;
	v19 =	vor.u32 v50, v4;
	v13 =	vadd.s32 s22, v7;
	v55 =	vld [tilespmem:$0x1FF70]  }
.LBB2_32:
0x721: {  	p0 =	sne.s32 s23, $0x38;
	[tilespmem:v21+s14+$0x0] =	vst.idx.msk $0xffff, v17;
	v25 =	vadd.s32 $0x3, v5;
	v26 =	vor.u32 v53, v6  }
0x722: {  	v28 =	vadd.s32 $0x6, v8;
	v27 =	vld.idx.msk [tilespmem:v24+s10+$0x0], $0xffff;
	[tilespmem:v20+s14+$0x0] =	vst.idx.msk $0xffff, v16  }
0x723: {  	v29 =	vor.u32 v54, v2;
	v31 =	vadd.s32 $0x5, v9;
	v16 =	vmov s22;
	s22 =	smov.u32 s23;
	v30 =	vld.idx.msk [tilespmem:v23+s10+$0x0], $0xffff;
	[tilespmem:v22+s14+$0x0] =	vst.idx.msk $0xffff, v11  }
0x724: {  	v32 =	vadd.s32 $0x2, v3;
	v33 =	vor.u32 v52, v12;
	v11 =	vshll.u32 v16, $0x9;
	v34 =	vld.idx.msk [tilespmem:v18+s10+$0x0], $0xffff  }
0x725: {  	v35 =	vor.u32 v55, v14;
	v18 =	vadd.s32 v0, v11;
	v17 =	vld.idx.msk [tilespmem:v13+s10+$0x0], $0xffff;
	[tilespmem:v19+s14+$0x0] =	vst.idx.msk $0xffff, v10  }
.Ltmp14:
0x726: {  	v14 =	vmov v6;
	v6 =	vmov v12;
	v21 =	vor.u32 v49, v18;
	v16 =	vld.idx.msk [tilespmem:v25+s10+$0x0], $0xffff;
	[tilespmem:v26+s14+$0x0] =	vst.idx.msk $0xffff, v15;
	(pc) =	sbr.rel @p0 .LBB2_32-.Ltmp14, $4  }
0x727: {  	v12 =	vmovc v4;
	v24 =	vadd.s32 $0x1, v13;
	v20 =	vor.u32 v51, v4;
	v4 =	vmovc v2;
	v2 =	vmov v18;
	v11 =	vld.idx.msk [tilespmem:v28+s10+$0x0], $0xffff  }
0x728: {  	v23 =	vadd.s32 $0x4, v5;
	v22 =	vor.u32 v47, v14;
	[tilespmem:v29+s14+$0x0] =	vst.idx.msk $0xffff, v27  }
0x729: {  	v18 =	vadd.s32 $0x7, v8;
	v8 =	vmovc v9;
	v9 =	vmov v5;
	v5 =	vmov v3;
	v10 =	vld.idx.msk [tilespmem:v32+s10+$0x0], $0xffff;
	[tilespmem:v33+s14+$0x0] =	vst.idx.msk $0xffff, v30  }
0x72a: {  	s23 =	sadd.s32 $0x8, s23;
	v19 =	vor.u32 v50, v4;
	v3 =	vmov v13;
	v13 =	vadd.s32 s22, v7;
	v15 =	vld.idx.msk [tilespmem:v31+s10+$0x0], $0xffff;
	[tilespmem:v35+s14+$0x0] =	vst.idx.msk $0xffff, v34  }
0x72b: {  	_ =	sdelay $0x1  }
0x72c: {  	v7 =	vld [tilespmem:$0x1FCA0]  }
0x72d: {  	s23 =	sor.u32 $0x6, s21  }
0x72e: {  	[tilespmem:v21+s14+$0x0] =	vst.idx.msk $0xffff, v17;
	v17 =	vadd.s32 $0x3, v5;
	v21 =	vor.u32 v53, v6;
	v26 =	vld.idx.msk [tilespmem:v13+s10+$0x0], $0xffff;
	s23 =	smul.u32 $0x320, s23  }
0x72f: {  	[tilespmem:v20+s14+$0x0] =	vst.idx.msk $0xffff, v16;
	v16 =	vadd.s32 $0x6, v8;
	v20 =	vmov s22;
	v25 =	vor.u32 v54, v2;
	v24 =	vld.idx.msk [tilespmem:v24+s10+$0x0], $0xffff  }
0x730: {  	v23 =	vld.idx.msk [tilespmem:v23+s10+$0x0], $0xffff;
	[tilespmem:v22+s14+$0x0] =	vst.idx.msk $0xffff, v11;
	v11 =	vshll.u32 v20, $0x9;
	v20 =	vadd.s32 $0x2, v3;
	s23 =	sadd.s32 s19, s23  }
0x731: {  	v22 =	vor.u32 v52, v12;
	v18 =	vld.idx.msk [tilespmem:v18+s10+$0x0], $0xffff;
	v7 =	vadd.s32 s23, v7  }
0x732: {  	v30 =	vadd.s32 v0, v11;
	v11 =	vor.u32 v55, v14;
	v14 =	vadd.s32 $0x5, v9;
	[tilespmem:v19+s14+$0x0] =	vst.idx.msk $0xffff, v10  }
0x733: {  	v19 =	vor.u32 v49, v30;
	v17 =	vld.idx.msk [tilespmem:v17+s10+$0x0], $0xffff;
	[tilespmem:v21+s14+$0x0] =	vst.idx.msk $0xffff, v15  }
0x734: {  	v21 =	vor.u32 v51, v4;
	v16 =	vld.idx.msk [tilespmem:v16+s10+$0x0], $0xffff;
	[tilespmem:v25+s14+$0x0] =	vst.idx.msk $0xffff, v24  }
0x735: {  	s26 =	simm.s32 $0x0;
	v25 =	vor.u32 v47, v6;
	v20 =	vld.idx.msk [tilespmem:v20+s10+$0x0], $0xffff  }
0x736: {  	v15 =	vadd.s32 $0x1, v13;
	[tilespmem:v22+s14+$0x0] =	vst.idx.msk $0xffff, v23;
	v22 =	vor.u32 v50, v2;
	v7 =	vld.idx.msk [tilespmem:v7+s26+$0x0], $0xffff  }
0x737: {  	[tilespmem:v11+s14+$0x0] =	vst.idx.msk $0xffff, v18;
	v11 =	vld.idx.msk [tilespmem:v14+s10+$0x0], $0xffff;
	v14 =	vor.u32 v53, v12  }
0x738: {  	[tilespmem:v19+s14+$0x0] =	vst.idx.msk $0xffff, v26  }
0x739: {  	v24 =	vadd.s32 $0x4, v5;
	[tilespmem:v21+s14+$0x0] =	vst.idx.msk $0xffff, v17  }
0x73a: {  	v8 =	vadd.s32 $0x7, v8;
	[tilespmem:v25+s14+$0x0] =	vst.idx.msk $0xffff, v16  }
0x73b: {  	v19 =	vor.u32 v54, v30;
	v18 =	vld.idx.msk [tilespmem:v15+s10+$0x0], $0xffff;
	v17 =	vadd.s32 $0x6, v9;
	[tilespmem:v22+s14+$0x0] =	vst.idx.msk $0xffff, v20;
	v10 =	vmul.u32 $0x41, v7  }
0x73c: {  	[tilespmem:v14+s14+$0x0] =	vst.idx.msk $0xffff, v11;
	v7 =	vadd.s32 $0x3, v3  }
0x73d: {  	v27 =	vld [tilespmem:$0x1FF80];
	v32 =	vadd.s32 s26, v10  }
0x73e: {  	v21 =	vld.idx.msk [tilespmem:v24+s10+$0x0], $0xffff;
	v16 =	vor.u32 v52, v4  }
0x73f: {  	v6 =	vor.u32 v55, v6;
	v15 =	vmov s26;
	v8 =	vld.idx.msk [tilespmem:v8+s10+$0x0], $0xffff  }
0x740: {  	v15 =	vshll.u32 v15, $0x9;
	v17 =	vld.idx.msk [tilespmem:v17+s10+$0x0], $0xffff;
	[tilespmem:v19+s14+$0x0] =	vst.idx.msk $0xffff, v18;
	v18 =	vor.u32 v47, v12  }
0x741: {  	v22 =	vor.u32 v51, v2;
	v15 =	vadd.s32 v0, v15;
	v7 =	vld.idx.msk [tilespmem:v7+s10+$0x0], $0xffff  }
0x742: {  	v23 =	vadd.s32 $0x2, v13;
	v25 =	vor.u32 v27, v15;
	v24 =	vld.idx.msk [tilespmem:v32+s10+$0x0], $0xffff  }
0x743: {  	[tilespmem:v16+s14+$0x0] =	vst.idx.msk $0xffff, v21  }
0x744: {  	v20 =	vadd.s32 $0x5, v5;
	[tilespmem:v6+s14+$0x0] =	vst.idx.msk $0xffff, v8  }
0x745: {  	v14 =	vadd.s32 $0x4, v3;
	[tilespmem:v18+s14+$0x0] =	vst.idx.msk $0xffff, v17  }
0x746: {  	v19 =	vadd.s32 $0x1, v32;
	[tilespmem:v22+s14+$0x0] =	vst.idx.msk $0xffff, v7  }
0x747: {  	v9 =	vadd.s32 $0x7, v9;
	v16 =	vld.idx.msk [tilespmem:v23+s10+$0x0], $0xffff;
	[tilespmem:v25+s14+$0x0] =	vst.idx.msk $0xffff, v24  }
0x748: {  	v21 =	vor.u32 v50, v30;
	v50 =	vld [tilespmem:$0x1FF90]  }
0x749: {  	v6 =	vld.idx.msk [tilespmem:v20+s10+$0x0], $0xffff  }
0x74a: {  	s28 =	simm.s32 $0x8;
	v20 =	vor.u32 v53, v4;
	v14 =	vld.idx.msk [tilespmem:v14+s10+$0x0], $0xffff  }
0x74b: {  	v23 =	vmov s28;
	v22 =	vor.u32 v52, v2;
	v17 =	vld.idx.msk [tilespmem:v19+s10+$0x0], $0xffff  }
0x74c: {  	v12 =	vor.u32 v55, v12;
	v19 =	vshll.u32 v23, $0x9;
	v23 =	vld.idx.msk [tilespmem:v9+s10+$0x0], $0xffff  }
0x74d: {  	v18 =	vor.u32 v50, v15  }
0x74e: {  	[tilespmem:v21+s14+$0x0] =	vst.idx.msk $0xffff, v16  }
0x74f: {  	v11 =	vadd.s32 s28, v10;
	[tilespmem:v20+s14+$0x0] =	vst.idx.msk $0xffff, v6  }
0x750: {  	v8 =	vadd.s32 $0x3, v13;
	[tilespmem:v22+s14+$0x0] =	vst.idx.msk $0xffff, v14  }
0x751: {  	v7 =	vadd.s32 $0x6, v5;
	[tilespmem:v12+s14+$0x0] =	vst.idx.msk $0xffff, v23  }
0x752: {  	v9 =	vadd.s32 v0, v19;
	v19 =	vadd.s32 $0x5, v3;
	[tilespmem:v18+s14+$0x0] =	vst.idx.msk $0xffff, v17  }
0x753: {  	v24 =	vadd.s32 $0x2, v32;
	v14 =	vld [tilespmem:$0x1FFA0]  }
0x754: {  	v16 =	vld.idx.msk [tilespmem:v11+s10+$0x0], $0xffff;
	v21 =	vor.u32 v27, v9  }
0x755: {  	v6 =	vor.u32 v51, v30;
	v8 =	vld.idx.msk [tilespmem:v8+s10+$0x0], $0xffff  }
0x756: {  	v26 =	vor.u32 v47, v4;
	v7 =	vld.idx.msk [tilespmem:v7+s10+$0x0], $0xffff  }
0x757: {  	v22 =	vor.u32 v53, v2;
	v19 =	vld.idx.msk [tilespmem:v19+s10+$0x0], $0xffff  }
0x758: {  	v17 =	vld.idx.msk [tilespmem:v24+s10+$0x0], $0xffff;
	v18 =	vor.u32 v14, v15  }
0x759: {  	[tilespmem:v21+s14+$0x0] =	vst.idx.msk $0xffff, v16  }
0x75a: {  	v20 =	vadd.s32 $0x1, v11;
	[tilespmem:v6+s14+$0x0] =	vst.idx.msk $0xffff, v8  }
0x75b: {  	v25 =	vadd.s32 $0x4, v13;
	[tilespmem:v26+s14+$0x0] =	vst.idx.msk $0xffff, v7  }
0x75c: {  	s29 =	simm.s32 $0x10;
	v5 =	vadd.s32 $0x7, v5;
	[tilespmem:v22+s14+$0x0] =	vst.idx.msk $0xffff, v19  }
0x75d: {  	v12 =	vadd.s32 s29, v10;
	[tilespmem:v18+s14+$0x0] =	vst.idx.msk $0xffff, v17  }
0x75e: {  	v16 =	vadd.s32 $0x3, v32;
	v31 =	vld [tilespmem:$0x1FFB0]  }
0x75f: {  	v8 =	vmov s29;
	v6 =	vld.idx.msk [tilespmem:v20+s10+$0x0], $0xffff;
	v20 =	vor.u32 v50, v9  }
0x760: {  	v7 =	vor.u32 v52, v30;
	v21 =	vld.idx.msk [tilespmem:v25+s10+$0x0], $0xffff;
	v8 =	vshll.u32 v8, $0x9  }
0x761: {  	v4 =	vor.u32 v55, v4;
	v5 =	vld.idx.msk [tilespmem:v5+s10+$0x0], $0xffff;
	v52 =	vmov v14;
	v14 =	vadd.s32 v0, v8  }
0x762: {  	v26 =	vld.idx.msk [tilespmem:v12+s10+$0x0], $0xffff;
	v17 =	vor.u32 v27, v14  }
0x763: {  	v23 =	vadd.s32 $0x2, v11;
	v16 =	vld.idx.msk [tilespmem:v16+s10+$0x0], $0xffff;
	v19 =	vor.u32 v31, v15  }
0x764: {  	[tilespmem:v20+s14+$0x0] =	vst.idx.msk $0xffff, v6  }
0x765: {  	v24 =	vadd.s32 $0x5, v13;
	[tilespmem:v7+s14+$0x0] =	vst.idx.msk $0xffff, v21  }
0x766: {  	v25 =	vadd.s32 $0x6, v3;
	[tilespmem:v4+s14+$0x0] =	vst.idx.msk $0xffff, v5  }
0x767: {  	s30 =	simm.s32 $0x18;
	v18 =	vadd.s32 $0x1, v12;
	[tilespmem:v17+s14+$0x0] =	vst.idx.msk $0xffff, v26  }
0x768: {  	v8 =	vadd.s32 s30, v10;
	v21 =	vor.u32 v52, v9;
	v20 =	vld.idx.msk [tilespmem:v23+s10+$0x0], $0xffff;
	[tilespmem:v19+s14+$0x0] =	vst.idx.msk $0xffff, v16  }
0x769: {  	v6 =	vadd.s32 $0x4, v32;
	v51 =	vld [tilespmem:$0x1FE70]  }
0x76a: {  	v4 =	vor.u32 v53, v30;
	v7 =	vmov s30;
	v22 =	vld.idx.msk [tilespmem:v24+s10+$0x0], $0xffff  }
0x76b: {  	v23 =	vld.idx.msk [tilespmem:v25+s10+$0x0], $0xffff;
	v24 =	vor.u32 v47, v2;
	v7 =	vshll.u32 v7, $0x9  }
0x76c: {  	v7 =	vadd.s32 v0, v7;
	v17 =	vld.idx.msk [tilespmem:v18+s10+$0x0], $0xffff;
	v16 =	vor.u32 v50, v14  }
0x76d: {  	v5 =	vadd.s32 $0x3, v11;
	[tilespmem:v21+s14+$0x0] =	vst.idx.msk $0xffff, v20;
	v20 =	vld.idx.msk [tilespmem:v8+s10+$0x0], $0xffff;
	v21 =	vor.u32 v27, v7  }
0x76e: {  	v25 =	vadd.s32 $0x6, v13;
	v6 =	vld.idx.msk [tilespmem:v6+s10+$0x0], $0xffff;
	v19 =	vor.u32 v51, v15  }
0x76f: {  	[tilespmem:v4+s14+$0x0] =	vst.idx.msk $0xffff, v22  }
0x770: {  	v3 =	vadd.s32 $0x7, v3;
	[tilespmem:v24+s14+$0x0] =	vst.idx.msk $0xffff, v23  }
0x771: {  	v18 =	vadd.s32 $0x2, v12;
	[tilespmem:v16+s14+$0x0] =	vst.idx.msk $0xffff, v17  }
0x772: {  	v26 =	vadd.s32 $0x5, v32;
	v4 =	vld.idx.msk [tilespmem:v5+s10+$0x0], $0xffff;
	[tilespmem:v21+s14+$0x0] =	vst.idx.msk $0xffff, v20  }
0x773: {  	v5 =	vadd.s32 $0x1, v8;
	v23 =	vld.idx.msk [tilespmem:v25+s10+$0x0], $0xffff;
	[tilespmem:v19+s14+$0x0] =	vst.idx.msk $0xffff, v6  }
0x774: {  	v22 =	vor.u32 v31, v9;
	v56 =	vld [tilespmem:$0x1FE80]  }
0x775: {  	v24 =	vor.u32 v47, v30;
	v3 =	vld.idx.msk [tilespmem:v3+s10+$0x0], $0xffff  }
0x776: {  	v2 =	vor.u32 v55, v2;
	v16 =	vld.idx.msk [tilespmem:v18+s10+$0x0], $0xffff  }
0x777: {  	v17 =	vor.u32 v52, v14;
	v18 =	vld.idx.msk [tilespmem:v26+s10+$0x0], $0xffff  }
0x778: {  	v47 =	vmov v27;
	v27 =	vor.u32 v50, v7;
	v26 =	vld.idx.msk [tilespmem:v5+s10+$0x0], $0xffff  }
0x779: {  	v25 =	vadd.s32 $0x4, v11;
	[tilespmem:v22+s14+$0x0] =	vst.idx.msk $0xffff, v4;
	v20 =	vor.u32 v56, v15  }
0x77a: {  	[tilespmem:v24+s14+$0x0] =	vst.idx.msk $0xffff, v23  }
0x77b: {  	s31 =	simm.s32 $0x20;
	v13 =	vadd.s32 $0x7, v13;
	[tilespmem:v2+s14+$0x0] =	vst.idx.msk $0xffff, v3  }
0x77c: {  	v6 =	vadd.s32 s31, v10;
	[tilespmem:v17+s14+$0x0] =	vst.idx.msk $0xffff, v16  }
0x77d: {  	v19 =	vadd.s32 $0x3, v12;
	[tilespmem:v27+s14+$0x0] =	vst.idx.msk $0xffff, v26  }
0x77e: {  	v28 =	vadd.s32 $0x2, v8;
	v25 =	vld.idx.msk [tilespmem:v25+s10+$0x0], $0xffff;
	[tilespmem:v20+s14+$0x0] =	vst.idx.msk $0xffff, v18  }
0x77f: {  	v29 =	vor.u32 v51, v9;
	v22 =	vadd.s32 $0x6, v32;
	v2 =	vmov s31;
	v57 =	vld [tilespmem:$0x1FFC0]  }
0x780: {  	v53 =	vadd.s32 $0x5, v11;
	v30 =	vor.u32 v55, v30;
	v13 =	vld.idx.msk [tilespmem:v13+s10+$0x0], $0xffff;
	v2 =	vshll.u32 v2, $0x9  }
0x781: {  	v5 =	vadd.s32 v0, v2;
	v16 =	vld.idx.msk [tilespmem:v6+s10+$0x0], $0xffff  }
0x782: {  	v55 =	vmov v31;
	v21 =	vor.u32 v47, v5;
	v4 =	vld.idx.msk [tilespmem:v19+s10+$0x0], $0xffff  }
0x783: {  	v24 =	vadd.s32 $0x1, v6;
	v2 =	vld.idx.msk [tilespmem:v28+s10+$0x0], $0xffff;
	v20 =	vor.u32 v55, v14  }
0x784: {  	v23 =	vadd.s32 $0x4, v12;
	v3 =	vld.idx.msk [tilespmem:v22+s10+$0x0], $0xffff;
	[tilespmem:v29+s14+$0x0] =	vst.idx.msk $0xffff, v25;
	v22 =	vor.u32 v57, v15  }
0x785: {  	s22 =	simm.s32 $0x28;
	v18 =	vadd.s32 $0x7, v32;
	[tilespmem:v30+s14+$0x0] =	vst.idx.msk $0xffff, v13;
	v17 =	vld.idx.msk [tilespmem:v53+s10+$0x0], $0xffff  }
0x786: {  	s23 =	simm.s32 $0x30;
	v19 =	vor.u32 v52, v7;
	v13 =	vadd.s32 s22, v10;
	v58 =	vld [tilespmem:$0x1FFD0]  }
.LBB2_34:
0x787: {  	p0 =	sne.s32 s23, $0x38;
	[tilespmem:v21+s14+$0x0] =	vst.idx.msk $0xffff, v16;
	v25 =	vadd.s32 $0x3, v8;
	v26 =	vor.u32 v56, v9  }
0x788: {  	v28 =	vadd.s32 $0x6, v11;
	v27 =	vld.idx.msk [tilespmem:v24+s10+$0x0], $0xffff;
	[tilespmem:v20+s14+$0x0] =	vst.idx.msk $0xffff, v4  }
0x789: {  	v29 =	vor.u32 v50, v5;
	v31 =	vadd.s32 $0x5, v12;
	v4 =	vmov s22;
	s22 =	smov.u32 s23;
	v30 =	vld.idx.msk [tilespmem:v23+s10+$0x0], $0xffff;
	[tilespmem:v22+s14+$0x0] =	vst.idx.msk $0xffff, v3  }
0x78a: {  	v32 =	vadd.s32 $0x2, v6;
	v33 =	vor.u32 v51, v14;
	v3 =	vshll.u32 v4, $0x9;
	v34 =	vld.idx.msk [tilespmem:v18+s10+$0x0], $0xffff  }
0x78b: {  	v35 =	vor.u32 v58, v15;
	v18 =	vadd.s32 v0, v3;
	v16 =	vld.idx.msk [tilespmem:v13+s10+$0x0], $0xffff;
	[tilespmem:v19+s14+$0x0] =	vst.idx.msk $0xffff, v2  }
.Ltmp15:
0x78c: {  	v15 =	vmov v9;
	v9 =	vmov v14;
	v21 =	vor.u32 v47, v18;
	v4 =	vld.idx.msk [tilespmem:v25+s10+$0x0], $0xffff;
	[tilespmem:v26+s14+$0x0] =	vst.idx.msk $0xffff, v17;
	(pc) =	sbr.rel @p0 .LBB2_34-.Ltmp15, $4  }
0x78d: {  	v14 =	vmovc v7;
	v24 =	vadd.s32 $0x1, v13;
	v20 =	vor.u32 v55, v7;
	v7 =	vmovc v5;
	v5 =	vmov v18;
	v3 =	vld.idx.msk [tilespmem:v28+s10+$0x0], $0xffff  }
0x78e: {  	v23 =	vadd.s32 $0x4, v8;
	v22 =	vor.u32 v57, v15;
	[tilespmem:v29+s14+$0x0] =	vst.idx.msk $0xffff, v27  }
0x78f: {  	v18 =	vadd.s32 $0x7, v11;
	v11 =	vmovc v12;
	v12 =	vmov v8;
	v8 =	vmov v6;
	v2 =	vld.idx.msk [tilespmem:v32+s10+$0x0], $0xffff;
	[tilespmem:v33+s14+$0x0] =	vst.idx.msk $0xffff, v30  }
0x790: {  	s23 =	sadd.s32 $0x8, s23;
	v19 =	vor.u32 v52, v7;
	v6 =	vmov v13;
	v13 =	vadd.s32 s22, v10;
	v17 =	vld.idx.msk [tilespmem:v31+s10+$0x0], $0xffff;
	[tilespmem:v35+s14+$0x0] =	vst.idx.msk $0xffff, v34  }
0x791: {  	_ =	sdelay $0x1  }
0x792: {  	v10 =	vld [tilespmem:$0x1FCA0]  }
0x793: {  	s23 =	sor.u32 $0x7, s21  }
0x794: {  	[tilespmem:v21+s14+$0x0] =	vst.idx.msk $0xffff, v16;
	v16 =	vadd.s32 $0x3, v8;
	v21 =	vor.u32 v56, v9;
	v26 =	vld.idx.msk [tilespmem:v13+s10+$0x0], $0xffff;
	s23 =	smul.u32 $0x320, s23  }
0x795: {  	[tilespmem:v20+s14+$0x0] =	vst.idx.msk $0xffff, v4;
	v4 =	vadd.s32 $0x6, v11;
	v20 =	vmov s22;
	v25 =	vor.u32 v50, v5;
	v24 =	vld.idx.msk [tilespmem:v24+s10+$0x0], $0xffff  }
0x796: {  	v23 =	vld.idx.msk [tilespmem:v23+s10+$0x0], $0xffff;
	[tilespmem:v22+s14+$0x0] =	vst.idx.msk $0xffff, v3;
	v3 =	vshll.u32 v20, $0x9;
	v20 =	vadd.s32 $0x2, v6;
	s23 =	sadd.s32 s19, s23  }
0x797: {  	v22 =	vor.u32 v51, v14;
	v18 =	vld.idx.msk [tilespmem:v18+s10+$0x0], $0xffff;
	v10 =	vadd.s32 s23, v10  }
0x798: {  	v28 =	vadd.s32 v0, v3;
	v3 =	vor.u32 v58, v15;
	v15 =	vadd.s32 $0x5, v12;
	[tilespmem:v19+s14+$0x0] =	vst.idx.msk $0xffff, v2  }
0x799: {  	v2 =	vor.u32 v47, v28;
	v16 =	vld.idx.msk [tilespmem:v16+s10+$0x0], $0xffff;
	[tilespmem:v21+s14+$0x0] =	vst.idx.msk $0xffff, v17  }
0x79a: {  	v19 =	vor.u32 v55, v7;
	v4 =	vld.idx.msk [tilespmem:v4+s10+$0x0], $0xffff;
	[tilespmem:v25+s14+$0x0] =	vst.idx.msk $0xffff, v24  }
0x79b: {  	s26 =	simm.s32 $0x0;
	v24 =	vor.u32 v57, v9;
	v20 =	vld.idx.msk [tilespmem:v20+s10+$0x0], $0xffff  }
0x79c: {  	[tilespmem:v22+s14+$0x0] =	vst.idx.msk $0xffff, v23;
	v22 =	vor.u32 v52, v5;
	v10 =	vld.idx.msk [tilespmem:v10+s26+$0x0], $0xffff  }
0x79d: {  	v17 =	vadd.s32 $0x1, v13;
	[tilespmem:v3+s14+$0x0] =	vst.idx.msk $0xffff, v18;
	v15 =	vld.idx.msk [tilespmem:v15+s10+$0x0], $0xffff;
	v18 =	vor.u32 v56, v14  }
0x79e: {  	[tilespmem:v2+s14+$0x0] =	vst.idx.msk $0xffff, v26  }
0x79f: {  	v21 =	vadd.s32 $0x4, v8;
	[tilespmem:v19+s14+$0x0] =	vst.idx.msk $0xffff, v16  }
0x7a0: {  	v11 =	vadd.s32 $0x7, v11;
	[tilespmem:v24+s14+$0x0] =	vst.idx.msk $0xffff, v4  }
0x7a1: {  	v3 =	vadd.s32 $0x3, v6;
	[tilespmem:v22+s14+$0x0] =	vst.idx.msk $0xffff, v20;
	v10 =	vmul.u32 $0x41, v10  }
0x7a2: {  	v17 =	vld.idx.msk [tilespmem:v17+s10+$0x0], $0xffff;
	v16 =	vadd.s32 $0x6, v12;
	v19 =	vor.u32 v50, v28;
	[tilespmem:v18+s14+$0x0] =	vst.idx.msk $0xffff, v15  }
0x7a3: {  	v29 =	vld [tilespmem:$0x1FFE0];
	v30 =	vadd.s32 s26, v10  }
0x7a4: {  	v21 =	vld.idx.msk [tilespmem:v21+s10+$0x0], $0xffff;
	v4 =	vor.u32 v51, v7  }
0x7a5: {  	v9 =	vor.u32 v58, v9;
	v2 =	vmov s26;
	v11 =	vld.idx.msk [tilespmem:v11+s10+$0x0], $0xffff  }
0x7a6: {  	v23 =	vadd.s32 $0x2, v13;
	v2 =	vshll.u32 v2, $0x9;
	v22 =	vor.u32 v55, v5;
	v3 =	vld.idx.msk [tilespmem:v3+s10+$0x0], $0xffff  }
0x7a7: {  	v2 =	vadd.s32 v0, v2;
	v16 =	vld.idx.msk [tilespmem:v16+s10+$0x0], $0xffff;
	[tilespmem:v19+s14+$0x0] =	vst.idx.msk $0xffff, v17;
	v17 =	vor.u32 v57, v14  }
0x7a8: {  	v20 =	vadd.s32 $0x5, v8;
	v24 =	vor.u32 v29, v2;
	v18 =	vld.idx.msk [tilespmem:v30+s10+$0x0], $0xffff  }
0x7a9: {  	[tilespmem:v4+s14+$0x0] =	vst.idx.msk $0xffff, v21  }
0x7aa: {  	[tilespmem:v9+s14+$0x0] =	vst.idx.msk $0xffff, v11  }
0x7ab: {  	s28 =	simm.s32 $0x8;
	v15 =	vadd.s32 $0x4, v6;
	[tilespmem:v22+s14+$0x0] =	vst.idx.msk $0xffff, v3  }
0x7ac: {  	v21 =	vld.idx.msk [tilespmem:v23+s10+$0x0], $0xffff;
	v23 =	vor.u32 v52, v28;
	v4 =	vadd.s32 s28, v10;
	[tilespmem:v17+s14+$0x0] =	vst.idx.msk $0xffff, v16  }
0x7ad: {  	v9 =	vld.idx.msk [tilespmem:v20+s10+$0x0], $0xffff;
	v11 =	vadd.s32 $0x3, v13;
	v20 =	vor.u32 v56, v7;
	[tilespmem:v24+s14+$0x0] =	vst.idx.msk $0xffff, v18  }
0x7ae: {  	v19 =	vadd.s32 $0x1, v30;
	v3 =	vmov s28;
	v27 =	vld [tilespmem:$0x1FFF0]  }
0x7af: {  	v12 =	vadd.s32 $0x7, v12;
	v3 =	vshll.u32 v3, $0x9  }
0x7b0: {  	v25 =	vor.u32 v51, v5;
	v22 =	vadd.s32 $0x6, v8;
	v15 =	vld.idx.msk [tilespmem:v15+s10+$0x0], $0xffff;
	v3 =	vadd.s32 v0, v3  }
0x7b1: {  	[tilespmem:v23+s14+$0x0] =	vst.idx.msk $0xffff, v21;
	v21 =	vld.idx.msk [tilespmem:v4+s10+$0x0], $0xffff;
	v23 =	vor.u32 v29, v3  }
0x7b2: {  	[tilespmem:v20+s14+$0x0] =	vst.idx.msk $0xffff, v9;
	v9 =	vor.u32 v55, v28;
	v20 =	vadd.s32 $0x1, v4;
	v11 =	vld.idx.msk [tilespmem:v11+s10+$0x0], $0xffff  }
0x7b3: {  	v16 =	vld.idx.msk [tilespmem:v19+s10+$0x0], $0xffff;
	v19 =	vadd.s32 $0x5, v6;
	v17 =	vor.u32 v27, v2  }
0x7b4: {  	v14 =	vor.u32 v58, v14;
	v12 =	vld.idx.msk [tilespmem:v12+s10+$0x0], $0xffff;
	v18 =	vadd.s32 $0x2, v30  }
0x7b5: {  	v26 =	vor.u32 v57, v7;
	v24 =	vadd.s32 $0x4, v13;
	[tilespmem:v25+s14+$0x0] =	vst.idx.msk $0xffff, v15;
	v22 =	vld.idx.msk [tilespmem:v22+s10+$0x0], $0xffff  }
0x7b6: {  	[tilespmem:v23+s14+$0x0] =	vst.idx.msk $0xffff, v21  }
0x7b7: {  	v15 =	vadd.s32 $0x7, v8;
	[tilespmem:v9+s14+$0x0] =	vst.idx.msk $0xffff, v11;
	v9 =	vld.idx.msk [tilespmem:v20+s10+$0x0], $0xffff  }
0x7b8: {  	s29 =	simm.s32 $0x10;
	[tilespmem:v17+s14+$0x0] =	vst.idx.msk $0xffff, v16;
	v16 =	vld.idx.msk [tilespmem:v19+s10+$0x0], $0xffff;
	v19 =	vor.u32 v27, v3  }
0x7b9: {  	[tilespmem:v14+s14+$0x0] =	vst.idx.msk $0xffff, v12;
	v8 =	vadd.s32 s29, v10;
	v14 =	vor.u32 v59, v2;
	v12 =	vld.idx.msk [tilespmem:v18+s10+$0x0], $0xffff  }
0x7ba: {  	v21 =	vor.u32 v51, v28;
	[tilespmem:v26+s14+$0x0] =	vst.idx.msk $0xffff, v22;
	v22 =	vadd.s32 $0x2, v4;
	v20 =	vld.idx.msk [tilespmem:v24+s10+$0x0], $0xffff  }
0x7bb: {  	v11 =	vmov s29;
	v17 =	vor.u32 v56, v5;
	v18 =	vadd.s32 $0x3, v30  }
0x7bc: {  	v23 =	vadd.s32 $0x5, v13;
	v11 =	vshll.u32 v11, $0x9;
	v15 =	vld.idx.msk [tilespmem:v15+s10+$0x0], $0xffff;
	v24 =	vor.u32 v58, v7  }
0x7bd: {  	v7 =	vadd.s32 v0, v11;
	v11 =	vadd.s32 $0x6, v6;
	[tilespmem:v19+s14+$0x0] =	vst.idx.msk $0xffff, v9  }
0x7be: {  	v25 =	vld.idx.msk [tilespmem:v8+s10+$0x0], $0xffff;
	[tilespmem:v14+s14+$0x0] =	vst.idx.msk $0xffff, v12;
	v12 =	vor.u32 v29, v7  }
0x7bf: {  	[tilespmem:v21+s14+$0x0] =	vst.idx.msk $0xffff, v20;
	v20 =	vor.u32 v59, v3;
	v19 =	vld.idx.msk [tilespmem:v22+s10+$0x0], $0xffff  }
0x7c0: {  	[tilespmem:v17+s14+$0x0] =	vst.idx.msk $0xffff, v16;
	v16 =	vadd.s32 $0x1, v8;
	v17 =	vor.u32 v60, v2;
	v14 =	vld.idx.msk [tilespmem:v18+s10+$0x0], $0xffff  }
0x7c1: {  	[tilespmem:v24+s14+$0x0] =	vst.idx.msk $0xffff, v15;
	v15 =	vor.u32 v56, v28;
	v21 =	vld.idx.msk [tilespmem:v23+s10+$0x0], $0xffff;
	v22 =	vadd.s32 $0x3, v4  }
0x7c2: {  	v23 =	vor.u32 v57, v5;
	v11 =	vld.idx.msk [tilespmem:v11+s10+$0x0], $0xffff;
	v18 =	vadd.s32 $0x4, v30  }
0x7c3: {  	s30 =	simm.s32 $0x18;
	v24 =	vadd.s32 $0x6, v13;
	[tilespmem:v12+s14+$0x0] =	vst.idx.msk $0xffff, v25  }
0x7c4: {  	v9 =	vadd.s32 s30, v10;
	[tilespmem:v20+s14+$0x0] =	vst.idx.msk $0xffff, v19  }
0x7c5: {  	v25 =	vadd.s32 $0x7, v6;
	v16 =	vld.idx.msk [tilespmem:v16+s10+$0x0], $0xffff;
	[tilespmem:v17+s14+$0x0] =	vst.idx.msk $0xffff, v14;
	v14 =	vor.u32 v27, v7  }
0x7c6: {  	[tilespmem:v15+s14+$0x0] =	vst.idx.msk $0xffff, v21;
	v12 =	vmov s30;
	v15 =	vld.idx.msk [tilespmem:v22+s10+$0x0], $0xffff;
	v22 =	vor.u32 v60, v3  }
0x7c7: {  	[tilespmem:v23+s14+$0x0] =	vst.idx.msk $0xffff, v11;
	v6 =	vshll.u32 v12, $0x9;
	v17 =	vadd.s32 $0x2, v8;
	v12 =	vld.idx.msk [tilespmem:v18+s10+$0x0], $0xffff;
	v18 =	vor.u32 v61, v2  }
0x7c8: {  	v51 =	vmovc v27;
	v23 =	vld.idx.msk [tilespmem:v24+s10+$0x0], $0xffff;
	v24 =	vor.u32 v57, v28;
	v27 =	vadd.s32 $0x4, v4;
	v6 =	vadd.s32 v0, v6  }
0x7c9: {  	v26 =	vadd.s32 $0x5, v30;
	v19 =	vld.idx.msk [tilespmem:v9+s10+$0x0], $0xffff;
	v20 =	vor.u32 v29, v6  }
0x7ca: {  	v5 =	vor.u32 v58, v5;
	v21 =	vadd.s32 $0x1, v9;
	[tilespmem:v14+s14+$0x0] =	vst.idx.msk $0xffff, v16;
	v14 =	vld.idx.msk [tilespmem:v25+s10+$0x0], $0xffff  }
0x7cb: {  	v13 =	vadd.s32 $0x7, v13;
	[tilespmem:v22+s14+$0x0] =	vst.idx.msk $0xffff, v15  }
0x7cc: {  	s31 =	simm.s32 $0x20;
	v16 =	vld.idx.msk [tilespmem:v17+s10+$0x0], $0xffff;
	[tilespmem:v18+s14+$0x0] =	vst.idx.msk $0xffff, v12;
	v12 =	vor.u32 v59, v7  }
0x7cd: {  	v11 =	vadd.s32 s31, v10;
	[tilespmem:v24+s14+$0x0] =	vst.idx.msk $0xffff, v23;
	v23 =	vld.idx.msk [tilespmem:v27+s10+$0x0], $0xffff;
	v27 =	vor.u32 v61, v3  }
0x7ce: {  	v17 =	vadd.s32 $0x3, v8;
	v18 =	vld.idx.msk [tilespmem:v26+s10+$0x0], $0xffff;
	[tilespmem:v20+s14+$0x0] =	vst.idx.msk $0xffff, v19;
	v19 =	vor.u32 v62, v2  }
0x7cf: {  	v15 =	vadd.s32 $0x6, v30;
	v25 =	vor.u32 v51, v6;
	v20 =	vld.idx.msk [tilespmem:v21+s10+$0x0], $0xffff;
	[tilespmem:v5+s14+$0x0] =	vst.idx.msk $0xffff, v14;
	v5 =	vmov s31  }
0x7d0: {  	v56 =	vadd.s32 $0x5, v4;
	v28 =	vor.u32 v58, v28;
	v14 =	vld.idx.msk [tilespmem:v13+s10+$0x0], $0xffff;
	v5 =	vshll.u32 v5, $0x9  }
0x7d1: {  	v58 =	vmov v29;
	v26 =	vadd.s32 $0x2, v9;
	[tilespmem:v12+s14+$0x0] =	vst.idx.msk $0xffff, v16;
	v5 =	vadd.s32 v0, v5  }
0x7d2: {  	v21 =	vld.idx.msk [tilespmem:v11+s10+$0x0], $0xffff;
	[tilespmem:v27+s14+$0x0] =	vst.idx.msk $0xffff, v23;
	v22 =	vor.u32 v58, v5  }
0x7d3: {  	v24 =	vadd.s32 $0x1, v11;
	v17 =	vld.idx.msk [tilespmem:v17+s10+$0x0], $0xffff;
	[tilespmem:v19+s14+$0x0] =	vst.idx.msk $0xffff, v18;
	v18 =	vor.u32 v60, v7  }
0x7d4: {  	v19 =	vadd.s32 $0x4, v8;
	v13 =	vld.idx.msk [tilespmem:v15+s10+$0x0], $0xffff;
	[tilespmem:v25+s14+$0x0] =	vst.idx.msk $0xffff, v20;
	v15 =	vor.u32 v63, v2  }
0x7d5: {  	s22 =	simm.s32 $0x28;
	v16 =	vld.idx.msk [tilespmem:v56+s10+$0x0], $0xffff;
	[tilespmem:v28+s14+$0x0] =	vst.idx.msk $0xffff, v14;
	v14 =	vadd.s32 $0x7, v30  }
0x7d6: {  	s23 =	simm.s32 $0x30;
	v12 =	vadd.s32 s22, v10;
	v23 =	vor.u32 v59, v6;
	v56 =	vmov v57;
	v20 =	vld.idx.msk [tilespmem:v26+s10+$0x0], $0xffff  }
.LBB2_36:
0x7d7: {  	p0 =	sne.s32 s23, $0x38;
	[tilespmem:v22+s14+$0x0] =	vst.idx.msk $0xffff, v21;
	v25 =	vadd.s32 $0x3, v9;
	v26 =	vor.u32 v62, v3  }
0x7d8: {  	v28 =	vadd.s32 $0x6, v4;
	v27 =	vld.idx.msk [tilespmem:v24+s10+$0x0], $0xffff;
	[tilespmem:v18+s14+$0x0] =	vst.idx.msk $0xffff, v17  }
0x7d9: {  	v29 =	vor.u32 v51, v5;
	v31 =	vadd.s32 $0x5, v8;
	v17 =	vmov s22;
	s22 =	smov.u32 s23;
	v30 =	vld.idx.msk [tilespmem:v19+s10+$0x0], $0xffff;
	[tilespmem:v15+s14+$0x0] =	vst.idx.msk $0xffff, v13  }
0x7da: {  	v32 =	vadd.s32 $0x2, v11;
	v33 =	vor.u32 v61, v7;
	v13 =	vshll.u32 v17, $0x9;
	v34 =	vld.idx.msk [tilespmem:v14+s10+$0x0], $0xffff  }
0x7db: {  	v35 =	vor.u32 v1, v2;
	v14 =	vadd.s32 v0, v13;
	v21 =	vld.idx.msk [tilespmem:v12+s10+$0x0], $0xffff;
	[tilespmem:v23+s14+$0x0] =	vst.idx.msk $0xffff, v20  }
.Ltmp16:
0x7dc: {  	v2 =	vmov v3;
	v3 =	vmov v7;
	v22 =	vor.u32 v58, v14;
	v17 =	vld.idx.msk [tilespmem:v25+s10+$0x0], $0xffff;
	[tilespmem:v26+s14+$0x0] =	vst.idx.msk $0xffff, v16;
	(pc) =	sbr.rel @p0 .LBB2_36-.Ltmp16, $4  }
0x7dd: {  	v7 =	vmovc v6;
	v24 =	vadd.s32 $0x1, v12;
	v18 =	vor.u32 v60, v6;
	v6 =	vmovc v5;
	v5 =	vmov v14;
	v13 =	vld.idx.msk [tilespmem:v28+s10+$0x0], $0xffff  }
0x7de: {  	v19 =	vadd.s32 $0x4, v9;
	v15 =	vor.u32 v63, v2;
	[tilespmem:v29+s14+$0x0] =	vst.idx.msk $0xffff, v27  }
0x7df: {  	v14 =	vadd.s32 $0x7, v4;
	v4 =	vmovc v8;
	v8 =	vmov v9;
	v9 =	vmov v11;
	v20 =	vld.idx.msk [tilespmem:v32+s10+$0x0], $0xffff;
	[tilespmem:v33+s14+$0x0] =	vst.idx.msk $0xffff, v30  }
0x7e0: {  	s23 =	sadd.s32 $0x8, s23;
	v23 =	vor.u32 v59, v6;
	v11 =	vmov v12;
	v12 =	vadd.s32 s22, v10;
	v16 =	vld.idx.msk [tilespmem:v31+s10+$0x0], $0xffff;
	[tilespmem:v35+s14+$0x0] =	vst.idx.msk $0xffff, v34  }
0x7e1: {  	_ = 	snop  }
0x7e2: {  	v10 =	vmov s22  }
0x7e3: {  	v10 =	vshll.u32 v10, $0x9  }
0x7e4: {  	v0 =	vadd.s32 v0, v10  }
0x7e5: {  	v42 =	vld.idx.msk [tilespmem:v12+s10+$0x0], $0xffff;
	v25 =	vor.u32 v58, v0  }
0x7e6: {  	v26 =	vadd.s32 $0x1, v12;
	_ =	sdelay $0x2  }
0x7e7: {  	[tilespmem:v22+s14+$0x0] =	vst.idx.msk $0xffff, v21  }
0x7e8: {  	v44 =	vor.u32 v51, v5;
	v21 =	vld.idx.msk [tilespmem:v24+s10+$0x0], $0xffff;
	[tilespmem:v25+s14+$0x0] =	vst.idx.msk $0xffff, v42  }
0x7e9: {  	v47 =	vadd.s32 $0x2, v11;
	v50 =	vor.u32 v51, v0;
	v49 =	vld.idx.msk [tilespmem:v26+s10+$0x0], $0xffff  }
0x7ea: {  	v51 =	vadd.s32 $0x2, v12;
	_ =	sdelay $0x2  }
0x7eb: {  	v52 =	vadd.s32 $0x3, v9;
	[tilespmem:v44+s14+$0x0] =	vst.idx.msk $0xffff, v21  }
0x7ec: {  	v53 =	vor.u32 v59, v5;
	v10 =	vld.idx.msk [tilespmem:v47+s10+$0x0], $0xffff;
	[tilespmem:v50+s14+$0x0] =	vst.idx.msk $0xffff, v49  }
0x7ed: {  	v55 =	vadd.s32 $0x3, v11;
	v57 =	vor.u32 v59, v0;
	v25 =	vld.idx.msk [tilespmem:v51+s10+$0x0], $0xffff  }
0x7ee: {  	v27 =	vadd.s32 $0x3, v12  }
0x7ef: {  	[tilespmem:v23+s14+$0x0] =	vst.idx.msk $0xffff, v20  }
0x7f0: {  	v32 =	vor.u32 v60, v6;
	v20 =	vld.idx.msk [tilespmem:v52+s10+$0x0], $0xffff  }
0x7f1: {  	v33 =	vadd.s32 $0x4, v9;
	[tilespmem:v53+s14+$0x0] =	vst.idx.msk $0xffff, v10  }
0x7f2: {  	v34 =	vor.u32 v60, v5;
	v22 =	vld.idx.msk [tilespmem:v55+s10+$0x0], $0xffff;
	[tilespmem:v57+s14+$0x0] =	vst.idx.msk $0xffff, v25  }
0x7f3: {  	v35 =	vadd.s32 $0x4, v11;
	v36 =	vor.u32 v60, v0;
	v25 =	vld.idx.msk [tilespmem:v27+s10+$0x0], $0xffff  }
0x7f4: {  	v27 =	vadd.s32 $0x4, v12  }
0x7f5: {  	[tilespmem:v32+s14+$0x0] =	vst.idx.msk $0xffff, v20  }
0x7f6: {  	[tilespmem:v18+s14+$0x0] =	vst.idx.msk $0xffff, v17;
	v41 =	vor.u32 v61, v6;
	v10 =	vld.idx.msk [tilespmem:v33+s10+$0x0], $0xffff  }
0x7f7: {  	v39 =	vor.u32 v61, v7;
	v17 =	vld.idx.msk [tilespmem:v19+s10+$0x0], $0xffff;
	v42 =	vadd.s32 $0x5, v9;
	[tilespmem:v34+s14+$0x0] =	vst.idx.msk $0xffff, v22  }
0x7f8: {  	v40 =	vadd.s32 $0x5, v8;
	v44 =	vor.u32 v61, v5;
	v22 =	vld.idx.msk [tilespmem:v35+s10+$0x0], $0xffff;
	[tilespmem:v36+s14+$0x0] =	vst.idx.msk $0xffff, v25  }
0x7f9: {  	v47 =	vadd.s32 $0x5, v11;
	v49 =	vor.u32 v61, v0;
	v25 =	vld.idx.msk [tilespmem:v27+s10+$0x0], $0xffff  }
0x7fa: {  	v27 =	vadd.s32 $0x5, v12  }
0x7fb: {  	v28 =	vor.u32 v62, v3;
	[tilespmem:v41+s14+$0x0] =	vst.idx.msk $0xffff, v10  }
0x7fc: {  	[tilespmem:v39+s14+$0x0] =	vst.idx.msk $0xffff, v17;
	v53 =	vor.u32 v62, v6;
	v50 =	vadd.s32 $0x6, v4;
	v20 =	vld.idx.msk [tilespmem:v42+s10+$0x0], $0xffff  }
0x7fd: {  	v18 =	vld.idx.msk [tilespmem:v40+s10+$0x0], $0xffff;
	v55 =	vadd.s32 $0x6, v9;
	v51 =	vor.u32 v62, v7;
	[tilespmem:v44+s14+$0x0] =	vst.idx.msk $0xffff, v22  }
0x7fe: {  	v52 =	vadd.s32 $0x6, v8;
	v57 =	vor.u32 v62, v5;
	v23 =	vld.idx.msk [tilespmem:v47+s10+$0x0], $0xffff;
	[tilespmem:v49+s14+$0x0] =	vst.idx.msk $0xffff, v25  }
0x7ff: {  	v32 =	vadd.s32 $0x6, v11;
	v26 =	vld.idx.msk [tilespmem:v27+s10+$0x0], $0xffff;
	v27 =	vor.u32 v62, v0  }
0x800: {  	[tilespmem:v28+s14+$0x0] =	vst.idx.msk $0xffff, v16;
	v33 =	vadd.s32 $0x6, v12  }
0x801: {  	v34 =	vor.u32 v63, v3;
	v17 =	vld.idx.msk [tilespmem:v50+s10+$0x0], $0xffff;
	[tilespmem:v53+s14+$0x0] =	vst.idx.msk $0xffff, v20  }
0x802: {  	v40 =	vor.u32 v63, v6;
	v35 =	vadd.s32 $0x7, v4;
	[tilespmem:v51+s14+$0x0] =	vst.idx.msk $0xffff, v18;
	v20 =	vld.idx.msk [tilespmem:v55+s10+$0x0], $0xffff  }
0x803: {  	v41 =	vadd.s32 $0x7, v9;
	v10 =	vld.idx.msk [tilespmem:v52+s10+$0x0], $0xffff;
	v36 =	vor.u32 v63, v7;
	[tilespmem:v57+s14+$0x0] =	vst.idx.msk $0xffff, v23  }
0x804: {  	v39 =	vadd.s32 $0x7, v8;
	v44 =	vor.u32 v63, v5;
	v42 =	vld.idx.msk [tilespmem:v32+s10+$0x0], $0xffff;
	[tilespmem:v27+s14+$0x0] =	vst.idx.msk $0xffff, v26  }
0x805: {  	[tilespmem:v15+s14+$0x0] =	vst.idx.msk $0xffff, v13;
	v50 =	vor.u32 v63, v0;
	v47 =	vadd.s32 $0x7, v11;
	v49 =	vld.idx.msk [tilespmem:v33+s10+$0x0], $0xffff  }
0x806: {  	v2 =	vor.u32 v1, v2;
	v14 =	vld.idx.msk [tilespmem:v14+s10+$0x0], $0xffff;
	v51 =	vadd.s32 $0x7, v12;
	[tilespmem:v34+s14+$0x0] =	vst.idx.msk $0xffff, v17  }
0x807: {  	v3 =	vor.u32 v1, v3;
	v4 =	vld.idx.msk [tilespmem:v35+s10+$0x0], $0xffff;
	[tilespmem:v40+s14+$0x0] =	vst.idx.msk $0xffff, v20  }
0x808: {  	v53 =	vor.u32 v1, v6;
	v9 =	vld.idx.msk [tilespmem:v41+s10+$0x0], $0xffff;
	[tilespmem:v36+s14+$0x0] =	vst.idx.msk $0xffff, v10  }
0x809: {  	v52 =	vor.u32 v1, v7;
	v8 =	vld.idx.msk [tilespmem:v39+s10+$0x0], $0xffff;
	[tilespmem:v44+s14+$0x0] =	vst.idx.msk $0xffff, v42  }
0x80a: {  	v57 =	vor.u32 v1, v5;
	v55 =	vld.idx.msk [tilespmem:v47+s10+$0x0], $0xffff;
	[tilespmem:v50+s14+$0x0] =	vst.idx.msk $0xffff, v49  }
0x80b: {  	[tilespmem:v2+s14+$0x0] =	vst.idx.msk $0xffff, v14;
	v0 =	vor.u32 v1, v0;
	v2 =	vld.idx.msk [tilespmem:v51+s10+$0x0], $0xffff  }
0x80c: {  	[tilespmem:v3+s14+$0x0] =	vst.idx.msk $0xffff, v4  }
0x80d: {  	p0 =	slt.u32 s21, $0x18;
	[tilespmem:v53+s14+$0x0] =	vst.idx.msk $0xffff, v9  }
.Ltmp17:
0x80e: {  	[tilespmem:v52+s14+$0x0] =	vst.idx.msk $0xffff, v8;
	(pc) =	sbr.rel @p0 .LBB2_21-.Ltmp17, $4  }
0x80f: {  	[tilespmem:v57+s14+$0x0] =	vst.idx.msk $0xffff, v55  }
0x810: {  	[tilespmem:v0+s14+$0x0] =	vst.idx.msk $0xffff, v2  }
0x811: {  	s31 =	sadd.s32 $0x8, s21;
	v30 =	vld [tilespmem:$0x1FE90]  }
0x812: {  	v29 =	vmov v37;
	s21 =	smov.u32 s31;
	v35 =	vlaneseq.u32;
	v32 =	vmov v38;
	v57 =	vld [tilespmem:$0x1FFD0]  }
0x813: {  	s18 =	sadd.s32 $0x1, s18  }
0x814: {  	p0 =	sne.s32 s18, $0x19  }
.Ltmp18:
0x815: {  	s19 =	sshll.u32 s19, $0x14;
	(pc) =	sbr.rel @p0 .LBB2_2-.Ltmp18, $4  }
0x816: {  	s19 =	sor.u32 s6, s19  }
0x817: {  	s19 =	sshrl.u32 s19, $0x3  }
0x818: {  	s19 =	sadd.s32 s2, s19  }
0x819: {  	[hbm4b:s19+s12] =	stream.strided.scatter [tilespmem:s14], [sflag:$0x2], $0x8000, s13, s12, $0x38;
	[tilespmem:$0x19780] =	vst v63  }
0x81a: {  	s17 =	sadd.s32 $0x1, s17  }
0x81b: {  	_ =	swait.ge [sflag:s15], $0x8000;
	p0 =	sne.s32 s17, s7  }
.Ltmp19:
0x81c: {  	[sflag:s15] =	ssyncset.done $0x0;
	(pc) =	sbr.rel @p0 .LBB2_1-.Ltmp19, $4  }
0x81d: {  	[sflag:s15] =	ssyncadd.s32 $0xFFFF8000  }
0x81e: {  	_ =	swait.ge [sflag:s16], $0x8000  }
0x81f: {  	[sflag:s16] =	ssyncset.done $0x0  }
0x820: {  	[sflag:s16] =	ssyncadd.s32 $0xFFFF8000  }
0x821: {  	_ =	sfence.sel $0x180000  }
0x822: {  	[bflag:$0x0] =	sbarrier.arrive $0xFFFF  }
0x823: {  	p0 =	sne.s32 s0, $0x0;
	_ =	strace $0x90000047  }
0x824: {  	s0 =	sadd.s32 @!p0 $0x100000, s1;
	[bflag:$0x2] =	sbarrier.arrive $0xFFFF  }
0x825: {  	[sflag:s0] =	ssyncadd.tile.s32 @!p0 $0x1;
	_ =	shalt  }
.Lfunc_end2:
_tile_overlayer_lowered:
.L_overlay_start_2:
0x826: {  	(tag) =	ssettag $0x2  }
0x827: {  	s0 =	rddreg [dreg:$0x0];
	s2 =	stileid.u32  }
0x828: {  	s1 =	rddreg [dreg:$0x1];
	p0 =	sne.s32 s2, $0x0  }
0x829: {  	s3 =	rddreg [dreg:$0x2];
	[bflag:$0x3] =	sbarrier.arrive $0xFFFF;
	s2 =	simm.s32 @!p0 $0x1C03  }
0x82a: {  	[timem:s3], [sflag:s2] =	dma.local @!p0 [hbm:s0], s1  }
0x82b: {  	s0 =	simm.s32 @!p0 $0x3  }
0x82c: {  	_ =	swait.ge @!p0 [sflag:s0], s1  }
0x82d: {  	s1 =	ssub.s32 @!p0 $0x0, s1;
	[sflag:s0] =	ssyncset.done @!p0 $0x0  }
0x82e: {  	[sflag:s0] =	ssyncadd.s32 @!p0 s1  }
0x82f: {  	[bflag:$0x3] =	sbarrier.arrive $0xFFFF  }
0x830: {  	_ =	shalt  }

</sc_bundles>
